<compile_context>
chip_gen: v7x
topology: tpu7x:2x2x1
jax: 0.10.2.dev20260603
libtpu: 0.0.44.dev20260713+nightly
codegen_flags: <defaults>
</compile_context>

<pallas_src>
import functools

import jax
import jax.numpy as jnp
from jax import lax
from jax.experimental import pallas as pl
from jax.experimental.pallas import tpu as pltpu
from jax.experimental.pallas import tpu_sc as plsc

N = 10000
E = 320000
NC, NS = 2, 16
NW = NC * NS
EPW = E // NW
K = 80
NCHUNK = EPW // K
NGRP, GC = 5, 25
RPT = 624
RPL = N - RPT * (NS - 1)
F = 128

_mesh = plsc.VectorSubcoreMesh(
    core_axis_name="c", subcore_axis_name="s", num_cores=NC, num_subcores=NS
)



@functools.partial(
    pl.kernel,
    out_type=jax.ShapeDtypeStruct((NC, N, 16), jnp.float32),
    mesh=_mesh,
    scratch_types=[
        pltpu.VMEM_SHARED((N, 16), jnp.float32),
        pltpu.VMEM((NGRP, GC, K), jnp.int32),
        pltpu.VMEM((K, 16), jnp.float32),
        pltpu.VMEM((RPL, 16), jnp.float32),
    ],
)
def _deg_call(dst_hbm, out_hbm, acc, dstv, onesv, zbuf):
    cid = lax.axis_index("c")
    sid = lax.axis_index("s")
    wid = cid * NS + sid

    def fill(i, _):
        zbuf[i, :] = jnp.zeros((16,), jnp.float32)
        return 0

    lax.fori_loop(0, RPL, fill, 0)

    def fill1(i, _):
        onesv[i, :] = jnp.ones((16,), jnp.float32)
        return 0

    lax.fori_loop(0, K, fill1, 0)

    base = sid * RPT
    pltpu.sync_copy(zbuf, acc.at[pl.ds(base, RPL)])
    pltpu.sync_copy(dst_hbm.at[wid], dstv)
    plsc.subcore_barrier()

    def body(g, _):
        def inner(j, _):
            pltpu.sync_copy(onesv, acc.at[dstv.at[g, j]], add=True)
            return 0

        lax.fori_loop(0, GC, inner, 0)
        return 0

    lax.fori_loop(0, NGRP, body, 0)
    plsc.subcore_barrier()

    @pl.when(sid == NS - 1)
    def _():
        pltpu.sync_copy(acc.at[pl.ds(base, RPL)], out_hbm.at[cid, pl.ds(base, RPL)])

    @pl.when(sid != NS - 1)
    def _():
        pltpu.sync_copy(acc.at[pl.ds(base, RPT)], out_hbm.at[cid, pl.ds(base, RPT)])


@functools.partial(
    pl.kernel,
    out_type=jax.ShapeDtypeStruct((NC, N, F), jnp.float32),
    mesh=_mesh,
    scratch_types=[
        pltpu.VMEM_SHARED((N, F), jnp.float32),
        pltpu.VMEM((2, GC, K), jnp.int32),
        pltpu.VMEM((K, F), jnp.float32),
        pltpu.VMEM((K, F), jnp.float32),
        pltpu.VMEM((K, F), jnp.float32),
        pltpu.VMEM((K, F), jnp.float32),
        pltpu.SemaphoreType.DMA,
        pltpu.SemaphoreType.DMA,
        pltpu.SemaphoreType.DMA,
        pltpu.SemaphoreType.DMA,
    ],
)
def _agg_call(
    table_hbm, sd_hbm, out_hbm, acc, sdv,
    rows, rows_b, rows_c, rows_d, sem, sem_b, sem_c, sem_d,
):
    cid = lax.axis_index("c")
    sid = lax.axis_index("s")
    wid = cid * NS + sid

    def fill(i, _):
        for f in range(F // 16):
            rows[i, pl.ds(f * 16, 16)] = jnp.zeros((16,), jnp.float32)
        return 0

    lax.fori_loop(0, K, fill, 0)

    base = sid * RPT
    for r in range(0, RPL, K):
        pltpu.sync_copy(rows, acc.at[pl.ds(base + r, K)])

    plsc.subcore_barrier()

    q = GC // 4

    def body(g, _):
        pltpu.sync_copy(sd_hbm.at[wid, g], sdv)

        def inner(j, _):
            g0 = pltpu.async_copy(table_hbm.at[sdv.at[0, j]], rows, sem)
            g1 = pltpu.async_copy(table_hbm.at[sdv.at[0, j + q]], rows_b, sem_b)
            g2 = pltpu.async_copy(table_hbm.at[sdv.at[0, j + 2 * q]], rows_c, sem_c)
            g3 = pltpu.async_copy(table_hbm.at[sdv.at[0, j + 3 * q]], rows_d, sem_d)
            g0.wait()
            pltpu.sync_copy(rows, acc.at[sdv.at[1, j]], add=True)
            g1.wait()
            pltpu.sync_copy(rows_b, acc.at[sdv.at[1, j + q]], add=True)
            g2.wait()
            pltpu.sync_copy(rows_c, acc.at[sdv.at[1, j + 2 * q]], add=True)
            g3.wait()
            pltpu.sync_copy(rows_d, acc.at[sdv.at[1, j + 3 * q]], add=True)
            return 0

        lax.fori_loop(0, q, inner, 0)
        pltpu.async_copy(table_hbm.at[sdv.at[0, GC - 1]], rows, sem).wait()
        pltpu.sync_copy(rows, acc.at[sdv.at[1, GC - 1]], add=True)
        return 0

    lax.fori_loop(0, NGRP, body, 0)
    plsc.subcore_barrier()

    @pl.when(sid == NS - 1)
    def _():
        pltpu.sync_copy(acc.at[pl.ds(base, RPL)], out_hbm.at[cid, pl.ds(base, RPL)])

    @pl.when(sid != NS - 1)
    def _():
        pltpu.sync_copy(acc.at[pl.ds(base, RPT)], out_hbm.at[cid, pl.ds(base, RPT)])



_R = 1000


def _prologue_body(d0, d1, x, dinv_out, hs_out):
    deg = d0[:, 0:1] + d1[:, 0:1] + 1.0
    dv = lax.rsqrt(deg)
    dinv_out[...] = dv
    hs_out[...] = dv * x[...]


def _prologue(dacc, x):
    grid = (N // _R,)
    return pl.pallas_call(
        _prologue_body,
        grid=grid,
        in_specs=[
            pl.BlockSpec((_R, 16), lambda i: (i, 0)),
            pl.BlockSpec((_R, 16), lambda i: (i, 0)),
            pl.BlockSpec((_R, 128), lambda i: (i, 0)),
        ],
        out_specs=[
            pl.BlockSpec((_R, 1), lambda i: (i, 0)),
            pl.BlockSpec((_R, 128), lambda i: (i, 0)),
        ],
        out_shape=[
            jax.ShapeDtypeStruct((N, 1), jnp.float32),
            jax.ShapeDtypeStruct((N, 128), jnp.float32),
        ],
    )(dacc[0], dacc[1], x)


def _layer_hs_body(s0, s1, hs, dv, w, b, hs_out):
    d = dv[...]
    m = d * (s0[...] + s1[...] + hs[...])
    z = jnp.dot(m, w[...], preferred_element_type=jnp.float32) + b[...]
    hs_out[...] = d * jnp.maximum(z, 0.0)


def _layer_hs(s0, s1, hs, dinv, W, b):
    fi = hs.shape[1]
    fo = W.shape[1]
    grid = (N // _R,)
    return pl.pallas_call(
        _layer_hs_body,
        grid=grid,
        in_specs=[
            pl.BlockSpec((_R, fi), lambda i: (i, 0)),
            pl.BlockSpec((_R, fi), lambda i: (i, 0)),
            pl.BlockSpec((_R, fi), lambda i: (i, 0)),
            pl.BlockSpec((_R, 1), lambda i: (i, 0)),
            pl.BlockSpec((fi, fo), lambda i: (0, 0)),
            pl.BlockSpec((1, fo), lambda i: (0, 0)),
        ],
        out_specs=pl.BlockSpec((_R, fo), lambda i: (i, 0)),
        out_shape=jax.ShapeDtypeStruct((N, fo), jnp.float32),
    )(s0, s1, hs, dinv, W, b)


def _layer_hs2_body(s0, s1, hs, dv, wa, wb, ba, bb, a_out, b_out):
    d = dv[...]
    m = d * (s0[...] + s1[...] + hs[...])
    za = jnp.dot(m, wa[...], preferred_element_type=jnp.float32) + ba[...]
    a_out[...] = d * jnp.maximum(za, 0.0)
    zb = jnp.dot(m, wb[...], preferred_element_type=jnp.float32) + bb[...]
    b_out[...] = d * jnp.maximum(zb, 0.0)


def _layer_hs2(s0, s1, hs, dinv, W, b):
    fi = hs.shape[1]
    grid = (N // _R,)
    return pl.pallas_call(
        _layer_hs2_body,
        grid=grid,
        in_specs=[
            pl.BlockSpec((_R, fi), lambda i: (i, 0)),
            pl.BlockSpec((_R, fi), lambda i: (i, 0)),
            pl.BlockSpec((_R, fi), lambda i: (i, 0)),
            pl.BlockSpec((_R, 1), lambda i: (i, 0)),
            pl.BlockSpec((fi, F), lambda i: (0, 0)),
            pl.BlockSpec((fi, F), lambda i: (0, 0)),
            pl.BlockSpec((1, F), lambda i: (0, 0)),
            pl.BlockSpec((1, F), lambda i: (0, 0)),
        ],
        out_specs=[
            pl.BlockSpec((_R, F), lambda i: (i, 0)),
            pl.BlockSpec((_R, F), lambda i: (i, 0)),
        ],
        out_shape=[
            jax.ShapeDtypeStruct((N, F), jnp.float32),
            jax.ShapeDtypeStruct((N, F), jnp.float32),
        ],
    )(s0, s1, hs, dinv, W[:, :F], W[:, F:], b[:, :F], b[:, F:])


def _layer3_pool_body(
    a0, a1, ha, b0, b1, hb, dv, wa, wb, b, ids, wf1, bf1, wf2, bf2, out, pooled
):
    i = pl.program_id(0)
    d = dv[...]
    ma = d * (a0[...] + a1[...] + ha[...])
    mb = d * (b0[...] + b1[...] + hb[...])
    z = (
        jnp.dot(ma, wa[...], preferred_element_type=jnp.float32)
        + jnp.dot(mb, wb[...], preferred_element_type=jnp.float32)
        + b[...]
    )
    z = jnp.maximum(z, 0.0)

    @pl.when(i == 0)
    def _():
        pooled[...] = jnp.full((64, 512), -jnp.inf, jnp.float32)

    idb = ids[...]
    gmin = jnp.min(idb)
    gmax = jnp.max(idb)

    def body(g, _):
        @pl.when((g >= gmin) & (g <= gmax))
        def _():
            m = idb == g
            v = jnp.max(jnp.where(m, z, -jnp.inf), axis=0, keepdims=True)
            pooled[pl.ds(g, 1), :] = jnp.maximum(pooled[pl.ds(g, 1), :], v)

        return 0

    lax.fori_loop(0, 64, body, 0)

    @pl.when(i == pl.num_programs(0) - 1)
    def _():
        p = pooled[...]
        g1 = jnp.dot(p, wf1[...], preferred_element_type=jnp.float32) + bf1[...]
        g1 = jnp.maximum(g1, 0.0)
        out[...] = jnp.dot(g1, wf2[...], preferred_element_type=jnp.float32) + bf2[...]


def _layer3_pool(a0, a1, ha, b0, b1, hb, dinv, Wa, Wb, b, ids, Wf1, bf1, Wf2, bf2):
    fo = Wa.shape[1]
    grid = (N // _R,)
    return pl.pallas_call(
        _layer3_pool_body,
        grid=grid,
        in_specs=[
            pl.BlockSpec((_R, F), lambda i: (i, 0)),
            pl.BlockSpec((_R, F), lambda i: (i, 0)),
            pl.BlockSpec((_R, F), lambda i: (i, 0)),
            pl.BlockSpec((_R, F), lambda i: (i, 0)),
            pl.BlockSpec((_R, F), lambda i: (i, 0)),
            pl.BlockSpec((_R, F), lambda i: (i, 0)),
            pl.BlockSpec((_R, 1), lambda i: (i, 0)),
            pl.BlockSpec((F, fo), lambda i: (0, 0)),
            pl.BlockSpec((F, fo), lambda i: (0, 0)),
            pl.BlockSpec((1, fo), lambda i: (0, 0)),
            pl.BlockSpec((_R, 1), lambda i: (i, 0)),
            pl.BlockSpec((512, 1024), lambda i: (0, 0)),
            pl.BlockSpec((1, 1024), lambda i: (0, 0)),
            pl.BlockSpec((1024, 128), lambda i: (0, 0)),
            pl.BlockSpec((1, 128), lambda i: (0, 0)),
        ],
        out_specs=pl.BlockSpec((64, 128), lambda i: (0, 0)),
        out_shape=jax.ShapeDtypeStruct((64, 128), jnp.float32),
        scratch_shapes=[pltpu.VMEM((64, 512), jnp.float32)],
    )(a0, a1, ha, b0, b1, hb, dinv, Wa, Wb, b, ids, Wf1, bf1, Wf2, bf2)




def kernel(x, edge_index, batch, target, W1, b1, W2, b2, W3, b3, Wf1, bf1, Wf2, bf2):
    src = edge_index[0].astype(jnp.int32).reshape(NW, NGRP, GC, K)
    dst = edge_index[1].astype(jnp.int32).reshape(NW, NGRP, GC, K)
    sd = jnp.stack([src, dst], axis=2)

    dacc = _deg_call(dst)
    dinv, hs0 = _prologue(dacc, x)

    s1 = _agg_call(hs0, sd)
    hs1 = _layer_hs(s1[0], s1[1], hs0, dinv, W1, b1.reshape(1, -1))

    s2 = _agg_call(hs1, sd)
    hsa, hsb = _layer_hs2(s2[0], s2[1], hs1, dinv, W2, b2.reshape(1, -1))

    s3a = _agg_call(hsa, sd)
    s3b = _agg_call(hsb, sd)
    return _layer3_pool(
        s3a[0], s3a[1], hsa, s3b[0], s3b[1], hsb, dinv,
        W3[:F], W3[F:], b3.reshape(1, -1),
        batch.astype(jnp.int32).reshape(N, 1),
        Wf1, bf1.reshape(1, -1), Wf2, bf2.reshape(1, -1),
    )

# --- scband reference (transcript-rebuilt; emitter-appended) ---
"""Pipeline reference for scband-gcnnet-72868415144434 (READ-ONLY COPY).

The authoritative reference and input builder live on the scoring server;
editing this copy changes nothing except your own understanding.
"""

import jax, jax.numpy as jnp
import numpy as np

N_NODES = 10000
N_EDGES = 320000
F_IN = 128
N_GRAPHS = 64


def gcn_conv(x, edge_index, W, b, num_nodes):
    # PyG-style GCNConv: add self-loops, symmetric degree normalization,
    # linear transform, scatter-add aggregation, bias.
    src = edge_index[0]
    dst = edge_index[1]
    loop = jnp.arange(num_nodes, dtype=edge_index.dtype)
    src = jnp.concatenate([src, loop])
    dst = jnp.concatenate([dst, loop])
    ones = jnp.ones(src.shape[0], dtype=x.dtype)
    deg = jnp.zeros((num_nodes,), dtype=x.dtype).at[dst].add(ones)
    dinv = jnp.where(deg > 0, jax.lax.rsqrt(deg), 0.0)
    norm = dinv[src] * dinv[dst]
    h = x @ W
    msg = h[src] * norm[:, None]          # gather
    out = jnp.zeros((num_nodes, W.shape[1]), dtype=x.dtype).at[dst].add(msg)  # scatter-add
    return out + b


def setup_inputs(seed: int = 0) -> dict:
    key = jax.random.key(seed)
    ks = jax.random.split(key, 16)
    x = jax.random.normal(ks[0], (N_NODES, F_IN), dtype=jnp.float32)
    edge_index = jax.random.randint(ks[1], (2, N_EDGES), 0, N_NODES, dtype=jnp.int64)
    batch = jnp.sort(jax.random.randint(ks[2], (N_NODES,), 0, N_GRAPHS, dtype=jnp.int64))
    target = jax.random.randint(ks[3], (N_GRAPHS, 1000), 0, 25, dtype=jnp.int64)  # unused in forward
    def lin(k, fi, fo):
        return jax.random.normal(k, (fi, fo), dtype=jnp.float32) * (1.0 / np.sqrt(fi))
    W1 = lin(ks[4], 128, 128); b1 = jnp.zeros((128,), jnp.float32)
    W2 = lin(ks[5], 128, 256); b2 = jnp.zeros((256,), jnp.float32)
    W3 = lin(ks[6], 256, 512); b3 = jnp.zeros((512,), jnp.float32)
    Wf1 = lin(ks[7], 512, 1024); bf1 = jnp.zeros((1024,), jnp.float32)
    Wf2 = lin(ks[8], 1024, 128); bf2 = jnp.zeros((128,), jnp.float32)
    return {"x": x, "edge_index": edge_index, "batch": batch, "target": target,
            "W1": W1, "b1": b1, "W2": W2, "b2": b2, "W3": W3, "b3": b3,
            "Wf1": Wf1, "bf1": bf1, "Wf2": Wf2, "bf2": bf2}


def reference(x, edge_index, batch, target, W1, b1, W2, b2, W3, b3, Wf1, bf1, Wf2, bf2):
    h = jax.nn.relu(gcn_conv(x, edge_index, W1, b1, N_NODES))
    h = jax.nn.relu(gcn_conv(h, edge_index, W2, b2, N_NODES))
    h = jax.nn.relu(gcn_conv(h, edge_index, W3, b3, N_NODES))
    # global_max_pool -> segment max over graph ids (batch is sorted)
    pooled = jax.ops.segment_max(h, batch, num_segments=N_GRAPHS, indices_are_sorted=True)
    g = jax.nn.relu(pooled @ Wf1 + bf1)
    # F.dropout: identity in eval / deterministic reference
    out = g @ Wf2 + bf2
    return out

if __name__ == "__main__":
    import jax
    _d = setup_inputs()
    print(jax.jit(kernel)(*tuple(_d.values())))

</pallas_src>

<mosaic_0001>
#map = affine_map<(d0, d1) -> (0, 0, 0, 0)>
#map1 = affine_map<(d0, d1) -> (0, 0, 0)>
module attributes {stable_mosaic.version = 14 : i64} {
  func.func @_deg_call(%arg0: i32, %arg1: i32, %arg2: memref<32x5x25x80xi32, #tpu.memory_space<hbm>>, %arg3: memref<2x10000x16xf32, #tpu.memory_space<hbm>>, %arg4: memref<10000x16xf32, #tpu.memory_space<vmem_shared>>, %arg5: memref<5x25x80xi32, #tpu.memory_space<vmem>>, %arg6: memref<80x16xf32, #tpu.memory_space<vmem>>, %arg7: memref<640x16xf32, #tpu.memory_space<vmem>>) attributes {dimension_semantics = [#tpu.dimension_semantics<core_parallel>, #tpu.dimension_semantics<subcore_parallel>], iteration_bounds = array<i64: 2, 16>, scalar_prefetch = 0 : i64, scratch_operands = 4 : i64, tpu.core_type = #tpu.core_type<sc_vector_subcore>, window_params = [{transform_indices = #map}, {transform_indices = #map1}]} {
    %mul3A = arith.constant 16 : i32
    %mul3A_0 = arith.muli %arg0, %mul3A : i32
    %add3A = arith.addi %mul3A_0, %arg1 : i32
    %scan3A = arith.constant 0 : i32
    %scan3A_1 = arith.constant 0 : i32
    %scan3A_2 = arith.constant 640 : i32
    %scan3A_3 = arith.addi %scan3A_1, %scan3A_2 : i32
    %scan3A_4 = arith.constant 1 : i32
    %scan3A_5 = scf.for %scan3A_30 = %scan3A_1 to %scan3A_3 step %scan3A_4 iter_args(%scan3A_31 = %scan3A) -> (i32)  : i32 {
      %broadcast_in_dim3A = arith.constant 0.000000e+00 : f32
      %broadcast_in_dim3A_32 = vector.broadcast %broadcast_in_dim3A : f32 to vector<16xf32>
      %swap3A = arith.index_cast %scan3A_30 : i32 to index
      %swap3A_33 = arith.constant 0 : index
      %swap3A_34 = tpu.vector_load %arg7[%swap3A, %swap3A_33] {strides = array<i32>} : memref<640x16xf32, #tpu.memory_space<vmem>>, vector<1x16xf32>,
      %swap3A_35 = vector.shape_cast %swap3A_34 : vector<1x16xf32> to vector<16xf32>
      %swap3A_36 = vector.shape_cast %broadcast_in_dim3A_32 : vector<16xf32> to vector<1x16xf32>
      tpu.vector_store %arg7[%swap3A, %swap3A_33], %swap3A_36 {strides = array<i32>} : memref<640x16xf32, #tpu.memory_space<vmem>>, vector<1x16xf32>,
      %scan3A_37 = arith.constant 0 : i32
      scf.yield %scan3A_37 : i32
    }
    %scan3A_6 = arith.constant 640 : i32
    %scan3A_7 = arith.constant 0 : i32
    %scan3A_8 = arith.constant 0 : i32
    %scan3A_9 = arith.constant 80 : i32
    %scan3A_10 = arith.addi %scan3A_8, %scan3A_9 : i32
    %scan3A_11 = arith.constant 1 : i32
    %scan3A_12 = scf.for %scan3A_30 = %scan3A_8 to %scan3A_10 step %scan3A_11 iter_args(%scan3A_31 = %scan3A_7) -> (i32)  : i32 {
      %broadcast_in_dim3A = arith.constant 1.000000e+00 : f32
      %broadcast_in_dim3A_32 = vector.broadcast %broadcast_in_dim3A : f32 to vector<16xf32>
      %swap3A = arith.index_cast %scan3A_30 : i32 to index
      %swap3A_33 = arith.constant 0 : index
      %swap3A_34 = tpu.vector_load %arg6[%swap3A, %swap3A_33] {strides = array<i32>} : memref<80x16xf32, #tpu.memory_space<vmem>>, vector<1x16xf32>,
      %swap3A_35 = vector.shape_cast %swap3A_34 : vector<1x16xf32> to vector<16xf32>
      %swap3A_36 = vector.shape_cast %broadcast_in_dim3A_32 : vector<16xf32> to vector<1x16xf32>
      tpu.vector_store %arg6[%swap3A, %swap3A_33], %swap3A_36 {strides = array<i32>} : memref<80x16xf32, #tpu.memory_space<vmem>>, vector<1x16xf32>,
      %scan3A_37 = arith.constant 0 : i32
      scf.yield %scan3A_37 : i32
    }
    %scan3A_13 = arith.constant 80 : i32
    %mul3A_14 = arith.constant 624 : i32
    %mul3A_15 = arith.muli %arg1, %mul3A_14 : i32
    "tpu.region"() ({
      %run_scoped3A = tpu.sem_alloc : memref<!tpu.dma_semaphore, #tpu.memory_space<semaphore_mem>>
      %dma_start3A = arith.constant 0 : i32
      %dma_start3A_30 = tpu.memref_slice %arg4[%mul3A_15, %dma_start3A] : memref<10000x16xf32, #tpu.memory_space<vmem_shared>> -> memref<640x16xf32, #tpu.memory_space<vmem_shared>>
      %dma_start3A_31 = arith.constant 0 : i32
      %dma_start3A_32 = tpu.memref_slice %arg4[%mul3A_15, %dma_start3A_31] : memref<10000x16xf32, #tpu.memory_space<vmem_shared>> -> memref<640x16xf32, #tpu.memory_space<vmem_shared>>
      tpu.enqueue_dma source(%arg7 : memref<640x16xf32, #tpu.memory_space<vmem>>) target(%dma_start3A_32 : memref<640x16xf32, #tpu.memory_space<vmem_shared>>) target_semaphore(%run_scoped3A : memref<!tpu.dma_semaphore, #tpu.memory_space<semaphore_mem>>)
      %dma_wait3A = arith.constant 0 : i32
      %dma_wait3A_33 = tpu.memref_slice %arg4[%mul3A_15, %dma_wait3A] : memref<10000x16xf32, #tpu.memory_space<vmem_shared>> -> memref<640x16xf32, #tpu.memory_space<vmem_shared>>
      %dma_wait3A_34 = arith.constant 0 : i32
      %dma_wait3A_35 = tpu.memref_slice %arg4[%mul3A_15, %dma_wait3A_34] : memref<10000x16xf32, #tpu.memory_space<vmem_shared>> -> memref<640x16xf32, #tpu.memory_space<vmem_shared>>
      tpu.wait_dma2 semaphore(%run_scoped3A : memref<!tpu.dma_semaphore, #tpu.memory_space<semaphore_mem>>) src(%arg7 : memref<640x16xf32, #tpu.memory_space<vmem>>) dst(%dma_wait3A_35 : memref<640x16xf32, #tpu.memory_space<vmem_shared>>)
      tpu.yield
    }) : () -> ()
    "tpu.region"() ({
      %run_scoped3A = tpu.sem_alloc : memref<!tpu.dma_semaphore, #tpu.memory_space<semaphore_mem>>
      %dma_start3A = arith.constant 0 : i32
      %dma_start3A_30 = arith.constant 0 : i32
      %dma_start3A_31 = arith.constant 0 : i32
      %dma_start3A_32 = tpu.memref_slice %arg2[%add3A, %dma_start3A, %dma_start3A_30, %dma_start3A_31] : memref<32x5x25x80xi32, #tpu.memory_space<hbm>> -> memref<1x5x25x80xi32, #tpu.memory_space<hbm>>
      %dma_start3A_33 = tpu.memref_squeeze %dma_start3A_32 : memref<1x5x25x80xi32, #tpu.memory_space<hbm>> -> memref<5x25x80xi32, #tpu.memory_space<hbm>>
      %dma_start3A_34 = arith.constant 0 : i32
      %dma_start3A_35 = arith.constant 0 : i32
      %dma_start3A_36 = arith.constant 0 : i32
      %dma_start3A_37 = tpu.memref_slice %arg2[%add3A, %dma_start3A_34, %dma_start3A_35, %dma_start3A_36] : memref<32x5x25x80xi32, #tpu.memory_space<hbm>> -> memref<1x5x25x80xi32, #tpu.memory_space<hbm>>
      %dma_start3A_38 = tpu.memref_squeeze %dma_start3A_37 : memref<1x5x25x80xi32, #tpu.memory_space<hbm>> -> memref<5x25x80xi32, #tpu.memory_space<hbm>>
      tpu.enqueue_dma source(%dma_start3A_38 : memref<5x25x80xi32, #tpu.memory_space<hbm>>) target(%arg5 : memref<5x25x80xi32, #tpu.memory_space<vmem>>) target_semaphore(%run_scoped3A : memref<!tpu.dma_semaphore, #tpu.memory_space<semaphore_mem>>)
      %dma_wait3A = arith.constant 0 : i32
      %dma_wait3A_39 = arith.constant 0 : i32
      %dma_wait3A_40 = arith.constant 0 : i32
      %dma_wait3A_41 = tpu.memref_slice %arg2[%add3A, %dma_wait3A, %dma_wait3A_39, %dma_wait3A_40] : memref<32x5x25x80xi32, #tpu.memory_space<hbm>> -> memref<1x5x25x80xi32, #tpu.memory_space<hbm>>
      %dma_wait3A_42 = tpu.memref_squeeze %dma_wait3A_41 : memref<1x5x25x80xi32, #tpu.memory_space<hbm>> -> memref<5x25x80xi32, #tpu.memory_space<hbm>>
      %dma_wait3A_43 = arith.constant 0 : i32
      %dma_wait3A_44 = arith.constant 0 : i32
      %dma_wait3A_45 = arith.constant 0 : i32
      %dma_wait3A_46 = tpu.memref_slice %arg2[%add3A, %dma_wait3A_43, %dma_wait3A_44, %dma_wait3A_45] : memref<32x5x25x80xi32, #tpu.memory_space<hbm>> -> memref<1x5x25x80xi32, #tpu.memory_space<hbm>>
      %dma_wait3A_47 = tpu.memref_squeeze %dma_wait3A_46 : memref<1x5x25x80xi32, #tpu.memory_space<hbm>> -> memref<5x25x80xi32, #tpu.memory_space<hbm>>
      tpu.wait_dma2 semaphore(%run_scoped3A : memref<!tpu.dma_semaphore, #tpu.memory_space<semaphore_mem>>) src(%dma_wait3A_47 : memref<5x25x80xi32, #tpu.memory_space<hbm>>) dst(%arg5 : memref<5x25x80xi32, #tpu.memory_space<vmem>>)
      tpu.yield
    }) : () -> ()
    %barrier3A = arith.constant 0 : index
    tpu.barrier barrier_id(%barrier3A)
    %scan3A_16 = arith.constant 0 : i32
    %scan3A_17 = arith.constant 0 : i32
    %scan3A_18 = arith.constant 5 : i32
    %scan3A_19 = arith.addi %scan3A_17, %scan3A_18 : i32
    %scan3A_20 = arith.constant 1 : i32
    %scan3A_21 = scf.for %scan3A_30 = %scan3A_17 to %scan3A_19 step %scan3A_20 iter_args(%scan3A_31 = %scan3A_16) -> (i32)  : i32 {
      %scan3A_32 = arith.constant 0 : i32
      %scan3A_33 = arith.constant 0 : i32
      %scan3A_34 = arith.constant 25 : i32
      %scan3A_35 = arith.addi %scan3A_33, %scan3A_34 : i32
      %scan3A_36 = arith.constant 1 : i32
      %scan3A_37 = scf.for %scan3A_40 = %scan3A_33 to %scan3A_35 step %scan3A_36 iter_args(%scan3A_41 = %scan3A_32) -> (i32)  : i32 {
        "tpu.region"() ({
          %run_scoped3A = tpu.sem_alloc : memref<!tpu.dma_semaphore, #tpu.memory_space<semaphore_mem>>
          %dma_start3A = arith.constant 0 : i32
          %dma_start3A_43 = tpu.memref_slice %arg5[%scan3A_30, %scan3A_40, %dma_start3A] : memref<5x25x80xi32, #tpu.memory_space<vmem>> -> memref<1x1x80xi32, #tpu.memory_space<vmem>>
          %dma_start3A_44 = tpu.memref_squeeze %dma_start3A_43 : memref<1x1x80xi32, #tpu.memory_space<vmem>> -> memref<80xi32, #tpu.memory_space<vmem>>
          %dma_start3A_45 = arith.constant 0 : i32
          %dma_start3A_46 = arith.constant 0 : i32
          %dma_start3A_47 = tpu.memref_slice %arg4[%dma_start3A_45, %dma_start3A_46] : memref<10000x16xf32, #tpu.memory_space<vmem_shared>> -> memref<10000x16xf32, #tpu.memory_space<vmem_shared>>
          tpu.enqueue_indirect_dma source(%arg6 : memref<80x16xf32, #tpu.memory_space<vmem>>) target(%dma_start3A_47 : memref<10000x16xf32, #tpu.memory_space<vmem_shared>>) offsets(%dma_start3A_44 : memref<80xi32, #tpu.memory_space<vmem>>) semaphore(%run_scoped3A : memref<!tpu.dma_semaphore, #tpu.memory_space<semaphore_mem>>) {add = true}
          %dma_wait3A = arith.constant 0 : i32
          %dma_wait3A_48 = tpu.memref_slice %arg5[%scan3A_30, %scan3A_40, %dma_wait3A] : memref<5x25x80xi32, #tpu.memory_space<vmem>> -> memref<1x1x80xi32, #tpu.memory_space<vmem>>
          %dma_wait3A_49 = tpu.memref_squeeze %dma_wait3A_48 : memref<1x1x80xi32, #tpu.memory_space<vmem>> -> memref<80xi32, #tpu.memory_space<vmem>>
          %dma_wait3A_50 = arith.constant 0 : i32
          %dma_wait3A_51 = arith.constant 0 : i32
          %dma_wait3A_52 = tpu.memref_slice %arg4[%dma_wait3A_50, %dma_wait3A_51] : memref<10000x16xf32, #tpu.memory_space<vmem_shared>> -> memref<10000x16xf32, #tpu.memory_space<vmem_shared>>
          tpu.wait_indirect_dma semaphore(%run_scoped3A : memref<!tpu.dma_semaphore, #tpu.memory_space<semaphore_mem>>) src(%arg6 : memref<80x16xf32, #tpu.memory_space<vmem>>) dst(%dma_wait3A_52 : memref<10000x16xf32, #tpu.memory_space<vmem_shared>>)
          tpu.yield
        }) : () -> ()
        %scan3A_42 = arith.constant 0 : i32
        scf.yield %scan3A_42 : i32
      }
      %scan3A_38 = arith.constant 25 : i32
      %scan3A_39 = arith.constant 0 : i32
      scf.yield %scan3A_39 : i32
    }
    %scan3A_22 = arith.constant 5 : i32
    %barrier3A_23 = arith.constant 0 : index
    tpu.barrier barrier_id(%barrier3A_23)
    %eq3A = arith.constant 15 : i32
    %eq3A_24 = arith.cmpi eq, %arg1, %eq3A : i32
    %convert_element_type3A = arith.extui %eq3A_24 : i1 to i32
    %cond3A = arith.constant 0 : i32
    %cond3A_25 = arith.cmpi ne, %convert_element_type3A, %cond3A : i32
    scf.if %cond3A_25 {
      "tpu.region"() ({
        %run_scoped3A = tpu.sem_alloc : memref<!tpu.dma_semaphore, #tpu.memory_space<semaphore_mem>>
        %dma_start3A = arith.constant 0 : i32
        %dma_start3A_30 = tpu.memref_slice %arg3[%arg0, %mul3A_15, %dma_start3A] : memref<2x10000x16xf32, #tpu.memory_space<hbm>> -> memref<1x640x16xf32, #tpu.memory_space<hbm>>
        %dma_start3A_31 = tpu.memref_squeeze %dma_start3A_30 : memref<1x640x16xf32, #tpu.memory_space<hbm>> -> memref<640x16xf32, #tpu.memory_space<hbm>>
        %dma_start3A_32 = arith.constant 0 : i32
        %dma_start3A_33 = tpu.memref_slice %arg4[%mul3A_15, %dma_start3A_32] : memref<10000x16xf32, #tpu.memory_space<vmem_shared>> -> memref<640x16xf32, #tpu.memory_space<vmem_shared>>
        tpu.enqueue_dma source(%dma_start3A_33 : memref<640x16xf32, #tpu.memory_space<vmem_shared>>) target(%dma_start3A_31 : memref<640x16xf32, #tpu.memory_space<hbm>>) target_semaphore(%run_scoped3A : memref<!tpu.dma_semaphore, #tpu.memory_space<semaphore_mem>>)
        %dma_wait3A = arith.constant 0 : i32
        %dma_wait3A_34 = tpu.memref_slice %arg3[%arg0, %mul3A_15, %dma_wait3A] : memref<2x10000x16xf32, #tpu.memory_space<hbm>> -> memref<1x640x16xf32, #tpu.memory_space<hbm>>
        %dma_wait3A_35 = tpu.memref_squeeze %dma_wait3A_34 : memref<1x640x16xf32, #tpu.memory_space<hbm>> -> memref<640x16xf32, #tpu.memory_space<hbm>>
        %dma_wait3A_36 = arith.constant 0 : i32
        %dma_wait3A_37 = tpu.memref_slice %arg4[%mul3A_15, %dma_wait3A_36] : memref<10000x16xf32, #tpu.memory_space<vmem_shared>> -> memref<640x16xf32, #tpu.memory_space<vmem_shared>>
        tpu.wait_dma2 semaphore(%run_scoped3A : memref<!tpu.dma_semaphore, #tpu.memory_space<semaphore_mem>>) src(%dma_wait3A_37 : memref<640x16xf32, #tpu.memory_space<vmem_shared>>) dst(%dma_wait3A_35 : memref<640x16xf32, #tpu.memory_space<hbm>>)
        tpu.yield
      }) : () -> ()
    } else {
    }
    %ne3A = arith.constant 15 : i32
    %ne3A_26 = arith.cmpi ne, %arg1, %ne3A : i32
    %convert_element_type3A_27 = arith.extui %ne3A_26 : i1 to i32
    %cond3A_28 = arith.constant 0 : i32
    %cond3A_29 = arith.cmpi ne, %convert_element_type3A_27, %cond3A_28 : i32
    scf.if %cond3A_29 {
      "tpu.region"() ({
        %run_scoped3A = tpu.sem_alloc : memref<!tpu.dma_semaphore, #tpu.memory_space<semaphore_mem>>
        %dma_start3A = arith.constant 0 : i32
        %dma_start3A_30 = tpu.memref_slice %arg3[%arg0, %mul3A_15, %dma_start3A] : memref<2x10000x16xf32, #tpu.memory_space<hbm>> -> memref<1x624x16xf32, #tpu.memory_space<hbm>>
        %dma_start3A_31 = tpu.memref_squeeze %dma_start3A_30 : memref<1x624x16xf32, #tpu.memory_space<hbm>> -> memref<624x16xf32, #tpu.memory_space<hbm>>
        %dma_start3A_32 = arith.constant 0 : i32
        %dma_start3A_33 = tpu.memref_slice %arg4[%mul3A_15, %dma_start3A_32] : memref<10000x16xf32, #tpu.memory_space<vmem_shared>> -> memref<624x16xf32, #tpu.memory_space<vmem_shared>>
        tpu.enqueue_dma source(%dma_start3A_33 : memref<624x16xf32, #tpu.memory_space<vmem_shared>>) target(%dma_start3A_31 : memref<624x16xf32, #tpu.memory_space<hbm>>) target_semaphore(%run_scoped3A : memref<!tpu.dma_semaphore, #tpu.memory_space<semaphore_mem>>)
        %dma_wait3A = arith.constant 0 : i32
        %dma_wait3A_34 = tpu.memref_slice %arg3[%arg0, %mul3A_15, %dma_wait3A] : memref<2x10000x16xf32, #tpu.memory_space<hbm>> -> memref<1x624x16xf32, #tpu.memory_space<hbm>>
        %dma_wait3A_35 = tpu.memref_squeeze %dma_wait3A_34 : memref<1x624x16xf32, #tpu.memory_space<hbm>> -> memref<624x16xf32, #tpu.memory_space<hbm>>
        %dma_wait3A_36 = arith.constant 0 : i32
        %dma_wait3A_37 = tpu.memref_slice %arg4[%mul3A_15, %dma_wait3A_36] : memref<10000x16xf32, #tpu.memory_space<vmem_shared>> -> memref<624x16xf32, #tpu.memory_space<vmem_shared>>
        tpu.wait_dma2 semaphore(%run_scoped3A : memref<!tpu.dma_semaphore, #tpu.memory_space<semaphore_mem>>) src(%dma_wait3A_37 : memref<624x16xf32, #tpu.memory_space<vmem_shared>>) dst(%dma_wait3A_35 : memref<624x16xf32, #tpu.memory_space<hbm>>)
        tpu.yield
      }) : () -> ()
    } else {
    }
    return
  }
}

#map = affine_map<(d0, d1) -> (0, 0)>
#map1 = affine_map<(d0, d1) -> (0, 0, 0, 0, 0)>
#map2 = affine_map<(d0, d1) -> (0, 0, 0)>
module attributes {stable_mosaic.version = 14 : i64} {
  func.func @_agg_call(%arg0: i32, %arg1: i32, %arg2: memref<10000x128xf32, #tpu.memory_space<hbm>>, %arg3: memref<32x5x2x25x80xi32, #tpu.memory_space<hbm>>, %arg4: memref<2x10000x128xf32, #tpu.memory_space<hbm>>, %arg5: memref<10000x128xf32, #tpu.memory_space<vmem_shared>>, %arg6: memref<2x25x80xi32, #tpu.memory_space<vmem>>, %arg7: memref<80x128xf32, #tpu.memory_space<vmem>>, %arg8: memref<80x128xf32, #tpu.memory_space<vmem>>, %arg9: memref<80x128xf32, #tpu.memory_space<vmem>>, %arg10: memref<80x128xf32, #tpu.memory_space<vmem>>, %arg11: memref<!tpu.dma_semaphore, #tpu.memory_space<semaphore_mem>>, %arg12: memref<!tpu.dma_semaphore, #tpu.memory_space<semaphore_mem>>, %arg13: memref<!tpu.dma_semaphore, #tpu.memory_space<semaphore_mem>>, %arg14: memref<!tpu.dma_semaphore, #tpu.memory_space<semaphore_mem>>) attributes {dimension_semantics = [#tpu.dimension_semantics<core_parallel>, #tpu.dimension_semantics<subcore_parallel>], iteration_bounds = array<i64: 2, 16>, scalar_prefetch = 0 : i64, scratch_operands = 10 : i64, tpu.core_type = #tpu.core_type<sc_vector_subcore>, window_params = [{transform_indices = #map}, {transform_indices = #map1}, {transform_indices = #map2}]} {
    %mul3A = arith.constant 16 : i32
    %mul3A_0 = arith.muli %arg0, %mul3A : i32
    %add3A = arith.addi %mul3A_0, %arg1 : i32
    %scan3A = arith.constant 0 : i32
    %scan3A_1 = arith.constant 0 : i32
    %scan3A_2 = arith.constant 80 : i32
    %scan3A_3 = arith.addi %scan3A_1, %scan3A_2 : i32
    %scan3A_4 = arith.constant 1 : i32
    %scan3A_5 = scf.for %scan3A_39 = %scan3A_1 to %scan3A_3 step %scan3A_4 iter_args(%scan3A_40 = %scan3A) -> (i32)  : i32 {
      %broadcast_in_dim3A = arith.constant 0.000000e+00 : f32
      %broadcast_in_dim3A_41 = vector.broadcast %broadcast_in_dim3A : f32 to vector<16xf32>
      %swap3A = arith.index_cast %scan3A_39 : i32 to index
      %swap3A_42 = arith.constant 0 : index
      %swap3A_43 = tpu.vector_load %arg7[%swap3A, %swap3A_42] {strides = array<i32>} : memref<80x128xf32, #tpu.memory_space<vmem>>, vector<1x16xf32>,
      %swap3A_44 = vector.shape_cast %swap3A_43 : vector<1x16xf32> to vector<16xf32>
      %swap3A_45 = vector.shape_cast %broadcast_in_dim3A_41 : vector<16xf32> to vector<1x16xf32>
      tpu.vector_store %arg7[%swap3A, %swap3A_42], %swap3A_45 {strides = array<i32>} : memref<80x128xf32, #tpu.memory_space<vmem>>, vector<1x16xf32>,
      %broadcast_in_dim3A_46 = arith.constant 0.000000e+00 : f32
      %broadcast_in_dim3A_47 = vector.broadcast %broadcast_in_dim3A_46 : f32 to vector<16xf32>
      %swap3A_48 = arith.index_cast %scan3A_39 : i32 to index
      %swap3A_49 = arith.constant 16 : index
      %swap3A_50 = tpu.vector_load %arg7[%swap3A_48, %swap3A_49] {strides = array<i32>} : memref<80x128xf32, #tpu.memory_space<vmem>>, vector<1x16xf32>,
      %swap3A_51 = vector.shape_cast %swap3A_50 : vector<1x16xf32> to vector<16xf32>
      %swap3A_52 = vector.shape_cast %broadcast_in_dim3A_47 : vector<16xf32> to vector<1x16xf32>
      tpu.vector_store %arg7[%swap3A_48, %swap3A_49], %swap3A_52 {strides = array<i32>} : memref<80x128xf32, #tpu.memory_space<vmem>>, vector<1x16xf32>,
      %broadcast_in_dim3A_53 = arith.constant 0.000000e+00 : f32
      %broadcast_in_dim3A_54 = vector.broadcast %broadcast_in_dim3A_53 : f32 to vector<16xf32>
      %swap3A_55 = arith.index_cast %scan3A_39 : i32 to index
      %swap3A_56 = arith.constant 32 : index
      %swap3A_57 = tpu.vector_load %arg7[%swap3A_55, %swap3A_56] {strides = array<i32>} : memref<80x128xf32, #tpu.memory_space<vmem>>, vector<1x16xf32>,
      %swap3A_58 = vector.shape_cast %swap3A_57 : vector<1x16xf32> to vector<16xf32>
      %swap3A_59 = vector.shape_cast %broadcast_in_dim3A_54 : vector<16xf32> to vector<1x16xf32>
      tpu.vector_store %arg7[%swap3A_55, %swap3A_56], %swap3A_59 {strides = array<i32>} : memref<80x128xf32, #tpu.memory_space<vmem>>, vector<1x16xf32>,
      %broadcast_in_dim3A_60 = arith.constant 0.000000e+00 : f32
      %broadcast_in_dim3A_61 = vector.broadcast %broadcast_in_dim3A_60 : f32 to vector<16xf32>
      %swap3A_62 = arith.index_cast %scan3A_39 : i32 to index
      %swap3A_63 = arith.constant 48 : index
      %swap3A_64 = tpu.vector_load %arg7[%swap3A_62, %swap3A_63] {strides = array<i32>} : memref<80x128xf32, #tpu.memory_space<vmem>>, vector<1x16xf32>,
      %swap3A_65 = vector.shape_cast %swap3A_64 : vector<1x16xf32> to vector<16xf32>
      %swap3A_66 = vector.shape_cast %broadcast_in_dim3A_61 : vector<16xf32> to vector<1x16xf32>
      tpu.vector_store %arg7[%swap3A_62, %swap3A_63], %swap3A_66 {strides = array<i32>} : memref<80x128xf32, #tpu.memory_space<vmem>>, vector<1x16xf32>,
      %broadcast_in_dim3A_67 = arith.constant 0.000000e+00 : f32
      %broadcast_in_dim3A_68 = vector.broadcast %broadcast_in_dim3A_67 : f32 to vector<16xf32>
      %swap3A_69 = arith.index_cast %scan3A_39 : i32 to index
      %swap3A_70 = arith.constant 64 : index
      %swap3A_71 = tpu.vector_load %arg7[%swap3A_69, %swap3A_70] {strides = array<i32>} : memref<80x128xf32, #tpu.memory_space<vmem>>, vector<1x16xf32>,
      %swap3A_72 = vector.shape_cast %swap3A_71 : vector<1x16xf32> to vector<16xf32>
      %swap3A_73 = vector.shape_cast %broadcast_in_dim3A_68 : vector<16xf32> to vector<1x16xf32>
      tpu.vector_store %arg7[%swap3A_69, %swap3A_70], %swap3A_73 {strides = array<i32>} : memref<80x128xf32, #tpu.memory_space<vmem>>, vector<1x16xf32>,
      %broadcast_in_dim3A_74 = arith.constant 0.000000e+00 : f32
      %broadcast_in_dim3A_75 = vector.broadcast %broadcast_in_dim3A_74 : f32 to vector<16xf32>
      %swap3A_76 = arith.index_cast %scan3A_39 : i32 to index
      %swap3A_77 = arith.constant 80 : index
      %swap3A_78 = tpu.vector_load %arg7[%swap3A_76, %swap3A_77] {strides = array<i32>} : memref<80x128xf32, #tpu.memory_space<vmem>>, vector<1x16xf32>,
      %swap3A_79 = vector.shape_cast %swap3A_78 : vector<1x16xf32> to vector<16xf32>
      %swap3A_80 = vector.shape_cast %broadcast_in_dim3A_75 : vector<16xf32> to vector<1x16xf32>
      tpu.vector_store %arg7[%swap3A_76, %swap3A_77], %swap3A_80 {strides = array<i32>} : memref<80x128xf32, #tpu.memory_space<vmem>>, vector<1x16xf32>,
      %broadcast_in_dim3A_81 = arith.constant 0.000000e+00 : f32
      %broadcast_in_dim3A_82 = vector.broadcast %broadcast_in_dim3A_81 : f32 to vector<16xf32>
      %swap3A_83 = arith.index_cast %scan3A_39 : i32 to index
      %swap3A_84 = arith.constant 96 : index
      %swap3A_85 = tpu.vector_load %arg7[%swap3A_83, %swap3A_84] {strides = array<i32>} : memref<80x128xf32, #tpu.memory_space<vmem>>, vector<1x16xf32>,
      %swap3A_86 = vector.shape_cast %swap3A_85 : vector<1x16xf32> to vector<16xf32>
      %swap3A_87 = vector.shape_cast %broadcast_in_dim3A_82 : vector<16xf32> to vector<1x16xf32>
      tpu.vector_store %arg7[%swap3A_83, %swap3A_84], %swap3A_87 {strides = array<i32>} : memref<80x128xf32, #tpu.memory_space<vmem>>, vector<1x16xf32>,
      %broadcast_in_dim3A_88 = arith.constant 0.000000e+00 : f32
      %broadcast_in_dim3A_89 = vector.broadcast %broadcast_in_dim3A_88 : f32 to vector<16xf32>
      %swap3A_90 = arith.index_cast %scan3A_39 : i32 to index
      %swap3A_91 = arith.constant 112 : index
      %swap3A_92 = tpu.vector_load %arg7[%swap3A_90, %swap3A_91] {strides = array<i32>} : memref<80x128xf32, #tpu.memory_space<vmem>>, vector<1x16xf32>,
      %swap3A_93 = vector.shape_cast %swap3A_92 : vector<1x16xf32> to vector<16xf32>
      %swap3A_94 = vector.shape_cast %broadcast_in_dim3A_89 : vector<16xf32> to vector<1x16xf32>
      tpu.vector_store %arg7[%swap3A_90, %swap3A_91], %swap3A_94 {strides = array<i32>} : memref<80x128xf32, #tpu.memory_space<vmem>>, vector<1x16xf32>,
      %scan3A_95 = arith.constant 0 : i32
      scf.yield %scan3A_95 : i32
    }
    %scan3A_6 = arith.constant 80 : i32
    %mul3A_7 = arith.constant 624 : i32
    %mul3A_8 = arith.muli %arg1, %mul3A_7 : i32
    %add3A_9 = arith.constant 0 : i32
    %add3A_10 = arith.addi %mul3A_8, %add3A_9 : i32
    "tpu.region"() ({
      %run_scoped3A = tpu.sem_alloc : memref<!tpu.dma_semaphore, #tpu.memory_space<semaphore_mem>>
      %dma_start3A = arith.constant 0 : i32
      %dma_start3A_39 = tpu.memref_slice %arg5[%add3A_10, %dma_start3A] : memref<10000x128xf32, #tpu.memory_space<vmem_shared>> -> memref<80x128xf32, #tpu.memory_space<vmem_shared>>
      %dma_start3A_40 = arith.constant 0 : i32
      %dma_start3A_41 = tpu.memref_slice %arg5[%add3A_10, %dma_start3A_40] : memref<10000x128xf32, #tpu.memory_space<vmem_shared>> -> memref<80x128xf32, #tpu.memory_space<vmem_shared>>
      tpu.enqueue_dma source(%arg7 : memref<80x128xf32, #tpu.memory_space<vmem>>) target(%dma_start3A_41 : memref<80x128xf32, #tpu.memory_space<vmem_shared>>) target_semaphore(%run_scoped3A : memref<!tpu.dma_semaphore, #tpu.memory_space<semaphore_mem>>)
      %dma_wait3A = arith.constant 0 : i32
      %dma_wait3A_42 = tpu.memref_slice %arg5[%add3A_10, %dma_wait3A] : memref<10000x128xf32, #tpu.memory_space<vmem_shared>> -> memref<80x128xf32, #tpu.memory_space<vmem_shared>>
      %dma_wait3A_43 = arith.constant 0 : i32
      %dma_wait3A_44 = tpu.memref_slice %arg5[%add3A_10, %dma_wait3A_43] : memref<10000x128xf32, #tpu.memory_space<vmem_shared>> -> memref<80x128xf32, #tpu.memory_space<vmem_shared>>
      tpu.wait_dma2 semaphore(%run_scoped3A : memref<!tpu.dma_semaphore, #tpu.memory_space<semaphore_mem>>) src(%arg7 : memref<80x128xf32, #tpu.memory_space<vmem>>) dst(%dma_wait3A_44 : memref<80x128xf32, #tpu.memory_space<vmem_shared>>)
      tpu.yield
    }) : () -> ()
    %add3A_11 = arith.constant 80 : i32
    %add3A_12 = arith.addi %mul3A_8, %add3A_11 : i32
    "tpu.region"() ({
      %run_scoped3A = tpu.sem_alloc : memref<!tpu.dma_semaphore, #tpu.memory_space<semaphore_mem>>
      %dma_start3A = arith.constant 0 : i32
      %dma_start3A_39 = tpu.memref_slice %arg5[%add3A_12, %dma_start3A] : memref<10000x128xf32, #tpu.memory_space<vmem_shared>> -> memref<80x128xf32, #tpu.memory_space<vmem_shared>>
      %dma_start3A_40 = arith.constant 0 : i32
      %dma_start3A_41 = tpu.memref_slice %arg5[%add3A_12, %dma_start3A_40] : memref<10000x128xf32, #tpu.memory_space<vmem_shared>> -> memref<80x128xf32, #tpu.memory_space<vmem_shared>>
      tpu.enqueue_dma source(%arg7 : memref<80x128xf32, #tpu.memory_space<vmem>>) target(%dma_start3A_41 : memref<80x128xf32, #tpu.memory_space<vmem_shared>>) target_semaphore(%run_scoped3A : memref<!tpu.dma_semaphore, #tpu.memory_space<semaphore_mem>>)
      %dma_wait3A = arith.constant 0 : i32
      %dma_wait3A_42 = tpu.memref_slice %arg5[%add3A_12, %dma_wait3A] : memref<10000x128xf32, #tpu.memory_space<vmem_shared>> -> memref<80x128xf32, #tpu.memory_space<vmem_shared>>
      %dma_wait3A_43 = arith.constant 0 : i32
      %dma_wait3A_44 = tpu.memref_slice %arg5[%add3A_12, %dma_wait3A_43] : memref<10000x128xf32, #tpu.memory_space<vmem_shared>> -> memref<80x128xf32, #tpu.memory_space<vmem_shared>>
      tpu.wait_dma2 semaphore(%run_scoped3A : memref<!tpu.dma_semaphore, #tpu.memory_space<semaphore_mem>>) src(%arg7 : memref<80x128xf32, #tpu.memory_space<vmem>>) dst(%dma_wait3A_44 : memref<80x128xf32, #tpu.memory_space<vmem_shared>>)
      tpu.yield
    }) : () -> ()
    %add3A_13 = arith.constant 160 : i32
    %add3A_14 = arith.addi %mul3A_8, %add3A_13 : i32
    "tpu.region"() ({
      %run_scoped3A = tpu.sem_alloc : memref<!tpu.dma_semaphore, #tpu.memory_space<semaphore_mem>>
      %dma_start3A = arith.constant 0 : i32
      %dma_start3A_39 = tpu.memref_slice %arg5[%add3A_14, %dma_start3A] : memref<10000x128xf32, #tpu.memory_space<vmem_shared>> -> memref<80x128xf32, #tpu.memory_space<vmem_shared>>
      %dma_start3A_40 = arith.constant 0 : i32
      %dma_start3A_41 = tpu.memref_slice %arg5[%add3A_14, %dma_start3A_40] : memref<10000x128xf32, #tpu.memory_space<vmem_shared>> -> memref<80x128xf32, #tpu.memory_space<vmem_shared>>
      tpu.enqueue_dma source(%arg7 : memref<80x128xf32, #tpu.memory_space<vmem>>) target(%dma_start3A_41 : memref<80x128xf32, #tpu.memory_space<vmem_shared>>) target_semaphore(%run_scoped3A : memref<!tpu.dma_semaphore, #tpu.memory_space<semaphore_mem>>)
      %dma_wait3A = arith.constant 0 : i32
      %dma_wait3A_42 = tpu.memref_slice %arg5[%add3A_14, %dma_wait3A] : memref<10000x128xf32, #tpu.memory_space<vmem_shared>> -> memref<80x128xf32, #tpu.memory_space<vmem_shared>>
      %dma_wait3A_43 = arith.constant 0 : i32
      %dma_wait3A_44 = tpu.memref_slice %arg5[%add3A_14, %dma_wait3A_43] : memref<10000x128xf32, #tpu.memory_space<vmem_shared>> -> memref<80x128xf32, #tpu.memory_space<vmem_shared>>
      tpu.wait_dma2 semaphore(%run_scoped3A : memref<!tpu.dma_semaphore, #tpu.memory_space<semaphore_mem>>) src(%arg7 : memref<80x128xf32, #tpu.memory_space<vmem>>) dst(%dma_wait3A_44 : memref<80x128xf32, #tpu.memory_space<vmem_shared>>)
      tpu.yield
    }) : () -> ()
    %add3A_15 = arith.constant 240 : i32
    %add3A_16 = arith.addi %mul3A_8, %add3A_15 : i32
    "tpu.region"() ({
      %run_scoped3A = tpu.sem_alloc : memref<!tpu.dma_semaphore, #tpu.memory_space<semaphore_mem>>
      %dma_start3A = arith.constant 0 : i32
      %dma_start3A_39 = tpu.memref_slice %arg5[%add3A_16, %dma_start3A] : memref<10000x128xf32, #tpu.memory_space<vmem_shared>> -> memref<80x128xf32, #tpu.memory_space<vmem_shared>>
      %dma_start3A_40 = arith.constant 0 : i32
      %dma_start3A_41 = tpu.memref_slice %arg5[%add3A_16, %dma_start3A_40] : memref<10000x128xf32, #tpu.memory_space<vmem_shared>> -> memref<80x128xf32, #tpu.memory_space<vmem_shared>>
      tpu.enqueue_dma source(%arg7 : memref<80x128xf32, #tpu.memory_space<vmem>>) target(%dma_start3A_41 : memref<80x128xf32, #tpu.memory_space<vmem_shared>>) target_semaphore(%run_scoped3A : memref<!tpu.dma_semaphore, #tpu.memory_space<semaphore_mem>>)
      %dma_wait3A = arith.constant 0 : i32
      %dma_wait3A_42 = tpu.memref_slice %arg5[%add3A_16, %dma_wait3A] : memref<10000x128xf32, #tpu.memory_space<vmem_shared>> -> memref<80x128xf32, #tpu.memory_space<vmem_shared>>
      %dma_wait3A_43 = arith.constant 0 : i32
      %dma_wait3A_44 = tpu.memref_slice %arg5[%add3A_16, %dma_wait3A_43] : memref<10000x128xf32, #tpu.memory_space<vmem_shared>> -> memref<80x128xf32, #tpu.memory_space<vmem_shared>>
      tpu.wait_dma2 semaphore(%run_scoped3A : memref<!tpu.dma_semaphore, #tpu.memory_space<semaphore_mem>>) src(%arg7 : memref<80x128xf32, #tpu.memory_space<vmem>>) dst(%dma_wait3A_44 : memref<80x128xf32, #tpu.memory_space<vmem_shared>>)
      tpu.yield
    }) : () -> ()
    %add3A_17 = arith.constant 320 : i32
    %add3A_18 = arith.addi %mul3A_8, %add3A_17 : i32
    "tpu.region"() ({
      %run_scoped3A = tpu.sem_alloc : memref<!tpu.dma_semaphore, #tpu.memory_space<semaphore_mem>>
      %dma_start3A = arith.constant 0 : i32
      %dma_start3A_39 = tpu.memref_slice %arg5[%add3A_18, %dma_start3A] : memref<10000x128xf32, #tpu.memory_space<vmem_shared>> -> memref<80x128xf32, #tpu.memory_space<vmem_shared>>
      %dma_start3A_40 = arith.constant 0 : i32
      %dma_start3A_41 = tpu.memref_slice %arg5[%add3A_18, %dma_start3A_40] : memref<10000x128xf32, #tpu.memory_space<vmem_shared>> -> memref<80x128xf32, #tpu.memory_space<vmem_shared>>
      tpu.enqueue_dma source(%arg7 : memref<80x128xf32, #tpu.memory_space<vmem>>) target(%dma_start3A_41 : memref<80x128xf32, #tpu.memory_space<vmem_shared>>) target_semaphore(%run_scoped3A : memref<!tpu.dma_semaphore, #tpu.memory_space<semaphore_mem>>)
      %dma_wait3A = arith.constant 0 : i32
      %dma_wait3A_42 = tpu.memref_slice %arg5[%add3A_18, %dma_wait3A] : memref<10000x128xf32, #tpu.memory_space<vmem_shared>> -> memref<80x128xf32, #tpu.memory_space<vmem_shared>>
      %dma_wait3A_43 = arith.constant 0 : i32
      %dma_wait3A_44 = tpu.memref_slice %arg5[%add3A_18, %dma_wait3A_43] : memref<10000x128xf32, #tpu.memory_space<vmem_shared>> -> memref<80x128xf32, #tpu.memory_space<vmem_shared>>
      tpu.wait_dma2 semaphore(%run_scoped3A : memref<!tpu.dma_semaphore, #tpu.memory_space<semaphore_mem>>) src(%arg7 : memref<80x128xf32, #tpu.memory_space<vmem>>) dst(%dma_wait3A_44 : memref<80x128xf32, #tpu.memory_space<vmem_shared>>)
      tpu.yield
    }) : () -> ()
    %add3A_19 = arith.constant 400 : i32
    %add3A_20 = arith.addi %mul3A_8, %add3A_19 : i32
    "tpu.region"() ({
      %run_scoped3A = tpu.sem_alloc : memref<!tpu.dma_semaphore, #tpu.memory_space<semaphore_mem>>
      %dma_start3A = arith.constant 0 : i32
      %dma_start3A_39 = tpu.memref_slice %arg5[%add3A_20, %dma_start3A] : memref<10000x128xf32, #tpu.memory_space<vmem_shared>> -> memref<80x128xf32, #tpu.memory_space<vmem_shared>>
      %dma_start3A_40 = arith.constant 0 : i32
      %dma_start3A_41 = tpu.memref_slice %arg5[%add3A_20, %dma_start3A_40] : memref<10000x128xf32, #tpu.memory_space<vmem_shared>> -> memref<80x128xf32, #tpu.memory_space<vmem_shared>>
      tpu.enqueue_dma source(%arg7 : memref<80x128xf32, #tpu.memory_space<vmem>>) target(%dma_start3A_41 : memref<80x128xf32, #tpu.memory_space<vmem_shared>>) target_semaphore(%run_scoped3A : memref<!tpu.dma_semaphore, #tpu.memory_space<semaphore_mem>>)
      %dma_wait3A = arith.constant 0 : i32
      %dma_wait3A_42 = tpu.memref_slice %arg5[%add3A_20, %dma_wait3A] : memref<10000x128xf32, #tpu.memory_space<vmem_shared>> -> memref<80x128xf32, #tpu.memory_space<vmem_shared>>
      %dma_wait3A_43 = arith.constant 0 : i32
      %dma_wait3A_44 = tpu.memref_slice %arg5[%add3A_20, %dma_wait3A_43] : memref<10000x128xf32, #tpu.memory_space<vmem_shared>> -> memref<80x128xf32, #tpu.memory_space<vmem_shared>>
      tpu.wait_dma2 semaphore(%run_scoped3A : memref<!tpu.dma_semaphore, #tpu.memory_space<semaphore_mem>>) src(%arg7 : memref<80x128xf32, #tpu.memory_space<vmem>>) dst(%dma_wait3A_44 : memref<80x128xf32, #tpu.memory_space<vmem_shared>>)
      tpu.yield
    }) : () -> ()
    %add3A_21 = arith.constant 480 : i32
    %add3A_22 = arith.addi %mul3A_8, %add3A_21 : i32
    "tpu.region"() ({
      %run_scoped3A = tpu.sem_alloc : memref<!tpu.dma_semaphore, #tpu.memory_space<semaphore_mem>>
      %dma_start3A = arith.constant 0 : i32
      %dma_start3A_39 = tpu.memref_slice %arg5[%add3A_22, %dma_start3A] : memref<10000x128xf32, #tpu.memory_space<vmem_shared>> -> memref<80x128xf32, #tpu.memory_space<vmem_shared>>
      %dma_start3A_40 = arith.constant 0 : i32
      %dma_start3A_41 = tpu.memref_slice %arg5[%add3A_22, %dma_start3A_40] : memref<10000x128xf32, #tpu.memory_space<vmem_shared>> -> memref<80x128xf32, #tpu.memory_space<vmem_shared>>
      tpu.enqueue_dma source(%arg7 : memref<80x128xf32, #tpu.memory_space<vmem>>) target(%dma_start3A_41 : memref<80x128xf32, #tpu.memory_space<vmem_shared>>) target_semaphore(%run_scoped3A : memref<!tpu.dma_semaphore, #tpu.memory_space<semaphore_mem>>)
      %dma_wait3A = arith.constant 0 : i32
      %dma_wait3A_42 = tpu.memref_slice %arg5[%add3A_22, %dma_wait3A] : memref<10000x128xf32, #tpu.memory_space<vmem_shared>> -> memref<80x128xf32, #tpu.memory_space<vmem_shared>>
      %dma_wait3A_43 = arith.constant 0 : i32
      %dma_wait3A_44 = tpu.memref_slice %arg5[%add3A_22, %dma_wait3A_43] : memref<10000x128xf32, #tpu.memory_space<vmem_shared>> -> memref<80x128xf32, #tpu.memory_space<vmem_shared>>
      tpu.wait_dma2 semaphore(%run_scoped3A : memref<!tpu.dma_semaphore, #tpu.memory_space<semaphore_mem>>) src(%arg7 : memref<80x128xf32, #tpu.memory_space<vmem>>) dst(%dma_wait3A_44 : memref<80x128xf32, #tpu.memory_space<vmem_shared>>)
      tpu.yield
    }) : () -> ()
    %add3A_23 = arith.constant 560 : i32
    %add3A_24 = arith.addi %mul3A_8, %add3A_23 : i32
    "tpu.region"() ({
      %run_scoped3A = tpu.sem_alloc : memref<!tpu.dma_semaphore, #tpu.memory_space<semaphore_mem>>
      %dma_start3A = arith.constant 0 : i32
      %dma_start3A_39 = tpu.memref_slice %arg5[%add3A_24, %dma_start3A] : memref<10000x128xf32, #tpu.memory_space<vmem_shared>> -> memref<80x128xf32, #tpu.memory_space<vmem_shared>>
      %dma_start3A_40 = arith.constant 0 : i32
      %dma_start3A_41 = tpu.memref_slice %arg5[%add3A_24, %dma_start3A_40] : memref<10000x128xf32, #tpu.memory_space<vmem_shared>> -> memref<80x128xf32, #tpu.memory_space<vmem_shared>>
      tpu.enqueue_dma source(%arg7 : memref<80x128xf32, #tpu.memory_space<vmem>>) target(%dma_start3A_41 : memref<80x128xf32, #tpu.memory_space<vmem_shared>>) target_semaphore(%run_scoped3A : memref<!tpu.dma_semaphore, #tpu.memory_space<semaphore_mem>>)
      %dma_wait3A = arith.constant 0 : i32
      %dma_wait3A_42 = tpu.memref_slice %arg5[%add3A_24, %dma_wait3A] : memref<10000x128xf32, #tpu.memory_space<vmem_shared>> -> memref<80x128xf32, #tpu.memory_space<vmem_shared>>
      %dma_wait3A_43 = arith.constant 0 : i32
      %dma_wait3A_44 = tpu.memref_slice %arg5[%add3A_24, %dma_wait3A_43] : memref<10000x128xf32, #tpu.memory_space<vmem_shared>> -> memref<80x128xf32, #tpu.memory_space<vmem_shared>>
      tpu.wait_dma2 semaphore(%run_scoped3A : memref<!tpu.dma_semaphore, #tpu.memory_space<semaphore_mem>>) src(%arg7 : memref<80x128xf32, #tpu.memory_space<vmem>>) dst(%dma_wait3A_44 : memref<80x128xf32, #tpu.memory_space<vmem_shared>>)
      tpu.yield
    }) : () -> ()
    %barrier3A = arith.constant 0 : index
    tpu.barrier barrier_id(%barrier3A)
    %scan3A_25 = arith.constant 0 : i32
    %scan3A_26 = arith.constant 0 : i32
    %scan3A_27 = arith.constant 5 : i32
    %scan3A_28 = arith.addi %scan3A_26, %scan3A_27 : i32
    %scan3A_29 = arith.constant 1 : i32
    %scan3A_30 = scf.for %scan3A_39 = %scan3A_26 to %scan3A_28 step %scan3A_29 iter_args(%scan3A_40 = %scan3A_25) -> (i32)  : i32 {
      "tpu.region"() ({
        %run_scoped3A_64 = tpu.sem_alloc : memref<!tpu.dma_semaphore, #tpu.memory_space<semaphore_mem>>
        %dma_start3A_65 = arith.constant 0 : i32
        %dma_start3A_66 = arith.constant 0 : i32
        %dma_start3A_67 = arith.constant 0 : i32
        %dma_start3A_68 = tpu.memref_slice %arg3[%add3A, %scan3A_39, %dma_start3A_65, %dma_start3A_66, %dma_start3A_67] : memref<32x5x2x25x80xi32, #tpu.memory_space<hbm>> -> memref<1x1x2x25x80xi32, #tpu.memory_space<hbm>>
        %dma_start3A_69 = tpu.memref_squeeze %dma_start3A_68 : memref<1x1x2x25x80xi32, #tpu.memory_space<hbm>> -> memref<2x25x80xi32, #tpu.memory_space<hbm>>
        %dma_start3A_70 = arith.constant 0 : i32
        %dma_start3A_71 = arith.constant 0 : i32
        %dma_start3A_72 = arith.constant 0 : i32
        %dma_start3A_73 = tpu.memref_slice %arg3[%add3A, %scan3A_39, %dma_start3A_70, %dma_start3A_71, %dma_start3A_72] : memref<32x5x2x25x80xi32, #tpu.memory_space<hbm>> -> memref<1x1x2x25x80xi32, #tpu.memory_space<hbm>>
        %dma_start3A_74 = tpu.memref_squeeze %dma_start3A_73 : memref<1x1x2x25x80xi32, #tpu.memory_space<hbm>> -> memref<2x25x80xi32, #tpu.memory_space<hbm>>
        tpu.enqueue_dma source(%dma_start3A_74 : memref<2x25x80xi32, #tpu.memory_space<hbm>>) target(%arg6 : memref<2x25x80xi32, #tpu.memory_space<vmem>>) target_semaphore(%run_scoped3A_64 : memref<!tpu.dma_semaphore, #tpu.memory_space<semaphore_mem>>)
        %dma_wait3A_75 = arith.constant 0 : i32
        %dma_wait3A_76 = arith.constant 0 : i32
        %dma_wait3A_77 = arith.constant 0 : i32
        %dma_wait3A_78 = tpu.memref_slice %arg3[%add3A, %scan3A_39, %dma_wait3A_75, %dma_wait3A_76, %dma_wait3A_77] : memref<32x5x2x25x80xi32, #tpu.memory_space<hbm>> -> memref<1x1x2x25x80xi32, #tpu.memory_space<hbm>>
        %dma_wait3A_79 = tpu.memref_squeeze %dma_wait3A_78 : memref<1x1x2x25x80xi32, #tpu.memory_space<hbm>> -> memref<2x25x80xi32, #tpu.memory_space<hbm>>
        %dma_wait3A_80 = arith.constant 0 : i32
        %dma_wait3A_81 = arith.constant 0 : i32
        %dma_wait3A_82 = arith.constant 0 : i32
        %dma_wait3A_83 = tpu.memref_slice %arg3[%add3A, %scan3A_39, %dma_wait3A_80, %dma_wait3A_81, %dma_wait3A_82] : memref<32x5x2x25x80xi32, #tpu.memory_space<hbm>> -> memref<1x1x2x25x80xi32, #tpu.memory_space<hbm>>
        %dma_wait3A_84 = tpu.memref_squeeze %dma_wait3A_83 : memref<1x1x2x25x80xi32, #tpu.memory_space<hbm>> -> memref<2x25x80xi32, #tpu.memory_space<hbm>>
        tpu.wait_dma2 semaphore(%run_scoped3A_64 : memref<!tpu.dma_semaphore, #tpu.memory_space<semaphore_mem>>) src(%dma_wait3A_84 : memref<2x25x80xi32, #tpu.memory_space<hbm>>) dst(%arg6 : memref<2x25x80xi32, #tpu.memory_space<vmem>>)
        tpu.yield
      }) : () -> ()
      %scan3A_41 = arith.constant 0 : i32
      %scan3A_42 = arith.constant 0 : i32
      %scan3A_43 = arith.constant 6 : i32
      %scan3A_44 = arith.addi %scan3A_42, %scan3A_43 : i32
      %scan3A_45 = arith.constant 1 : i32
      %scan3A_46 = scf.for %scan3A_64 = %scan3A_42 to %scan3A_44 step %scan3A_45 iter_args(%scan3A_65 = %scan3A_41) -> (i32)  : i32 {
        %dma_start3A_66 = arith.constant 0 : i32
        %dma_start3A_67 = arith.constant 0 : i32
        %dma_start3A_68 = tpu.memref_slice %arg6[%dma_start3A_66, %scan3A_64, %dma_start3A_67] : memref<2x25x80xi32, #tpu.memory_space<vmem>> -> memref<1x1x80xi32, #tpu.memory_space<vmem>>
        %dma_start3A_69 = tpu.memref_squeeze %dma_start3A_68 : memref<1x1x80xi32, #tpu.memory_space<vmem>> -> memref<80xi32, #tpu.memory_space<vmem>>
        %dma_start3A_70 = arith.constant 0 : i32
        %dma_start3A_71 = arith.constant 0 : i32
        %dma_start3A_72 = tpu.memref_slice %arg2[%dma_start3A_70, %dma_start3A_71] : memref<10000x128xf32, #tpu.memory_space<hbm>> -> memref<10000x128xf32, #tpu.memory_space<hbm>>
        tpu.enqueue_indirect_dma source(%dma_start3A_72 : memref<10000x128xf32, #tpu.memory_space<hbm>>) target(%arg7 : memref<80x128xf32, #tpu.memory_space<vmem>>) offsets(%dma_start3A_69 : memref<80xi32, #tpu.memory_space<vmem>>) semaphore(%arg11 : memref<!tpu.dma_semaphore, #tpu.memory_space<semaphore_mem>>)
        %add3A_73 = arith.constant 6 : i32
        %add3A_74 = arith.addi %scan3A_64, %add3A_73 : i32
        %dma_start3A_75 = arith.constant 0 : i32
        %dma_start3A_76 = arith.constant 0 : i32
        %dma_start3A_77 = tpu.memref_slice %arg6[%dma_start3A_75, %add3A_74, %dma_start3A_76] : memref<2x25x80xi32, #tpu.memory_space<vmem>> -> memref<1x1x80xi32, #tpu.memory_space<vmem>>
        %dma_start3A_78 = tpu.memref_squeeze %dma_start3A_77 : memref<1x1x80xi32, #tpu.memory_space<vmem>> -> memref<80xi32, #tpu.memory_space<vmem>>
        %dma_start3A_79 = arith.constant 0 : i32
        %dma_start3A_80 = arith.constant 0 : i32
        %dma_start3A_81 = tpu.memref_slice %arg2[%dma_start3A_79, %dma_start3A_80] : memref<10000x128xf32, #tpu.memory_space<hbm>> -> memref<10000x128xf32, #tpu.memory_space<hbm>>
        tpu.enqueue_indirect_dma source(%dma_start3A_81 : memref<10000x128xf32, #tpu.memory_space<hbm>>) target(%arg8 : memref<80x128xf32, #tpu.memory_space<vmem>>) offsets(%dma_start3A_78 : memref<80xi32, #tpu.memory_space<vmem>>) semaphore(%arg12 : memref<!tpu.dma_semaphore, #tpu.memory_space<semaphore_mem>>)
        %add3A_82 = arith.constant 12 : i32
        %add3A_83 = arith.addi %scan3A_64, %add3A_82 : i32
        %dma_start3A_84 = arith.constant 0 : i32
        %dma_start3A_85 = arith.constant 0 : i32
        %dma_start3A_86 = tpu.memref_slice %arg6[%dma_start3A_84, %add3A_83, %dma_start3A_85] : memref<2x25x80xi32, #tpu.memory_space<vmem>> -> memref<1x1x80xi32, #tpu.memory_space<vmem>>
        %dma_start3A_87 = tpu.memref_squeeze %dma_start3A_86 : memref<1x1x80xi32, #tpu.memory_space<vmem>> -> memref<80xi32, #tpu.memory_space<vmem>>
        %dma_start3A_88 = arith.constant 0 : i32
        %dma_start3A_89 = arith.constant 0 : i32
        %dma_start3A_90 = tpu.memref_slice %arg2[%dma_start3A_88, %dma_start3A_89] : memref<10000x128xf32, #tpu.memory_space<hbm>> -> memref<10000x128xf32, #tpu.memory_space<hbm>>
        tpu.enqueue_indirect_dma source(%dma_start3A_90 : memref<10000x128xf32, #tpu.memory_space<hbm>>) target(%arg9 : memref<80x128xf32, #tpu.memory_space<vmem>>) offsets(%dma_start3A_87 : memref<80xi32, #tpu.memory_space<vmem>>) semaphore(%arg13 : memref<!tpu.dma_semaphore, #tpu.memory_space<semaphore_mem>>)
        %add3A_91 = arith.constant 18 : i32
        %add3A_92 = arith.addi %scan3A_64, %add3A_91 : i32
        %dma_start3A_93 = arith.constant 0 : i32
        %dma_start3A_94 = arith.constant 0 : i32
        %dma_start3A_95 = tpu.memref_slice %arg6[%dma_start3A_93, %add3A_92, %dma_start3A_94] : memref<2x25x80xi32, #tpu.memory_space<vmem>> -> memref<1x1x80xi32, #tpu.memory_space<vmem>>
        %dma_start3A_96 = tpu.memref_squeeze %dma_start3A_95 : memref<1x1x80xi32, #tpu.memory_space<vmem>> -> memref<80xi32, #tpu.memory_space<vmem>>
        %dma_start3A_97 = arith.constant 0 : i32
        %dma_start3A_98 = arith.constant 0 : i32
        %dma_start3A_99 = tpu.memref_slice %arg2[%dma_start3A_97, %dma_start3A_98] : memref<10000x128xf32, #tpu.memory_space<hbm>> -> memref<10000x128xf32, #tpu.memory_space<hbm>>
        tpu.enqueue_indirect_dma source(%dma_start3A_99 : memref<10000x128xf32, #tpu.memory_space<hbm>>) target(%arg10 : memref<80x128xf32, #tpu.memory_space<vmem>>) offsets(%dma_start3A_96 : memref<80xi32, #tpu.memory_space<vmem>>) semaphore(%arg14 : memref<!tpu.dma_semaphore, #tpu.memory_space<semaphore_mem>>)
        %dma_wait3A_100 = arith.constant 0 : i32
        %dma_wait3A_101 = arith.constant 0 : i32
        %dma_wait3A_102 = tpu.memref_slice %arg6[%dma_wait3A_100, %scan3A_64, %dma_wait3A_101] : memref<2x25x80xi32, #tpu.memory_space<vmem>> -> memref<1x1x80xi32, #tpu.memory_space<vmem>>
        %dma_wait3A_103 = tpu.memref_squeeze %dma_wait3A_102 : memref<1x1x80xi32, #tpu.memory_space<vmem>> -> memref<80xi32, #tpu.memory_space<vmem>>
        %dma_wait3A_104 = arith.constant 0 : i32
        %dma_wait3A_105 = arith.constant 0 : i32
        %dma_wait3A_106 = tpu.memref_slice %arg2[%dma_wait3A_104, %dma_wait3A_105] : memref<10000x128xf32, #tpu.memory_space<hbm>> -> memref<10000x128xf32, #tpu.memory_space<hbm>>
        tpu.wait_indirect_dma semaphore(%arg11 : memref<!tpu.dma_semaphore, #tpu.memory_space<semaphore_mem>>) src(%dma_wait3A_106 : memref<10000x128xf32, #tpu.memory_space<hbm>>) dst(%arg7 : memref<80x128xf32, #tpu.memory_space<vmem>>)
        %run_scoped3A_107 = arith.constant 1 : i32
        "tpu.region"() ({
          %run_scoped3A_139 = tpu.sem_alloc : memref<!tpu.dma_semaphore, #tpu.memory_space<semaphore_mem>>
          %dma_start3A_140 = arith.constant 0 : i32
          %dma_start3A_141 = tpu.memref_slice %arg6[%run_scoped3A_107, %scan3A_64, %dma_start3A_140] : memref<2x25x80xi32, #tpu.memory_space<vmem>> -> memref<1x1x80xi32, #tpu.memory_space<vmem>>
          %dma_start3A_142 = tpu.memref_squeeze %dma_start3A_141 : memref<1x1x80xi32, #tpu.memory_space<vmem>> -> memref<80xi32, #tpu.memory_space<vmem>>
          %dma_start3A_143 = arith.constant 0 : i32
          %dma_start3A_144 = arith.constant 0 : i32
          %dma_start3A_145 = tpu.memref_slice %arg5[%dma_start3A_143, %dma_start3A_144] : memref<10000x128xf32, #tpu.memory_space<vmem_shared>> -> memref<10000x128xf32, #tpu.memory_space<vmem_shared>>
          tpu.enqueue_indirect_dma source(%arg7 : memref<80x128xf32, #tpu.memory_space<vmem>>) target(%dma_start3A_145 : memref<10000x128xf32, #tpu.memory_space<vmem_shared>>) offsets(%dma_start3A_142 : memref<80xi32, #tpu.memory_space<vmem>>) semaphore(%run_scoped3A_139 : memref<!tpu.dma_semaphore, #tpu.memory_space<semaphore_mem>>) {add = true}
          %dma_wait3A_146 = arith.constant 0 : i32
          %dma_wait3A_147 = tpu.memref_slice %arg6[%run_scoped3A_107, %scan3A_64, %dma_wait3A_146] : memref<2x25x80xi32, #tpu.memory_space<vmem>> -> memref<1x1x80xi32, #tpu.memory_space<vmem>>
          %dma_wait3A_148 = tpu.memref_squeeze %dma_wait3A_147 : memref<1x1x80xi32, #tpu.memory_space<vmem>> -> memref<80xi32, #tpu.memory_space<vmem>>
          %dma_wait3A_149 = arith.constant 0 : i32
          %dma_wait3A_150 = arith.constant 0 : i32
          %dma_wait3A_151 = tpu.memref_slice %arg5[%dma_wait3A_149, %dma_wait3A_150] : memref<10000x128xf32, #tpu.memory_space<vmem_shared>> -> memref<10000x128xf32, #tpu.memory_space<vmem_shared>>
          tpu.wait_indirect_dma semaphore(%run_scoped3A_139 : memref<!tpu.dma_semaphore, #tpu.memory_space<semaphore_mem>>) src(%arg7 : memref<80x128xf32, #tpu.memory_space<vmem>>) dst(%dma_wait3A_151 : memref<10000x128xf32, #tpu.memory_space<vmem_shared>>)
          tpu.yield
        }) : () -> ()
        %dma_wait3A_108 = arith.constant 0 : i32
        %dma_wait3A_109 = arith.constant 0 : i32
        %dma_wait3A_110 = tpu.memref_slice %arg6[%dma_wait3A_108, %add3A_74, %dma_wait3A_109] : memref<2x25x80xi32, #tpu.memory_space<vmem>> -> memref<1x1x80xi32, #tpu.memory_space<vmem>>
        %dma_wait3A_111 = tpu.memref_squeeze %dma_wait3A_110 : memref<1x1x80xi32, #tpu.memory_space<vmem>> -> memref<80xi32, #tpu.memory_space<vmem>>
        %dma_wait3A_112 = arith.constant 0 : i32
        %dma_wait3A_113 = arith.constant 0 : i32
        %dma_wait3A_114 = tpu.memref_slice %arg2[%dma_wait3A_112, %dma_wait3A_113] : memref<10000x128xf32, #tpu.memory_space<hbm>> -> memref<10000x128xf32, #tpu.memory_space<hbm>>
        tpu.wait_indirect_dma semaphore(%arg12 : memref<!tpu.dma_semaphore, #tpu.memory_space<semaphore_mem>>) src(%dma_wait3A_114 : memref<10000x128xf32, #tpu.memory_space<hbm>>) dst(%arg8 : memref<80x128xf32, #tpu.memory_space<vmem>>)
        %add3A_115 = arith.constant 6 : i32
        %add3A_116 = arith.addi %scan3A_64, %add3A_115 : i32
        %run_scoped3A_117 = arith.constant 1 : i32
        "tpu.region"() ({
          %run_scoped3A_139 = tpu.sem_alloc : memref<!tpu.dma_semaphore, #tpu.memory_space<semaphore_mem>>
          %dma_start3A_140 = arith.constant 0 : i32
          %dma_start3A_141 = tpu.memref_slice %arg6[%run_scoped3A_117, %add3A_116, %dma_start3A_140] : memref<2x25x80xi32, #tpu.memory_space<vmem>> -> memref<1x1x80xi32, #tpu.memory_space<vmem>>
          %dma_start3A_142 = tpu.memref_squeeze %dma_start3A_141 : memref<1x1x80xi32, #tpu.memory_space<vmem>> -> memref<80xi32, #tpu.memory_space<vmem>>
          %dma_start3A_143 = arith.constant 0 : i32
          %dma_start3A_144 = arith.constant 0 : i32
          %dma_start3A_145 = tpu.memref_slice %arg5[%dma_start3A_143, %dma_start3A_144] : memref<10000x128xf32, #tpu.memory_space<vmem_shared>> -> memref<10000x128xf32, #tpu.memory_space<vmem_shared>>
          tpu.enqueue_indirect_dma source(%arg8 : memref<80x128xf32, #tpu.memory_space<vmem>>) target(%dma_start3A_145 : memref<10000x128xf32, #tpu.memory_space<vmem_shared>>) offsets(%dma_start3A_142 : memref<80xi32, #tpu.memory_space<vmem>>) semaphore(%run_scoped3A_139 : memref<!tpu.dma_semaphore, #tpu.memory_space<semaphore_mem>>) {add = true}
          %dma_wait3A_146 = arith.constant 0 : i32
          %dma_wait3A_147 = tpu.memref_slice %arg6[%run_scoped3A_117, %add3A_116, %dma_wait3A_146] : memref<2x25x80xi32, #tpu.memory_space<vmem>> -> memref<1x1x80xi32, #tpu.memory_space<vmem>>
          %dma_wait3A_148 = tpu.memref_squeeze %dma_wait3A_147 : memref<1x1x80xi32, #tpu.memory_space<vmem>> -> memref<80xi32, #tpu.memory_space<vmem>>
          %dma_wait3A_149 = arith.constant 0 : i32
          %dma_wait3A_150 = arith.constant 0 : i32
          %dma_wait3A_151 = tpu.memref_slice %arg5[%dma_wait3A_149, %dma_wait3A_150] : memref<10000x128xf32, #tpu.memory_space<vmem_shared>> -> memref<10000x128xf32, #tpu.memory_space<vmem_shared>>
          tpu.wait_indirect_dma semaphore(%run_scoped3A_139 : memref<!tpu.dma_semaphore, #tpu.memory_space<semaphore_mem>>) src(%arg8 : memref<80x128xf32, #tpu.memory_space<vmem>>) dst(%dma_wait3A_151 : memref<10000x128xf32, #tpu.memory_space<vmem_shared>>)
          tpu.yield
        }) : () -> ()
        %dma_wait3A_118 = arith.constant 0 : i32
        %dma_wait3A_119 = arith.constant 0 : i32
        %dma_wait3A_120 = tpu.memref_slice %arg6[%dma_wait3A_118, %add3A_83, %dma_wait3A_119] : memref<2x25x80xi32, #tpu.memory_space<vmem>> -> memref<1x1x80xi32, #tpu.memory_space<vmem>>
        %dma_wait3A_121 = tpu.memref_squeeze %dma_wait3A_120 : memref<1x1x80xi32, #tpu.memory_space<vmem>> -> memref<80xi32, #tpu.memory_space<vmem>>
        %dma_wait3A_122 = arith.constant 0 : i32
        %dma_wait3A_123 = arith.constant 0 : i32
        %dma_wait3A_124 = tpu.memref_slice %arg2[%dma_wait3A_122, %dma_wait3A_123] : memref<10000x128xf32, #tpu.memory_space<hbm>> -> memref<10000x128xf32, #tpu.memory_space<hbm>>
        tpu.wait_indirect_dma semaphore(%arg13 : memref<!tpu.dma_semaphore, #tpu.memory_space<semaphore_mem>>) src(%dma_wait3A_124 : memref<10000x128xf32, #tpu.memory_space<hbm>>) dst(%arg9 : memref<80x128xf32, #tpu.memory_space<vmem>>)
        %add3A_125 = arith.constant 12 : i32
        %add3A_126 = arith.addi %scan3A_64, %add3A_125 : i32
        %run_scoped3A_127 = arith.constant 1 : i32
        "tpu.region"() ({
          %run_scoped3A_139 = tpu.sem_alloc : memref<!tpu.dma_semaphore, #tpu.memory_space<semaphore_mem>>
          %dma_start3A_140 = arith.constant 0 : i32
          %dma_start3A_141 = tpu.memref_slice %arg6[%run_scoped3A_127, %add3A_126, %dma_start3A_140] : memref<2x25x80xi32, #tpu.memory_space<vmem>> -> memref<1x1x80xi32, #tpu.memory_space<vmem>>
          %dma_start3A_142 = tpu.memref_squeeze %dma_start3A_141 : memref<1x1x80xi32, #tpu.memory_space<vmem>> -> memref<80xi32, #tpu.memory_space<vmem>>
          %dma_start3A_143 = arith.constant 0 : i32
          %dma_start3A_144 = arith.constant 0 : i32
          %dma_start3A_145 = tpu.memref_slice %arg5[%dma_start3A_143, %dma_start3A_144] : memref<10000x128xf32, #tpu.memory_space<vmem_shared>> -> memref<10000x128xf32, #tpu.memory_space<vmem_shared>>
          tpu.enqueue_indirect_dma source(%arg9 : memref<80x128xf32, #tpu.memory_space<vmem>>) target(%dma_start3A_145 : memref<10000x128xf32, #tpu.memory_space<vmem_shared>>) offsets(%dma_start3A_142 : memref<80xi32, #tpu.memory_space<vmem>>) semaphore(%run_scoped3A_139 : memref<!tpu.dma_semaphore, #tpu.memory_space<semaphore_mem>>) {add = true}
          %dma_wait3A_146 = arith.constant 0 : i32
          %dma_wait3A_147 = tpu.memref_slice %arg6[%run_scoped3A_127, %add3A_126, %dma_wait3A_146] : memref<2x25x80xi32, #tpu.memory_space<vmem>> -> memref<1x1x80xi32, #tpu.memory_space<vmem>>
          %dma_wait3A_148 = tpu.memref_squeeze %dma_wait3A_147 : memref<1x1x80xi32, #tpu.memory_space<vmem>> -> memref<80xi32, #tpu.memory_space<vmem>>
          %dma_wait3A_149 = arith.constant 0 : i32
          %dma_wait3A_150 = arith.constant 0 : i32
          %dma_wait3A_151 = tpu.memref_slice %arg5[%dma_wait3A_149, %dma_wait3A_150] : memref<10000x128xf32, #tpu.memory_space<vmem_shared>> -> memref<10000x128xf32, #tpu.memory_space<vmem_shared>>
          tpu.wait_indirect_dma semaphore(%run_scoped3A_139 : memref<!tpu.dma_semaphore, #tpu.memory_space<semaphore_mem>>) src(%arg9 : memref<80x128xf32, #tpu.memory_space<vmem>>) dst(%dma_wait3A_151 : memref<10000x128xf32, #tpu.memory_space<vmem_shared>>)
          tpu.yield
        }) : () -> ()
        %dma_wait3A_128 = arith.constant 0 : i32
        %dma_wait3A_129 = arith.constant 0 : i32
        %dma_wait3A_130 = tpu.memref_slice %arg6[%dma_wait3A_128, %add3A_92, %dma_wait3A_129] : memref<2x25x80xi32, #tpu.memory_space<vmem>> -> memref<1x1x80xi32, #tpu.memory_space<vmem>>
        %dma_wait3A_131 = tpu.memref_squeeze %dma_wait3A_130 : memref<1x1x80xi32, #tpu.memory_space<vmem>> -> memref<80xi32, #tpu.memory_space<vmem>>
        %dma_wait3A_132 = arith.constant 0 : i32
        %dma_wait3A_133 = arith.constant 0 : i32
        %dma_wait3A_134 = tpu.memref_slice %arg2[%dma_wait3A_132, %dma_wait3A_133] : memref<10000x128xf32, #tpu.memory_space<hbm>> -> memref<10000x128xf32, #tpu.memory_space<hbm>>
        tpu.wait_indirect_dma semaphore(%arg14 : memref<!tpu.dma_semaphore, #tpu.memory_space<semaphore_mem>>) src(%dma_wait3A_134 : memref<10000x128xf32, #tpu.memory_space<hbm>>) dst(%arg10 : memref<80x128xf32, #tpu.memory_space<vmem>>)
        %add3A_135 = arith.constant 18 : i32
        %add3A_136 = arith.addi %scan3A_64, %add3A_135 : i32
        %run_scoped3A_137 = arith.constant 1 : i32
        "tpu.region"() ({
          %run_scoped3A_139 = tpu.sem_alloc : memref<!tpu.dma_semaphore, #tpu.memory_space<semaphore_mem>>
          %dma_start3A_140 = arith.constant 0 : i32
          %dma_start3A_141 = tpu.memref_slice %arg6[%run_scoped3A_137, %add3A_136, %dma_start3A_140] : memref<2x25x80xi32, #tpu.memory_space<vmem>> -> memref<1x1x80xi32, #tpu.memory_space<vmem>>
          %dma_start3A_142 = tpu.memref_squeeze %dma_start3A_141 : memref<1x1x80xi32, #tpu.memory_space<vmem>> -> memref<80xi32, #tpu.memory_space<vmem>>
          %dma_start3A_143 = arith.constant 0 : i32
          %dma_start3A_144 = arith.constant 0 : i32
          %dma_start3A_145 = tpu.memref_slice %arg5[%dma_start3A_143, %dma_start3A_144] : memref<10000x128xf32, #tpu.memory_space<vmem_shared>> -> memref<10000x128xf32, #tpu.memory_space<vmem_shared>>
          tpu.enqueue_indirect_dma source(%arg10 : memref<80x128xf32, #tpu.memory_space<vmem>>) target(%dma_start3A_145 : memref<10000x128xf32, #tpu.memory_space<vmem_shared>>) offsets(%dma_start3A_142 : memref<80xi32, #tpu.memory_space<vmem>>) semaphore(%run_scoped3A_139 : memref<!tpu.dma_semaphore, #tpu.memory_space<semaphore_mem>>) {add = true}
          %dma_wait3A_146 = arith.constant 0 : i32
          %dma_wait3A_147 = tpu.memref_slice %arg6[%run_scoped3A_137, %add3A_136, %dma_wait3A_146] : memref<2x25x80xi32, #tpu.memory_space<vmem>> -> memref<1x1x80xi32, #tpu.memory_space<vmem>>
          %dma_wait3A_148 = tpu.memref_squeeze %dma_wait3A_147 : memref<1x1x80xi32, #tpu.memory_space<vmem>> -> memref<80xi32, #tpu.memory_space<vmem>>
          %dma_wait3A_149 = arith.constant 0 : i32
          %dma_wait3A_150 = arith.constant 0 : i32
          %dma_wait3A_151 = tpu.memref_slice %arg5[%dma_wait3A_149, %dma_wait3A_150] : memref<10000x128xf32, #tpu.memory_space<vmem_shared>> -> memref<10000x128xf32, #tpu.memory_space<vmem_shared>>
          tpu.wait_indirect_dma semaphore(%run_scoped3A_139 : memref<!tpu.dma_semaphore, #tpu.memory_space<semaphore_mem>>) src(%arg10 : memref<80x128xf32, #tpu.memory_space<vmem>>) dst(%dma_wait3A_151 : memref<10000x128xf32, #tpu.memory_space<vmem_shared>>)
          tpu.yield
        }) : () -> ()
        %scan3A_138 = arith.constant 0 : i32
        scf.yield %scan3A_138 : i32
      }
      %scan3A_47 = arith.constant 6 : i32
      %dma_start3A = arith.constant 0 : i32
      %dma_start3A_48 = arith.constant 24 : i32
      %dma_start3A_49 = arith.constant 0 : i32
      %dma_start3A_50 = tpu.memref_slice %arg6[%dma_start3A, %dma_start3A_48, %dma_start3A_49] : memref<2x25x80xi32, #tpu.memory_space<vmem>> -> memref<1x1x80xi32, #tpu.memory_space<vmem>>
      %dma_start3A_51 = tpu.memref_squeeze %dma_start3A_50 : memref<1x1x80xi32, #tpu.memory_space<vmem>> -> memref<80xi32, #tpu.memory_space<vmem>>
      %dma_start3A_52 = arith.constant 0 : i32
      %dma_start3A_53 = arith.constant 0 : i32
      %dma_start3A_54 = tpu.memref_slice %arg2[%dma_start3A_52, %dma_start3A_53] : memref<10000x128xf32, #tpu.memory_space<hbm>> -> memref<10000x128xf32, #tpu.memory_space<hbm>>
      tpu.enqueue_indirect_dma source(%dma_start3A_54 : memref<10000x128xf32, #tpu.memory_space<hbm>>) target(%arg7 : memref<80x128xf32, #tpu.memory_space<vmem>>) offsets(%dma_start3A_51 : memref<80xi32, #tpu.memory_space<vmem>>) semaphore(%arg11 : memref<!tpu.dma_semaphore, #tpu.memory_space<semaphore_mem>>)
      %dma_wait3A = arith.constant 0 : i32
      %dma_wait3A_55 = arith.constant 24 : i32
      %dma_wait3A_56 = arith.constant 0 : i32
      %dma_wait3A_57 = tpu.memref_slice %arg6[%dma_wait3A, %dma_wait3A_55, %dma_wait3A_56] : memref<2x25x80xi32, #tpu.memory_space<vmem>> -> memref<1x1x80xi32, #tpu.memory_space<vmem>>
      %dma_wait3A_58 = tpu.memref_squeeze %dma_wait3A_57 : memref<1x1x80xi32, #tpu.memory_space<vmem>> -> memref<80xi32, #tpu.memory_space<vmem>>
      %dma_wait3A_59 = arith.constant 0 : i32
      %dma_wait3A_60 = arith.constant 0 : i32
      %dma_wait3A_61 = tpu.memref_slice %arg2[%dma_wait3A_59, %dma_wait3A_60] : memref<10000x128xf32, #tpu.memory_space<hbm>> -> memref<10000x128xf32, #tpu.memory_space<hbm>>
      tpu.wait_indirect_dma semaphore(%arg11 : memref<!tpu.dma_semaphore, #tpu.memory_space<semaphore_mem>>) src(%dma_wait3A_61 : memref<10000x128xf32, #tpu.memory_space<hbm>>) dst(%arg7 : memref<80x128xf32, #tpu.memory_space<vmem>>)
      %run_scoped3A = arith.constant 1 : i32
      %run_scoped3A_62 = arith.constant 24 : i32
      "tpu.region"() ({
        %run_scoped3A_64 = tpu.sem_alloc : memref<!tpu.dma_semaphore, #tpu.memory_space<semaphore_mem>>
        %dma_start3A_65 = arith.constant 0 : i32
        %dma_start3A_66 = tpu.memref_slice %arg6[%run_scoped3A, %run_scoped3A_62, %dma_start3A_65] : memref<2x25x80xi32, #tpu.memory_space<vmem>> -> memref<1x1x80xi32, #tpu.memory_space<vmem>>
        %dma_start3A_67 = tpu.memref_squeeze %dma_start3A_66 : memref<1x1x80xi32, #tpu.memory_space<vmem>> -> memref<80xi32, #tpu.memory_space<vmem>>
        %dma_start3A_68 = arith.constant 0 : i32
        %dma_start3A_69 = arith.constant 0 : i32
        %dma_start3A_70 = tpu.memref_slice %arg5[%dma_start3A_68, %dma_start3A_69] : memref<10000x128xf32, #tpu.memory_space<vmem_shared>> -> memref<10000x128xf32, #tpu.memory_space<vmem_shared>>
        tpu.enqueue_indirect_dma source(%arg7 : memref<80x128xf32, #tpu.memory_space<vmem>>) target(%dma_start3A_70 : memref<10000x128xf32, #tpu.memory_space<vmem_shared>>) offsets(%dma_start3A_67 : memref<80xi32, #tpu.memory_space<vmem>>) semaphore(%run_scoped3A_64 : memref<!tpu.dma_semaphore, #tpu.memory_space<semaphore_mem>>) {add = true}
        %dma_wait3A_71 = arith.constant 0 : i32
        %dma_wait3A_72 = tpu.memref_slice %arg6[%run_scoped3A, %run_scoped3A_62, %dma_wait3A_71] : memref<2x25x80xi32, #tpu.memory_space<vmem>> -> memref<1x1x80xi32, #tpu.memory_space<vmem>>
        %dma_wait3A_73 = tpu.memref_squeeze %dma_wait3A_72 : memref<1x1x80xi32, #tpu.memory_space<vmem>> -> memref<80xi32, #tpu.memory_space<vmem>>
        %dma_wait3A_74 = arith.constant 0 : i32
        %dma_wait3A_75 = arith.constant 0 : i32
        %dma_wait3A_76 = tpu.memref_slice %arg5[%dma_wait3A_74, %dma_wait3A_75] : memref<10000x128xf32, #tpu.memory_space<vmem_shared>> -> memref<10000x128xf32, #tpu.memory_space<vmem_shared>>
        tpu.wait_indirect_dma semaphore(%run_scoped3A_64 : memref<!tpu.dma_semaphore, #tpu.memory_space<semaphore_mem>>) src(%arg7 : memref<80x128xf32, #tpu.memory_space<vmem>>) dst(%dma_wait3A_76 : memref<10000x128xf32, #tpu.memory_space<vmem_shared>>)
        tpu.yield
      }) : () -> ()
      %scan3A_63 = arith.constant 0 : i32
      scf.yield %scan3A_63 : i32
    }
    %scan3A_31 = arith.constant 5 : i32
    %barrier3A_32 = arith.constant 0 : index
    tpu.barrier barrier_id(%barrier3A_32)
    %eq3A = arith.constant 15 : i32
    %eq3A_33 = arith.cmpi eq, %arg1, %eq3A : i32
    %convert_element_type3A = arith.extui %eq3A_33 : i1 to i32
    %cond3A = arith.constant 0 : i32
    %cond3A_34 = arith.cmpi ne, %convert_element_type3A, %cond3A : i32
    scf.if %cond3A_34 {
      "tpu.region"() ({
        %run_scoped3A = tpu.sem_alloc : memref<!tpu.dma_semaphore, #tpu.memory_space<semaphore_mem>>
        %dma_start3A = arith.constant 0 : i32
        %dma_start3A_39 = tpu.memref_slice %arg4[%arg0, %mul3A_8, %dma_start3A] : memref<2x10000x128xf32, #tpu.memory_space<hbm>> -> memref<1x640x128xf32, #tpu.memory_space<hbm>>
        %dma_start3A_40 = tpu.memref_squeeze %dma_start3A_39 : memref<1x640x128xf32, #tpu.memory_space<hbm>> -> memref<640x128xf32, #tpu.memory_space<hbm>>
        %dma_start3A_41 = arith.constant 0 : i32
        %dma_start3A_42 = tpu.memref_slice %arg5[%mul3A_8, %dma_start3A_41] : memref<10000x128xf32, #tpu.memory_space<vmem_shared>> -> memref<640x128xf32, #tpu.memory_space<vmem_shared>>
        tpu.enqueue_dma source(%dma_start3A_42 : memref<640x128xf32, #tpu.memory_space<vmem_shared>>) target(%dma_start3A_40 : memref<640x128xf32, #tpu.memory_space<hbm>>) target_semaphore(%run_scoped3A : memref<!tpu.dma_semaphore, #tpu.memory_space<semaphore_mem>>)
        %dma_wait3A = arith.constant 0 : i32
        %dma_wait3A_43 = tpu.memref_slice %arg4[%arg0, %mul3A_8, %dma_wait3A] : memref<2x10000x128xf32, #tpu.memory_space<hbm>> -> memref<1x640x128xf32, #tpu.memory_space<hbm>>
        %dma_wait3A_44 = tpu.memref_squeeze %dma_wait3A_43 : memref<1x640x128xf32, #tpu.memory_space<hbm>> -> memref<640x128xf32, #tpu.memory_space<hbm>>
        %dma_wait3A_45 = arith.constant 0 : i32
        %dma_wait3A_46 = tpu.memref_slice %arg5[%mul3A_8, %dma_wait3A_45] : memref<10000x128xf32, #tpu.memory_space<vmem_shared>> -> memref<640x128xf32, #tpu.memory_space<vmem_shared>>
        tpu.wait_dma2 semaphore(%run_scoped3A : memref<!tpu.dma_semaphore, #tpu.memory_space<semaphore_mem>>) src(%dma_wait3A_46 : memref<640x128xf32, #tpu.memory_space<vmem_shared>>) dst(%dma_wait3A_44 : memref<640x128xf32, #tpu.memory_space<hbm>>)
        tpu.yield
      }) : () -> ()
    } else {
    }
    %ne3A = arith.constant 15 : i32
    %ne3A_35 = arith.cmpi ne, %arg1, %ne3A : i32
    %convert_element_type3A_36 = arith.extui %ne3A_35 : i1 to i32
    %cond3A_37 = arith.constant 0 : i32
    %cond3A_38 = arith.cmpi ne, %convert_element_type3A_36, %cond3A_37 : i32
    scf.if %cond3A_38 {
      "tpu.region"() ({
        %run_scoped3A = tpu.sem_alloc : memref<!tpu.dma_semaphore, #tpu.memory_space<semaphore_mem>>
        %dma_start3A = arith.constant 0 : i32
        %dma_start3A_39 = tpu.memref_slice %arg4[%arg0, %mul3A_8, %dma_start3A] : memref<2x10000x128xf32, #tpu.memory_space<hbm>> -> memref<1x624x128xf32, #tpu.memory_space<hbm>>
        %dma_start3A_40 = tpu.memref_squeeze %dma_start3A_39 : memref<1x624x128xf32, #tpu.memory_space<hbm>> -> memref<624x128xf32, #tpu.memory_space<hbm>>
        %dma_start3A_41 = arith.constant 0 : i32
        %dma_start3A_42 = tpu.memref_slice %arg5[%mul3A_8, %dma_start3A_41] : memref<10000x128xf32, #tpu.memory_space<vmem_shared>> -> memref<624x128xf32, #tpu.memory_space<vmem_shared>>
        tpu.enqueue_dma source(%dma_start3A_42 : memref<624x128xf32, #tpu.memory_space<vmem_shared>>) target(%dma_start3A_40 : memref<624x128xf32, #tpu.memory_space<hbm>>) target_semaphore(%run_scoped3A : memref<!tpu.dma_semaphore, #tpu.memory_space<semaphore_mem>>)
        %dma_wait3A = arith.constant 0 : i32
        %dma_wait3A_43 = tpu.memref_slice %arg4[%arg0, %mul3A_8, %dma_wait3A] : memref<2x10000x128xf32, #tpu.memory_space<hbm>> -> memref<1x624x128xf32, #tpu.memory_space<hbm>>
        %dma_wait3A_44 = tpu.memref_squeeze %dma_wait3A_43 : memref<1x624x128xf32, #tpu.memory_space<hbm>> -> memref<624x128xf32, #tpu.memory_space<hbm>>
        %dma_wait3A_45 = arith.constant 0 : i32
        %dma_wait3A_46 = tpu.memref_slice %arg5[%mul3A_8, %dma_wait3A_45] : memref<10000x128xf32, #tpu.memory_space<vmem_shared>> -> memref<624x128xf32, #tpu.memory_space<vmem_shared>>
        tpu.wait_dma2 semaphore(%run_scoped3A : memref<!tpu.dma_semaphore, #tpu.memory_space<semaphore_mem>>) src(%dma_wait3A_46 : memref<624x128xf32, #tpu.memory_space<vmem_shared>>) dst(%dma_wait3A_44 : memref<624x128xf32, #tpu.memory_space<hbm>>)
        tpu.yield
      }) : () -> ()
    } else {
    }
    return
  }
}

#map = affine_map<(d0, d1) -> (0, 0)>
#map1 = affine_map<(d0, d1) -> (0, 0, 0, 0, 0)>
#map2 = affine_map<(d0, d1) -> (0, 0, 0)>
module attributes {stable_mosaic.version = 14 : i64} {
  func.func @_agg_call(%arg0: i32, %arg1: i32, %arg2: memref<10000x128xf32, #tpu.memory_space<hbm>>, %arg3: memref<32x5x2x25x80xi32, #tpu.memory_space<hbm>>, %arg4: memref<2x10000x128xf32, #tpu.memory_space<hbm>>, %arg5: memref<10000x128xf32, #tpu.memory_space<vmem_shared>>, %arg6: memref<2x25x80xi32, #tpu.memory_space<vmem>>, %arg7: memref<80x128xf32, #tpu.memory_space<vmem>>, %arg8: memref<80x128xf32, #tpu.memory_space<vmem>>, %arg9: memref<80x128xf32, #tpu.memory_space<vmem>>, %arg10: memref<80x128xf32, #tpu.memory_space<vmem>>, %arg11: memref<!tpu.dma_semaphore, #tpu.memory_space<semaphore_mem>>, %arg12: memref<!tpu.dma_semaphore, #tpu.memory_space<semaphore_mem>>, %arg13: memref<!tpu.dma_semaphore, #tpu.memory_space<semaphore_mem>>, %arg14: memref<!tpu.dma_semaphore, #tpu.memory_space<semaphore_mem>>) attributes {dimension_semantics = [#tpu.dimension_semantics<core_parallel>, #tpu.dimension_semantics<subcore_parallel>], iteration_bounds = array<i64: 2, 16>, scalar_prefetch = 0 : i64, scratch_operands = 10 : i64, tpu.core_type = #tpu.core_type<sc_vector_subcore>, window_params = [{transform_indices = #map}, {transform_indices = #map1}, {transform_indices = #map2}]} {
    %mul3A = arith.constant 16 : i32
    %mul3A_0 = arith.muli %arg0, %mul3A : i32
    %add3A = arith.addi %mul3A_0, %arg1 : i32
    %scan3A = arith.constant 0 : i32
    %scan3A_1 = arith.constant 0 : i32
    %scan3A_2 = arith.constant 80 : i32
    %scan3A_3 = arith.addi %scan3A_1, %scan3A_2 : i32
    %scan3A_4 = arith.constant 1 : i32
    %scan3A_5 = scf.for %scan3A_39 = %scan3A_1 to %scan3A_3 step %scan3A_4 iter_args(%scan3A_40 = %scan3A) -> (i32)  : i32 {
      %broadcast_in_dim3A = arith.constant 0.000000e+00 : f32
      %broadcast_in_dim3A_41 = vector.broadcast %broadcast_in_dim3A : f32 to vector<16xf32>
      %swap3A = arith.index_cast %scan3A_39 : i32 to index
      %swap3A_42 = arith.constant 0 : index
      %swap3A_43 = tpu.vector_load %arg7[%swap3A, %swap3A_42] {strides = array<i32>} : memref<80x128xf32, #tpu.memory_space<vmem>>, vector<1x16xf32>,
      %swap3A_44 = vector.shape_cast %swap3A_43 : vector<1x16xf32> to vector<16xf32>
      %swap3A_45 = vector.shape_cast %broadcast_in_dim3A_41 : vector<16xf32> to vector<1x16xf32>
      tpu.vector_store %arg7[%swap3A, %swap3A_42], %swap3A_45 {strides = array<i32>} : memref<80x128xf32, #tpu.memory_space<vmem>>, vector<1x16xf32>,
      %broadcast_in_dim3A_46 = arith.constant 0.000000e+00 : f32
      %broadcast_in_dim3A_47 = vector.broadcast %broadcast_in_dim3A_46 : f32 to vector<16xf32>
      %swap3A_48 = arith.index_cast %scan3A_39 : i32 to index
      %swap3A_49 = arith.constant 16 : index
      %swap3A_50 = tpu.vector_load %arg7[%swap3A_48, %swap3A_49] {strides = array<i32>} : memref<80x128xf32, #tpu.memory_space<vmem>>, vector<1x16xf32>,
      %swap3A_51 = vector.shape_cast %swap3A_50 : vector<1x16xf32> to vector<16xf32>
      %swap3A_52 = vector.shape_cast %broadcast_in_dim3A_47 : vector<16xf32> to vector<1x16xf32>
      tpu.vector_store %arg7[%swap3A_48, %swap3A_49], %swap3A_52 {strides = array<i32>} : memref<80x128xf32, #tpu.memory_space<vmem>>, vector<1x16xf32>,
      %broadcast_in_dim3A_53 = arith.constant 0.000000e+00 : f32
      %broadcast_in_dim3A_54 = vector.broadcast %broadcast_in_dim3A_53 : f32 to vector<16xf32>
      %swap3A_55 = arith.index_cast %scan3A_39 : i32 to index
      %swap3A_56 = arith.constant 32 : index
      %swap3A_57 = tpu.vector_load %arg7[%swap3A_55, %swap3A_56] {strides = array<i32>} : memref<80x128xf32, #tpu.memory_space<vmem>>, vector<1x16xf32>,
      %swap3A_58 = vector.shape_cast %swap3A_57 : vector<1x16xf32> to vector<16xf32>
      %swap3A_59 = vector.shape_cast %broadcast_in_dim3A_54 : vector<16xf32> to vector<1x16xf32>
      tpu.vector_store %arg7[%swap3A_55, %swap3A_56], %swap3A_59 {strides = array<i32>} : memref<80x128xf32, #tpu.memory_space<vmem>>, vector<1x16xf32>,
      %broadcast_in_dim3A_60 = arith.constant 0.000000e+00 : f32
      %broadcast_in_dim3A_61 = vector.broadcast %broadcast_in_dim3A_60 : f32 to vector<16xf32>
      %swap3A_62 = arith.index_cast %scan3A_39 : i32 to index
      %swap3A_63 = arith.constant 48 : index
      %swap3A_64 = tpu.vector_load %arg7[%swap3A_62, %swap3A_63] {strides = array<i32>} : memref<80x128xf32, #tpu.memory_space<vmem>>, vector<1x16xf32>,
      %swap3A_65 = vector.shape_cast %swap3A_64 : vector<1x16xf32> to vector<16xf32>
      %swap3A_66 = vector.shape_cast %broadcast_in_dim3A_61 : vector<16xf32> to vector<1x16xf32>
      tpu.vector_store %arg7[%swap3A_62, %swap3A_63], %swap3A_66 {strides = array<i32>} : memref<80x128xf32, #tpu.memory_space<vmem>>, vector<1x16xf32>,
      %broadcast_in_dim3A_67 = arith.constant 0.000000e+00 : f32
      %broadcast_in_dim3A_68 = vector.broadcast %broadcast_in_dim3A_67 : f32 to vector<16xf32>
      %swap3A_69 = arith.index_cast %scan3A_39 : i32 to index
      %swap3A_70 = arith.constant 64 : index
      %swap3A_71 = tpu.vector_load %arg7[%swap3A_69, %swap3A_70] {strides = array<i32>} : memref<80x128xf32, #tpu.memory_space<vmem>>, vector<1x16xf32>,
      %swap3A_72 = vector.shape_cast %swap3A_71 : vector<1x16xf32> to vector<16xf32>
      %swap3A_73 = vector.shape_cast %broadcast_in_dim3A_68 : vector<16xf32> to vector<1x16xf32>
      tpu.vector_store %arg7[%swap3A_69, %swap3A_70], %swap3A_73 {strides = array<i32>} : memref<80x128xf32, #tpu.memory_space<vmem>>, vector<1x16xf32>,
      %broadcast_in_dim3A_74 = arith.constant 0.000000e+00 : f32
      %broadcast_in_dim3A_75 = vector.broadcast %broadcast_in_dim3A_74 : f32 to vector<16xf32>
      %swap3A_76 = arith.index_cast %scan3A_39 : i32 to index
      %swap3A_77 = arith.constant 80 : index
      %swap3A_78 = tpu.vector_load %arg7[%swap3A_76, %swap3A_77] {strides = array<i32>} : memref<80x128xf32, #tpu.memory_space<vmem>>, vector<1x16xf32>,
      %swap3A_79 = vector.shape_cast %swap3A_78 : vector<1x16xf32> to vector<16xf32>
      %swap3A_80 = vector.shape_cast %broadcast_in_dim3A_75 : vector<16xf32> to vector<1x16xf32>
      tpu.vector_store %arg7[%swap3A_76, %swap3A_77], %swap3A_80 {strides = array<i32>} : memref<80x128xf32, #tpu.memory_space<vmem>>, vector<1x16xf32>,
      %broadcast_in_dim3A_81 = arith.constant 0.000000e+00 : f32
      %broadcast_in_dim3A_82 = vector.broadcast %broadcast_in_dim3A_81 : f32 to vector<16xf32>
      %swap3A_83 = arith.index_cast %scan3A_39 : i32 to index
      %swap3A_84 = arith.constant 96 : index
      %swap3A_85 = tpu.vector_load %arg7[%swap3A_83, %swap3A_84] {strides = array<i32>} : memref<80x128xf32, #tpu.memory_space<vmem>>, vector<1x16xf32>,
      %swap3A_86 = vector.shape_cast %swap3A_85 : vector<1x16xf32> to vector<16xf32>
      %swap3A_87 = vector.shape_cast %broadcast_in_dim3A_82 : vector<16xf32> to vector<1x16xf32>
      tpu.vector_store %arg7[%swap3A_83, %swap3A_84], %swap3A_87 {strides = array<i32>} : memref<80x128xf32, #tpu.memory_space<vmem>>, vector<1x16xf32>,
      %broadcast_in_dim3A_88 = arith.constant 0.000000e+00 : f32
      %broadcast_in_dim3A_89 = vector.broadcast %broadcast_in_dim3A_88 : f32 to vector<16xf32>
      %swap3A_90 = arith.index_cast %scan3A_39 : i32 to index
      %swap3A_91 = arith.constant 112 : index
      %swap3A_92 = tpu.vector_load %arg7[%swap3A_90, %swap3A_91] {strides = array<i32>} : memref<80x128xf32, #tpu.memory_space<vmem>>, vector<1x16xf32>,
      %swap3A_93 = vector.shape_cast %swap3A_92 : vector<1x16xf32> to vector<16xf32>
      %swap3A_94 = vector.shape_cast %broadcast_in_dim3A_89 : vector<16xf32> to vector<1x16xf32>
      tpu.vector_store %arg7[%swap3A_90, %swap3A_91], %swap3A_94 {strides = array<i32>} : memref<80x128xf32, #tpu.memory_space<vmem>>, vector<1x16xf32>,
      %scan3A_95 = arith.constant 0 : i32
      scf.yield %scan3A_95 : i32
    }
    %scan3A_6 = arith.constant 80 : i32
    %mul3A_7 = arith.constant 624 : i32
    %mul3A_8 = arith.muli %arg1, %mul3A_7 : i32
    %add3A_9 = arith.constant 0 : i32
    %add3A_10 = arith.addi %mul3A_8, %add3A_9 : i32
    "tpu.region"() ({
      %run_scoped3A = tpu.sem_alloc : memref<!tpu.dma_semaphore, #tpu.memory_space<semaphore_mem>>
      %dma_start3A = arith.constant 0 : i32
      %dma_start3A_39 = tpu.memref_slice %arg5[%add3A_10, %dma_start3A] : memref<10000x128xf32, #tpu.memory_space<vmem_shared>> -> memref<80x128xf32, #tpu.memory_space<vmem_shared>>
      %dma_start3A_40 = arith.constant 0 : i32
      %dma_start3A_41 = tpu.memref_slice %arg5[%add3A_10, %dma_start3A_40] : memref<10000x128xf32, #tpu.memory_space<vmem_shared>> -> memref<80x128xf32, #tpu.memory_space<vmem_shared>>
      tpu.enqueue_dma source(%arg7 : memref<80x128xf32, #tpu.memory_space<vmem>>) target(%dma_start3A_41 : memref<80x128xf32, #tpu.memory_space<vmem_shared>>) target_semaphore(%run_scoped3A : memref<!tpu.dma_semaphore, #tpu.memory_space<semaphore_mem>>)
      %dma_wait3A = arith.constant 0 : i32
      %dma_wait3A_42 = tpu.memref_slice %arg5[%add3A_10, %dma_wait3A] : memref<10000x128xf32, #tpu.memory_space<vmem_shared>> -> memref<80x128xf32, #tpu.memory_space<vmem_shared>>
      %dma_wait3A_43 = arith.constant 0 : i32
      %dma_wait3A_44 = tpu.memref_slice %arg5[%add3A_10, %dma_wait3A_43] : memref<10000x128xf32, #tpu.memory_space<vmem_shared>> -> memref<80x128xf32, #tpu.memory_space<vmem_shared>>
      tpu.wait_dma2 semaphore(%run_scoped3A : memref<!tpu.dma_semaphore, #tpu.memory_space<semaphore_mem>>) src(%arg7 : memref<80x128xf32, #tpu.memory_space<vmem>>) dst(%dma_wait3A_44 : memref<80x128xf32, #tpu.memory_space<vmem_shared>>)
      tpu.yield
    }) : () -> ()
    %add3A_11 = arith.constant 80 : i32
    %add3A_12 = arith.addi %mul3A_8, %add3A_11 : i32
    "tpu.region"() ({
      %run_scoped3A = tpu.sem_alloc : memref<!tpu.dma_semaphore, #tpu.memory_space<semaphore_mem>>
      %dma_start3A = arith.constant 0 : i32
      %dma_start3A_39 = tpu.memref_slice %arg5[%add3A_12, %dma_start3A] : memref<10000x128xf32, #tpu.memory_space<vmem_shared>> -> memref<80x128xf32, #tpu.memory_space<vmem_shared>>
      %dma_start3A_40 = arith.constant 0 : i32
      %dma_start3A_41 = tpu.memref_slice %arg5[%add3A_12, %dma_start3A_40] : memref<10000x128xf32, #tpu.memory_space<vmem_shared>> -> memref<80x128xf32, #tpu.memory_space<vmem_shared>>
      tpu.enqueue_dma source(%arg7 : memref<80x128xf32, #tpu.memory_space<vmem>>) target(%dma_start3A_41 : memref<80x128xf32, #tpu.memory_space<vmem_shared>>) target_semaphore(%run_scoped3A : memref<!tpu.dma_semaphore, #tpu.memory_space<semaphore_mem>>)
      %dma_wait3A = arith.constant 0 : i32
      %dma_wait3A_42 = tpu.memref_slice %arg5[%add3A_12, %dma_wait3A] : memref<10000x128xf32, #tpu.memory_space<vmem_shared>> -> memref<80x128xf32, #tpu.memory_space<vmem_shared>>
      %dma_wait3A_43 = arith.constant 0 : i32
      %dma_wait3A_44 = tpu.memref_slice %arg5[%add3A_12, %dma_wait3A_43] : memref<10000x128xf32, #tpu.memory_space<vmem_shared>> -> memref<80x128xf32, #tpu.memory_space<vmem_shared>>
      tpu.wait_dma2 semaphore(%run_scoped3A : memref<!tpu.dma_semaphore, #tpu.memory_space<semaphore_mem>>) src(%arg7 : memref<80x128xf32, #tpu.memory_space<vmem>>) dst(%dma_wait3A_44 : memref<80x128xf32, #tpu.memory_space<vmem_shared>>)
      tpu.yield
    }) : () -> ()
    %add3A_13 = arith.constant 160 : i32
    %add3A_14 = arith.addi %mul3A_8, %add3A_13 : i32
    "tpu.region"() ({
      %run_scoped3A = tpu.sem_alloc : memref<!tpu.dma_semaphore, #tpu.memory_space<semaphore_mem>>
      %dma_start3A = arith.constant 0 : i32
      %dma_start3A_39 = tpu.memref_slice %arg5[%add3A_14, %dma_start3A] : memref<10000x128xf32, #tpu.memory_space<vmem_shared>> -> memref<80x128xf32, #tpu.memory_space<vmem_shared>>
      %dma_start3A_40 = arith.constant 0 : i32
      %dma_start3A_41 = tpu.memref_slice %arg5[%add3A_14, %dma_start3A_40] : memref<10000x128xf32, #tpu.memory_space<vmem_shared>> -> memref<80x128xf32, #tpu.memory_space<vmem_shared>>
      tpu.enqueue_dma source(%arg7 : memref<80x128xf32, #tpu.memory_space<vmem>>) target(%dma_start3A_41 : memref<80x128xf32, #tpu.memory_space<vmem_shared>>) target_semaphore(%run_scoped3A : memref<!tpu.dma_semaphore, #tpu.memory_space<semaphore_mem>>)
      %dma_wait3A = arith.constant 0 : i32
      %dma_wait3A_42 = tpu.memref_slice %arg5[%add3A_14, %dma_wait3A] : memref<10000x128xf32, #tpu.memory_space<vmem_shared>> -> memref<80x128xf32, #tpu.memory_space<vmem_shared>>
      %dma_wait3A_43 = arith.constant 0 : i32
      %dma_wait3A_44 = tpu.memref_slice %arg5[%add3A_14, %dma_wait3A_43] : memref<10000x128xf32, #tpu.memory_space<vmem_shared>> -> memref<80x128xf32, #tpu.memory_space<vmem_shared>>
      tpu.wait_dma2 semaphore(%run_scoped3A : memref<!tpu.dma_semaphore, #tpu.memory_space<semaphore_mem>>) src(%arg7 : memref<80x128xf32, #tpu.memory_space<vmem>>) dst(%dma_wait3A_44 : memref<80x128xf32, #tpu.memory_space<vmem_shared>>)
      tpu.yield
    }) : () -> ()
    %add3A_15 = arith.constant 240 : i32
    %add3A_16 = arith.addi %mul3A_8, %add3A_15 : i32
    "tpu.region"() ({
      %run_scoped3A = tpu.sem_alloc : memref<!tpu.dma_semaphore, #tpu.memory_space<semaphore_mem>>
      %dma_start3A = arith.constant 0 : i32
      %dma_start3A_39 = tpu.memref_slice %arg5[%add3A_16, %dma_start3A] : memref<10000x128xf32, #tpu.memory_space<vmem_shared>> -> memref<80x128xf32, #tpu.memory_space<vmem_shared>>
      %dma_start3A_40 = arith.constant 0 : i32
      %dma_start3A_41 = tpu.memref_slice %arg5[%add3A_16, %dma_start3A_40] : memref<10000x128xf32, #tpu.memory_space<vmem_shared>> -> memref<80x128xf32, #tpu.memory_space<vmem_shared>>
      tpu.enqueue_dma source(%arg7 : memref<80x128xf32, #tpu.memory_space<vmem>>) target(%dma_start3A_41 : memref<80x128xf32, #tpu.memory_space<vmem_shared>>) target_semaphore(%run_scoped3A : memref<!tpu.dma_semaphore, #tpu.memory_space<semaphore_mem>>)
      %dma_wait3A = arith.constant 0 : i32
      %dma_wait3A_42 = tpu.memref_slice %arg5[%add3A_16, %dma_wait3A] : memref<10000x128xf32, #tpu.memory_space<vmem_shared>> -> memref<80x128xf32, #tpu.memory_space<vmem_shared>>
      %dma_wait3A_43 = arith.constant 0 : i32
      %dma_wait3A_44 = tpu.memref_slice %arg5[%add3A_16, %dma_wait3A_43] : memref<10000x128xf32, #tpu.memory_space<vmem_shared>> -> memref<80x128xf32, #tpu.memory_space<vmem_shared>>
      tpu.wait_dma2 semaphore(%run_scoped3A : memref<!tpu.dma_semaphore, #tpu.memory_space<semaphore_mem>>) src(%arg7 : memref<80x128xf32, #tpu.memory_space<vmem>>) dst(%dma_wait3A_44 : memref<80x128xf32, #tpu.memory_space<vmem_shared>>)
      tpu.yield
    }) : () -> ()
    %add3A_17 = arith.constant 320 : i32
    %add3A_18 = arith.addi %mul3A_8, %add3A_17 : i32
    "tpu.region"() ({
      %run_scoped3A = tpu.sem_alloc : memref<!tpu.dma_semaphore, #tpu.memory_space<semaphore_mem>>
      %dma_start3A = arith.constant 0 : i32
      %dma_start3A_39 = tpu.memref_slice %arg5[%add3A_18, %dma_start3A] : memref<10000x128xf32, #tpu.memory_space<vmem_shared>> -> memref<80x128xf32, #tpu.memory_space<vmem_shared>>
      %dma_start3A_40 = arith.constant 0 : i32
      %dma_start3A_41 = tpu.memref_slice %arg5[%add3A_18, %dma_start3A_40] : memref<10000x128xf32, #tpu.memory_space<vmem_shared>> -> memref<80x128xf32, #tpu.memory_space<vmem_shared>>
      tpu.enqueue_dma source(%arg7 : memref<80x128xf32, #tpu.memory_space<vmem>>) target(%dma_start3A_41 : memref<80x128xf32, #tpu.memory_space<vmem_shared>>) target_semaphore(%run_scoped3A : memref<!tpu.dma_semaphore, #tpu.memory_space<semaphore_mem>>)
      %dma_wait3A = arith.constant 0 : i32
      %dma_wait3A_42 = tpu.memref_slice %arg5[%add3A_18, %dma_wait3A] : memref<10000x128xf32, #tpu.memory_space<vmem_shared>> -> memref<80x128xf32, #tpu.memory_space<vmem_shared>>
      %dma_wait3A_43 = arith.constant 0 : i32
      %dma_wait3A_44 = tpu.memref_slice %arg5[%add3A_18, %dma_wait3A_43] : memref<10000x128xf32, #tpu.memory_space<vmem_shared>> -> memref<80x128xf32, #tpu.memory_space<vmem_shared>>
      tpu.wait_dma2 semaphore(%run_scoped3A : memref<!tpu.dma_semaphore, #tpu.memory_space<semaphore_mem>>) src(%arg7 : memref<80x128xf32, #tpu.memory_space<vmem>>) dst(%dma_wait3A_44 : memref<80x128xf32, #tpu.memory_space<vmem_shared>>)
      tpu.yield
    }) : () -> ()
    %add3A_19 = arith.constant 400 : i32
    %add3A_20 = arith.addi %mul3A_8, %add3A_19 : i32
    "tpu.region"() ({
      %run_scoped3A = tpu.sem_alloc : memref<!tpu.dma_semaphore, #tpu.memory_space<semaphore_mem>>
      %dma_start3A = arith.constant 0 : i32
      %dma_start3A_39 = tpu.memref_slice %arg5[%add3A_20, %dma_start3A] : memref<10000x128xf32, #tpu.memory_space<vmem_shared>> -> memref<80x128xf32, #tpu.memory_space<vmem_shared>>
      %dma_start3A_40 = arith.constant 0 : i32
      %dma_start3A_41 = tpu.memref_slice %arg5[%add3A_20, %dma_start3A_40] : memref<10000x128xf32, #tpu.memory_space<vmem_shared>> -> memref<80x128xf32, #tpu.memory_space<vmem_shared>>
      tpu.enqueue_dma source(%arg7 : memref<80x128xf32, #tpu.memory_space<vmem>>) target(%dma_start3A_41 : memref<80x128xf32, #tpu.memory_space<vmem_shared>>) target_semaphore(%run_scoped3A : memref<!tpu.dma_semaphore, #tpu.memory_space<semaphore_mem>>)
      %dma_wait3A = arith.constant 0 : i32
      %dma_wait3A_42 = tpu.memref_slice %arg5[%add3A_20, %dma_wait3A] : memref<10000x128xf32, #tpu.memory_space<vmem_shared>> -> memref<80x128xf32, #tpu.memory_space<vmem_shared>>
      %dma_wait3A_43 = arith.constant 0 : i32
      %dma_wait3A_44 = tpu.memref_slice %arg5[%add3A_20, %dma_wait3A_43] : memref<10000x128xf32, #tpu.memory_space<vmem_shared>> -> memref<80x128xf32, #tpu.memory_space<vmem_shared>>
      tpu.wait_dma2 semaphore(%run_scoped3A : memref<!tpu.dma_semaphore, #tpu.memory_space<semaphore_mem>>) src(%arg7 : memref<80x128xf32, #tpu.memory_space<vmem>>) dst(%dma_wait3A_44 : memref<80x128xf32, #tpu.memory_space<vmem_shared>>)
      tpu.yield
    }) : () -> ()
    %add3A_21 = arith.constant 480 : i32
    %add3A_22 = arith.addi %mul3A_8, %add3A_21 : i32
    "tpu.region"() ({
      %run_scoped3A = tpu.sem_alloc : memref<!tpu.dma_semaphore, #tpu.memory_space<semaphore_mem>>
      %dma_start3A = arith.constant 0 : i32
      %dma_start3A_39 = tpu.memref_slice %arg5[%add3A_22, %dma_start3A] : memref<10000x128xf32, #tpu.memory_space<vmem_shared>> -> memref<80x128xf32, #tpu.memory_space<vmem_shared>>
      %dma_start3A_40 = arith.constant 0 : i32
      %dma_start3A_41 = tpu.memref_slice %arg5[%add3A_22, %dma_start3A_40] : memref<10000x128xf32, #tpu.memory_space<vmem_shared>> -> memref<80x128xf32, #tpu.memory_space<vmem_shared>>
      tpu.enqueue_dma source(%arg7 : memref<80x128xf32, #tpu.memory_space<vmem>>) target(%dma_start3A_41 : memref<80x128xf32, #tpu.memory_space<vmem_shared>>) target_semaphore(%run_scoped3A : memref<!tpu.dma_semaphore, #tpu.memory_space<semaphore_mem>>)
      %dma_wait3A = arith.constant 0 : i32
      %dma_wait3A_42 = tpu.memref_slice %arg5[%add3A_22, %dma_wait3A] : memref<10000x128xf32, #tpu.memory_space<vmem_shared>> -> memref<80x128xf32, #tpu.memory_space<vmem_shared>>
      %dma_wait3A_43 = arith.constant 0 : i32
      %dma_wait3A_44 = tpu.memref_slice %arg5[%add3A_22, %dma_wait3A_43] : memref<10000x128xf32, #tpu.memory_space<vmem_shared>> -> memref<80x128xf32, #tpu.memory_space<vmem_shared>>
      tpu.wait_dma2 semaphore(%run_scoped3A : memref<!tpu.dma_semaphore, #tpu.memory_space<semaphore_mem>>) src(%arg7 : memref<80x128xf32, #tpu.memory_space<vmem>>) dst(%dma_wait3A_44 : memref<80x128xf32, #tpu.memory_space<vmem_shared>>)
      tpu.yield
    }) : () -> ()
    %add3A_23 = arith.constant 560 : i32
    %add3A_24 = arith.addi %mul3A_8, %add3A_23 : i32
    "tpu.region"() ({
      %run_scoped3A = tpu.sem_alloc : memref<!tpu.dma_semaphore, #tpu.memory_space<semaphore_mem>>
      %dma_start3A = arith.constant 0 : i32
      %dma_start3A_39 = tpu.memref_slice %arg5[%add3A_24, %dma_start3A] : memref<10000x128xf32, #tpu.memory_space<vmem_shared>> -> memref<80x128xf32, #tpu.memory_space<vmem_shared>>
      %dma_start3A_40 = arith.constant 0 : i32
      %dma_start3A_41 = tpu.memref_slice %arg5[%add3A_24, %dma_start3A_40] : memref<10000x128xf32, #tpu.memory_space<vmem_shared>> -> memref<80x128xf32, #tpu.memory_space<vmem_shared>>
      tpu.enqueue_dma source(%arg7 : memref<80x128xf32, #tpu.memory_space<vmem>>) target(%dma_start3A_41 : memref<80x128xf32, #tpu.memory_space<vmem_shared>>) target_semaphore(%run_scoped3A : memref<!tpu.dma_semaphore, #tpu.memory_space<semaphore_mem>>)
      %dma_wait3A = arith.constant 0 : i32
      %dma_wait3A_42 = tpu.memref_slice %arg5[%add3A_24, %dma_wait3A] : memref<10000x128xf32, #tpu.memory_space<vmem_shared>> -> memref<80x128xf32, #tpu.memory_space<vmem_shared>>
      %dma_wait3A_43 = arith.constant 0 : i32
      %dma_wait3A_44 = tpu.memref_slice %arg5[%add3A_24, %dma_wait3A_43] : memref<10000x128xf32, #tpu.memory_space<vmem_shared>> -> memref<80x128xf32, #tpu.memory_space<vmem_shared>>
      tpu.wait_dma2 semaphore(%run_scoped3A : memref<!tpu.dma_semaphore, #tpu.memory_space<semaphore_mem>>) src(%arg7 : memref<80x128xf32, #tpu.memory_space<vmem>>) dst(%dma_wait3A_44 : memref<80x128xf32, #tpu.memory_space<vmem_shared>>)
      tpu.yield
    }) : () -> ()
    %barrier3A = arith.constant 0 : index
    tpu.barrier barrier_id(%barrier3A)
    %scan3A_25 = arith.constant 0 : i32
    %scan3A_26 = arith.constant 0 : i32
    %scan3A_27 = arith.constant 5 : i32
    %scan3A_28 = arith.addi %scan3A_26, %scan3A_27 : i32
    %scan3A_29 = arith.constant 1 : i32
    %scan3A_30 = scf.for %scan3A_39 = %scan3A_26 to %scan3A_28 step %scan3A_29 iter_args(%scan3A_40 = %scan3A_25) -> (i32)  : i32 {
      "tpu.region"() ({
        %run_scoped3A_64 = tpu.sem_alloc : memref<!tpu.dma_semaphore, #tpu.memory_space<semaphore_mem>>
        %dma_start3A_65 = arith.constant 0 : i32
        %dma_start3A_66 = arith.constant 0 : i32
        %dma_start3A_67 = arith.constant 0 : i32
        %dma_start3A_68 = tpu.memref_slice %arg3[%add3A, %scan3A_39, %dma_start3A_65, %dma_start3A_66, %dma_start3A_67] : memref<32x5x2x25x80xi32, #tpu.memory_space<hbm>> -> memref<1x1x2x25x80xi32, #tpu.memory_space<hbm>>
        %dma_start3A_69 = tpu.memref_squeeze %dma_start3A_68 : memref<1x1x2x25x80xi32, #tpu.memory_space<hbm>> -> memref<2x25x80xi32, #tpu.memory_space<hbm>>
        %dma_start3A_70 = arith.constant 0 : i32
        %dma_start3A_71 = arith.constant 0 : i32
        %dma_start3A_72 = arith.constant 0 : i32
        %dma_start3A_73 = tpu.memref_slice %arg3[%add3A, %scan3A_39, %dma_start3A_70, %dma_start3A_71, %dma_start3A_72] : memref<32x5x2x25x80xi32, #tpu.memory_space<hbm>> -> memref<1x1x2x25x80xi32, #tpu.memory_space<hbm>>
        %dma_start3A_74 = tpu.memref_squeeze %dma_start3A_73 : memref<1x1x2x25x80xi32, #tpu.memory_space<hbm>> -> memref<2x25x80xi32, #tpu.memory_space<hbm>>
        tpu.enqueue_dma source(%dma_start3A_74 : memref<2x25x80xi32, #tpu.memory_space<hbm>>) target(%arg6 : memref<2x25x80xi32, #tpu.memory_space<vmem>>) target_semaphore(%run_scoped3A_64 : memref<!tpu.dma_semaphore, #tpu.memory_space<semaphore_mem>>)
        %dma_wait3A_75 = arith.constant 0 : i32
        %dma_wait3A_76 = arith.constant 0 : i32
        %dma_wait3A_77 = arith.constant 0 : i32
        %dma_wait3A_78 = tpu.memref_slice %arg3[%add3A, %scan3A_39, %dma_wait3A_75, %dma_wait3A_76, %dma_wait3A_77] : memref<32x5x2x25x80xi32, #tpu.memory_space<hbm>> -> memref<1x1x2x25x80xi32, #tpu.memory_space<hbm>>
        %dma_wait3A_79 = tpu.memref_squeeze %dma_wait3A_78 : memref<1x1x2x25x80xi32, #tpu.memory_space<hbm>> -> memref<2x25x80xi32, #tpu.memory_space<hbm>>
        %dma_wait3A_80 = arith.constant 0 : i32
        %dma_wait3A_81 = arith.constant 0 : i32
        %dma_wait3A_82 = arith.constant 0 : i32
        %dma_wait3A_83 = tpu.memref_slice %arg3[%add3A, %scan3A_39, %dma_wait3A_80, %dma_wait3A_81, %dma_wait3A_82] : memref<32x5x2x25x80xi32, #tpu.memory_space<hbm>> -> memref<1x1x2x25x80xi32, #tpu.memory_space<hbm>>
        %dma_wait3A_84 = tpu.memref_squeeze %dma_wait3A_83 : memref<1x1x2x25x80xi32, #tpu.memory_space<hbm>> -> memref<2x25x80xi32, #tpu.memory_space<hbm>>
        tpu.wait_dma2 semaphore(%run_scoped3A_64 : memref<!tpu.dma_semaphore, #tpu.memory_space<semaphore_mem>>) src(%dma_wait3A_84 : memref<2x25x80xi32, #tpu.memory_space<hbm>>) dst(%arg6 : memref<2x25x80xi32, #tpu.memory_space<vmem>>)
        tpu.yield
      }) : () -> ()
      %scan3A_41 = arith.constant 0 : i32
      %scan3A_42 = arith.constant 0 : i32
      %scan3A_43 = arith.constant 6 : i32
      %scan3A_44 = arith.addi %scan3A_42, %scan3A_43 : i32
      %scan3A_45 = arith.constant 1 : i32
      %scan3A_46 = scf.for %scan3A_64 = %scan3A_42 to %scan3A_44 step %scan3A_45 iter_args(%scan3A_65 = %scan3A_41) -> (i32)  : i32 {
        %dma_start3A_66 = arith.constant 0 : i32
        %dma_start3A_67 = arith.constant 0 : i32
        %dma_start3A_68 = tpu.memref_slice %arg6[%dma_start3A_66, %scan3A_64, %dma_start3A_67] : memref<2x25x80xi32, #tpu.memory_space<vmem>> -> memref<1x1x80xi32, #tpu.memory_space<vmem>>
        %dma_start3A_69 = tpu.memref_squeeze %dma_start3A_68 : memref<1x1x80xi32, #tpu.memory_space<vmem>> -> memref<80xi32, #tpu.memory_space<vmem>>
        %dma_start3A_70 = arith.constant 0 : i32
        %dma_start3A_71 = arith.constant 0 : i32
        %dma_start3A_72 = tpu.memref_slice %arg2[%dma_start3A_70, %dma_start3A_71] : memref<10000x128xf32, #tpu.memory_space<hbm>> -> memref<10000x128xf32, #tpu.memory_space<hbm>>
        tpu.enqueue_indirect_dma source(%dma_start3A_72 : memref<10000x128xf32, #tpu.memory_space<hbm>>) target(%arg7 : memref<80x128xf32, #tpu.memory_space<vmem>>) offsets(%dma_start3A_69 : memref<80xi32, #tpu.memory_space<vmem>>) semaphore(%arg11 : memref<!tpu.dma_semaphore, #tpu.memory_space<semaphore_mem>>)
        %add3A_73 = arith.constant 6 : i32
        %add3A_74 = arith.addi %scan3A_64, %add3A_73 : i32
        %dma_start3A_75 = arith.constant 0 : i32
        %dma_start3A_76 = arith.constant 0 : i32
        %dma_start3A_77 = tpu.memref_slice %arg6[%dma_start3A_75, %add3A_74, %dma_start3A_76] : memref<2x25x80xi32, #tpu.memory_space<vmem>> -> memref<1x1x80xi32, #tpu.memory_space<vmem>>
        %dma_start3A_78 = tpu.memref_squeeze %dma_start3A_77 : memref<1x1x80xi32, #tpu.memory_space<vmem>> -> memref<80xi32, #tpu.memory_space<vmem>>
        %dma_start3A_79 = arith.constant 0 : i32
        %dma_start3A_80 = arith.constant 0 : i32
        %dma_start3A_81 = tpu.memref_slice %arg2[%dma_start3A_79, %dma_start3A_80] : memref<10000x128xf32, #tpu.memory_space<hbm>> -> memref<10000x128xf32, #tpu.memory_space<hbm>>
        tpu.enqueue_indirect_dma source(%dma_start3A_81 : memref<10000x128xf32, #tpu.memory_space<hbm>>) target(%arg8 : memref<80x128xf32, #tpu.memory_space<vmem>>) offsets(%dma_start3A_78 : memref<80xi32, #tpu.memory_space<vmem>>) semaphore(%arg12 : memref<!tpu.dma_semaphore, #tpu.memory_space<semaphore_mem>>)
        %add3A_82 = arith.constant 12 : i32
        %add3A_83 = arith.addi %scan3A_64, %add3A_82 : i32
        %dma_start3A_84 = arith.constant 0 : i32
        %dma_start3A_85 = arith.constant 0 : i32
        %dma_start3A_86 = tpu.memref_slice %arg6[%dma_start3A_84, %add3A_83, %dma_start3A_85] : memref<2x25x80xi32, #tpu.memory_space<vmem>> -> memref<1x1x80xi32, #tpu.memory_space<vmem>>
        %dma_start3A_87 = tpu.memref_squeeze %dma_start3A_86 : memref<1x1x80xi32, #tpu.memory_space<vmem>> -> memref<80xi32, #tpu.memory_space<vmem>>
        %dma_start3A_88 = arith.constant 0 : i32
        %dma_start3A_89 = arith.constant 0 : i32
        %dma_start3A_90 = tpu.memref_slice %arg2[%dma_start3A_88, %dma_start3A_89] : memref<10000x128xf32, #tpu.memory_space<hbm>> -> memref<10000x128xf32, #tpu.memory_space<hbm>>
        tpu.enqueue_indirect_dma source(%dma_start3A_90 : memref<10000x128xf32, #tpu.memory_space<hbm>>) target(%arg9 : memref<80x128xf32, #tpu.memory_space<vmem>>) offsets(%dma_start3A_87 : memref<80xi32, #tpu.memory_space<vmem>>) semaphore(%arg13 : memref<!tpu.dma_semaphore, #tpu.memory_space<semaphore_mem>>)
        %add3A_91 = arith.constant 18 : i32
        %add3A_92 = arith.addi %scan3A_64, %add3A_91 : i32
        %dma_start3A_93 = arith.constant 0 : i32
        %dma_start3A_94 = arith.constant 0 : i32
        %dma_start3A_95 = tpu.memref_slice %arg6[%dma_start3A_93, %add3A_92, %dma_start3A_94] : memref<2x25x80xi32, #tpu.memory_space<vmem>> -> memref<1x1x80xi32, #tpu.memory_space<vmem>>
        %dma_start3A_96 = tpu.memref_squeeze %dma_start3A_95 : memref<1x1x80xi32, #tpu.memory_space<vmem>> -> memref<80xi32, #tpu.memory_space<vmem>>
        %dma_start3A_97 = arith.constant 0 : i32
        %dma_start3A_98 = arith.constant 0 : i32
        %dma_start3A_99 = tpu.memref_slice %arg2[%dma_start3A_97, %dma_start3A_98] : memref<10000x128xf32, #tpu.memory_space<hbm>> -> memref<10000x128xf32, #tpu.memory_space<hbm>>
        tpu.enqueue_indirect_dma source(%dma_start3A_99 : memref<10000x128xf32, #tpu.memory_space<hbm>>) target(%arg10 : memref<80x128xf32, #tpu.memory_space<vmem>>) offsets(%dma_start3A_96 : memref<80xi32, #tpu.memory_space<vmem>>) semaphore(%arg14 : memref<!tpu.dma_semaphore, #tpu.memory_space<semaphore_mem>>)
        %dma_wait3A_100 = arith.constant 0 : i32
        %dma_wait3A_101 = arith.constant 0 : i32
        %dma_wait3A_102 = tpu.memref_slice %arg6[%dma_wait3A_100, %scan3A_64, %dma_wait3A_101] : memref<2x25x80xi32, #tpu.memory_space<vmem>> -> memref<1x1x80xi32, #tpu.memory_space<vmem>>
        %dma_wait3A_103 = tpu.memref_squeeze %dma_wait3A_102 : memref<1x1x80xi32, #tpu.memory_space<vmem>> -> memref<80xi32, #tpu.memory_space<vmem>>
        %dma_wait3A_104 = arith.constant 0 : i32
        %dma_wait3A_105 = arith.constant 0 : i32
        %dma_wait3A_106 = tpu.memref_slice %arg2[%dma_wait3A_104, %dma_wait3A_105] : memref<10000x128xf32, #tpu.memory_space<hbm>> -> memref<10000x128xf32, #tpu.memory_space<hbm>>
        tpu.wait_indirect_dma semaphore(%arg11 : memref<!tpu.dma_semaphore, #tpu.memory_space<semaphore_mem>>) src(%dma_wait3A_106 : memref<10000x128xf32, #tpu.memory_space<hbm>>) dst(%arg7 : memref<80x128xf32, #tpu.memory_space<vmem>>)
        %run_scoped3A_107 = arith.constant 1 : i32
        "tpu.region"() ({
          %run_scoped3A_139 = tpu.sem_alloc : memref<!tpu.dma_semaphore, #tpu.memory_space<semaphore_mem>>
          %dma_start3A_140 = arith.constant 0 : i32
          %dma_start3A_141 = tpu.memref_slice %arg6[%run_scoped3A_107, %scan3A_64, %dma_start3A_140] : memref<2x25x80xi32, #tpu.memory_space<vmem>> -> memref<1x1x80xi32, #tpu.memory_space<vmem>>
          %dma_start3A_142 = tpu.memref_squeeze %dma_start3A_141 : memref<1x1x80xi32, #tpu.memory_space<vmem>> -> memref<80xi32, #tpu.memory_space<vmem>>
          %dma_start3A_143 = arith.constant 0 : i32
          %dma_start3A_144 = arith.constant 0 : i32
          %dma_start3A_145 = tpu.memref_slice %arg5[%dma_start3A_143, %dma_start3A_144] : memref<10000x128xf32, #tpu.memory_space<vmem_shared>> -> memref<10000x128xf32, #tpu.memory_space<vmem_shared>>
          tpu.enqueue_indirect_dma source(%arg7 : memref<80x128xf32, #tpu.memory_space<vmem>>) target(%dma_start3A_145 : memref<10000x128xf32, #tpu.memory_space<vmem_shared>>) offsets(%dma_start3A_142 : memref<80xi32, #tpu.memory_space<vmem>>) semaphore(%run_scoped3A_139 : memref<!tpu.dma_semaphore, #tpu.memory_space<semaphore_mem>>) {add = true}
          %dma_wait3A_146 = arith.constant 0 : i32
          %dma_wait3A_147 = tpu.memref_slice %arg6[%run_scoped3A_107, %scan3A_64, %dma_wait3A_146] : memref<2x25x80xi32, #tpu.memory_space<vmem>> -> memref<1x1x80xi32, #tpu.memory_space<vmem>>
          %dma_wait3A_148 = tpu.memref_squeeze %dma_wait3A_147 : memref<1x1x80xi32, #tpu.memory_space<vmem>> -> memref<80xi32, #tpu.memory_space<vmem>>
          %dma_wait3A_149 = arith.constant 0 : i32
          %dma_wait3A_150 = arith.constant 0 : i32
          %dma_wait3A_151 = tpu.memref_slice %arg5[%dma_wait3A_149, %dma_wait3A_150] : memref<10000x128xf32, #tpu.memory_space<vmem_shared>> -> memref<10000x128xf32, #tpu.memory_space<vmem_shared>>
          tpu.wait_indirect_dma semaphore(%run_scoped3A_139 : memref<!tpu.dma_semaphore, #tpu.memory_space<semaphore_mem>>) src(%arg7 : memref<80x128xf32, #tpu.memory_space<vmem>>) dst(%dma_wait3A_151 : memref<10000x128xf32, #tpu.memory_space<vmem_shared>>)
          tpu.yield
        }) : () -> ()
        %dma_wait3A_108 = arith.constant 0 : i32
        %dma_wait3A_109 = arith.constant 0 : i32
        %dma_wait3A_110 = tpu.memref_slice %arg6[%dma_wait3A_108, %add3A_74, %dma_wait3A_109] : memref<2x25x80xi32, #tpu.memory_space<vmem>> -> memref<1x1x80xi32, #tpu.memory_space<vmem>>
        %dma_wait3A_111 = tpu.memref_squeeze %dma_wait3A_110 : memref<1x1x80xi32, #tpu.memory_space<vmem>> -> memref<80xi32, #tpu.memory_space<vmem>>
        %dma_wait3A_112 = arith.constant 0 : i32
        %dma_wait3A_113 = arith.constant 0 : i32
        %dma_wait3A_114 = tpu.memref_slice %arg2[%dma_wait3A_112, %dma_wait3A_113] : memref<10000x128xf32, #tpu.memory_space<hbm>> -> memref<10000x128xf32, #tpu.memory_space<hbm>>
        tpu.wait_indirect_dma semaphore(%arg12 : memref<!tpu.dma_semaphore, #tpu.memory_space<semaphore_mem>>) src(%dma_wait3A_114 : memref<10000x128xf32, #tpu.memory_space<hbm>>) dst(%arg8 : memref<80x128xf32, #tpu.memory_space<vmem>>)
        %add3A_115 = arith.constant 6 : i32
        %add3A_116 = arith.addi %scan3A_64, %add3A_115 : i32
        %run_scoped3A_117 = arith.constant 1 : i32
        "tpu.region"() ({
          %run_scoped3A_139 = tpu.sem_alloc : memref<!tpu.dma_semaphore, #tpu.memory_space<semaphore_mem>>
          %dma_start3A_140 = arith.constant 0 : i32
          %dma_start3A_141 = tpu.memref_slice %arg6[%run_scoped3A_117, %add3A_116, %dma_start3A_140] : memref<2x25x80xi32, #tpu.memory_space<vmem>> -> memref<1x1x80xi32, #tpu.memory_space<vmem>>
          %dma_start3A_142 = tpu.memref_squeeze %dma_start3A_141 : memref<1x1x80xi32, #tpu.memory_space<vmem>> -> memref<80xi32, #tpu.memory_space<vmem>>
          %dma_start3A_143 = arith.constant 0 : i32
          %dma_start3A_144 = arith.constant 0 : i32
          %dma_start3A_145 = tpu.memref_slice %arg5[%dma_start3A_143, %dma_start3A_144] : memref<10000x128xf32, #tpu.memory_space<vmem_shared>> -> memref<10000x128xf32, #tpu.memory_space<vmem_shared>>
          tpu.enqueue_indirect_dma source(%arg8 : memref<80x128xf32, #tpu.memory_space<vmem>>) target(%dma_start3A_145 : memref<10000x128xf32, #tpu.memory_space<vmem_shared>>) offsets(%dma_start3A_142 : memref<80xi32, #tpu.memory_space<vmem>>) semaphore(%run_scoped3A_139 : memref<!tpu.dma_semaphore, #tpu.memory_space<semaphore_mem>>) {add = true}
          %dma_wait3A_146 = arith.constant 0 : i32
          %dma_wait3A_147 = tpu.memref_slice %arg6[%run_scoped3A_117, %add3A_116, %dma_wait3A_146] : memref<2x25x80xi32, #tpu.memory_space<vmem>> -> memref<1x1x80xi32, #tpu.memory_space<vmem>>
          %dma_wait3A_148 = tpu.memref_squeeze %dma_wait3A_147 : memref<1x1x80xi32, #tpu.memory_space<vmem>> -> memref<80xi32, #tpu.memory_space<vmem>>
          %dma_wait3A_149 = arith.constant 0 : i32
          %dma_wait3A_150 = arith.constant 0 : i32
          %dma_wait3A_151 = tpu.memref_slice %arg5[%dma_wait3A_149, %dma_wait3A_150] : memref<10000x128xf32, #tpu.memory_space<vmem_shared>> -> memref<10000x128xf32, #tpu.memory_space<vmem_shared>>
          tpu.wait_indirect_dma semaphore(%run_scoped3A_139 : memref<!tpu.dma_semaphore, #tpu.memory_space<semaphore_mem>>) src(%arg8 : memref<80x128xf32, #tpu.memory_space<vmem>>) dst(%dma_wait3A_151 : memref<10000x128xf32, #tpu.memory_space<vmem_shared>>)
          tpu.yield
        }) : () -> ()
        %dma_wait3A_118 = arith.constant 0 : i32
        %dma_wait3A_119 = arith.constant 0 : i32
        %dma_wait3A_120 = tpu.memref_slice %arg6[%dma_wait3A_118, %add3A_83, %dma_wait3A_119] : memref<2x25x80xi32, #tpu.memory_space<vmem>> -> memref<1x1x80xi32, #tpu.memory_space<vmem>>
        %dma_wait3A_121 = tpu.memref_squeeze %dma_wait3A_120 : memref<1x1x80xi32, #tpu.memory_space<vmem>> -> memref<80xi32, #tpu.memory_space<vmem>>
        %dma_wait3A_122 = arith.constant 0 : i32
        %dma_wait3A_123 = arith.constant 0 : i32
        %dma_wait3A_124 = tpu.memref_slice %arg2[%dma_wait3A_122, %dma_wait3A_123] : memref<10000x128xf32, #tpu.memory_space<hbm>> -> memref<10000x128xf32, #tpu.memory_space<hbm>>
        tpu.wait_indirect_dma semaphore(%arg13 : memref<!tpu.dma_semaphore, #tpu.memory_space<semaphore_mem>>) src(%dma_wait3A_124 : memref<10000x128xf32, #tpu.memory_space<hbm>>) dst(%arg9 : memref<80x128xf32, #tpu.memory_space<vmem>>)
        %add3A_125 = arith.constant 12 : i32
        %add3A_126 = arith.addi %scan3A_64, %add3A_125 : i32
        %run_scoped3A_127 = arith.constant 1 : i32
        "tpu.region"() ({
          %run_scoped3A_139 = tpu.sem_alloc : memref<!tpu.dma_semaphore, #tpu.memory_space<semaphore_mem>>
          %dma_start3A_140 = arith.constant 0 : i32
          %dma_start3A_141 = tpu.memref_slice %arg6[%run_scoped3A_127, %add3A_126, %dma_start3A_140] : memref<2x25x80xi32, #tpu.memory_space<vmem>> -> memref<1x1x80xi32, #tpu.memory_space<vmem>>
          %dma_start3A_142 = tpu.memref_squeeze %dma_start3A_141 : memref<1x1x80xi32, #tpu.memory_space<vmem>> -> memref<80xi32, #tpu.memory_space<vmem>>
          %dma_start3A_143 = arith.constant 0 : i32
          %dma_start3A_144 = arith.constant 0 : i32
          %dma_start3A_145 = tpu.memref_slice %arg5[%dma_start3A_143, %dma_start3A_144] : memref<10000x128xf32, #tpu.memory_space<vmem_shared>> -> memref<10000x128xf32, #tpu.memory_space<vmem_shared>>
          tpu.enqueue_indirect_dma source(%arg9 : memref<80x128xf32, #tpu.memory_space<vmem>>) target(%dma_start3A_145 : memref<10000x128xf32, #tpu.memory_space<vmem_shared>>) offsets(%dma_start3A_142 : memref<80xi32, #tpu.memory_space<vmem>>) semaphore(%run_scoped3A_139 : memref<!tpu.dma_semaphore, #tpu.memory_space<semaphore_mem>>) {add = true}
          %dma_wait3A_146 = arith.constant 0 : i32
          %dma_wait3A_147 = tpu.memref_slice %arg6[%run_scoped3A_127, %add3A_126, %dma_wait3A_146] : memref<2x25x80xi32, #tpu.memory_space<vmem>> -> memref<1x1x80xi32, #tpu.memory_space<vmem>>
          %dma_wait3A_148 = tpu.memref_squeeze %dma_wait3A_147 : memref<1x1x80xi32, #tpu.memory_space<vmem>> -> memref<80xi32, #tpu.memory_space<vmem>>
          %dma_wait3A_149 = arith.constant 0 : i32
          %dma_wait3A_150 = arith.constant 0 : i32
          %dma_wait3A_151 = tpu.memref_slice %arg5[%dma_wait3A_149, %dma_wait3A_150] : memref<10000x128xf32, #tpu.memory_space<vmem_shared>> -> memref<10000x128xf32, #tpu.memory_space<vmem_shared>>
          tpu.wait_indirect_dma semaphore(%run_scoped3A_139 : memref<!tpu.dma_semaphore, #tpu.memory_space<semaphore_mem>>) src(%arg9 : memref<80x128xf32, #tpu.memory_space<vmem>>) dst(%dma_wait3A_151 : memref<10000x128xf32, #tpu.memory_space<vmem_shared>>)
          tpu.yield
        }) : () -> ()
        %dma_wait3A_128 = arith.constant 0 : i32
        %dma_wait3A_129 = arith.constant 0 : i32
        %dma_wait3A_130 = tpu.memref_slice %arg6[%dma_wait3A_128, %add3A_92, %dma_wait3A_129] : memref<2x25x80xi32, #tpu.memory_space<vmem>> -> memref<1x1x80xi32, #tpu.memory_space<vmem>>
        %dma_wait3A_131 = tpu.memref_squeeze %dma_wait3A_130 : memref<1x1x80xi32, #tpu.memory_space<vmem>> -> memref<80xi32, #tpu.memory_space<vmem>>
        %dma_wait3A_132 = arith.constant 0 : i32
        %dma_wait3A_133 = arith.constant 0 : i32
        %dma_wait3A_134 = tpu.memref_slice %arg2[%dma_wait3A_132, %dma_wait3A_133] : memref<10000x128xf32, #tpu.memory_space<hbm>> -> memref<10000x128xf32, #tpu.memory_space<hbm>>
        tpu.wait_indirect_dma semaphore(%arg14 : memref<!tpu.dma_semaphore, #tpu.memory_space<semaphore_mem>>) src(%dma_wait3A_134 : memref<10000x128xf32, #tpu.memory_space<hbm>>) dst(%arg10 : memref<80x128xf32, #tpu.memory_space<vmem>>)
        %add3A_135 = arith.constant 18 : i32
        %add3A_136 = arith.addi %scan3A_64, %add3A_135 : i32
        %run_scoped3A_137 = arith.constant 1 : i32
        "tpu.region"() ({
          %run_scoped3A_139 = tpu.sem_alloc : memref<!tpu.dma_semaphore, #tpu.memory_space<semaphore_mem>>
          %dma_start3A_140 = arith.constant 0 : i32
          %dma_start3A_141 = tpu.memref_slice %arg6[%run_scoped3A_137, %add3A_136, %dma_start3A_140] : memref<2x25x80xi32, #tpu.memory_space<vmem>> -> memref<1x1x80xi32, #tpu.memory_space<vmem>>
          %dma_start3A_142 = tpu.memref_squeeze %dma_start3A_141 : memref<1x1x80xi32, #tpu.memory_space<vmem>> -> memref<80xi32, #tpu.memory_space<vmem>>
          %dma_start3A_143 = arith.constant 0 : i32
          %dma_start3A_144 = arith.constant 0 : i32
          %dma_start3A_145 = tpu.memref_slice %arg5[%dma_start3A_143, %dma_start3A_144] : memref<10000x128xf32, #tpu.memory_space<vmem_shared>> -> memref<10000x128xf32, #tpu.memory_space<vmem_shared>>
          tpu.enqueue_indirect_dma source(%arg10 : memref<80x128xf32, #tpu.memory_space<vmem>>) target(%dma_start3A_145 : memref<10000x128xf32, #tpu.memory_space<vmem_shared>>) offsets(%dma_start3A_142 : memref<80xi32, #tpu.memory_space<vmem>>) semaphore(%run_scoped3A_139 : memref<!tpu.dma_semaphore, #tpu.memory_space<semaphore_mem>>) {add = true}
          %dma_wait3A_146 = arith.constant 0 : i32
          %dma_wait3A_147 = tpu.memref_slice %arg6[%run_scoped3A_137, %add3A_136, %dma_wait3A_146] : memref<2x25x80xi32, #tpu.memory_space<vmem>> -> memref<1x1x80xi32, #tpu.memory_space<vmem>>
          %dma_wait3A_148 = tpu.memref_squeeze %dma_wait3A_147 : memref<1x1x80xi32, #tpu.memory_space<vmem>> -> memref<80xi32, #tpu.memory_space<vmem>>
          %dma_wait3A_149 = arith.constant 0 : i32
          %dma_wait3A_150 = arith.constant 0 : i32
          %dma_wait3A_151 = tpu.memref_slice %arg5[%dma_wait3A_149, %dma_wait3A_150] : memref<10000x128xf32, #tpu.memory_space<vmem_shared>> -> memref<10000x128xf32, #tpu.memory_space<vmem_shared>>
          tpu.wait_indirect_dma semaphore(%run_scoped3A_139 : memref<!tpu.dma_semaphore, #tpu.memory_space<semaphore_mem>>) src(%arg10 : memref<80x128xf32, #tpu.memory_space<vmem>>) dst(%dma_wait3A_151 : memref<10000x128xf32, #tpu.memory_space<vmem_shared>>)
          tpu.yield
        }) : () -> ()
        %scan3A_138 = arith.constant 0 : i32
        scf.yield %scan3A_138 : i32
      }
      %scan3A_47 = arith.constant 6 : i32
      %dma_start3A = arith.constant 0 : i32
      %dma_start3A_48 = arith.constant 24 : i32
      %dma_start3A_49 = arith.constant 0 : i32
      %dma_start3A_50 = tpu.memref_slice %arg6[%dma_start3A, %dma_start3A_48, %dma_start3A_49] : memref<2x25x80xi32, #tpu.memory_space<vmem>> -> memref<1x1x80xi32, #tpu.memory_space<vmem>>
      %dma_start3A_51 = tpu.memref_squeeze %dma_start3A_50 : memref<1x1x80xi32, #tpu.memory_space<vmem>> -> memref<80xi32, #tpu.memory_space<vmem>>
      %dma_start3A_52 = arith.constant 0 : i32
      %dma_start3A_53 = arith.constant 0 : i32
      %dma_start3A_54 = tpu.memref_slice %arg2[%dma_start3A_52, %dma_start3A_53] : memref<10000x128xf32, #tpu.memory_space<hbm>> -> memref<10000x128xf32, #tpu.memory_space<hbm>>
      tpu.enqueue_indirect_dma source(%dma_start3A_54 : memref<10000x128xf32, #tpu.memory_space<hbm>>) target(%arg7 : memref<80x128xf32, #tpu.memory_space<vmem>>) offsets(%dma_start3A_51 : memref<80xi32, #tpu.memory_space<vmem>>) semaphore(%arg11 : memref<!tpu.dma_semaphore, #tpu.memory_space<semaphore_mem>>)
      %dma_wait3A = arith.constant 0 : i32
      %dma_wait3A_55 = arith.constant 24 : i32
      %dma_wait3A_56 = arith.constant 0 : i32
      %dma_wait3A_57 = tpu.memref_slice %arg6[%dma_wait3A, %dma_wait3A_55, %dma_wait3A_56] : memref<2x25x80xi32, #tpu.memory_space<vmem>> -> memref<1x1x80xi32, #tpu.memory_space<vmem>>
      %dma_wait3A_58 = tpu.memref_squeeze %dma_wait3A_57 : memref<1x1x80xi32, #tpu.memory_space<vmem>> -> memref<80xi32, #tpu.memory_space<vmem>>
      %dma_wait3A_59 = arith.constant 0 : i32
      %dma_wait3A_60 = arith.constant 0 : i32
      %dma_wait3A_61 = tpu.memref_slice %arg2[%dma_wait3A_59, %dma_wait3A_60] : memref<10000x128xf32, #tpu.memory_space<hbm>> -> memref<10000x128xf32, #tpu.memory_space<hbm>>
      tpu.wait_indirect_dma semaphore(%arg11 : memref<!tpu.dma_semaphore, #tpu.memory_space<semaphore_mem>>) src(%dma_wait3A_61 : memref<10000x128xf32, #tpu.memory_space<hbm>>) dst(%arg7 : memref<80x128xf32, #tpu.memory_space<vmem>>)
      %run_scoped3A = arith.constant 1 : i32
      %run_scoped3A_62 = arith.constant 24 : i32
      "tpu.region"() ({
        %run_scoped3A_64 = tpu.sem_alloc : memref<!tpu.dma_semaphore, #tpu.memory_space<semaphore_mem>>
        %dma_start3A_65 = arith.constant 0 : i32
        %dma_start3A_66 = tpu.memref_slice %arg6[%run_scoped3A, %run_scoped3A_62, %dma_start3A_65] : memref<2x25x80xi32, #tpu.memory_space<vmem>> -> memref<1x1x80xi32, #tpu.memory_space<vmem>>
        %dma_start3A_67 = tpu.memref_squeeze %dma_start3A_66 : memref<1x1x80xi32, #tpu.memory_space<vmem>> -> memref<80xi32, #tpu.memory_space<vmem>>
        %dma_start3A_68 = arith.constant 0 : i32
        %dma_start3A_69 = arith.constant 0 : i32
        %dma_start3A_70 = tpu.memref_slice %arg5[%dma_start3A_68, %dma_start3A_69] : memref<10000x128xf32, #tpu.memory_space<vmem_shared>> -> memref<10000x128xf32, #tpu.memory_space<vmem_shared>>
        tpu.enqueue_indirect_dma source(%arg7 : memref<80x128xf32, #tpu.memory_space<vmem>>) target(%dma_start3A_70 : memref<10000x128xf32, #tpu.memory_space<vmem_shared>>) offsets(%dma_start3A_67 : memref<80xi32, #tpu.memory_space<vmem>>) semaphore(%run_scoped3A_64 : memref<!tpu.dma_semaphore, #tpu.memory_space<semaphore_mem>>) {add = true}
        %dma_wait3A_71 = arith.constant 0 : i32
        %dma_wait3A_72 = tpu.memref_slice %arg6[%run_scoped3A, %run_scoped3A_62, %dma_wait3A_71] : memref<2x25x80xi32, #tpu.memory_space<vmem>> -> memref<1x1x80xi32, #tpu.memory_space<vmem>>
        %dma_wait3A_73 = tpu.memref_squeeze %dma_wait3A_72 : memref<1x1x80xi32, #tpu.memory_space<vmem>> -> memref<80xi32, #tpu.memory_space<vmem>>
        %dma_wait3A_74 = arith.constant 0 : i32
        %dma_wait3A_75 = arith.constant 0 : i32
        %dma_wait3A_76 = tpu.memref_slice %arg5[%dma_wait3A_74, %dma_wait3A_75] : memref<10000x128xf32, #tpu.memory_space<vmem_shared>> -> memref<10000x128xf32, #tpu.memory_space<vmem_shared>>
        tpu.wait_indirect_dma semaphore(%run_scoped3A_64 : memref<!tpu.dma_semaphore, #tpu.memory_space<semaphore_mem>>) src(%arg7 : memref<80x128xf32, #tpu.memory_space<vmem>>) dst(%dma_wait3A_76 : memref<10000x128xf32, #tpu.memory_space<vmem_shared>>)
        tpu.yield
      }) : () -> ()
      %scan3A_63 = arith.constant 0 : i32
      scf.yield %scan3A_63 : i32
    }
    %scan3A_31 = arith.constant 5 : i32
    %barrier3A_32 = arith.constant 0 : index
    tpu.barrier barrier_id(%barrier3A_32)
    %eq3A = arith.constant 15 : i32
    %eq3A_33 = arith.cmpi eq, %arg1, %eq3A : i32
    %convert_element_type3A = arith.extui %eq3A_33 : i1 to i32
    %cond3A = arith.constant 0 : i32
    %cond3A_34 = arith.cmpi ne, %convert_element_type3A, %cond3A : i32
    scf.if %cond3A_34 {
      "tpu.region"() ({
        %run_scoped3A = tpu.sem_alloc : memref<!tpu.dma_semaphore, #tpu.memory_space<semaphore_mem>>
        %dma_start3A = arith.constant 0 : i32
        %dma_start3A_39 = tpu.memref_slice %arg4[%arg0, %mul3A_8, %dma_start3A] : memref<2x10000x128xf32, #tpu.memory_space<hbm>> -> memref<1x640x128xf32, #tpu.memory_space<hbm>>
        %dma_start3A_40 = tpu.memref_squeeze %dma_start3A_39 : memref<1x640x128xf32, #tpu.memory_space<hbm>> -> memref<640x128xf32, #tpu.memory_space<hbm>>
        %dma_start3A_41 = arith.constant 0 : i32
        %dma_start3A_42 = tpu.memref_slice %arg5[%mul3A_8, %dma_start3A_41] : memref<10000x128xf32, #tpu.memory_space<vmem_shared>> -> memref<640x128xf32, #tpu.memory_space<vmem_shared>>
        tpu.enqueue_dma source(%dma_start3A_42 : memref<640x128xf32, #tpu.memory_space<vmem_shared>>) target(%dma_start3A_40 : memref<640x128xf32, #tpu.memory_space<hbm>>) target_semaphore(%run_scoped3A : memref<!tpu.dma_semaphore, #tpu.memory_space<semaphore_mem>>)
        %dma_wait3A = arith.constant 0 : i32
        %dma_wait3A_43 = tpu.memref_slice %arg4[%arg0, %mul3A_8, %dma_wait3A] : memref<2x10000x128xf32, #tpu.memory_space<hbm>> -> memref<1x640x128xf32, #tpu.memory_space<hbm>>
        %dma_wait3A_44 = tpu.memref_squeeze %dma_wait3A_43 : memref<1x640x128xf32, #tpu.memory_space<hbm>> -> memref<640x128xf32, #tpu.memory_space<hbm>>
        %dma_wait3A_45 = arith.constant 0 : i32
        %dma_wait3A_46 = tpu.memref_slice %arg5[%mul3A_8, %dma_wait3A_45] : memref<10000x128xf32, #tpu.memory_space<vmem_shared>> -> memref<640x128xf32, #tpu.memory_space<vmem_shared>>
        tpu.wait_dma2 semaphore(%run_scoped3A : memref<!tpu.dma_semaphore, #tpu.memory_space<semaphore_mem>>) src(%dma_wait3A_46 : memref<640x128xf32, #tpu.memory_space<vmem_shared>>) dst(%dma_wait3A_44 : memref<640x128xf32, #tpu.memory_space<hbm>>)
        tpu.yield
      }) : () -> ()
    } else {
    }
    %ne3A = arith.constant 15 : i32
    %ne3A_35 = arith.cmpi ne, %arg1, %ne3A : i32
    %convert_element_type3A_36 = arith.extui %ne3A_35 : i1 to i32
    %cond3A_37 = arith.constant 0 : i32
    %cond3A_38 = arith.cmpi ne, %convert_element_type3A_36, %cond3A_37 : i32
    scf.if %cond3A_38 {
      "tpu.region"() ({
        %run_scoped3A = tpu.sem_alloc : memref<!tpu.dma_semaphore, #tpu.memory_space<semaphore_mem>>
        %dma_start3A = arith.constant 0 : i32
        %dma_start3A_39 = tpu.memref_slice %arg4[%arg0, %mul3A_8, %dma_start3A] : memref<2x10000x128xf32, #tpu.memory_space<hbm>> -> memref<1x624x128xf32, #tpu.memory_space<hbm>>
        %dma_start3A_40 = tpu.memref_squeeze %dma_start3A_39 : memref<1x624x128xf32, #tpu.memory_space<hbm>> -> memref<624x128xf32, #tpu.memory_space<hbm>>
        %dma_start3A_41 = arith.constant 0 : i32
        %dma_start3A_42 = tpu.memref_slice %arg5[%mul3A_8, %dma_start3A_41] : memref<10000x128xf32, #tpu.memory_space<vmem_shared>> -> memref<624x128xf32, #tpu.memory_space<vmem_shared>>
        tpu.enqueue_dma source(%dma_start3A_42 : memref<624x128xf32, #tpu.memory_space<vmem_shared>>) target(%dma_start3A_40 : memref<624x128xf32, #tpu.memory_space<hbm>>) target_semaphore(%run_scoped3A : memref<!tpu.dma_semaphore, #tpu.memory_space<semaphore_mem>>)
        %dma_wait3A = arith.constant 0 : i32
        %dma_wait3A_43 = tpu.memref_slice %arg4[%arg0, %mul3A_8, %dma_wait3A] : memref<2x10000x128xf32, #tpu.memory_space<hbm>> -> memref<1x624x128xf32, #tpu.memory_space<hbm>>
        %dma_wait3A_44 = tpu.memref_squeeze %dma_wait3A_43 : memref<1x624x128xf32, #tpu.memory_space<hbm>> -> memref<624x128xf32, #tpu.memory_space<hbm>>
        %dma_wait3A_45 = arith.constant 0 : i32
        %dma_wait3A_46 = tpu.memref_slice %arg5[%mul3A_8, %dma_wait3A_45] : memref<10000x128xf32, #tpu.memory_space<vmem_shared>> -> memref<624x128xf32, #tpu.memory_space<vmem_shared>>
        tpu.wait_dma2 semaphore(%run_scoped3A : memref<!tpu.dma_semaphore, #tpu.memory_space<semaphore_mem>>) src(%dma_wait3A_46 : memref<624x128xf32, #tpu.memory_space<vmem_shared>>) dst(%dma_wait3A_44 : memref<624x128xf32, #tpu.memory_space<hbm>>)
        tpu.yield
      }) : () -> ()
    } else {
    }
    return
  }
}

#map = affine_map<(d0, d1) -> (0, 0)>
#map1 = affine_map<(d0, d1) -> (0, 0, 0, 0, 0)>
#map2 = affine_map<(d0, d1) -> (0, 0, 0)>
module attributes {stable_mosaic.version = 14 : i64} {
  func.func @_agg_call(%arg0: i32, %arg1: i32, %arg2: memref<10000x128xf32, #tpu.memory_space<hbm>>, %arg3: memref<32x5x2x25x80xi32, #tpu.memory_space<hbm>>, %arg4: memref<2x10000x128xf32, #tpu.memory_space<hbm>>, %arg5: memref<10000x128xf32, #tpu.memory_space<vmem_shared>>, %arg6: memref<2x25x80xi32, #tpu.memory_space<vmem>>, %arg7: memref<80x128xf32, #tpu.memory_space<vmem>>, %arg8: memref<80x128xf32, #tpu.memory_space<vmem>>, %arg9: memref<80x128xf32, #tpu.memory_space<vmem>>, %arg10: memref<80x128xf32, #tpu.memory_space<vmem>>, %arg11: memref<!tpu.dma_semaphore, #tpu.memory_space<semaphore_mem>>, %arg12: memref<!tpu.dma_semaphore, #tpu.memory_space<semaphore_mem>>, %arg13: memref<!tpu.dma_semaphore, #tpu.memory_space<semaphore_mem>>, %arg14: memref<!tpu.dma_semaphore, #tpu.memory_space<semaphore_mem>>) attributes {dimension_semantics = [#tpu.dimension_semantics<core_parallel>, #tpu.dimension_semantics<subcore_parallel>], iteration_bounds = array<i64: 2, 16>, scalar_prefetch = 0 : i64, scratch_operands = 10 : i64, tpu.core_type = #tpu.core_type<sc_vector_subcore>, window_params = [{transform_indices = #map}, {transform_indices = #map1}, {transform_indices = #map2}]} {
    %mul3A = arith.constant 16 : i32
    %mul3A_0 = arith.muli %arg0, %mul3A : i32
    %add3A = arith.addi %mul3A_0, %arg1 : i32
    %scan3A = arith.constant 0 : i32
    %scan3A_1 = arith.constant 0 : i32
    %scan3A_2 = arith.constant 80 : i32
    %scan3A_3 = arith.addi %scan3A_1, %scan3A_2 : i32
    %scan3A_4 = arith.constant 1 : i32
    %scan3A_5 = scf.for %scan3A_39 = %scan3A_1 to %scan3A_3 step %scan3A_4 iter_args(%scan3A_40 = %scan3A) -> (i32)  : i32 {
      %broadcast_in_dim3A = arith.constant 0.000000e+00 : f32
      %broadcast_in_dim3A_41 = vector.broadcast %broadcast_in_dim3A : f32 to vector<16xf32>
      %swap3A = arith.index_cast %scan3A_39 : i32 to index
      %swap3A_42 = arith.constant 0 : index
      %swap3A_43 = tpu.vector_load %arg7[%swap3A, %swap3A_42] {strides = array<i32>} : memref<80x128xf32, #tpu.memory_space<vmem>>, vector<1x16xf32>,
      %swap3A_44 = vector.shape_cast %swap3A_43 : vector<1x16xf32> to vector<16xf32>
      %swap3A_45 = vector.shape_cast %broadcast_in_dim3A_41 : vector<16xf32> to vector<1x16xf32>
      tpu.vector_store %arg7[%swap3A, %swap3A_42], %swap3A_45 {strides = array<i32>} : memref<80x128xf32, #tpu.memory_space<vmem>>, vector<1x16xf32>,
      %broadcast_in_dim3A_46 = arith.constant 0.000000e+00 : f32
      %broadcast_in_dim3A_47 = vector.broadcast %broadcast_in_dim3A_46 : f32 to vector<16xf32>
      %swap3A_48 = arith.index_cast %scan3A_39 : i32 to index
      %swap3A_49 = arith.constant 16 : index
      %swap3A_50 = tpu.vector_load %arg7[%swap3A_48, %swap3A_49] {strides = array<i32>} : memref<80x128xf32, #tpu.memory_space<vmem>>, vector<1x16xf32>,
      %swap3A_51 = vector.shape_cast %swap3A_50 : vector<1x16xf32> to vector<16xf32>
      %swap3A_52 = vector.shape_cast %broadcast_in_dim3A_47 : vector<16xf32> to vector<1x16xf32>
      tpu.vector_store %arg7[%swap3A_48, %swap3A_49], %swap3A_52 {strides = array<i32>} : memref<80x128xf32, #tpu.memory_space<vmem>>, vector<1x16xf32>,
      %broadcast_in_dim3A_53 = arith.constant 0.000000e+00 : f32
      %broadcast_in_dim3A_54 = vector.broadcast %broadcast_in_dim3A_53 : f32 to vector<16xf32>
      %swap3A_55 = arith.index_cast %scan3A_39 : i32 to index
      %swap3A_56 = arith.constant 32 : index
      %swap3A_57 = tpu.vector_load %arg7[%swap3A_55, %swap3A_56] {strides = array<i32>} : memref<80x128xf32, #tpu.memory_space<vmem>>, vector<1x16xf32>,
      %swap3A_58 = vector.shape_cast %swap3A_57 : vector<1x16xf32> to vector<16xf32>
      %swap3A_59 = vector.shape_cast %broadcast_in_dim3A_54 : vector<16xf32> to vector<1x16xf32>
      tpu.vector_store %arg7[%swap3A_55, %swap3A_56], %swap3A_59 {strides = array<i32>} : memref<80x128xf32, #tpu.memory_space<vmem>>, vector<1x16xf32>,
      %broadcast_in_dim3A_60 = arith.constant 0.000000e+00 : f32
      %broadcast_in_dim3A_61 = vector.broadcast %broadcast_in_dim3A_60 : f32 to vector<16xf32>
      %swap3A_62 = arith.index_cast %scan3A_39 : i32 to index
      %swap3A_63 = arith.constant 48 : index
      %swap3A_64 = tpu.vector_load %arg7[%swap3A_62, %swap3A_63] {strides = array<i32>} : memref<80x128xf32, #tpu.memory_space<vmem>>, vector<1x16xf32>,
      %swap3A_65 = vector.shape_cast %swap3A_64 : vector<1x16xf32> to vector<16xf32>
      %swap3A_66 = vector.shape_cast %broadcast_in_dim3A_61 : vector<16xf32> to vector<1x16xf32>
      tpu.vector_store %arg7[%swap3A_62, %swap3A_63], %swap3A_66 {strides = array<i32>} : memref<80x128xf32, #tpu.memory_space<vmem>>, vector<1x16xf32>,
      %broadcast_in_dim3A_67 = arith.constant 0.000000e+00 : f32
      %broadcast_in_dim3A_68 = vector.broadcast %broadcast_in_dim3A_67 : f32 to vector<16xf32>
      %swap3A_69 = arith.index_cast %scan3A_39 : i32 to index
      %swap3A_70 = arith.constant 64 : index
      %swap3A_71 = tpu.vector_load %arg7[%swap3A_69, %swap3A_70] {strides = array<i32>} : memref<80x128xf32, #tpu.memory_space<vmem>>, vector<1x16xf32>,
      %swap3A_72 = vector.shape_cast %swap3A_71 : vector<1x16xf32> to vector<16xf32>
      %swap3A_73 = vector.shape_cast %broadcast_in_dim3A_68 : vector<16xf32> to vector<1x16xf32>
      tpu.vector_store %arg7[%swap3A_69, %swap3A_70], %swap3A_73 {strides = array<i32>} : memref<80x128xf32, #tpu.memory_space<vmem>>, vector<1x16xf32>,
      %broadcast_in_dim3A_74 = arith.constant 0.000000e+00 : f32
      %broadcast_in_dim3A_75 = vector.broadcast %broadcast_in_dim3A_74 : f32 to vector<16xf32>
      %swap3A_76 = arith.index_cast %scan3A_39 : i32 to index
      %swap3A_77 = arith.constant 80 : index
      %swap3A_78 = tpu.vector_load %arg7[%swap3A_76, %swap3A_77] {strides = array<i32>} : memref<80x128xf32, #tpu.memory_space<vmem>>, vector<1x16xf32>,
      %swap3A_79 = vector.shape_cast %swap3A_78 : vector<1x16xf32> to vector<16xf32>
      %swap3A_80 = vector.shape_cast %broadcast_in_dim3A_75 : vector<16xf32> to vector<1x16xf32>
      tpu.vector_store %arg7[%swap3A_76, %swap3A_77], %swap3A_80 {strides = array<i32>} : memref<80x128xf32, #tpu.memory_space<vmem>>, vector<1x16xf32>,
      %broadcast_in_dim3A_81 = arith.constant 0.000000e+00 : f32
      %broadcast_in_dim3A_82 = vector.broadcast %broadcast_in_dim3A_81 : f32 to vector<16xf32>
      %swap3A_83 = arith.index_cast %scan3A_39 : i32 to index
      %swap3A_84 = arith.constant 96 : index
      %swap3A_85 = tpu.vector_load %arg7[%swap3A_83, %swap3A_84] {strides = array<i32>} : memref<80x128xf32, #tpu.memory_space<vmem>>, vector<1x16xf32>,
      %swap3A_86 = vector.shape_cast %swap3A_85 : vector<1x16xf32> to vector<16xf32>
      %swap3A_87 = vector.shape_cast %broadcast_in_dim3A_82 : vector<16xf32> to vector<1x16xf32>
      tpu.vector_store %arg7[%swap3A_83, %swap3A_84], %swap3A_87 {strides = array<i32>} : memref<80x128xf32, #tpu.memory_space<vmem>>, vector<1x16xf32>,
      %broadcast_in_dim3A_88 = arith.constant 0.000000e+00 : f32
      %broadcast_in_dim3A_89 = vector.broadcast %broadcast_in_dim3A_88 : f32 to vector<16xf32>
      %swap3A_90 = arith.index_cast %scan3A_39 : i32 to index
      %swap3A_91 = arith.constant 112 : index
      %swap3A_92 = tpu.vector_load %arg7[%swap3A_90, %swap3A_91] {strides = array<i32>} : memref<80x128xf32, #tpu.memory_space<vmem>>, vector<1x16xf32>,
      %swap3A_93 = vector.shape_cast %swap3A_92 : vector<1x16xf32> to vector<16xf32>
      %swap3A_94 = vector.shape_cast %broadcast_in_dim3A_89 : vector<16xf32> to vector<1x16xf32>
      tpu.vector_store %arg7[%swap3A_90, %swap3A_91], %swap3A_94 {strides = array<i32>} : memref<80x128xf32, #tpu.memory_space<vmem>>, vector<1x16xf32>,
      %scan3A_95 = arith.constant 0 : i32
      scf.yield %scan3A_95 : i32
    }
    %scan3A_6 = arith.constant 80 : i32
    %mul3A_7 = arith.constant 624 : i32
    %mul3A_8 = arith.muli %arg1, %mul3A_7 : i32
    %add3A_9 = arith.constant 0 : i32
    %add3A_10 = arith.addi %mul3A_8, %add3A_9 : i32
    "tpu.region"() ({
      %run_scoped3A = tpu.sem_alloc : memref<!tpu.dma_semaphore, #tpu.memory_space<semaphore_mem>>
      %dma_start3A = arith.constant 0 : i32
      %dma_start3A_39 = tpu.memref_slice %arg5[%add3A_10, %dma_start3A] : memref<10000x128xf32, #tpu.memory_space<vmem_shared>> -> memref<80x128xf32, #tpu.memory_space<vmem_shared>>
      %dma_start3A_40 = arith.constant 0 : i32
      %dma_start3A_41 = tpu.memref_slice %arg5[%add3A_10, %dma_start3A_40] : memref<10000x128xf32, #tpu.memory_space<vmem_shared>> -> memref<80x128xf32, #tpu.memory_space<vmem_shared>>
      tpu.enqueue_dma source(%arg7 : memref<80x128xf32, #tpu.memory_space<vmem>>) target(%dma_start3A_41 : memref<80x128xf32, #tpu.memory_space<vmem_shared>>) target_semaphore(%run_scoped3A : memref<!tpu.dma_semaphore, #tpu.memory_space<semaphore_mem>>)
      %dma_wait3A = arith.constant 0 : i32
      %dma_wait3A_42 = tpu.memref_slice %arg5[%add3A_10, %dma_wait3A] : memref<10000x128xf32, #tpu.memory_space<vmem_shared>> -> memref<80x128xf32, #tpu.memory_space<vmem_shared>>
      %dma_wait3A_43 = arith.constant 0 : i32
      %dma_wait3A_44 = tpu.memref_slice %arg5[%add3A_10, %dma_wait3A_43] : memref<10000x128xf32, #tpu.memory_space<vmem_shared>> -> memref<80x128xf32, #tpu.memory_space<vmem_shared>>
      tpu.wait_dma2 semaphore(%run_scoped3A : memref<!tpu.dma_semaphore, #tpu.memory_space<semaphore_mem>>) src(%arg7 : memref<80x128xf32, #tpu.memory_space<vmem>>) dst(%dma_wait3A_44 : memref<80x128xf32, #tpu.memory_space<vmem_shared>>)
      tpu.yield
    }) : () -> ()
    %add3A_11 = arith.constant 80 : i32
    %add3A_12 = arith.addi %mul3A_8, %add3A_11 : i32
    "tpu.region"() ({
      %run_scoped3A = tpu.sem_alloc : memref<!tpu.dma_semaphore, #tpu.memory_space<semaphore_mem>>
      %dma_start3A = arith.constant 0 : i32
      %dma_start3A_39 = tpu.memref_slice %arg5[%add3A_12, %dma_start3A] : memref<10000x128xf32, #tpu.memory_space<vmem_shared>> -> memref<80x128xf32, #tpu.memory_space<vmem_shared>>
      %dma_start3A_40 = arith.constant 0 : i32
      %dma_start3A_41 = tpu.memref_slice %arg5[%add3A_12, %dma_start3A_40] : memref<10000x128xf32, #tpu.memory_space<vmem_shared>> -> memref<80x128xf32, #tpu.memory_space<vmem_shared>>
      tpu.enqueue_dma source(%arg7 : memref<80x128xf32, #tpu.memory_space<vmem>>) target(%dma_start3A_41 : memref<80x128xf32, #tpu.memory_space<vmem_shared>>) target_semaphore(%run_scoped3A : memref<!tpu.dma_semaphore, #tpu.memory_space<semaphore_mem>>)
      %dma_wait3A = arith.constant 0 : i32
      %dma_wait3A_42 = tpu.memref_slice %arg5[%add3A_12, %dma_wait3A] : memref<10000x128xf32, #tpu.memory_space<vmem_shared>> -> memref<80x128xf32, #tpu.memory_space<vmem_shared>>
      %dma_wait3A_43 = arith.constant 0 : i32
      %dma_wait3A_44 = tpu.memref_slice %arg5[%add3A_12, %dma_wait3A_43] : memref<10000x128xf32, #tpu.memory_space<vmem_shared>> -> memref<80x128xf32, #tpu.memory_space<vmem_shared>>
      tpu.wait_dma2 semaphore(%run_scoped3A : memref<!tpu.dma_semaphore, #tpu.memory_space<semaphore_mem>>) src(%arg7 : memref<80x128xf32, #tpu.memory_space<vmem>>) dst(%dma_wait3A_44 : memref<80x128xf32, #tpu.memory_space<vmem_shared>>)
      tpu.yield
    }) : () -> ()
    %add3A_13 = arith.constant 160 : i32
    %add3A_14 = arith.addi %mul3A_8, %add3A_13 : i32
    "tpu.region"() ({
      %run_scoped3A = tpu.sem_alloc : memref<!tpu.dma_semaphore, #tpu.memory_space<semaphore_mem>>
      %dma_start3A = arith.constant 0 : i32
      %dma_start3A_39 = tpu.memref_slice %arg5[%add3A_14, %dma_start3A] : memref<10000x128xf32, #tpu.memory_space<vmem_shared>> -> memref<80x128xf32, #tpu.memory_space<vmem_shared>>
      %dma_start3A_40 = arith.constant 0 : i32
      %dma_start3A_41 = tpu.memref_slice %arg5[%add3A_14, %dma_start3A_40] : memref<10000x128xf32, #tpu.memory_space<vmem_shared>> -> memref<80x128xf32, #tpu.memory_space<vmem_shared>>
      tpu.enqueue_dma source(%arg7 : memref<80x128xf32, #tpu.memory_space<vmem>>) target(%dma_start3A_41 : memref<80x128xf32, #tpu.memory_space<vmem_shared>>) target_semaphore(%run_scoped3A : memref<!tpu.dma_semaphore, #tpu.memory_space<semaphore_mem>>)
      %dma_wait3A = arith.constant 0 : i32
      %dma_wait3A_42 = tpu.memref_slice %arg5[%add3A_14, %dma_wait3A] : memref<10000x128xf32, #tpu.memory_space<vmem_shared>> -> memref<80x128xf32, #tpu.memory_space<vmem_shared>>
      %dma_wait3A_43 = arith.constant 0 : i32
      %dma_wait3A_44 = tpu.memref_slice %arg5[%add3A_14, %dma_wait3A_43] : memref<10000x128xf32, #tpu.memory_space<vmem_shared>> -> memref<80x128xf32, #tpu.memory_space<vmem_shared>>
      tpu.wait_dma2 semaphore(%run_scoped3A : memref<!tpu.dma_semaphore, #tpu.memory_space<semaphore_mem>>) src(%arg7 : memref<80x128xf32, #tpu.memory_space<vmem>>) dst(%dma_wait3A_44 : memref<80x128xf32, #tpu.memory_space<vmem_shared>>)
      tpu.yield
    }) : () -> ()
    %add3A_15 = arith.constant 240 : i32
    %add3A_16 = arith.addi %mul3A_8, %add3A_15 : i32
    "tpu.region"() ({
      %run_scoped3A = tpu.sem_alloc : memref<!tpu.dma_semaphore, #tpu.memory_space<semaphore_mem>>
      %dma_start3A = arith.constant 0 : i32
      %dma_start3A_39 = tpu.memref_slice %arg5[%add3A_16, %dma_start3A] : memref<10000x128xf32, #tpu.memory_space<vmem_shared>> -> memref<80x128xf32, #tpu.memory_space<vmem_shared>>
      %dma_start3A_40 = arith.constant 0 : i32
      %dma_start3A_41 = tpu.memref_slice %arg5[%add3A_16, %dma_start3A_40] : memref<10000x128xf32, #tpu.memory_space<vmem_shared>> -> memref<80x128xf32, #tpu.memory_space<vmem_shared>>
      tpu.enqueue_dma source(%arg7 : memref<80x128xf32, #tpu.memory_space<vmem>>) target(%dma_start3A_41 : memref<80x128xf32, #tpu.memory_space<vmem_shared>>) target_semaphore(%run_scoped3A : memref<!tpu.dma_semaphore, #tpu.memory_space<semaphore_mem>>)
      %dma_wait3A = arith.constant 0 : i32
      %dma_wait3A_42 = tpu.memref_slice %arg5[%add3A_16, %dma_wait3A] : memref<10000x128xf32, #tpu.memory_space<vmem_shared>> -> memref<80x128xf32, #tpu.memory_space<vmem_shared>>
      %dma_wait3A_43 = arith.constant 0 : i32
      %dma_wait3A_44 = tpu.memref_slice %arg5[%add3A_16, %dma_wait3A_43] : memref<10000x128xf32, #tpu.memory_space<vmem_shared>> -> memref<80x128xf32, #tpu.memory_space<vmem_shared>>
      tpu.wait_dma2 semaphore(%run_scoped3A : memref<!tpu.dma_semaphore, #tpu.memory_space<semaphore_mem>>) src(%arg7 : memref<80x128xf32, #tpu.memory_space<vmem>>) dst(%dma_wait3A_44 : memref<80x128xf32, #tpu.memory_space<vmem_shared>>)
      tpu.yield
    }) : () -> ()
    %add3A_17 = arith.constant 320 : i32
    %add3A_18 = arith.addi %mul3A_8, %add3A_17 : i32
    "tpu.region"() ({
      %run_scoped3A = tpu.sem_alloc : memref<!tpu.dma_semaphore, #tpu.memory_space<semaphore_mem>>
      %dma_start3A = arith.constant 0 : i32
      %dma_start3A_39 = tpu.memref_slice %arg5[%add3A_18, %dma_start3A] : memref<10000x128xf32, #tpu.memory_space<vmem_shared>> -> memref<80x128xf32, #tpu.memory_space<vmem_shared>>
      %dma_start3A_40 = arith.constant 0 : i32
      %dma_start3A_41 = tpu.memref_slice %arg5[%add3A_18, %dma_start3A_40] : memref<10000x128xf32, #tpu.memory_space<vmem_shared>> -> memref<80x128xf32, #tpu.memory_space<vmem_shared>>
      tpu.enqueue_dma source(%arg7 : memref<80x128xf32, #tpu.memory_space<vmem>>) target(%dma_start3A_41 : memref<80x128xf32, #tpu.memory_space<vmem_shared>>) target_semaphore(%run_scoped3A : memref<!tpu.dma_semaphore, #tpu.memory_space<semaphore_mem>>)
      %dma_wait3A = arith.constant 0 : i32
      %dma_wait3A_42 = tpu.memref_slice %arg5[%add3A_18, %dma_wait3A] : memref<10000x128xf32, #tpu.memory_space<vmem_shared>> -> memref<80x128xf32, #tpu.memory_space<vmem_shared>>
      %dma_wait3A_43 = arith.constant 0 : i32
      %dma_wait3A_44 = tpu.memref_slice %arg5[%add3A_18, %dma_wait3A_43] : memref<10000x128xf32, #tpu.memory_space<vmem_shared>> -> memref<80x128xf32, #tpu.memory_space<vmem_shared>>
      tpu.wait_dma2 semaphore(%run_scoped3A : memref<!tpu.dma_semaphore, #tpu.memory_space<semaphore_mem>>) src(%arg7 : memref<80x128xf32, #tpu.memory_space<vmem>>) dst(%dma_wait3A_44 : memref<80x128xf32, #tpu.memory_space<vmem_shared>>)
      tpu.yield
    }) : () -> ()
    %add3A_19 = arith.constant 400 : i32
    %add3A_20 = arith.addi %mul3A_8, %add3A_19 : i32
    "tpu.region"() ({
      %run_scoped3A = tpu.sem_alloc : memref<!tpu.dma_semaphore, #tpu.memory_space<semaphore_mem>>
      %dma_start3A = arith.constant 0 : i32
      %dma_start3A_39 = tpu.memref_slice %arg5[%add3A_20, %dma_start3A] : memref<10000x128xf32, #tpu.memory_space<vmem_shared>> -> memref<80x128xf32, #tpu.memory_space<vmem_shared>>
      %dma_start3A_40 = arith.constant 0 : i32
      %dma_start3A_41 = tpu.memref_slice %arg5[%add3A_20, %dma_start3A_40] : memref<10000x128xf32, #tpu.memory_space<vmem_shared>> -> memref<80x128xf32, #tpu.memory_space<vmem_shared>>
      tpu.enqueue_dma source(%arg7 : memref<80x128xf32, #tpu.memory_space<vmem>>) target(%dma_start3A_41 : memref<80x128xf32, #tpu.memory_space<vmem_shared>>) target_semaphore(%run_scoped3A : memref<!tpu.dma_semaphore, #tpu.memory_space<semaphore_mem>>)
      %dma_wait3A = arith.constant 0 : i32
      %dma_wait3A_42 = tpu.memref_slice %arg5[%add3A_20, %dma_wait3A] : memref<10000x128xf32, #tpu.memory_space<vmem_shared>> -> memref<80x128xf32, #tpu.memory_space<vmem_shared>>
      %dma_wait3A_43 = arith.constant 0 : i32
      %dma_wait3A_44 = tpu.memref_slice %arg5[%add3A_20, %dma_wait3A_43] : memref<10000x128xf32, #tpu.memory_space<vmem_shared>> -> memref<80x128xf32, #tpu.memory_space<vmem_shared>>
      tpu.wait_dma2 semaphore(%run_scoped3A : memref<!tpu.dma_semaphore, #tpu.memory_space<semaphore_mem>>) src(%arg7 : memref<80x128xf32, #tpu.memory_space<vmem>>) dst(%dma_wait3A_44 : memref<80x128xf32, #tpu.memory_space<vmem_shared>>)
      tpu.yield
    }) : () -> ()
    %add3A_21 = arith.constant 480 : i32
    %add3A_22 = arith.addi %mul3A_8, %add3A_21 : i32
    "tpu.region"() ({
      %run_scoped3A = tpu.sem_alloc : memref<!tpu.dma_semaphore, #tpu.memory_space<semaphore_mem>>
      %dma_start3A = arith.constant 0 : i32
      %dma_start3A_39 = tpu.memref_slice %arg5[%add3A_22, %dma_start3A] : memref<10000x128xf32, #tpu.memory_space<vmem_shared>> -> memref<80x128xf32, #tpu.memory_space<vmem_shared>>
      %dma_start3A_40 = arith.constant 0 : i32
      %dma_start3A_41 = tpu.memref_slice %arg5[%add3A_22, %dma_start3A_40] : memref<10000x128xf32, #tpu.memory_space<vmem_shared>> -> memref<80x128xf32, #tpu.memory_space<vmem_shared>>
      tpu.enqueue_dma source(%arg7 : memref<80x128xf32, #tpu.memory_space<vmem>>) target(%dma_start3A_41 : memref<80x128xf32, #tpu.memory_space<vmem_shared>>) target_semaphore(%run_scoped3A : memref<!tpu.dma_semaphore, #tpu.memory_space<semaphore_mem>>)
      %dma_wait3A = arith.constant 0 : i32
      %dma_wait3A_42 = tpu.memref_slice %arg5[%add3A_22, %dma_wait3A] : memref<10000x128xf32, #tpu.memory_space<vmem_shared>> -> memref<80x128xf32, #tpu.memory_space<vmem_shared>>
      %dma_wait3A_43 = arith.constant 0 : i32
      %dma_wait3A_44 = tpu.memref_slice %arg5[%add3A_22, %dma_wait3A_43] : memref<10000x128xf32, #tpu.memory_space<vmem_shared>> -> memref<80x128xf32, #tpu.memory_space<vmem_shared>>
      tpu.wait_dma2 semaphore(%run_scoped3A : memref<!tpu.dma_semaphore, #tpu.memory_space<semaphore_mem>>) src(%arg7 : memref<80x128xf32, #tpu.memory_space<vmem>>) dst(%dma_wait3A_44 : memref<80x128xf32, #tpu.memory_space<vmem_shared>>)
      tpu.yield
    }) : () -> ()
    %add3A_23 = arith.constant 560 : i32
    %add3A_24 = arith.addi %mul3A_8, %add3A_23 : i32
    "tpu.region"() ({
      %run_scoped3A = tpu.sem_alloc : memref<!tpu.dma_semaphore, #tpu.memory_space<semaphore_mem>>
      %dma_start3A = arith.constant 0 : i32
      %dma_start3A_39 = tpu.memref_slice %arg5[%add3A_24, %dma_start3A] : memref<10000x128xf32, #tpu.memory_space<vmem_shared>> -> memref<80x128xf32, #tpu.memory_space<vmem_shared>>
      %dma_start3A_40 = arith.constant 0 : i32
      %dma_start3A_41 = tpu.memref_slice %arg5[%add3A_24, %dma_start3A_40] : memref<10000x128xf32, #tpu.memory_space<vmem_shared>> -> memref<80x128xf32, #tpu.memory_space<vmem_shared>>
      tpu.enqueue_dma source(%arg7 : memref<80x128xf32, #tpu.memory_space<vmem>>) target(%dma_start3A_41 : memref<80x128xf32, #tpu.memory_space<vmem_shared>>) target_semaphore(%run_scoped3A : memref<!tpu.dma_semaphore, #tpu.memory_space<semaphore_mem>>)
      %dma_wait3A = arith.constant 0 : i32
      %dma_wait3A_42 = tpu.memref_slice %arg5[%add3A_24, %dma_wait3A] : memref<10000x128xf32, #tpu.memory_space<vmem_shared>> -> memref<80x128xf32, #tpu.memory_space<vmem_shared>>
      %dma_wait3A_43 = arith.constant 0 : i32
      %dma_wait3A_44 = tpu.memref_slice %arg5[%add3A_24, %dma_wait3A_43] : memref<10000x128xf32, #tpu.memory_space<vmem_shared>> -> memref<80x128xf32, #tpu.memory_space<vmem_shared>>
      tpu.wait_dma2 semaphore(%run_scoped3A : memref<!tpu.dma_semaphore, #tpu.memory_space<semaphore_mem>>) src(%arg7 : memref<80x128xf32, #tpu.memory_space<vmem>>) dst(%dma_wait3A_44 : memref<80x128xf32, #tpu.memory_space<vmem_shared>>)
      tpu.yield
    }) : () -> ()
    %barrier3A = arith.constant 0 : index
    tpu.barrier barrier_id(%barrier3A)
    %scan3A_25 = arith.constant 0 : i32
    %scan3A_26 = arith.constant 0 : i32
    %scan3A_27 = arith.constant 5 : i32
    %scan3A_28 = arith.addi %scan3A_26, %scan3A_27 : i32
    %scan3A_29 = arith.constant 1 : i32
    %scan3A_30 = scf.for %scan3A_39 = %scan3A_26 to %scan3A_28 step %scan3A_29 iter_args(%scan3A_40 = %scan3A_25) -> (i32)  : i32 {
      "tpu.region"() ({
        %run_scoped3A_64 = tpu.sem_alloc : memref<!tpu.dma_semaphore, #tpu.memory_space<semaphore_mem>>
        %dma_start3A_65 = arith.constant 0 : i32
        %dma_start3A_66 = arith.constant 0 : i32
        %dma_start3A_67 = arith.constant 0 : i32
        %dma_start3A_68 = tpu.memref_slice %arg3[%add3A, %scan3A_39, %dma_start3A_65, %dma_start3A_66, %dma_start3A_67] : memref<32x5x2x25x80xi32, #tpu.memory_space<hbm>> -> memref<1x1x2x25x80xi32, #tpu.memory_space<hbm>>
        %dma_start3A_69 = tpu.memref_squeeze %dma_start3A_68 : memref<1x1x2x25x80xi32, #tpu.memory_space<hbm>> -> memref<2x25x80xi32, #tpu.memory_space<hbm>>
        %dma_start3A_70 = arith.constant 0 : i32
        %dma_start3A_71 = arith.constant 0 : i32
        %dma_start3A_72 = arith.constant 0 : i32
        %dma_start3A_73 = tpu.memref_slice %arg3[%add3A, %scan3A_39, %dma_start3A_70, %dma_start3A_71, %dma_start3A_72] : memref<32x5x2x25x80xi32, #tpu.memory_space<hbm>> -> memref<1x1x2x25x80xi32, #tpu.memory_space<hbm>>
        %dma_start3A_74 = tpu.memref_squeeze %dma_start3A_73 : memref<1x1x2x25x80xi32, #tpu.memory_space<hbm>> -> memref<2x25x80xi32, #tpu.memory_space<hbm>>
        tpu.enqueue_dma source(%dma_start3A_74 : memref<2x25x80xi32, #tpu.memory_space<hbm>>) target(%arg6 : memref<2x25x80xi32, #tpu.memory_space<vmem>>) target_semaphore(%run_scoped3A_64 : memref<!tpu.dma_semaphore, #tpu.memory_space<semaphore_mem>>)
        %dma_wait3A_75 = arith.constant 0 : i32
        %dma_wait3A_76 = arith.constant 0 : i32
        %dma_wait3A_77 = arith.constant 0 : i32
        %dma_wait3A_78 = tpu.memref_slice %arg3[%add3A, %scan3A_39, %dma_wait3A_75, %dma_wait3A_76, %dma_wait3A_77] : memref<32x5x2x25x80xi32, #tpu.memory_space<hbm>> -> memref<1x1x2x25x80xi32, #tpu.memory_space<hbm>>
        %dma_wait3A_79 = tpu.memref_squeeze %dma_wait3A_78 : memref<1x1x2x25x80xi32, #tpu.memory_space<hbm>> -> memref<2x25x80xi32, #tpu.memory_space<hbm>>
        %dma_wait3A_80 = arith.constant 0 : i32
        %dma_wait3A_81 = arith.constant 0 : i32
        %dma_wait3A_82 = arith.constant 0 : i32
        %dma_wait3A_83 = tpu.memref_slice %arg3[%add3A, %scan3A_39, %dma_wait3A_80, %dma_wait3A_81, %dma_wait3A_82] : memref<32x5x2x25x80xi32, #tpu.memory_space<hbm>> -> memref<1x1x2x25x80xi32, #tpu.memory_space<hbm>>
        %dma_wait3A_84 = tpu.memref_squeeze %dma_wait3A_83 : memref<1x1x2x25x80xi32, #tpu.memory_space<hbm>> -> memref<2x25x80xi32, #tpu.memory_space<hbm>>
        tpu.wait_dma2 semaphore(%run_scoped3A_64 : memref<!tpu.dma_semaphore, #tpu.memory_space<semaphore_mem>>) src(%dma_wait3A_84 : memref<2x25x80xi32, #tpu.memory_space<hbm>>) dst(%arg6 : memref<2x25x80xi32, #tpu.memory_space<vmem>>)
        tpu.yield
      }) : () -> ()
      %scan3A_41 = arith.constant 0 : i32
      %scan3A_42 = arith.constant 0 : i32
      %scan3A_43 = arith.constant 6 : i32
      %scan3A_44 = arith.addi %scan3A_42, %scan3A_43 : i32
      %scan3A_45 = arith.constant 1 : i32
      %scan3A_46 = scf.for %scan3A_64 = %scan3A_42 to %scan3A_44 step %scan3A_45 iter_args(%scan3A_65 = %scan3A_41) -> (i32)  : i32 {
        %dma_start3A_66 = arith.constant 0 : i32
        %dma_start3A_67 = arith.constant 0 : i32
        %dma_start3A_68 = tpu.memref_slice %arg6[%dma_start3A_66, %scan3A_64, %dma_start3A_67] : memref<2x25x80xi32, #tpu.memory_space<vmem>> -> memref<1x1x80xi32, #tpu.memory_space<vmem>>
        %dma_start3A_69 = tpu.memref_squeeze %dma_start3A_68 : memref<1x1x80xi32, #tpu.memory_space<vmem>> -> memref<80xi32, #tpu.memory_space<vmem>>
        %dma_start3A_70 = arith.constant 0 : i32
        %dma_start3A_71 = arith.constant 0 : i32
        %dma_start3A_72 = tpu.memref_slice %arg2[%dma_start3A_70, %dma_start3A_71] : memref<10000x128xf32, #tpu.memory_space<hbm>> -> memref<10000x128xf32, #tpu.memory_space<hbm>>
        tpu.enqueue_indirect_dma source(%dma_start3A_72 : memref<10000x128xf32, #tpu.memory_space<hbm>>) target(%arg7 : memref<80x128xf32, #tpu.memory_space<vmem>>) offsets(%dma_start3A_69 : memref<80xi32, #tpu.memory_space<vmem>>) semaphore(%arg11 : memref<!tpu.dma_semaphore, #tpu.memory_space<semaphore_mem>>)
        %add3A_73 = arith.constant 6 : i32
        %add3A_74 = arith.addi %scan3A_64, %add3A_73 : i32
        %dma_start3A_75 = arith.constant 0 : i32
        %dma_start3A_76 = arith.constant 0 : i32
        %dma_start3A_77 = tpu.memref_slice %arg6[%dma_start3A_75, %add3A_74, %dma_start3A_76] : memref<2x25x80xi32, #tpu.memory_space<vmem>> -> memref<1x1x80xi32, #tpu.memory_space<vmem>>
        %dma_start3A_78 = tpu.memref_squeeze %dma_start3A_77 : memref<1x1x80xi32, #tpu.memory_space<vmem>> -> memref<80xi32, #tpu.memory_space<vmem>>
        %dma_start3A_79 = arith.constant 0 : i32
        %dma_start3A_80 = arith.constant 0 : i32
        %dma_start3A_81 = tpu.memref_slice %arg2[%dma_start3A_79, %dma_start3A_80] : memref<10000x128xf32, #tpu.memory_space<hbm>> -> memref<10000x128xf32, #tpu.memory_space<hbm>>
        tpu.enqueue_indirect_dma source(%dma_start3A_81 : memref<10000x128xf32, #tpu.memory_space<hbm>>) target(%arg8 : memref<80x128xf32, #tpu.memory_space<vmem>>) offsets(%dma_start3A_78 : memref<80xi32, #tpu.memory_space<vmem>>) semaphore(%arg12 : memref<!tpu.dma_semaphore, #tpu.memory_space<semaphore_mem>>)
        %add3A_82 = arith.constant 12 : i32
        %add3A_83 = arith.addi %scan3A_64, %add3A_82 : i32
        %dma_start3A_84 = arith.constant 0 : i32
        %dma_start3A_85 = arith.constant 0 : i32
        %dma_start3A_86 = tpu.memref_slice %arg6[%dma_start3A_84, %add3A_83, %dma_start3A_85] : memref<2x25x80xi32, #tpu.memory_space<vmem>> -> memref<1x1x80xi32, #tpu.memory_space<vmem>>
        %dma_start3A_87 = tpu.memref_squeeze %dma_start3A_86 : memref<1x1x80xi32, #tpu.memory_space<vmem>> -> memref<80xi32, #tpu.memory_space<vmem>>
        %dma_start3A_88 = arith.constant 0 : i32
        %dma_start3A_89 = arith.constant 0 : i32
        %dma_start3A_90 = tpu.memref_slice %arg2[%dma_start3A_88, %dma_start3A_89] : memref<10000x128xf32, #tpu.memory_space<hbm>> -> memref<10000x128xf32, #tpu.memory_space<hbm>>
        tpu.enqueue_indirect_dma source(%dma_start3A_90 : memref<10000x128xf32, #tpu.memory_space<hbm>>) target(%arg9 : memref<80x128xf32, #tpu.memory_space<vmem>>) offsets(%dma_start3A_87 : memref<80xi32, #tpu.memory_space<vmem>>) semaphore(%arg13 : memref<!tpu.dma_semaphore, #tpu.memory_space<semaphore_mem>>)
        %add3A_91 = arith.constant 18 : i32
        %add3A_92 = arith.addi %scan3A_64, %add3A_91 : i32
        %dma_start3A_93 = arith.constant 0 : i32
        %dma_start3A_94 = arith.constant 0 : i32
        %dma_start3A_95 = tpu.memref_slice %arg6[%dma_start3A_93, %add3A_92, %dma_start3A_94] : memref<2x25x80xi32, #tpu.memory_space<vmem>> -> memref<1x1x80xi32, #tpu.memory_space<vmem>>
        %dma_start3A_96 = tpu.memref_squeeze %dma_start3A_95 : memref<1x1x80xi32, #tpu.memory_space<vmem>> -> memref<80xi32, #tpu.memory_space<vmem>>
        %dma_start3A_97 = arith.constant 0 : i32
        %dma_start3A_98 = arith.constant 0 : i32
        %dma_start3A_99 = tpu.memref_slice %arg2[%dma_start3A_97, %dma_start3A_98] : memref<10000x128xf32, #tpu.memory_space<hbm>> -> memref<10000x128xf32, #tpu.memory_space<hbm>>
        tpu.enqueue_indirect_dma source(%dma_start3A_99 : memref<10000x128xf32, #tpu.memory_space<hbm>>) target(%arg10 : memref<80x128xf32, #tpu.memory_space<vmem>>) offsets(%dma_start3A_96 : memref<80xi32, #tpu.memory_space<vmem>>) semaphore(%arg14 : memref<!tpu.dma_semaphore, #tpu.memory_space<semaphore_mem>>)
        %dma_wait3A_100 = arith.constant 0 : i32
        %dma_wait3A_101 = arith.constant 0 : i32
        %dma_wait3A_102 = tpu.memref_slice %arg6[%dma_wait3A_100, %scan3A_64, %dma_wait3A_101] : memref<2x25x80xi32, #tpu.memory_space<vmem>> -> memref<1x1x80xi32, #tpu.memory_space<vmem>>
        %dma_wait3A_103 = tpu.memref_squeeze %dma_wait3A_102 : memref<1x1x80xi32, #tpu.memory_space<vmem>> -> memref<80xi32, #tpu.memory_space<vmem>>
        %dma_wait3A_104 = arith.constant 0 : i32
        %dma_wait3A_105 = arith.constant 0 : i32
        %dma_wait3A_106 = tpu.memref_slice %arg2[%dma_wait3A_104, %dma_wait3A_105] : memref<10000x128xf32, #tpu.memory_space<hbm>> -> memref<10000x128xf32, #tpu.memory_space<hbm>>
        tpu.wait_indirect_dma semaphore(%arg11 : memref<!tpu.dma_semaphore, #tpu.memory_space<semaphore_mem>>) src(%dma_wait3A_106 : memref<10000x128xf32, #tpu.memory_space<hbm>>) dst(%arg7 : memref<80x128xf32, #tpu.memory_space<vmem>>)
        %run_scoped3A_107 = arith.constant 1 : i32
        "tpu.region"() ({
          %run_scoped3A_139 = tpu.sem_alloc : memref<!tpu.dma_semaphore, #tpu.memory_space<semaphore_mem>>
          %dma_start3A_140 = arith.constant 0 : i32
          %dma_start3A_141 = tpu.memref_slice %arg6[%run_scoped3A_107, %scan3A_64, %dma_start3A_140] : memref<2x25x80xi32, #tpu.memory_space<vmem>> -> memref<1x1x80xi32, #tpu.memory_space<vmem>>
          %dma_start3A_142 = tpu.memref_squeeze %dma_start3A_141 : memref<1x1x80xi32, #tpu.memory_space<vmem>> -> memref<80xi32, #tpu.memory_space<vmem>>
          %dma_start3A_143 = arith.constant 0 : i32
          %dma_start3A_144 = arith.constant 0 : i32
          %dma_start3A_145 = tpu.memref_slice %arg5[%dma_start3A_143, %dma_start3A_144] : memref<10000x128xf32, #tpu.memory_space<vmem_shared>> -> memref<10000x128xf32, #tpu.memory_space<vmem_shared>>
          tpu.enqueue_indirect_dma source(%arg7 : memref<80x128xf32, #tpu.memory_space<vmem>>) target(%dma_start3A_145 : memref<10000x128xf32, #tpu.memory_space<vmem_shared>>) offsets(%dma_start3A_142 : memref<80xi32, #tpu.memory_space<vmem>>) semaphore(%run_scoped3A_139 : memref<!tpu.dma_semaphore, #tpu.memory_space<semaphore_mem>>) {add = true}
          %dma_wait3A_146 = arith.constant 0 : i32
          %dma_wait3A_147 = tpu.memref_slice %arg6[%run_scoped3A_107, %scan3A_64, %dma_wait3A_146] : memref<2x25x80xi32, #tpu.memory_space<vmem>> -> memref<1x1x80xi32, #tpu.memory_space<vmem>>
          %dma_wait3A_148 = tpu.memref_squeeze %dma_wait3A_147 : memref<1x1x80xi32, #tpu.memory_space<vmem>> -> memref<80xi32, #tpu.memory_space<vmem>>
          %dma_wait3A_149 = arith.constant 0 : i32
          %dma_wait3A_150 = arith.constant 0 : i32
          %dma_wait3A_151 = tpu.memref_slice %arg5[%dma_wait3A_149, %dma_wait3A_150] : memref<10000x128xf32, #tpu.memory_space<vmem_shared>> -> memref<10000x128xf32, #tpu.memory_space<vmem_shared>>
          tpu.wait_indirect_dma semaphore(%run_scoped3A_139 : memref<!tpu.dma_semaphore, #tpu.memory_space<semaphore_mem>>) src(%arg7 : memref<80x128xf32, #tpu.memory_space<vmem>>) dst(%dma_wait3A_151 : memref<10000x128xf32, #tpu.memory_space<vmem_shared>>)
          tpu.yield
        }) : () -> ()
        %dma_wait3A_108 = arith.constant 0 : i32
        %dma_wait3A_109 = arith.constant 0 : i32
        %dma_wait3A_110 = tpu.memref_slice %arg6[%dma_wait3A_108, %add3A_74, %dma_wait3A_109] : memref<2x25x80xi32, #tpu.memory_space<vmem>> -> memref<1x1x80xi32, #tpu.memory_space<vmem>>
        %dma_wait3A_111 = tpu.memref_squeeze %dma_wait3A_110 : memref<1x1x80xi32, #tpu.memory_space<vmem>> -> memref<80xi32, #tpu.memory_space<vmem>>
        %dma_wait3A_112 = arith.constant 0 : i32
        %dma_wait3A_113 = arith.constant 0 : i32
        %dma_wait3A_114 = tpu.memref_slice %arg2[%dma_wait3A_112, %dma_wait3A_113] : memref<10000x128xf32, #tpu.memory_space<hbm>> -> memref<10000x128xf32, #tpu.memory_space<hbm>>
        tpu.wait_indirect_dma semaphore(%arg12 : memref<!tpu.dma_semaphore, #tpu.memory_space<semaphore_mem>>) src(%dma_wait3A_114 : memref<10000x128xf32, #tpu.memory_space<hbm>>) dst(%arg8 : memref<80x128xf32, #tpu.memory_space<vmem>>)
        %add3A_115 = arith.constant 6 : i32
        %add3A_116 = arith.addi %scan3A_64, %add3A_115 : i32
        %run_scoped3A_117 = arith.constant 1 : i32
        "tpu.region"() ({
          %run_scoped3A_139 = tpu.sem_alloc : memref<!tpu.dma_semaphore, #tpu.memory_space<semaphore_mem>>
          %dma_start3A_140 = arith.constant 0 : i32
          %dma_start3A_141 = tpu.memref_slice %arg6[%run_scoped3A_117, %add3A_116, %dma_start3A_140] : memref<2x25x80xi32, #tpu.memory_space<vmem>> -> memref<1x1x80xi32, #tpu.memory_space<vmem>>
          %dma_start3A_142 = tpu.memref_squeeze %dma_start3A_141 : memref<1x1x80xi32, #tpu.memory_space<vmem>> -> memref<80xi32, #tpu.memory_space<vmem>>
          %dma_start3A_143 = arith.constant 0 : i32
          %dma_start3A_144 = arith.constant 0 : i32
          %dma_start3A_145 = tpu.memref_slice %arg5[%dma_start3A_143, %dma_start3A_144] : memref<10000x128xf32, #tpu.memory_space<vmem_shared>> -> memref<10000x128xf32, #tpu.memory_space<vmem_shared>>
          tpu.enqueue_indirect_dma source(%arg8 : memref<80x128xf32, #tpu.memory_space<vmem>>) target(%dma_start3A_145 : memref<10000x128xf32, #tpu.memory_space<vmem_shared>>) offsets(%dma_start3A_142 : memref<80xi32, #tpu.memory_space<vmem>>) semaphore(%run_scoped3A_139 : memref<!tpu.dma_semaphore, #tpu.memory_space<semaphore_mem>>) {add = true}
          %dma_wait3A_146 = arith.constant 0 : i32
          %dma_wait3A_147 = tpu.memref_slice %arg6[%run_scoped3A_117, %add3A_116, %dma_wait3A_146] : memref<2x25x80xi32, #tpu.memory_space<vmem>> -> memref<1x1x80xi32, #tpu.memory_space<vmem>>
          %dma_wait3A_148 = tpu.memref_squeeze %dma_wait3A_147 : memref<1x1x80xi32, #tpu.memory_space<vmem>> -> memref<80xi32, #tpu.memory_space<vmem>>
          %dma_wait3A_149 = arith.constant 0 : i32
          %dma_wait3A_150 = arith.constant 0 : i32
          %dma_wait3A_151 = tpu.memref_slice %arg5[%dma_wait3A_149, %dma_wait3A_150] : memref<10000x128xf32, #tpu.memory_space<vmem_shared>> -> memref<10000x128xf32, #tpu.memory_space<vmem_shared>>
          tpu.wait_indirect_dma semaphore(%run_scoped3A_139 : memref<!tpu.dma_semaphore, #tpu.memory_space<semaphore_mem>>) src(%arg8 : memref<80x128xf32, #tpu.memory_space<vmem>>) dst(%dma_wait3A_151 : memref<10000x128xf32, #tpu.memory_space<vmem_shared>>)
          tpu.yield
        }) : () -> ()
        %dma_wait3A_118 = arith.constant 0 : i32
        %dma_wait3A_119 = arith.constant 0 : i32
        %dma_wait3A_120 = tpu.memref_slice %arg6[%dma_wait3A_118, %add3A_83, %dma_wait3A_119] : memref<2x25x80xi32, #tpu.memory_space<vmem>> -> memref<1x1x80xi32, #tpu.memory_space<vmem>>
        %dma_wait3A_121 = tpu.memref_squeeze %dma_wait3A_120 : memref<1x1x80xi32, #tpu.memory_space<vmem>> -> memref<80xi32, #tpu.memory_space<vmem>>
        %dma_wait3A_122 = arith.constant 0 : i32
        %dma_wait3A_123 = arith.constant 0 : i32
        %dma_wait3A_124 = tpu.memref_slice %arg2[%dma_wait3A_122, %dma_wait3A_123] : memref<10000x128xf32, #tpu.memory_space<hbm>> -> memref<10000x128xf32, #tpu.memory_space<hbm>>
        tpu.wait_indirect_dma semaphore(%arg13 : memref<!tpu.dma_semaphore, #tpu.memory_space<semaphore_mem>>) src(%dma_wait3A_124 : memref<10000x128xf32, #tpu.memory_space<hbm>>) dst(%arg9 : memref<80x128xf32, #tpu.memory_space<vmem>>)
        %add3A_125 = arith.constant 12 : i32
        %add3A_126 = arith.addi %scan3A_64, %add3A_125 : i32
        %run_scoped3A_127 = arith.constant 1 : i32
        "tpu.region"() ({
          %run_scoped3A_139 = tpu.sem_alloc : memref<!tpu.dma_semaphore, #tpu.memory_space<semaphore_mem>>
          %dma_start3A_140 = arith.constant 0 : i32
          %dma_start3A_141 = tpu.memref_slice %arg6[%run_scoped3A_127, %add3A_126, %dma_start3A_140] : memref<2x25x80xi32, #tpu.memory_space<vmem>> -> memref<1x1x80xi32, #tpu.memory_space<vmem>>
          %dma_start3A_142 = tpu.memref_squeeze %dma_start3A_141 : memref<1x1x80xi32, #tpu.memory_space<vmem>> -> memref<80xi32, #tpu.memory_space<vmem>>
          %dma_start3A_143 = arith.constant 0 : i32
          %dma_start3A_144 = arith.constant 0 : i32
          %dma_start3A_145 = tpu.memref_slice %arg5[%dma_start3A_143, %dma_start3A_144] : memref<10000x128xf32, #tpu.memory_space<vmem_shared>> -> memref<10000x128xf32, #tpu.memory_space<vmem_shared>>
          tpu.enqueue_indirect_dma source(%arg9 : memref<80x128xf32, #tpu.memory_space<vmem>>) target(%dma_start3A_145 : memref<10000x128xf32, #tpu.memory_space<vmem_shared>>) offsets(%dma_start3A_142 : memref<80xi32, #tpu.memory_space<vmem>>) semaphore(%run_scoped3A_139 : memref<!tpu.dma_semaphore, #tpu.memory_space<semaphore_mem>>) {add = true}
          %dma_wait3A_146 = arith.constant 0 : i32
          %dma_wait3A_147 = tpu.memref_slice %arg6[%run_scoped3A_127, %add3A_126, %dma_wait3A_146] : memref<2x25x80xi32, #tpu.memory_space<vmem>> -> memref<1x1x80xi32, #tpu.memory_space<vmem>>
          %dma_wait3A_148 = tpu.memref_squeeze %dma_wait3A_147 : memref<1x1x80xi32, #tpu.memory_space<vmem>> -> memref<80xi32, #tpu.memory_space<vmem>>
          %dma_wait3A_149 = arith.constant 0 : i32
          %dma_wait3A_150 = arith.constant 0 : i32
          %dma_wait3A_151 = tpu.memref_slice %arg5[%dma_wait3A_149, %dma_wait3A_150] : memref<10000x128xf32, #tpu.memory_space<vmem_shared>> -> memref<10000x128xf32, #tpu.memory_space<vmem_shared>>
          tpu.wait_indirect_dma semaphore(%run_scoped3A_139 : memref<!tpu.dma_semaphore, #tpu.memory_space<semaphore_mem>>) src(%arg9 : memref<80x128xf32, #tpu.memory_space<vmem>>) dst(%dma_wait3A_151 : memref<10000x128xf32, #tpu.memory_space<vmem_shared>>)
          tpu.yield
        }) : () -> ()
        %dma_wait3A_128 = arith.constant 0 : i32
        %dma_wait3A_129 = arith.constant 0 : i32
        %dma_wait3A_130 = tpu.memref_slice %arg6[%dma_wait3A_128, %add3A_92, %dma_wait3A_129] : memref<2x25x80xi32, #tpu.memory_space<vmem>> -> memref<1x1x80xi32, #tpu.memory_space<vmem>>
        %dma_wait3A_131 = tpu.memref_squeeze %dma_wait3A_130 : memref<1x1x80xi32, #tpu.memory_space<vmem>> -> memref<80xi32, #tpu.memory_space<vmem>>
        %dma_wait3A_132 = arith.constant 0 : i32
        %dma_wait3A_133 = arith.constant 0 : i32
        %dma_wait3A_134 = tpu.memref_slice %arg2[%dma_wait3A_132, %dma_wait3A_133] : memref<10000x128xf32, #tpu.memory_space<hbm>> -> memref<10000x128xf32, #tpu.memory_space<hbm>>
        tpu.wait_indirect_dma semaphore(%arg14 : memref<!tpu.dma_semaphore, #tpu.memory_space<semaphore_mem>>) src(%dma_wait3A_134 : memref<10000x128xf32, #tpu.memory_space<hbm>>) dst(%arg10 : memref<80x128xf32, #tpu.memory_space<vmem>>)
        %add3A_135 = arith.constant 18 : i32
        %add3A_136 = arith.addi %scan3A_64, %add3A_135 : i32
        %run_scoped3A_137 = arith.constant 1 : i32
        "tpu.region"() ({
          %run_scoped3A_139 = tpu.sem_alloc : memref<!tpu.dma_semaphore, #tpu.memory_space<semaphore_mem>>
          %dma_start3A_140 = arith.constant 0 : i32
          %dma_start3A_141 = tpu.memref_slice %arg6[%run_scoped3A_137, %add3A_136, %dma_start3A_140] : memref<2x25x80xi32, #tpu.memory_space<vmem>> -> memref<1x1x80xi32, #tpu.memory_space<vmem>>
          %dma_start3A_142 = tpu.memref_squeeze %dma_start3A_141 : memref<1x1x80xi32, #tpu.memory_space<vmem>> -> memref<80xi32, #tpu.memory_space<vmem>>
          %dma_start3A_143 = arith.constant 0 : i32
          %dma_start3A_144 = arith.constant 0 : i32
          %dma_start3A_145 = tpu.memref_slice %arg5[%dma_start3A_143, %dma_start3A_144] : memref<10000x128xf32, #tpu.memory_space<vmem_shared>> -> memref<10000x128xf32, #tpu.memory_space<vmem_shared>>
          tpu.enqueue_indirect_dma source(%arg10 : memref<80x128xf32, #tpu.memory_space<vmem>>) target(%dma_start3A_145 : memref<10000x128xf32, #tpu.memory_space<vmem_shared>>) offsets(%dma_start3A_142 : memref<80xi32, #tpu.memory_space<vmem>>) semaphore(%run_scoped3A_139 : memref<!tpu.dma_semaphore, #tpu.memory_space<semaphore_mem>>) {add = true}
          %dma_wait3A_146 = arith.constant 0 : i32
          %dma_wait3A_147 = tpu.memref_slice %arg6[%run_scoped3A_137, %add3A_136, %dma_wait3A_146] : memref<2x25x80xi32, #tpu.memory_space<vmem>> -> memref<1x1x80xi32, #tpu.memory_space<vmem>>
          %dma_wait3A_148 = tpu.memref_squeeze %dma_wait3A_147 : memref<1x1x80xi32, #tpu.memory_space<vmem>> -> memref<80xi32, #tpu.memory_space<vmem>>
          %dma_wait3A_149 = arith.constant 0 : i32
          %dma_wait3A_150 = arith.constant 0 : i32
          %dma_wait3A_151 = tpu.memref_slice %arg5[%dma_wait3A_149, %dma_wait3A_150] : memref<10000x128xf32, #tpu.memory_space<vmem_shared>> -> memref<10000x128xf32, #tpu.memory_space<vmem_shared>>
          tpu.wait_indirect_dma semaphore(%run_scoped3A_139 : memref<!tpu.dma_semaphore, #tpu.memory_space<semaphore_mem>>) src(%arg10 : memref<80x128xf32, #tpu.memory_space<vmem>>) dst(%dma_wait3A_151 : memref<10000x128xf32, #tpu.memory_space<vmem_shared>>)
          tpu.yield
        }) : () -> ()
        %scan3A_138 = arith.constant 0 : i32
        scf.yield %scan3A_138 : i32
      }
      %scan3A_47 = arith.constant 6 : i32
      %dma_start3A = arith.constant 0 : i32
      %dma_start3A_48 = arith.constant 24 : i32
      %dma_start3A_49 = arith.constant 0 : i32
      %dma_start3A_50 = tpu.memref_slice %arg6[%dma_start3A, %dma_start3A_48, %dma_start3A_49] : memref<2x25x80xi32, #tpu.memory_space<vmem>> -> memref<1x1x80xi32, #tpu.memory_space<vmem>>
      %dma_start3A_51 = tpu.memref_squeeze %dma_start3A_50 : memref<1x1x80xi32, #tpu.memory_space<vmem>> -> memref<80xi32, #tpu.memory_space<vmem>>
      %dma_start3A_52 = arith.constant 0 : i32
      %dma_start3A_53 = arith.constant 0 : i32
      %dma_start3A_54 = tpu.memref_slice %arg2[%dma_start3A_52, %dma_start3A_53] : memref<10000x128xf32, #tpu.memory_space<hbm>> -> memref<10000x128xf32, #tpu.memory_space<hbm>>
      tpu.enqueue_indirect_dma source(%dma_start3A_54 : memref<10000x128xf32, #tpu.memory_space<hbm>>) target(%arg7 : memref<80x128xf32, #tpu.memory_space<vmem>>) offsets(%dma_start3A_51 : memref<80xi32, #tpu.memory_space<vmem>>) semaphore(%arg11 : memref<!tpu.dma_semaphore, #tpu.memory_space<semaphore_mem>>)
      %dma_wait3A = arith.constant 0 : i32
      %dma_wait3A_55 = arith.constant 24 : i32
      %dma_wait3A_56 = arith.constant 0 : i32
      %dma_wait3A_57 = tpu.memref_slice %arg6[%dma_wait3A, %dma_wait3A_55, %dma_wait3A_56] : memref<2x25x80xi32, #tpu.memory_space<vmem>> -> memref<1x1x80xi32, #tpu.memory_space<vmem>>
      %dma_wait3A_58 = tpu.memref_squeeze %dma_wait3A_57 : memref<1x1x80xi32, #tpu.memory_space<vmem>> -> memref<80xi32, #tpu.memory_space<vmem>>
      %dma_wait3A_59 = arith.constant 0 : i32
      %dma_wait3A_60 = arith.constant 0 : i32
      %dma_wait3A_61 = tpu.memref_slice %arg2[%dma_wait3A_59, %dma_wait3A_60] : memref<10000x128xf32, #tpu.memory_space<hbm>> -> memref<10000x128xf32, #tpu.memory_space<hbm>>
      tpu.wait_indirect_dma semaphore(%arg11 : memref<!tpu.dma_semaphore, #tpu.memory_space<semaphore_mem>>) src(%dma_wait3A_61 : memref<10000x128xf32, #tpu.memory_space<hbm>>) dst(%arg7 : memref<80x128xf32, #tpu.memory_space<vmem>>)
      %run_scoped3A = arith.constant 1 : i32
      %run_scoped3A_62 = arith.constant 24 : i32
      "tpu.region"() ({
        %run_scoped3A_64 = tpu.sem_alloc : memref<!tpu.dma_semaphore, #tpu.memory_space<semaphore_mem>>
        %dma_start3A_65 = arith.constant 0 : i32
        %dma_start3A_66 = tpu.memref_slice %arg6[%run_scoped3A, %run_scoped3A_62, %dma_start3A_65] : memref<2x25x80xi32, #tpu.memory_space<vmem>> -> memref<1x1x80xi32, #tpu.memory_space<vmem>>
        %dma_start3A_67 = tpu.memref_squeeze %dma_start3A_66 : memref<1x1x80xi32, #tpu.memory_space<vmem>> -> memref<80xi32, #tpu.memory_space<vmem>>
        %dma_start3A_68 = arith.constant 0 : i32
        %dma_start3A_69 = arith.constant 0 : i32
        %dma_start3A_70 = tpu.memref_slice %arg5[%dma_start3A_68, %dma_start3A_69] : memref<10000x128xf32, #tpu.memory_space<vmem_shared>> -> memref<10000x128xf32, #tpu.memory_space<vmem_shared>>
        tpu.enqueue_indirect_dma source(%arg7 : memref<80x128xf32, #tpu.memory_space<vmem>>) target(%dma_start3A_70 : memref<10000x128xf32, #tpu.memory_space<vmem_shared>>) offsets(%dma_start3A_67 : memref<80xi32, #tpu.memory_space<vmem>>) semaphore(%run_scoped3A_64 : memref<!tpu.dma_semaphore, #tpu.memory_space<semaphore_mem>>) {add = true}
        %dma_wait3A_71 = arith.constant 0 : i32
        %dma_wait3A_72 = tpu.memref_slice %arg6[%run_scoped3A, %run_scoped3A_62, %dma_wait3A_71] : memref<2x25x80xi32, #tpu.memory_space<vmem>> -> memref<1x1x80xi32, #tpu.memory_space<vmem>>
        %dma_wait3A_73 = tpu.memref_squeeze %dma_wait3A_72 : memref<1x1x80xi32, #tpu.memory_space<vmem>> -> memref<80xi32, #tpu.memory_space<vmem>>
        %dma_wait3A_74 = arith.constant 0 : i32
        %dma_wait3A_75 = arith.constant 0 : i32
        %dma_wait3A_76 = tpu.memref_slice %arg5[%dma_wait3A_74, %dma_wait3A_75] : memref<10000x128xf32, #tpu.memory_space<vmem_shared>> -> memref<10000x128xf32, #tpu.memory_space<vmem_shared>>
        tpu.wait_indirect_dma semaphore(%run_scoped3A_64 : memref<!tpu.dma_semaphore, #tpu.memory_space<semaphore_mem>>) src(%arg7 : memref<80x128xf32, #tpu.memory_space<vmem>>) dst(%dma_wait3A_76 : memref<10000x128xf32, #tpu.memory_space<vmem_shared>>)
        tpu.yield
      }) : () -> ()
      %scan3A_63 = arith.constant 0 : i32
      scf.yield %scan3A_63 : i32
    }
    %scan3A_31 = arith.constant 5 : i32
    %barrier3A_32 = arith.constant 0 : index
    tpu.barrier barrier_id(%barrier3A_32)
    %eq3A = arith.constant 15 : i32
    %eq3A_33 = arith.cmpi eq, %arg1, %eq3A : i32
    %convert_element_type3A = arith.extui %eq3A_33 : i1 to i32
    %cond3A = arith.constant 0 : i32
    %cond3A_34 = arith.cmpi ne, %convert_element_type3A, %cond3A : i32
    scf.if %cond3A_34 {
      "tpu.region"() ({
        %run_scoped3A = tpu.sem_alloc : memref<!tpu.dma_semaphore, #tpu.memory_space<semaphore_mem>>
        %dma_start3A = arith.constant 0 : i32
        %dma_start3A_39 = tpu.memref_slice %arg4[%arg0, %mul3A_8, %dma_start3A] : memref<2x10000x128xf32, #tpu.memory_space<hbm>> -> memref<1x640x128xf32, #tpu.memory_space<hbm>>
        %dma_start3A_40 = tpu.memref_squeeze %dma_start3A_39 : memref<1x640x128xf32, #tpu.memory_space<hbm>> -> memref<640x128xf32, #tpu.memory_space<hbm>>
        %dma_start3A_41 = arith.constant 0 : i32
        %dma_start3A_42 = tpu.memref_slice %arg5[%mul3A_8, %dma_start3A_41] : memref<10000x128xf32, #tpu.memory_space<vmem_shared>> -> memref<640x128xf32, #tpu.memory_space<vmem_shared>>
        tpu.enqueue_dma source(%dma_start3A_42 : memref<640x128xf32, #tpu.memory_space<vmem_shared>>) target(%dma_start3A_40 : memref<640x128xf32, #tpu.memory_space<hbm>>) target_semaphore(%run_scoped3A : memref<!tpu.dma_semaphore, #tpu.memory_space<semaphore_mem>>)
        %dma_wait3A = arith.constant 0 : i32
        %dma_wait3A_43 = tpu.memref_slice %arg4[%arg0, %mul3A_8, %dma_wait3A] : memref<2x10000x128xf32, #tpu.memory_space<hbm>> -> memref<1x640x128xf32, #tpu.memory_space<hbm>>
        %dma_wait3A_44 = tpu.memref_squeeze %dma_wait3A_43 : memref<1x640x128xf32, #tpu.memory_space<hbm>> -> memref<640x128xf32, #tpu.memory_space<hbm>>
        %dma_wait3A_45 = arith.constant 0 : i32
        %dma_wait3A_46 = tpu.memref_slice %arg5[%mul3A_8, %dma_wait3A_45] : memref<10000x128xf32, #tpu.memory_space<vmem_shared>> -> memref<640x128xf32, #tpu.memory_space<vmem_shared>>
        tpu.wait_dma2 semaphore(%run_scoped3A : memref<!tpu.dma_semaphore, #tpu.memory_space<semaphore_mem>>) src(%dma_wait3A_46 : memref<640x128xf32, #tpu.memory_space<vmem_shared>>) dst(%dma_wait3A_44 : memref<640x128xf32, #tpu.memory_space<hbm>>)
        tpu.yield
      }) : () -> ()
    } else {
    }
    %ne3A = arith.constant 15 : i32
    %ne3A_35 = arith.cmpi ne, %arg1, %ne3A : i32
    %convert_element_type3A_36 = arith.extui %ne3A_35 : i1 to i32
    %cond3A_37 = arith.constant 0 : i32
    %cond3A_38 = arith.cmpi ne, %convert_element_type3A_36, %cond3A_37 : i32
    scf.if %cond3A_38 {
      "tpu.region"() ({
        %run_scoped3A = tpu.sem_alloc : memref<!tpu.dma_semaphore, #tpu.memory_space<semaphore_mem>>
        %dma_start3A = arith.constant 0 : i32
        %dma_start3A_39 = tpu.memref_slice %arg4[%arg0, %mul3A_8, %dma_start3A] : memref<2x10000x128xf32, #tpu.memory_space<hbm>> -> memref<1x624x128xf32, #tpu.memory_space<hbm>>
        %dma_start3A_40 = tpu.memref_squeeze %dma_start3A_39 : memref<1x624x128xf32, #tpu.memory_space<hbm>> -> memref<624x128xf32, #tpu.memory_space<hbm>>
        %dma_start3A_41 = arith.constant 0 : i32
        %dma_start3A_42 = tpu.memref_slice %arg5[%mul3A_8, %dma_start3A_41] : memref<10000x128xf32, #tpu.memory_space<vmem_shared>> -> memref<624x128xf32, #tpu.memory_space<vmem_shared>>
        tpu.enqueue_dma source(%dma_start3A_42 : memref<624x128xf32, #tpu.memory_space<vmem_shared>>) target(%dma_start3A_40 : memref<624x128xf32, #tpu.memory_space<hbm>>) target_semaphore(%run_scoped3A : memref<!tpu.dma_semaphore, #tpu.memory_space<semaphore_mem>>)
        %dma_wait3A = arith.constant 0 : i32
        %dma_wait3A_43 = tpu.memref_slice %arg4[%arg0, %mul3A_8, %dma_wait3A] : memref<2x10000x128xf32, #tpu.memory_space<hbm>> -> memref<1x624x128xf32, #tpu.memory_space<hbm>>
        %dma_wait3A_44 = tpu.memref_squeeze %dma_wait3A_43 : memref<1x624x128xf32, #tpu.memory_space<hbm>> -> memref<624x128xf32, #tpu.memory_space<hbm>>
        %dma_wait3A_45 = arith.constant 0 : i32
        %dma_wait3A_46 = tpu.memref_slice %arg5[%mul3A_8, %dma_wait3A_45] : memref<10000x128xf32, #tpu.memory_space<vmem_shared>> -> memref<624x128xf32, #tpu.memory_space<vmem_shared>>
        tpu.wait_dma2 semaphore(%run_scoped3A : memref<!tpu.dma_semaphore, #tpu.memory_space<semaphore_mem>>) src(%dma_wait3A_46 : memref<624x128xf32, #tpu.memory_space<vmem_shared>>) dst(%dma_wait3A_44 : memref<624x128xf32, #tpu.memory_space<hbm>>)
        tpu.yield
      }) : () -> ()
    } else {
    }
    return
  }
}

#map = affine_map<(d0, d1) -> (0, 0)>
#map1 = affine_map<(d0, d1) -> (0, 0, 0, 0, 0)>
#map2 = affine_map<(d0, d1) -> (0, 0, 0)>
module attributes {stable_mosaic.version = 14 : i64} {
  func.func @_agg_call(%arg0: i32, %arg1: i32, %arg2: memref<10000x128xf32, #tpu.memory_space<hbm>>, %arg3: memref<32x5x2x25x80xi32, #tpu.memory_space<hbm>>, %arg4: memref<2x10000x128xf32, #tpu.memory_space<hbm>>, %arg5: memref<10000x128xf32, #tpu.memory_space<vmem_shared>>, %arg6: memref<2x25x80xi32, #tpu.memory_space<vmem>>, %arg7: memref<80x128xf32, #tpu.memory_space<vmem>>, %arg8: memref<80x128xf32, #tpu.memory_space<vmem>>, %arg9: memref<80x128xf32, #tpu.memory_space<vmem>>, %arg10: memref<80x128xf32, #tpu.memory_space<vmem>>, %arg11: memref<!tpu.dma_semaphore, #tpu.memory_space<semaphore_mem>>, %arg12: memref<!tpu.dma_semaphore, #tpu.memory_space<semaphore_mem>>, %arg13: memref<!tpu.dma_semaphore, #tpu.memory_space<semaphore_mem>>, %arg14: memref<!tpu.dma_semaphore, #tpu.memory_space<semaphore_mem>>) attributes {dimension_semantics = [#tpu.dimension_semantics<core_parallel>, #tpu.dimension_semantics<subcore_parallel>], iteration_bounds = array<i64: 2, 16>, scalar_prefetch = 0 : i64, scratch_operands = 10 : i64, tpu.core_type = #tpu.core_type<sc_vector_subcore>, window_params = [{transform_indices = #map}, {transform_indices = #map1}, {transform_indices = #map2}]} {
    %mul3A = arith.constant 16 : i32
    %mul3A_0 = arith.muli %arg0, %mul3A : i32
    %add3A = arith.addi %mul3A_0, %arg1 : i32
    %scan3A = arith.constant 0 : i32
    %scan3A_1 = arith.constant 0 : i32
    %scan3A_2 = arith.constant 80 : i32
    %scan3A_3 = arith.addi %scan3A_1, %scan3A_2 : i32
    %scan3A_4 = arith.constant 1 : i32
    %scan3A_5 = scf.for %scan3A_39 = %scan3A_1 to %scan3A_3 step %scan3A_4 iter_args(%scan3A_40 = %scan3A) -> (i32)  : i32 {
      %broadcast_in_dim3A = arith.constant 0.000000e+00 : f32
      %broadcast_in_dim3A_41 = vector.broadcast %broadcast_in_dim3A : f32 to vector<16xf32>
      %swap3A = arith.index_cast %scan3A_39 : i32 to index
      %swap3A_42 = arith.constant 0 : index
      %swap3A_43 = tpu.vector_load %arg7[%swap3A, %swap3A_42] {strides = array<i32>} : memref<80x128xf32, #tpu.memory_space<vmem>>, vector<1x16xf32>,
      %swap3A_44 = vector.shape_cast %swap3A_43 : vector<1x16xf32> to vector<16xf32>
      %swap3A_45 = vector.shape_cast %broadcast_in_dim3A_41 : vector<16xf32> to vector<1x16xf32>
      tpu.vector_store %arg7[%swap3A, %swap3A_42], %swap3A_45 {strides = array<i32>} : memref<80x128xf32, #tpu.memory_space<vmem>>, vector<1x16xf32>,
      %broadcast_in_dim3A_46 = arith.constant 0.000000e+00 : f32
      %broadcast_in_dim3A_47 = vector.broadcast %broadcast_in_dim3A_46 : f32 to vector<16xf32>
      %swap3A_48 = arith.index_cast %scan3A_39 : i32 to index
      %swap3A_49 = arith.constant 16 : index
      %swap3A_50 = tpu.vector_load %arg7[%swap3A_48, %swap3A_49] {strides = array<i32>} : memref<80x128xf32, #tpu.memory_space<vmem>>, vector<1x16xf32>,
      %swap3A_51 = vector.shape_cast %swap3A_50 : vector<1x16xf32> to vector<16xf32>
      %swap3A_52 = vector.shape_cast %broadcast_in_dim3A_47 : vector<16xf32> to vector<1x16xf32>
      tpu.vector_store %arg7[%swap3A_48, %swap3A_49], %swap3A_52 {strides = array<i32>} : memref<80x128xf32, #tpu.memory_space<vmem>>, vector<1x16xf32>,
      %broadcast_in_dim3A_53 = arith.constant 0.000000e+00 : f32
      %broadcast_in_dim3A_54 = vector.broadcast %broadcast_in_dim3A_53 : f32 to vector<16xf32>
      %swap3A_55 = arith.index_cast %scan3A_39 : i32 to index
      %swap3A_56 = arith.constant 32 : index
      %swap3A_57 = tpu.vector_load %arg7[%swap3A_55, %swap3A_56] {strides = array<i32>} : memref<80x128xf32, #tpu.memory_space<vmem>>, vector<1x16xf32>,
      %swap3A_58 = vector.shape_cast %swap3A_57 : vector<1x16xf32> to vector<16xf32>
      %swap3A_59 = vector.shape_cast %broadcast_in_dim3A_54 : vector<16xf32> to vector<1x16xf32>
      tpu.vector_store %arg7[%swap3A_55, %swap3A_56], %swap3A_59 {strides = array<i32>} : memref<80x128xf32, #tpu.memory_space<vmem>>, vector<1x16xf32>,
      %broadcast_in_dim3A_60 = arith.constant 0.000000e+00 : f32
      %broadcast_in_dim3A_61 = vector.broadcast %broadcast_in_dim3A_60 : f32 to vector<16xf32>
      %swap3A_62 = arith.index_cast %scan3A_39 : i32 to index
      %swap3A_63 = arith.constant 48 : index
      %swap3A_64 = tpu.vector_load %arg7[%swap3A_62, %swap3A_63] {strides = array<i32>} : memref<80x128xf32, #tpu.memory_space<vmem>>, vector<1x16xf32>,
      %swap3A_65 = vector.shape_cast %swap3A_64 : vector<1x16xf32> to vector<16xf32>
      %swap3A_66 = vector.shape_cast %broadcast_in_dim3A_61 : vector<16xf32> to vector<1x16xf32>
      tpu.vector_store %arg7[%swap3A_62, %swap3A_63], %swap3A_66 {strides = array<i32>} : memref<80x128xf32, #tpu.memory_space<vmem>>, vector<1x16xf32>,
      %broadcast_in_dim3A_67 = arith.constant 0.000000e+00 : f32
      %broadcast_in_dim3A_68 = vector.broadcast %broadcast_in_dim3A_67 : f32 to vector<16xf32>
      %swap3A_69 = arith.index_cast %scan3A_39 : i32 to index
      %swap3A_70 = arith.constant 64 : index
      %swap3A_71 = tpu.vector_load %arg7[%swap3A_69, %swap3A_70] {strides = array<i32>} : memref<80x128xf32, #tpu.memory_space<vmem>>, vector<1x16xf32>,
      %swap3A_72 = vector.shape_cast %swap3A_71 : vector<1x16xf32> to vector<16xf32>
      %swap3A_73 = vector.shape_cast %broadcast_in_dim3A_68 : vector<16xf32> to vector<1x16xf32>
      tpu.vector_store %arg7[%swap3A_69, %swap3A_70], %swap3A_73 {strides = array<i32>} : memref<80x128xf32, #tpu.memory_space<vmem>>, vector<1x16xf32>,
      %broadcast_in_dim3A_74 = arith.constant 0.000000e+00 : f32
      %broadcast_in_dim3A_75 = vector.broadcast %broadcast_in_dim3A_74 : f32 to vector<16xf32>
      %swap3A_76 = arith.index_cast %scan3A_39 : i32 to index
      %swap3A_77 = arith.constant 80 : index
      %swap3A_78 = tpu.vector_load %arg7[%swap3A_76, %swap3A_77] {strides = array<i32>} : memref<80x128xf32, #tpu.memory_space<vmem>>, vector<1x16xf32>,
      %swap3A_79 = vector.shape_cast %swap3A_78 : vector<1x16xf32> to vector<16xf32>
      %swap3A_80 = vector.shape_cast %broadcast_in_dim3A_75 : vector<16xf32> to vector<1x16xf32>
      tpu.vector_store %arg7[%swap3A_76, %swap3A_77], %swap3A_80 {strides = array<i32>} : memref<80x128xf32, #tpu.memory_space<vmem>>, vector<1x16xf32>,
      %broadcast_in_dim3A_81 = arith.constant 0.000000e+00 : f32
      %broadcast_in_dim3A_82 = vector.broadcast %broadcast_in_dim3A_81 : f32 to vector<16xf32>
      %swap3A_83 = arith.index_cast %scan3A_39 : i32 to index
      %swap3A_84 = arith.constant 96 : index
      %swap3A_85 = tpu.vector_load %arg7[%swap3A_83, %swap3A_84] {strides = array<i32>} : memref<80x128xf32, #tpu.memory_space<vmem>>, vector<1x16xf32>,
      %swap3A_86 = vector.shape_cast %swap3A_85 : vector<1x16xf32> to vector<16xf32>
      %swap3A_87 = vector.shape_cast %broadcast_in_dim3A_82 : vector<16xf32> to vector<1x16xf32>
      tpu.vector_store %arg7[%swap3A_83, %swap3A_84], %swap3A_87 {strides = array<i32>} : memref<80x128xf32, #tpu.memory_space<vmem>>, vector<1x16xf32>,
      %broadcast_in_dim3A_88 = arith.constant 0.000000e+00 : f32
      %broadcast_in_dim3A_89 = vector.broadcast %broadcast_in_dim3A_88 : f32 to vector<16xf32>
      %swap3A_90 = arith.index_cast %scan3A_39 : i32 to index
      %swap3A_91 = arith.constant 112 : index
      %swap3A_92 = tpu.vector_load %arg7[%swap3A_90, %swap3A_91] {strides = array<i32>} : memref<80x128xf32, #tpu.memory_space<vmem>>, vector<1x16xf32>,
      %swap3A_93 = vector.shape_cast %swap3A_92 : vector<1x16xf32> to vector<16xf32>
      %swap3A_94 = vector.shape_cast %broadcast_in_dim3A_89 : vector<16xf32> to vector<1x16xf32>
      tpu.vector_store %arg7[%swap3A_90, %swap3A_91], %swap3A_94 {strides = array<i32>} : memref<80x128xf32, #tpu.memory_space<vmem>>, vector<1x16xf32>,
      %scan3A_95 = arith.constant 0 : i32
      scf.yield %scan3A_95 : i32
    }
    %scan3A_6 = arith.constant 80 : i32
    %mul3A_7 = arith.constant 624 : i32
    %mul3A_8 = arith.muli %arg1, %mul3A_7 : i32
    %add3A_9 = arith.constant 0 : i32
    %add3A_10 = arith.addi %mul3A_8, %add3A_9 : i32
    "tpu.region"() ({
      %run_scoped3A = tpu.sem_alloc : memref<!tpu.dma_semaphore, #tpu.memory_space<semaphore_mem>>
      %dma_start3A = arith.constant 0 : i32
      %dma_start3A_39 = tpu.memref_slice %arg5[%add3A_10, %dma_start3A] : memref<10000x128xf32, #tpu.memory_space<vmem_shared>> -> memref<80x128xf32, #tpu.memory_space<vmem_shared>>
      %dma_start3A_40 = arith.constant 0 : i32
      %dma_start3A_41 = tpu.memref_slice %arg5[%add3A_10, %dma_start3A_40] : memref<10000x128xf32, #tpu.memory_space<vmem_shared>> -> memref<80x128xf32, #tpu.memory_space<vmem_shared>>
      tpu.enqueue_dma source(%arg7 : memref<80x128xf32, #tpu.memory_space<vmem>>) target(%dma_start3A_41 : memref<80x128xf32, #tpu.memory_space<vmem_shared>>) target_semaphore(%run_scoped3A : memref<!tpu.dma_semaphore, #tpu.memory_space<semaphore_mem>>)
      %dma_wait3A = arith.constant 0 : i32
      %dma_wait3A_42 = tpu.memref_slice %arg5[%add3A_10, %dma_wait3A] : memref<10000x128xf32, #tpu.memory_space<vmem_shared>> -> memref<80x128xf32, #tpu.memory_space<vmem_shared>>
      %dma_wait3A_43 = arith.constant 0 : i32
      %dma_wait3A_44 = tpu.memref_slice %arg5[%add3A_10, %dma_wait3A_43] : memref<10000x128xf32, #tpu.memory_space<vmem_shared>> -> memref<80x128xf32, #tpu.memory_space<vmem_shared>>
      tpu.wait_dma2 semaphore(%run_scoped3A : memref<!tpu.dma_semaphore, #tpu.memory_space<semaphore_mem>>) src(%arg7 : memref<80x128xf32, #tpu.memory_space<vmem>>) dst(%dma_wait3A_44 : memref<80x128xf32, #tpu.memory_space<vmem_shared>>)
      tpu.yield
    }) : () -> ()
    %add3A_11 = arith.constant 80 : i32
    %add3A_12 = arith.addi %mul3A_8, %add3A_11 : i32
    "tpu.region"() ({
      %run_scoped3A = tpu.sem_alloc : memref<!tpu.dma_semaphore, #tpu.memory_space<semaphore_mem>>
      %dma_start3A = arith.constant 0 : i32
      %dma_start3A_39 = tpu.memref_slice %arg5[%add3A_12, %dma_start3A] : memref<10000x128xf32, #tpu.memory_space<vmem_shared>> -> memref<80x128xf32, #tpu.memory_space<vmem_shared>>
      %dma_start3A_40 = arith.constant 0 : i32
      %dma_start3A_41 = tpu.memref_slice %arg5[%add3A_12, %dma_start3A_40] : memref<10000x128xf32, #tpu.memory_space<vmem_shared>> -> memref<80x128xf32, #tpu.memory_space<vmem_shared>>
      tpu.enqueue_dma source(%arg7 : memref<80x128xf32, #tpu.memory_space<vmem>>) target(%dma_start3A_41 : memref<80x128xf32, #tpu.memory_space<vmem_shared>>) target_semaphore(%run_scoped3A : memref<!tpu.dma_semaphore, #tpu.memory_space<semaphore_mem>>)
      %dma_wait3A = arith.constant 0 : i32
      %dma_wait3A_42 = tpu.memref_slice %arg5[%add3A_12, %dma_wait3A] : memref<10000x128xf32, #tpu.memory_space<vmem_shared>> -> memref<80x128xf32, #tpu.memory_space<vmem_shared>>
      %dma_wait3A_43 = arith.constant 0 : i32
      %dma_wait3A_44 = tpu.memref_slice %arg5[%add3A_12, %dma_wait3A_43] : memref<10000x128xf32, #tpu.memory_space<vmem_shared>> -> memref<80x128xf32, #tpu.memory_space<vmem_shared>>
      tpu.wait_dma2 semaphore(%run_scoped3A : memref<!tpu.dma_semaphore, #tpu.memory_space<semaphore_mem>>) src(%arg7 : memref<80x128xf32, #tpu.memory_space<vmem>>) dst(%dma_wait3A_44 : memref<80x128xf32, #tpu.memory_space<vmem_shared>>)
      tpu.yield
    }) : () -> ()
    %add3A_13 = arith.constant 160 : i32
    %add3A_14 = arith.addi %mul3A_8, %add3A_13 : i32
    "tpu.region"() ({
      %run_scoped3A = tpu.sem_alloc : memref<!tpu.dma_semaphore, #tpu.memory_space<semaphore_mem>>
      %dma_start3A = arith.constant 0 : i32
      %dma_start3A_39 = tpu.memref_slice %arg5[%add3A_14, %dma_start3A] : memref<10000x128xf32, #tpu.memory_space<vmem_shared>> -> memref<80x128xf32, #tpu.memory_space<vmem_shared>>
      %dma_start3A_40 = arith.constant 0 : i32
      %dma_start3A_41 = tpu.memref_slice %arg5[%add3A_14, %dma_start3A_40] : memref<10000x128xf32, #tpu.memory_space<vmem_shared>> -> memref<80x128xf32, #tpu.memory_space<vmem_shared>>
      tpu.enqueue_dma source(%arg7 : memref<80x128xf32, #tpu.memory_space<vmem>>) target(%dma_start3A_41 : memref<80x128xf32, #tpu.memory_space<vmem_shared>>) target_semaphore(%run_scoped3A : memref<!tpu.dma_semaphore, #tpu.memory_space<semaphore_mem>>)
      %dma_wait3A = arith.constant 0 : i32
      %dma_wait3A_42 = tpu.memref_slice %arg5[%add3A_14, %dma_wait3A] : memref<10000x128xf32, #tpu.memory_space<vmem_shared>> -> memref<80x128xf32, #tpu.memory_space<vmem_shared>>
      %dma_wait3A_43 = arith.constant 0 : i32
      %dma_wait3A_44 = tpu.memref_slice %arg5[%add3A_14, %dma_wait3A_43] : memref<10000x128xf32, #tpu.memory_space<vmem_shared>> -> memref<80x128xf32, #tpu.memory_space<vmem_shared>>
      tpu.wait_dma2 semaphore(%run_scoped3A : memref<!tpu.dma_semaphore, #tpu.memory_space<semaphore_mem>>) src(%arg7 : memref<80x128xf32, #tpu.memory_space<vmem>>) dst(%dma_wait3A_44 : memref<80x128xf32, #tpu.memory_space<vmem_shared>>)
      tpu.yield
    }) : () -> ()
    %add3A_15 = arith.constant 240 : i32
    %add3A_16 = arith.addi %mul3A_8, %add3A_15 : i32
    "tpu.region"() ({
      %run_scoped3A = tpu.sem_alloc : memref<!tpu.dma_semaphore, #tpu.memory_space<semaphore_mem>>
      %dma_start3A = arith.constant 0 : i32
      %dma_start3A_39 = tpu.memref_slice %arg5[%add3A_16, %dma_start3A] : memref<10000x128xf32, #tpu.memory_space<vmem_shared>> -> memref<80x128xf32, #tpu.memory_space<vmem_shared>>
      %dma_start3A_40 = arith.constant 0 : i32
      %dma_start3A_41 = tpu.memref_slice %arg5[%add3A_16, %dma_start3A_40] : memref<10000x128xf32, #tpu.memory_space<vmem_shared>> -> memref<80x128xf32, #tpu.memory_space<vmem_shared>>
      tpu.enqueue_dma source(%arg7 : memref<80x128xf32, #tpu.memory_space<vmem>>) target(%dma_start3A_41 : memref<80x128xf32, #tpu.memory_space<vmem_shared>>) target_semaphore(%run_scoped3A : memref<!tpu.dma_semaphore, #tpu.memory_space<semaphore_mem>>)
      %dma_wait3A = arith.constant 0 : i32
      %dma_wait3A_42 = tpu.memref_slice %arg5[%add3A_16, %dma_wait3A] : memref<10000x128xf32, #tpu.memory_space<vmem_shared>> -> memref<80x128xf32, #tpu.memory_space<vmem_shared>>
      %dma_wait3A_43 = arith.constant 0 : i32
      %dma_wait3A_44 = tpu.memref_slice %arg5[%add3A_16, %dma_wait3A_43] : memref<10000x128xf32, #tpu.memory_space<vmem_shared>> -> memref<80x128xf32, #tpu.memory_space<vmem_shared>>
      tpu.wait_dma2 semaphore(%run_scoped3A : memref<!tpu.dma_semaphore, #tpu.memory_space<semaphore_mem>>) src(%arg7 : memref<80x128xf32, #tpu.memory_space<vmem>>) dst(%dma_wait3A_44 : memref<80x128xf32, #tpu.memory_space<vmem_shared>>)
      tpu.yield
    }) : () -> ()
    %add3A_17 = arith.constant 320 : i32
    %add3A_18 = arith.addi %mul3A_8, %add3A_17 : i32
    "tpu.region"() ({
      %run_scoped3A = tpu.sem_alloc : memref<!tpu.dma_semaphore, #tpu.memory_space<semaphore_mem>>
      %dma_start3A = arith.constant 0 : i32
      %dma_start3A_39 = tpu.memref_slice %arg5[%add3A_18, %dma_start3A] : memref<10000x128xf32, #tpu.memory_space<vmem_shared>> -> memref<80x128xf32, #tpu.memory_space<vmem_shared>>
      %dma_start3A_40 = arith.constant 0 : i32
      %dma_start3A_41 = tpu.memref_slice %arg5[%add3A_18, %dma_start3A_40] : memref<10000x128xf32, #tpu.memory_space<vmem_shared>> -> memref<80x128xf32, #tpu.memory_space<vmem_shared>>
      tpu.enqueue_dma source(%arg7 : memref<80x128xf32, #tpu.memory_space<vmem>>) target(%dma_start3A_41 : memref<80x128xf32, #tpu.memory_space<vmem_shared>>) target_semaphore(%run_scoped3A : memref<!tpu.dma_semaphore, #tpu.memory_space<semaphore_mem>>)
      %dma_wait3A = arith.constant 0 : i32
      %dma_wait3A_42 = tpu.memref_slice %arg5[%add3A_18, %dma_wait3A] : memref<10000x128xf32, #tpu.memory_space<vmem_shared>> -> memref<80x128xf32, #tpu.memory_space<vmem_shared>>
      %dma_wait3A_43 = arith.constant 0 : i32
      %dma_wait3A_44 = tpu.memref_slice %arg5[%add3A_18, %dma_wait3A_43] : memref<10000x128xf32, #tpu.memory_space<vmem_shared>> -> memref<80x128xf32, #tpu.memory_space<vmem_shared>>
      tpu.wait_dma2 semaphore(%run_scoped3A : memref<!tpu.dma_semaphore, #tpu.memory_space<semaphore_mem>>) src(%arg7 : memref<80x128xf32, #tpu.memory_space<vmem>>) dst(%dma_wait3A_44 : memref<80x128xf32, #tpu.memory_space<vmem_shared>>)
      tpu.yield
    }) : () -> ()
    %add3A_19 = arith.constant 400 : i32
    %add3A_20 = arith.addi %mul3A_8, %add3A_19 : i32
    "tpu.region"() ({
      %run_scoped3A = tpu.sem_alloc : memref<!tpu.dma_semaphore, #tpu.memory_space<semaphore_mem>>
      %dma_start3A = arith.constant 0 : i32
      %dma_start3A_39 = tpu.memref_slice %arg5[%add3A_20, %dma_start3A] : memref<10000x128xf32, #tpu.memory_space<vmem_shared>> -> memref<80x128xf32, #tpu.memory_space<vmem_shared>>
      %dma_start3A_40 = arith.constant 0 : i32
      %dma_start3A_41 = tpu.memref_slice %arg5[%add3A_20, %dma_start3A_40] : memref<10000x128xf32, #tpu.memory_space<vmem_shared>> -> memref<80x128xf32, #tpu.memory_space<vmem_shared>>
      tpu.enqueue_dma source(%arg7 : memref<80x128xf32, #tpu.memory_space<vmem>>) target(%dma_start3A_41 : memref<80x128xf32, #tpu.memory_space<vmem_shared>>) target_semaphore(%run_scoped3A : memref<!tpu.dma_semaphore, #tpu.memory_space<semaphore_mem>>)
      %dma_wait3A = arith.constant 0 : i32
      %dma_wait3A_42 = tpu.memref_slice %arg5[%add3A_20, %dma_wait3A] : memref<10000x128xf32, #tpu.memory_space<vmem_shared>> -> memref<80x128xf32, #tpu.memory_space<vmem_shared>>
      %dma_wait3A_43 = arith.constant 0 : i32
      %dma_wait3A_44 = tpu.memref_slice %arg5[%add3A_20, %dma_wait3A_43] : memref<10000x128xf32, #tpu.memory_space<vmem_shared>> -> memref<80x128xf32, #tpu.memory_space<vmem_shared>>
      tpu.wait_dma2 semaphore(%run_scoped3A : memref<!tpu.dma_semaphore, #tpu.memory_space<semaphore_mem>>) src(%arg7 : memref<80x128xf32, #tpu.memory_space<vmem>>) dst(%dma_wait3A_44 : memref<80x128xf32, #tpu.memory_space<vmem_shared>>)
      tpu.yield
    }) : () -> ()
    %add3A_21 = arith.constant 480 : i32
    %add3A_22 = arith.addi %mul3A_8, %add3A_21 : i32
    "tpu.region"() ({
      %run_scoped3A = tpu.sem_alloc : memref<!tpu.dma_semaphore, #tpu.memory_space<semaphore_mem>>
      %dma_start3A = arith.constant 0 : i32
      %dma_start3A_39 = tpu.memref_slice %arg5[%add3A_22, %dma_start3A] : memref<10000x128xf32, #tpu.memory_space<vmem_shared>> -> memref<80x128xf32, #tpu.memory_space<vmem_shared>>
      %dma_start3A_40 = arith.constant 0 : i32
      %dma_start3A_41 = tpu.memref_slice %arg5[%add3A_22, %dma_start3A_40] : memref<10000x128xf32, #tpu.memory_space<vmem_shared>> -> memref<80x128xf32, #tpu.memory_space<vmem_shared>>
      tpu.enqueue_dma source(%arg7 : memref<80x128xf32, #tpu.memory_space<vmem>>) target(%dma_start3A_41 : memref<80x128xf32, #tpu.memory_space<vmem_shared>>) target_semaphore(%run_scoped3A : memref<!tpu.dma_semaphore, #tpu.memory_space<semaphore_mem>>)
      %dma_wait3A = arith.constant 0 : i32
      %dma_wait3A_42 = tpu.memref_slice %arg5[%add3A_22, %dma_wait3A] : memref<10000x128xf32, #tpu.memory_space<vmem_shared>> -> memref<80x128xf32, #tpu.memory_space<vmem_shared>>
      %dma_wait3A_43 = arith.constant 0 : i32
      %dma_wait3A_44 = tpu.memref_slice %arg5[%add3A_22, %dma_wait3A_43] : memref<10000x128xf32, #tpu.memory_space<vmem_shared>> -> memref<80x128xf32, #tpu.memory_space<vmem_shared>>
      tpu.wait_dma2 semaphore(%run_scoped3A : memref<!tpu.dma_semaphore, #tpu.memory_space<semaphore_mem>>) src(%arg7 : memref<80x128xf32, #tpu.memory_space<vmem>>) dst(%dma_wait3A_44 : memref<80x128xf32, #tpu.memory_space<vmem_shared>>)
      tpu.yield
    }) : () -> ()
    %add3A_23 = arith.constant 560 : i32
    %add3A_24 = arith.addi %mul3A_8, %add3A_23 : i32
    "tpu.region"() ({
      %run_scoped3A = tpu.sem_alloc : memref<!tpu.dma_semaphore, #tpu.memory_space<semaphore_mem>>
      %dma_start3A = arith.constant 0 : i32
      %dma_start3A_39 = tpu.memref_slice %arg5[%add3A_24, %dma_start3A] : memref<10000x128xf32, #tpu.memory_space<vmem_shared>> -> memref<80x128xf32, #tpu.memory_space<vmem_shared>>
      %dma_start3A_40 = arith.constant 0 : i32
      %dma_start3A_41 = tpu.memref_slice %arg5[%add3A_24, %dma_start3A_40] : memref<10000x128xf32, #tpu.memory_space<vmem_shared>> -> memref<80x128xf32, #tpu.memory_space<vmem_shared>>
      tpu.enqueue_dma source(%arg7 : memref<80x128xf32, #tpu.memory_space<vmem>>) target(%dma_start3A_41 : memref<80x128xf32, #tpu.memory_space<vmem_shared>>) target_semaphore(%run_scoped3A : memref<!tpu.dma_semaphore, #tpu.memory_space<semaphore_mem>>)
      %dma_wait3A = arith.constant 0 : i32
      %dma_wait3A_42 = tpu.memref_slice %arg5[%add3A_24, %dma_wait3A] : memref<10000x128xf32, #tpu.memory_space<vmem_shared>> -> memref<80x128xf32, #tpu.memory_space<vmem_shared>>
      %dma_wait3A_43 = arith.constant 0 : i32
      %dma_wait3A_44 = tpu.memref_slice %arg5[%add3A_24, %dma_wait3A_43] : memref<10000x128xf32, #tpu.memory_space<vmem_shared>> -> memref<80x128xf32, #tpu.memory_space<vmem_shared>>
      tpu.wait_dma2 semaphore(%run_scoped3A : memref<!tpu.dma_semaphore, #tpu.memory_space<semaphore_mem>>) src(%arg7 : memref<80x128xf32, #tpu.memory_space<vmem>>) dst(%dma_wait3A_44 : memref<80x128xf32, #tpu.memory_space<vmem_shared>>)
      tpu.yield
    }) : () -> ()
    %barrier3A = arith.constant 0 : index
    tpu.barrier barrier_id(%barrier3A)
    %scan3A_25 = arith.constant 0 : i32
    %scan3A_26 = arith.constant 0 : i32
    %scan3A_27 = arith.constant 5 : i32
    %scan3A_28 = arith.addi %scan3A_26, %scan3A_27 : i32
    %scan3A_29 = arith.constant 1 : i32
    %scan3A_30 = scf.for %scan3A_39 = %scan3A_26 to %scan3A_28 step %scan3A_29 iter_args(%scan3A_40 = %scan3A_25) -> (i32)  : i32 {
      "tpu.region"() ({
        %run_scoped3A_64 = tpu.sem_alloc : memref<!tpu.dma_semaphore, #tpu.memory_space<semaphore_mem>>
        %dma_start3A_65 = arith.constant 0 : i32
        %dma_start3A_66 = arith.constant 0 : i32
        %dma_start3A_67 = arith.constant 0 : i32
        %dma_start3A_68 = tpu.memref_slice %arg3[%add3A, %scan3A_39, %dma_start3A_65, %dma_start3A_66, %dma_start3A_67] : memref<32x5x2x25x80xi32, #tpu.memory_space<hbm>> -> memref<1x1x2x25x80xi32, #tpu.memory_space<hbm>>
        %dma_start3A_69 = tpu.memref_squeeze %dma_start3A_68 : memref<1x1x2x25x80xi32, #tpu.memory_space<hbm>> -> memref<2x25x80xi32, #tpu.memory_space<hbm>>
        %dma_start3A_70 = arith.constant 0 : i32
        %dma_start3A_71 = arith.constant 0 : i32
        %dma_start3A_72 = arith.constant 0 : i32
        %dma_start3A_73 = tpu.memref_slice %arg3[%add3A, %scan3A_39, %dma_start3A_70, %dma_start3A_71, %dma_start3A_72] : memref<32x5x2x25x80xi32, #tpu.memory_space<hbm>> -> memref<1x1x2x25x80xi32, #tpu.memory_space<hbm>>
        %dma_start3A_74 = tpu.memref_squeeze %dma_start3A_73 : memref<1x1x2x25x80xi32, #tpu.memory_space<hbm>> -> memref<2x25x80xi32, #tpu.memory_space<hbm>>
        tpu.enqueue_dma source(%dma_start3A_74 : memref<2x25x80xi32, #tpu.memory_space<hbm>>) target(%arg6 : memref<2x25x80xi32, #tpu.memory_space<vmem>>) target_semaphore(%run_scoped3A_64 : memref<!tpu.dma_semaphore, #tpu.memory_space<semaphore_mem>>)
        %dma_wait3A_75 = arith.constant 0 : i32
        %dma_wait3A_76 = arith.constant 0 : i32
        %dma_wait3A_77 = arith.constant 0 : i32
        %dma_wait3A_78 = tpu.memref_slice %arg3[%add3A, %scan3A_39, %dma_wait3A_75, %dma_wait3A_76, %dma_wait3A_77] : memref<32x5x2x25x80xi32, #tpu.memory_space<hbm>> -> memref<1x1x2x25x80xi32, #tpu.memory_space<hbm>>
        %dma_wait3A_79 = tpu.memref_squeeze %dma_wait3A_78 : memref<1x1x2x25x80xi32, #tpu.memory_space<hbm>> -> memref<2x25x80xi32, #tpu.memory_space<hbm>>
        %dma_wait3A_80 = arith.constant 0 : i32
        %dma_wait3A_81 = arith.constant 0 : i32
        %dma_wait3A_82 = arith.constant 0 : i32
        %dma_wait3A_83 = tpu.memref_slice %arg3[%add3A, %scan3A_39, %dma_wait3A_80, %dma_wait3A_81, %dma_wait3A_82] : memref<32x5x2x25x80xi32, #tpu.memory_space<hbm>> -> memref<1x1x2x25x80xi32, #tpu.memory_space<hbm>>
        %dma_wait3A_84 = tpu.memref_squeeze %dma_wait3A_83 : memref<1x1x2x25x80xi32, #tpu.memory_space<hbm>> -> memref<2x25x80xi32, #tpu.memory_space<hbm>>
        tpu.wait_dma2 semaphore(%run_scoped3A_64 : memref<!tpu.dma_semaphore, #tpu.memory_space<semaphore_mem>>) src(%dma_wait3A_84 : memref<2x25x80xi32, #tpu.memory_space<hbm>>) dst(%arg6 : memref<2x25x80xi32, #tpu.memory_space<vmem>>)
        tpu.yield
      }) : () -> ()
      %scan3A_41 = arith.constant 0 : i32
      %scan3A_42 = arith.constant 0 : i32
      %scan3A_43 = arith.constant 6 : i32
      %scan3A_44 = arith.addi %scan3A_42, %scan3A_43 : i32
      %scan3A_45 = arith.constant 1 : i32
      %scan3A_46 = scf.for %scan3A_64 = %scan3A_42 to %scan3A_44 step %scan3A_45 iter_args(%scan3A_65 = %scan3A_41) -> (i32)  : i32 {
        %dma_start3A_66 = arith.constant 0 : i32
        %dma_start3A_67 = arith.constant 0 : i32
        %dma_start3A_68 = tpu.memref_slice %arg6[%dma_start3A_66, %scan3A_64, %dma_start3A_67] : memref<2x25x80xi32, #tpu.memory_space<vmem>> -> memref<1x1x80xi32, #tpu.memory_space<vmem>>
        %dma_start3A_69 = tpu.memref_squeeze %dma_start3A_68 : memref<1x1x80xi32, #tpu.memory_space<vmem>> -> memref<80xi32, #tpu.memory_space<vmem>>
        %dma_start3A_70 = arith.constant 0 : i32
        %dma_start3A_71 = arith.constant 0 : i32
        %dma_start3A_72 = tpu.memref_slice %arg2[%dma_start3A_70, %dma_start3A_71] : memref<10000x128xf32, #tpu.memory_space<hbm>> -> memref<10000x128xf32, #tpu.memory_space<hbm>>
        tpu.enqueue_indirect_dma source(%dma_start3A_72 : memref<10000x128xf32, #tpu.memory_space<hbm>>) target(%arg7 : memref<80x128xf32, #tpu.memory_space<vmem>>) offsets(%dma_start3A_69 : memref<80xi32, #tpu.memory_space<vmem>>) semaphore(%arg11 : memref<!tpu.dma_semaphore, #tpu.memory_space<semaphore_mem>>)
        %add3A_73 = arith.constant 6 : i32
        %add3A_74 = arith.addi %scan3A_64, %add3A_73 : i32
        %dma_start3A_75 = arith.constant 0 : i32
        %dma_start3A_76 = arith.constant 0 : i32
        %dma_start3A_77 = tpu.memref_slice %arg6[%dma_start3A_75, %add3A_74, %dma_start3A_76] : memref<2x25x80xi32, #tpu.memory_space<vmem>> -> memref<1x1x80xi32, #tpu.memory_space<vmem>>
        %dma_start3A_78 = tpu.memref_squeeze %dma_start3A_77 : memref<1x1x80xi32, #tpu.memory_space<vmem>> -> memref<80xi32, #tpu.memory_space<vmem>>
        %dma_start3A_79 = arith.constant 0 : i32
        %dma_start3A_80 = arith.constant 0 : i32
        %dma_start3A_81 = tpu.memref_slice %arg2[%dma_start3A_79, %dma_start3A_80] : memref<10000x128xf32, #tpu.memory_space<hbm>> -> memref<10000x128xf32, #tpu.memory_space<hbm>>
        tpu.enqueue_indirect_dma source(%dma_start3A_81 : memref<10000x128xf32, #tpu.memory_space<hbm>>) target(%arg8 : memref<80x128xf32, #tpu.memory_space<vmem>>) offsets(%dma_start3A_78 : memref<80xi32, #tpu.memory_space<vmem>>) semaphore(%arg12 : memref<!tpu.dma_semaphore, #tpu.memory_space<semaphore_mem>>)
        %add3A_82 = arith.constant 12 : i32
        %add3A_83 = arith.addi %scan3A_64, %add3A_82 : i32
        %dma_start3A_84 = arith.constant 0 : i32
        %dma_start3A_85 = arith.constant 0 : i32
        %dma_start3A_86 = tpu.memref_slice %arg6[%dma_start3A_84, %add3A_83, %dma_start3A_85] : memref<2x25x80xi32, #tpu.memory_space<vmem>> -> memref<1x1x80xi32, #tpu.memory_space<vmem>>
        %dma_start3A_87 = tpu.memref_squeeze %dma_start3A_86 : memref<1x1x80xi32, #tpu.memory_space<vmem>> -> memref<80xi32, #tpu.memory_space<vmem>>
        %dma_start3A_88 = arith.constant 0 : i32
        %dma_start3A_89 = arith.constant 0 : i32
        %dma_start3A_90 = tpu.memref_slice %arg2[%dma_start3A_88, %dma_start3A_89] : memref<10000x128xf32, #tpu.memory_space<hbm>> -> memref<10000x128xf32, #tpu.memory_space<hbm>>
        tpu.enqueue_indirect_dma source(%dma_start3A_90 : memref<10000x128xf32, #tpu.memory_space<hbm>>) target(%arg9 : memref<80x128xf32, #tpu.memory_space<vmem>>) offsets(%dma_start3A_87 : memref<80xi32, #tpu.memory_space<vmem>>) semaphore(%arg13 : memref<!tpu.dma_semaphore, #tpu.memory_space<semaphore_mem>>)
        %add3A_91 = arith.constant 18 : i32
        %add3A_92 = arith.addi %scan3A_64, %add3A_91 : i32
        %dma_start3A_93 = arith.constant 0 : i32
        %dma_start3A_94 = arith.constant 0 : i32
        %dma_start3A_95 = tpu.memref_slice %arg6[%dma_start3A_93, %add3A_92, %dma_start3A_94] : memref<2x25x80xi32, #tpu.memory_space<vmem>> -> memref<1x1x80xi32, #tpu.memory_space<vmem>>
        %dma_start3A_96 = tpu.memref_squeeze %dma_start3A_95 : memref<1x1x80xi32, #tpu.memory_space<vmem>> -> memref<80xi32, #tpu.memory_space<vmem>>
        %dma_start3A_97 = arith.constant 0 : i32
        %dma_start3A_98 = arith.constant 0 : i32
        %dma_start3A_99 = tpu.memref_slice %arg2[%dma_start3A_97, %dma_start3A_98] : memref<10000x128xf32, #tpu.memory_space<hbm>> -> memref<10000x128xf32, #tpu.memory_space<hbm>>
        tpu.enqueue_indirect_dma source(%dma_start3A_99 : memref<10000x128xf32, #tpu.memory_space<hbm>>) target(%arg10 : memref<80x128xf32, #tpu.memory_space<vmem>>) offsets(%dma_start3A_96 : memref<80xi32, #tpu.memory_space<vmem>>) semaphore(%arg14 : memref<!tpu.dma_semaphore, #tpu.memory_space<semaphore_mem>>)
        %dma_wait3A_100 = arith.constant 0 : i32
        %dma_wait3A_101 = arith.constant 0 : i32
        %dma_wait3A_102 = tpu.memref_slice %arg6[%dma_wait3A_100, %scan3A_64, %dma_wait3A_101] : memref<2x25x80xi32, #tpu.memory_space<vmem>> -> memref<1x1x80xi32, #tpu.memory_space<vmem>>
        %dma_wait3A_103 = tpu.memref_squeeze %dma_wait3A_102 : memref<1x1x80xi32, #tpu.memory_space<vmem>> -> memref<80xi32, #tpu.memory_space<vmem>>
        %dma_wait3A_104 = arith.constant 0 : i32
        %dma_wait3A_105 = arith.constant 0 : i32
        %dma_wait3A_106 = tpu.memref_slice %arg2[%dma_wait3A_104, %dma_wait3A_105] : memref<10000x128xf32, #tpu.memory_space<hbm>> -> memref<10000x128xf32, #tpu.memory_space<hbm>>
        tpu.wait_indirect_dma semaphore(%arg11 : memref<!tpu.dma_semaphore, #tpu.memory_space<semaphore_mem>>) src(%dma_wait3A_106 : memref<10000x128xf32, #tpu.memory_space<hbm>>) dst(%arg7 : memref<80x128xf32, #tpu.memory_space<vmem>>)
        %run_scoped3A_107 = arith.constant 1 : i32
        "tpu.region"() ({
          %run_scoped3A_139 = tpu.sem_alloc : memref<!tpu.dma_semaphore, #tpu.memory_space<semaphore_mem>>
          %dma_start3A_140 = arith.constant 0 : i32
          %dma_start3A_141 = tpu.memref_slice %arg6[%run_scoped3A_107, %scan3A_64, %dma_start3A_140] : memref<2x25x80xi32, #tpu.memory_space<vmem>> -> memref<1x1x80xi32, #tpu.memory_space<vmem>>
          %dma_start3A_142 = tpu.memref_squeeze %dma_start3A_141 : memref<1x1x80xi32, #tpu.memory_space<vmem>> -> memref<80xi32, #tpu.memory_space<vmem>>
          %dma_start3A_143 = arith.constant 0 : i32
          %dma_start3A_144 = arith.constant 0 : i32
          %dma_start3A_145 = tpu.memref_slice %arg5[%dma_start3A_143, %dma_start3A_144] : memref<10000x128xf32, #tpu.memory_space<vmem_shared>> -> memref<10000x128xf32, #tpu.memory_space<vmem_shared>>
          tpu.enqueue_indirect_dma source(%arg7 : memref<80x128xf32, #tpu.memory_space<vmem>>) target(%dma_start3A_145 : memref<10000x128xf32, #tpu.memory_space<vmem_shared>>) offsets(%dma_start3A_142 : memref<80xi32, #tpu.memory_space<vmem>>) semaphore(%run_scoped3A_139 : memref<!tpu.dma_semaphore, #tpu.memory_space<semaphore_mem>>) {add = true}
          %dma_wait3A_146 = arith.constant 0 : i32
          %dma_wait3A_147 = tpu.memref_slice %arg6[%run_scoped3A_107, %scan3A_64, %dma_wait3A_146] : memref<2x25x80xi32, #tpu.memory_space<vmem>> -> memref<1x1x80xi32, #tpu.memory_space<vmem>>
          %dma_wait3A_148 = tpu.memref_squeeze %dma_wait3A_147 : memref<1x1x80xi32, #tpu.memory_space<vmem>> -> memref<80xi32, #tpu.memory_space<vmem>>
          %dma_wait3A_149 = arith.constant 0 : i32
          %dma_wait3A_150 = arith.constant 0 : i32
          %dma_wait3A_151 = tpu.memref_slice %arg5[%dma_wait3A_149, %dma_wait3A_150] : memref<10000x128xf32, #tpu.memory_space<vmem_shared>> -> memref<10000x128xf32, #tpu.memory_space<vmem_shared>>
          tpu.wait_indirect_dma semaphore(%run_scoped3A_139 : memref<!tpu.dma_semaphore, #tpu.memory_space<semaphore_mem>>) src(%arg7 : memref<80x128xf32, #tpu.memory_space<vmem>>) dst(%dma_wait3A_151 : memref<10000x128xf32, #tpu.memory_space<vmem_shared>>)
          tpu.yield
        }) : () -> ()
        %dma_wait3A_108 = arith.constant 0 : i32
        %dma_wait3A_109 = arith.constant 0 : i32
        %dma_wait3A_110 = tpu.memref_slice %arg6[%dma_wait3A_108, %add3A_74, %dma_wait3A_109] : memref<2x25x80xi32, #tpu.memory_space<vmem>> -> memref<1x1x80xi32, #tpu.memory_space<vmem>>
        %dma_wait3A_111 = tpu.memref_squeeze %dma_wait3A_110 : memref<1x1x80xi32, #tpu.memory_space<vmem>> -> memref<80xi32, #tpu.memory_space<vmem>>
        %dma_wait3A_112 = arith.constant 0 : i32
        %dma_wait3A_113 = arith.constant 0 : i32
        %dma_wait3A_114 = tpu.memref_slice %arg2[%dma_wait3A_112, %dma_wait3A_113] : memref<10000x128xf32, #tpu.memory_space<hbm>> -> memref<10000x128xf32, #tpu.memory_space<hbm>>
        tpu.wait_indirect_dma semaphore(%arg12 : memref<!tpu.dma_semaphore, #tpu.memory_space<semaphore_mem>>) src(%dma_wait3A_114 : memref<10000x128xf32, #tpu.memory_space<hbm>>) dst(%arg8 : memref<80x128xf32, #tpu.memory_space<vmem>>)
        %add3A_115 = arith.constant 6 : i32
        %add3A_116 = arith.addi %scan3A_64, %add3A_115 : i32
        %run_scoped3A_117 = arith.constant 1 : i32
        "tpu.region"() ({
          %run_scoped3A_139 = tpu.sem_alloc : memref<!tpu.dma_semaphore, #tpu.memory_space<semaphore_mem>>
          %dma_start3A_140 = arith.constant 0 : i32
          %dma_start3A_141 = tpu.memref_slice %arg6[%run_scoped3A_117, %add3A_116, %dma_start3A_140] : memref<2x25x80xi32, #tpu.memory_space<vmem>> -> memref<1x1x80xi32, #tpu.memory_space<vmem>>
          %dma_start3A_142 = tpu.memref_squeeze %dma_start3A_141 : memref<1x1x80xi32, #tpu.memory_space<vmem>> -> memref<80xi32, #tpu.memory_space<vmem>>
          %dma_start3A_143 = arith.constant 0 : i32
          %dma_start3A_144 = arith.constant 0 : i32
          %dma_start3A_145 = tpu.memref_slice %arg5[%dma_start3A_143, %dma_start3A_144] : memref<10000x128xf32, #tpu.memory_space<vmem_shared>> -> memref<10000x128xf32, #tpu.memory_space<vmem_shared>>
          tpu.enqueue_indirect_dma source(%arg8 : memref<80x128xf32, #tpu.memory_space<vmem>>) target(%dma_start3A_145 : memref<10000x128xf32, #tpu.memory_space<vmem_shared>>) offsets(%dma_start3A_142 : memref<80xi32, #tpu.memory_space<vmem>>) semaphore(%run_scoped3A_139 : memref<!tpu.dma_semaphore, #tpu.memory_space<semaphore_mem>>) {add = true}
          %dma_wait3A_146 = arith.constant 0 : i32
          %dma_wait3A_147 = tpu.memref_slice %arg6[%run_scoped3A_117, %add3A_116, %dma_wait3A_146] : memref<2x25x80xi32, #tpu.memory_space<vmem>> -> memref<1x1x80xi32, #tpu.memory_space<vmem>>
          %dma_wait3A_148 = tpu.memref_squeeze %dma_wait3A_147 : memref<1x1x80xi32, #tpu.memory_space<vmem>> -> memref<80xi32, #tpu.memory_space<vmem>>
          %dma_wait3A_149 = arith.constant 0 : i32
          %dma_wait3A_150 = arith.constant 0 : i32
          %dma_wait3A_151 = tpu.memref_slice %arg5[%dma_wait3A_149, %dma_wait3A_150] : memref<10000x128xf32, #tpu.memory_space<vmem_shared>> -> memref<10000x128xf32, #tpu.memory_space<vmem_shared>>
          tpu.wait_indirect_dma semaphore(%run_scoped3A_139 : memref<!tpu.dma_semaphore, #tpu.memory_space<semaphore_mem>>) src(%arg8 : memref<80x128xf32, #tpu.memory_space<vmem>>) dst(%dma_wait3A_151 : memref<10000x128xf32, #tpu.memory_space<vmem_shared>>)
          tpu.yield
        }) : () -> ()
        %dma_wait3A_118 = arith.constant 0 : i32
        %dma_wait3A_119 = arith.constant 0 : i32
        %dma_wait3A_120 = tpu.memref_slice %arg6[%dma_wait3A_118, %add3A_83, %dma_wait3A_119] : memref<2x25x80xi32, #tpu.memory_space<vmem>> -> memref<1x1x80xi32, #tpu.memory_space<vmem>>
        %dma_wait3A_121 = tpu.memref_squeeze %dma_wait3A_120 : memref<1x1x80xi32, #tpu.memory_space<vmem>> -> memref<80xi32, #tpu.memory_space<vmem>>
        %dma_wait3A_122 = arith.constant 0 : i32
        %dma_wait3A_123 = arith.constant 0 : i32
        %dma_wait3A_124 = tpu.memref_slice %arg2[%dma_wait3A_122, %dma_wait3A_123] : memref<10000x128xf32, #tpu.memory_space<hbm>> -> memref<10000x128xf32, #tpu.memory_space<hbm>>
        tpu.wait_indirect_dma semaphore(%arg13 : memref<!tpu.dma_semaphore, #tpu.memory_space<semaphore_mem>>) src(%dma_wait3A_124 : memref<10000x128xf32, #tpu.memory_space<hbm>>) dst(%arg9 : memref<80x128xf32, #tpu.memory_space<vmem>>)
        %add3A_125 = arith.constant 12 : i32
        %add3A_126 = arith.addi %scan3A_64, %add3A_125 : i32
        %run_scoped3A_127 = arith.constant 1 : i32
        "tpu.region"() ({
          %run_scoped3A_139 = tpu.sem_alloc : memref<!tpu.dma_semaphore, #tpu.memory_space<semaphore_mem>>
          %dma_start3A_140 = arith.constant 0 : i32
          %dma_start3A_141 = tpu.memref_slice %arg6[%run_scoped3A_127, %add3A_126, %dma_start3A_140] : memref<2x25x80xi32, #tpu.memory_space<vmem>> -> memref<1x1x80xi32, #tpu.memory_space<vmem>>
          %dma_start3A_142 = tpu.memref_squeeze %dma_start3A_141 : memref<1x1x80xi32, #tpu.memory_space<vmem>> -> memref<80xi32, #tpu.memory_space<vmem>>
          %dma_start3A_143 = arith.constant 0 : i32
          %dma_start3A_144 = arith.constant 0 : i32
          %dma_start3A_145 = tpu.memref_slice %arg5[%dma_start3A_143, %dma_start3A_144] : memref<10000x128xf32, #tpu.memory_space<vmem_shared>> -> memref<10000x128xf32, #tpu.memory_space<vmem_shared>>
          tpu.enqueue_indirect_dma source(%arg9 : memref<80x128xf32, #tpu.memory_space<vmem>>) target(%dma_start3A_145 : memref<10000x128xf32, #tpu.memory_space<vmem_shared>>) offsets(%dma_start3A_142 : memref<80xi32, #tpu.memory_space<vmem>>) semaphore(%run_scoped3A_139 : memref<!tpu.dma_semaphore, #tpu.memory_space<semaphore_mem>>) {add = true}
          %dma_wait3A_146 = arith.constant 0 : i32
          %dma_wait3A_147 = tpu.memref_slice %arg6[%run_scoped3A_127, %add3A_126, %dma_wait3A_146] : memref<2x25x80xi32, #tpu.memory_space<vmem>> -> memref<1x1x80xi32, #tpu.memory_space<vmem>>
          %dma_wait3A_148 = tpu.memref_squeeze %dma_wait3A_147 : memref<1x1x80xi32, #tpu.memory_space<vmem>> -> memref<80xi32, #tpu.memory_space<vmem>>
          %dma_wait3A_149 = arith.constant 0 : i32
          %dma_wait3A_150 = arith.constant 0 : i32
          %dma_wait3A_151 = tpu.memref_slice %arg5[%dma_wait3A_149, %dma_wait3A_150] : memref<10000x128xf32, #tpu.memory_space<vmem_shared>> -> memref<10000x128xf32, #tpu.memory_space<vmem_shared>>
          tpu.wait_indirect_dma semaphore(%run_scoped3A_139 : memref<!tpu.dma_semaphore, #tpu.memory_space<semaphore_mem>>) src(%arg9 : memref<80x128xf32, #tpu.memory_space<vmem>>) dst(%dma_wait3A_151 : memref<10000x128xf32, #tpu.memory_space<vmem_shared>>)
          tpu.yield
        }) : () -> ()
        %dma_wait3A_128 = arith.constant 0 : i32
        %dma_wait3A_129 = arith.constant 0 : i32
        %dma_wait3A_130 = tpu.memref_slice %arg6[%dma_wait3A_128, %add3A_92, %dma_wait3A_129] : memref<2x25x80xi32, #tpu.memory_space<vmem>> -> memref<1x1x80xi32, #tpu.memory_space<vmem>>
        %dma_wait3A_131 = tpu.memref_squeeze %dma_wait3A_130 : memref<1x1x80xi32, #tpu.memory_space<vmem>> -> memref<80xi32, #tpu.memory_space<vmem>>
        %dma_wait3A_132 = arith.constant 0 : i32
        %dma_wait3A_133 = arith.constant 0 : i32
        %dma_wait3A_134 = tpu.memref_slice %arg2[%dma_wait3A_132, %dma_wait3A_133] : memref<10000x128xf32, #tpu.memory_space<hbm>> -> memref<10000x128xf32, #tpu.memory_space<hbm>>
        tpu.wait_indirect_dma semaphore(%arg14 : memref<!tpu.dma_semaphore, #tpu.memory_space<semaphore_mem>>) src(%dma_wait3A_134 : memref<10000x128xf32, #tpu.memory_space<hbm>>) dst(%arg10 : memref<80x128xf32, #tpu.memory_space<vmem>>)
        %add3A_135 = arith.constant 18 : i32
        %add3A_136 = arith.addi %scan3A_64, %add3A_135 : i32
        %run_scoped3A_137 = arith.constant 1 : i32
        "tpu.region"() ({
          %run_scoped3A_139 = tpu.sem_alloc : memref<!tpu.dma_semaphore, #tpu.memory_space<semaphore_mem>>
          %dma_start3A_140 = arith.constant 0 : i32
          %dma_start3A_141 = tpu.memref_slice %arg6[%run_scoped3A_137, %add3A_136, %dma_start3A_140] : memref<2x25x80xi32, #tpu.memory_space<vmem>> -> memref<1x1x80xi32, #tpu.memory_space<vmem>>
          %dma_start3A_142 = tpu.memref_squeeze %dma_start3A_141 : memref<1x1x80xi32, #tpu.memory_space<vmem>> -> memref<80xi32, #tpu.memory_space<vmem>>
          %dma_start3A_143 = arith.constant 0 : i32
          %dma_start3A_144 = arith.constant 0 : i32
          %dma_start3A_145 = tpu.memref_slice %arg5[%dma_start3A_143, %dma_start3A_144] : memref<10000x128xf32, #tpu.memory_space<vmem_shared>> -> memref<10000x128xf32, #tpu.memory_space<vmem_shared>>
          tpu.enqueue_indirect_dma source(%arg10 : memref<80x128xf32, #tpu.memory_space<vmem>>) target(%dma_start3A_145 : memref<10000x128xf32, #tpu.memory_space<vmem_shared>>) offsets(%dma_start3A_142 : memref<80xi32, #tpu.memory_space<vmem>>) semaphore(%run_scoped3A_139 : memref<!tpu.dma_semaphore, #tpu.memory_space<semaphore_mem>>) {add = true}
          %dma_wait3A_146 = arith.constant 0 : i32
          %dma_wait3A_147 = tpu.memref_slice %arg6[%run_scoped3A_137, %add3A_136, %dma_wait3A_146] : memref<2x25x80xi32, #tpu.memory_space<vmem>> -> memref<1x1x80xi32, #tpu.memory_space<vmem>>
          %dma_wait3A_148 = tpu.memref_squeeze %dma_wait3A_147 : memref<1x1x80xi32, #tpu.memory_space<vmem>> -> memref<80xi32, #tpu.memory_space<vmem>>
          %dma_wait3A_149 = arith.constant 0 : i32
          %dma_wait3A_150 = arith.constant 0 : i32
          %dma_wait3A_151 = tpu.memref_slice %arg5[%dma_wait3A_149, %dma_wait3A_150] : memref<10000x128xf32, #tpu.memory_space<vmem_shared>> -> memref<10000x128xf32, #tpu.memory_space<vmem_shared>>
          tpu.wait_indirect_dma semaphore(%run_scoped3A_139 : memref<!tpu.dma_semaphore, #tpu.memory_space<semaphore_mem>>) src(%arg10 : memref<80x128xf32, #tpu.memory_space<vmem>>) dst(%dma_wait3A_151 : memref<10000x128xf32, #tpu.memory_space<vmem_shared>>)
          tpu.yield
        }) : () -> ()
        %scan3A_138 = arith.constant 0 : i32
        scf.yield %scan3A_138 : i32
      }
      %scan3A_47 = arith.constant 6 : i32
      %dma_start3A = arith.constant 0 : i32
      %dma_start3A_48 = arith.constant 24 : i32
      %dma_start3A_49 = arith.constant 0 : i32
      %dma_start3A_50 = tpu.memref_slice %arg6[%dma_start3A, %dma_start3A_48, %dma_start3A_49] : memref<2x25x80xi32, #tpu.memory_space<vmem>> -> memref<1x1x80xi32, #tpu.memory_space<vmem>>
      %dma_start3A_51 = tpu.memref_squeeze %dma_start3A_50 : memref<1x1x80xi32, #tpu.memory_space<vmem>> -> memref<80xi32, #tpu.memory_space<vmem>>
      %dma_start3A_52 = arith.constant 0 : i32
      %dma_start3A_53 = arith.constant 0 : i32
      %dma_start3A_54 = tpu.memref_slice %arg2[%dma_start3A_52, %dma_start3A_53] : memref<10000x128xf32, #tpu.memory_space<hbm>> -> memref<10000x128xf32, #tpu.memory_space<hbm>>
      tpu.enqueue_indirect_dma source(%dma_start3A_54 : memref<10000x128xf32, #tpu.memory_space<hbm>>) target(%arg7 : memref<80x128xf32, #tpu.memory_space<vmem>>) offsets(%dma_start3A_51 : memref<80xi32, #tpu.memory_space<vmem>>) semaphore(%arg11 : memref<!tpu.dma_semaphore, #tpu.memory_space<semaphore_mem>>)
      %dma_wait3A = arith.constant 0 : i32
      %dma_wait3A_55 = arith.constant 24 : i32
      %dma_wait3A_56 = arith.constant 0 : i32
      %dma_wait3A_57 = tpu.memref_slice %arg6[%dma_wait3A, %dma_wait3A_55, %dma_wait3A_56] : memref<2x25x80xi32, #tpu.memory_space<vmem>> -> memref<1x1x80xi32, #tpu.memory_space<vmem>>
      %dma_wait3A_58 = tpu.memref_squeeze %dma_wait3A_57 : memref<1x1x80xi32, #tpu.memory_space<vmem>> -> memref<80xi32, #tpu.memory_space<vmem>>
      %dma_wait3A_59 = arith.constant 0 : i32
      %dma_wait3A_60 = arith.constant 0 : i32
      %dma_wait3A_61 = tpu.memref_slice %arg2[%dma_wait3A_59, %dma_wait3A_60] : memref<10000x128xf32, #tpu.memory_space<hbm>> -> memref<10000x128xf32, #tpu.memory_space<hbm>>
      tpu.wait_indirect_dma semaphore(%arg11 : memref<!tpu.dma_semaphore, #tpu.memory_space<semaphore_mem>>) src(%dma_wait3A_61 : memref<10000x128xf32, #tpu.memory_space<hbm>>) dst(%arg7 : memref<80x128xf32, #tpu.memory_space<vmem>>)
      %run_scoped3A = arith.constant 1 : i32
      %run_scoped3A_62 = arith.constant 24 : i32
      "tpu.region"() ({
        %run_scoped3A_64 = tpu.sem_alloc : memref<!tpu.dma_semaphore, #tpu.memory_space<semaphore_mem>>
        %dma_start3A_65 = arith.constant 0 : i32
        %dma_start3A_66 = tpu.memref_slice %arg6[%run_scoped3A, %run_scoped3A_62, %dma_start3A_65] : memref<2x25x80xi32, #tpu.memory_space<vmem>> -> memref<1x1x80xi32, #tpu.memory_space<vmem>>
        %dma_start3A_67 = tpu.memref_squeeze %dma_start3A_66 : memref<1x1x80xi32, #tpu.memory_space<vmem>> -> memref<80xi32, #tpu.memory_space<vmem>>
        %dma_start3A_68 = arith.constant 0 : i32
        %dma_start3A_69 = arith.constant 0 : i32
        %dma_start3A_70 = tpu.memref_slice %arg5[%dma_start3A_68, %dma_start3A_69] : memref<10000x128xf32, #tpu.memory_space<vmem_shared>> -> memref<10000x128xf32, #tpu.memory_space<vmem_shared>>
        tpu.enqueue_indirect_dma source(%arg7 : memref<80x128xf32, #tpu.memory_space<vmem>>) target(%dma_start3A_70 : memref<10000x128xf32, #tpu.memory_space<vmem_shared>>) offsets(%dma_start3A_67 : memref<80xi32, #tpu.memory_space<vmem>>) semaphore(%run_scoped3A_64 : memref<!tpu.dma_semaphore, #tpu.memory_space<semaphore_mem>>) {add = true}
        %dma_wait3A_71 = arith.constant 0 : i32
        %dma_wait3A_72 = tpu.memref_slice %arg6[%run_scoped3A, %run_scoped3A_62, %dma_wait3A_71] : memref<2x25x80xi32, #tpu.memory_space<vmem>> -> memref<1x1x80xi32, #tpu.memory_space<vmem>>
        %dma_wait3A_73 = tpu.memref_squeeze %dma_wait3A_72 : memref<1x1x80xi32, #tpu.memory_space<vmem>> -> memref<80xi32, #tpu.memory_space<vmem>>
        %dma_wait3A_74 = arith.constant 0 : i32
        %dma_wait3A_75 = arith.constant 0 : i32
        %dma_wait3A_76 = tpu.memref_slice %arg5[%dma_wait3A_74, %dma_wait3A_75] : memref<10000x128xf32, #tpu.memory_space<vmem_shared>> -> memref<10000x128xf32, #tpu.memory_space<vmem_shared>>
        tpu.wait_indirect_dma semaphore(%run_scoped3A_64 : memref<!tpu.dma_semaphore, #tpu.memory_space<semaphore_mem>>) src(%arg7 : memref<80x128xf32, #tpu.memory_space<vmem>>) dst(%dma_wait3A_76 : memref<10000x128xf32, #tpu.memory_space<vmem_shared>>)
        tpu.yield
      }) : () -> ()
      %scan3A_63 = arith.constant 0 : i32
      scf.yield %scan3A_63 : i32
    }
    %scan3A_31 = arith.constant 5 : i32
    %barrier3A_32 = arith.constant 0 : index
    tpu.barrier barrier_id(%barrier3A_32)
    %eq3A = arith.constant 15 : i32
    %eq3A_33 = arith.cmpi eq, %arg1, %eq3A : i32
    %convert_element_type3A = arith.extui %eq3A_33 : i1 to i32
    %cond3A = arith.constant 0 : i32
    %cond3A_34 = arith.cmpi ne, %convert_element_type3A, %cond3A : i32
    scf.if %cond3A_34 {
      "tpu.region"() ({
        %run_scoped3A = tpu.sem_alloc : memref<!tpu.dma_semaphore, #tpu.memory_space<semaphore_mem>>
        %dma_start3A = arith.constant 0 : i32
        %dma_start3A_39 = tpu.memref_slice %arg4[%arg0, %mul3A_8, %dma_start3A] : memref<2x10000x128xf32, #tpu.memory_space<hbm>> -> memref<1x640x128xf32, #tpu.memory_space<hbm>>
        %dma_start3A_40 = tpu.memref_squeeze %dma_start3A_39 : memref<1x640x128xf32, #tpu.memory_space<hbm>> -> memref<640x128xf32, #tpu.memory_space<hbm>>
        %dma_start3A_41 = arith.constant 0 : i32
        %dma_start3A_42 = tpu.memref_slice %arg5[%mul3A_8, %dma_start3A_41] : memref<10000x128xf32, #tpu.memory_space<vmem_shared>> -> memref<640x128xf32, #tpu.memory_space<vmem_shared>>
        tpu.enqueue_dma source(%dma_start3A_42 : memref<640x128xf32, #tpu.memory_space<vmem_shared>>) target(%dma_start3A_40 : memref<640x128xf32, #tpu.memory_space<hbm>>) target_semaphore(%run_scoped3A : memref<!tpu.dma_semaphore, #tpu.memory_space<semaphore_mem>>)
        %dma_wait3A = arith.constant 0 : i32
        %dma_wait3A_43 = tpu.memref_slice %arg4[%arg0, %mul3A_8, %dma_wait3A] : memref<2x10000x128xf32, #tpu.memory_space<hbm>> -> memref<1x640x128xf32, #tpu.memory_space<hbm>>
        %dma_wait3A_44 = tpu.memref_squeeze %dma_wait3A_43 : memref<1x640x128xf32, #tpu.memory_space<hbm>> -> memref<640x128xf32, #tpu.memory_space<hbm>>
        %dma_wait3A_45 = arith.constant 0 : i32
        %dma_wait3A_46 = tpu.memref_slice %arg5[%mul3A_8, %dma_wait3A_45] : memref<10000x128xf32, #tpu.memory_space<vmem_shared>> -> memref<640x128xf32, #tpu.memory_space<vmem_shared>>
        tpu.wait_dma2 semaphore(%run_scoped3A : memref<!tpu.dma_semaphore, #tpu.memory_space<semaphore_mem>>) src(%dma_wait3A_46 : memref<640x128xf32, #tpu.memory_space<vmem_shared>>) dst(%dma_wait3A_44 : memref<640x128xf32, #tpu.memory_space<hbm>>)
        tpu.yield
      }) : () -> ()
    } else {
    }
    %ne3A = arith.constant 15 : i32
    %ne3A_35 = arith.cmpi ne, %arg1, %ne3A : i32
    %convert_element_type3A_36 = arith.extui %ne3A_35 : i1 to i32
    %cond3A_37 = arith.constant 0 : i32
    %cond3A_38 = arith.cmpi ne, %convert_element_type3A_36, %cond3A_37 : i32
    scf.if %cond3A_38 {
      "tpu.region"() ({
        %run_scoped3A = tpu.sem_alloc : memref<!tpu.dma_semaphore, #tpu.memory_space<semaphore_mem>>
        %dma_start3A = arith.constant 0 : i32
        %dma_start3A_39 = tpu.memref_slice %arg4[%arg0, %mul3A_8, %dma_start3A] : memref<2x10000x128xf32, #tpu.memory_space<hbm>> -> memref<1x624x128xf32, #tpu.memory_space<hbm>>
        %dma_start3A_40 = tpu.memref_squeeze %dma_start3A_39 : memref<1x624x128xf32, #tpu.memory_space<hbm>> -> memref<624x128xf32, #tpu.memory_space<hbm>>
        %dma_start3A_41 = arith.constant 0 : i32
        %dma_start3A_42 = tpu.memref_slice %arg5[%mul3A_8, %dma_start3A_41] : memref<10000x128xf32, #tpu.memory_space<vmem_shared>> -> memref<624x128xf32, #tpu.memory_space<vmem_shared>>
        tpu.enqueue_dma source(%dma_start3A_42 : memref<624x128xf32, #tpu.memory_space<vmem_shared>>) target(%dma_start3A_40 : memref<624x128xf32, #tpu.memory_space<hbm>>) target_semaphore(%run_scoped3A : memref<!tpu.dma_semaphore, #tpu.memory_space<semaphore_mem>>)
        %dma_wait3A = arith.constant 0 : i32
        %dma_wait3A_43 = tpu.memref_slice %arg4[%arg0, %mul3A_8, %dma_wait3A] : memref<2x10000x128xf32, #tpu.memory_space<hbm>> -> memref<1x624x128xf32, #tpu.memory_space<hbm>>
        %dma_wait3A_44 = tpu.memref_squeeze %dma_wait3A_43 : memref<1x624x128xf32, #tpu.memory_space<hbm>> -> memref<624x128xf32, #tpu.memory_space<hbm>>
        %dma_wait3A_45 = arith.constant 0 : i32
        %dma_wait3A_46 = tpu.memref_slice %arg5[%mul3A_8, %dma_wait3A_45] : memref<10000x128xf32, #tpu.memory_space<vmem_shared>> -> memref<624x128xf32, #tpu.memory_space<vmem_shared>>
        tpu.wait_dma2 semaphore(%run_scoped3A : memref<!tpu.dma_semaphore, #tpu.memory_space<semaphore_mem>>) src(%dma_wait3A_46 : memref<624x128xf32, #tpu.memory_space<vmem_shared>>) dst(%dma_wait3A_44 : memref<624x128xf32, #tpu.memory_space<hbm>>)
        tpu.yield
      }) : () -> ()
    } else {
    }
    return
  }
}

module attributes {stable_mosaic.version = 14 : i64} {
  func.func @_prologue_body(%arg0: i32, %arg1: memref<1000x16xf32, #tpu.memory_space<vmem>>, %arg2: memref<1000x16xf32, #tpu.memory_space<vmem>>, %arg3: memref<1000x128xf32, #tpu.memory_space<vmem>>, %arg4: memref<1000x1xf32, #tpu.memory_space<vmem>>, %arg5: memref<1000x128xf32, #tpu.memory_space<vmem>>) attributes {dimension_semantics = [#tpu.dimension_semantics<arbitrary>], iteration_bounds = array<i64: 10>, scalar_prefetch = 0 : i64, scratch_operands = 0 : i64, tpu.core_type = #tpu.core_type<tc>, window_params = [{transform_indices = @transform_0, window_bounds = array<i64: 1000, 16>}, {transform_indices = @transform_1, window_bounds = array<i64: 1000, 16>}, {transform_indices = @transform_2, window_bounds = array<i64: 1000, 128>}, {transform_indices = @transform_3, window_bounds = array<i64: 1000, 1>}, {transform_indices = @transform_4, window_bounds = array<i64: 1000, 128>}]} {
    %get3A = arith.constant 0 : index
    %get3A_0 = arith.constant 0 : index
    %get3A_1 = vector.load %arg1[%get3A, %get3A_0] : memref<1000x16xf32, #tpu.memory_space<vmem>>, vector<1000x1xf32>
    %get3A_2 = arith.constant 0 : index
    %get3A_3 = arith.constant 0 : index
    %get3A_4 = vector.load %arg2[%get3A_2, %get3A_3] : memref<1000x16xf32, #tpu.memory_space<vmem>>, vector<1000x1xf32>
    %add3A = arith.addf %get3A_1, %get3A_4 : vector<1000x1xf32>
    %add3A_5 = arith.constant 1.000000e+00 : f32
    %add3A_6 = vector.broadcast %add3A_5 : f32 to vector<1000x1xf32>
    %add3A_7 = arith.addf %add3A, %add3A_6 : vector<1000x1xf32>
    %rsqrt3A = math.rsqrt %add3A_7 : vector<1000x1xf32>
    %swap3A = arith.constant 0 : index
    %swap3A_8 = arith.constant 0 : index
    %swap3A_9 = vector.load %arg4[%swap3A, %swap3A_8] : memref<1000x1xf32, #tpu.memory_space<vmem>>, vector<1000x1xf32>
    tpu.vector_store %arg4[%swap3A, %swap3A_8], %rsqrt3A {strides = array<i32>} : memref<1000x1xf32, #tpu.memory_space<vmem>>, vector<1000x1xf32>,
    %get3A_10 = arith.constant 0 : index
    %get3A_11 = arith.constant 0 : index
    %get3A_12 = vector.load %arg3[%get3A_10, %get3A_11] : memref<1000x128xf32, #tpu.memory_space<vmem>>, vector<1000x128xf32>
    %mul3A = vector.broadcast %rsqrt3A : vector<1000x1xf32> to vector<1000x128xf32>
    %mul3A_13 = arith.mulf %mul3A, %get3A_12 : vector<1000x128xf32>
    %swap3A_14 = arith.constant 0 : index
    %swap3A_15 = arith.constant 0 : index
    %swap3A_16 = vector.load %arg5[%swap3A_14, %swap3A_15] : memref<1000x128xf32, #tpu.memory_space<vmem>>, vector<1000x128xf32>
    tpu.vector_store %arg5[%swap3A_14, %swap3A_15], %mul3A_13 {strides = array<i32>} : memref<1000x128xf32, #tpu.memory_space<vmem>>, vector<1000x128xf32>,
    return
  }
  func.func @transform_0(%arg0: i32) -> (i32, i32) {
    %c0_i32 = arith.constant 0 : i32
    %c0_i32_0 = arith.constant 0 : i32
    return %arg0, %c0_i32 : i32, i32
  }
  func.func @transform_1(%arg0: i32) -> (i32, i32) {
    %c0_i32 = arith.constant 0 : i32
    %c0_i32_0 = arith.constant 0 : i32
    return %arg0, %c0_i32 : i32, i32
  }
  func.func @transform_2(%arg0: i32) -> (i32, i32) {
    %c0_i32 = arith.constant 0 : i32
    %c0_i32_0 = arith.constant 0 : i32
    return %arg0, %c0_i32 : i32, i32
  }
  func.func @transform_3(%arg0: i32) -> (i32, i32) {
    %c0_i32 = arith.constant 0 : i32
    %c0_i32_0 = arith.constant 0 : i32
    return %arg0, %c0_i32 : i32, i32
  }
  func.func @transform_4(%arg0: i32) -> (i32, i32) {
    %c0_i32 = arith.constant 0 : i32
    %c0_i32_0 = arith.constant 0 : i32
    return %arg0, %c0_i32 : i32, i32
  }
}

module attributes {stable_mosaic.version = 14 : i64} {
  func.func @_layer_hs_body(%arg0: i32, %arg1: memref<1000x128xf32, #tpu.memory_space<vmem>>, %arg2: memref<1000x128xf32, #tpu.memory_space<vmem>>, %arg3: memref<1000x128xf32, #tpu.memory_space<vmem>>, %arg4: memref<1000x1xf32, #tpu.memory_space<vmem>>, %arg5: memref<128x128xf32, #tpu.memory_space<vmem>>, %arg6: memref<1x128xf32, #tpu.memory_space<vmem>>, %arg7: memref<1000x128xf32, #tpu.memory_space<vmem>>) attributes {dimension_semantics = [#tpu.dimension_semantics<arbitrary>], iteration_bounds = array<i64: 10>, scalar_prefetch = 0 : i64, scratch_operands = 0 : i64, tpu.core_type = #tpu.core_type<tc>, window_params = [{transform_indices = @transform_0, window_bounds = array<i64: 1000, 128>}, {transform_indices = @transform_1, window_bounds = array<i64: 1000, 128>}, {transform_indices = @transform_2, window_bounds = array<i64: 1000, 128>}, {transform_indices = @transform_3, window_bounds = array<i64: 1000, 1>}, {pipeline_mode = #tpu.pipeline_mode<synchronous>, transform_indices = @transform_4, window_bounds = array<i64: 128, 128>}, {pipeline_mode = #tpu.pipeline_mode<synchronous>, transform_indices = @transform_5, window_bounds = array<i64: 1, 128>}, {transform_indices = @transform_6, window_bounds = array<i64: 1000, 128>}]} {
    %get3A = arith.constant 0 : index
    %get3A_0 = arith.constant 0 : index
    %get3A_1 = vector.load %arg4[%get3A, %get3A_0] : memref<1000x1xf32, #tpu.memory_space<vmem>>, vector<1000x1xf32>
    %get3A_2 = arith.constant 0 : index
    %get3A_3 = arith.constant 0 : index
    %get3A_4 = vector.load %arg1[%get3A_2, %get3A_3] : memref<1000x128xf32, #tpu.memory_space<vmem>>, vector<1000x128xf32>
    %get3A_5 = arith.constant 0 : index
    %get3A_6 = arith.constant 0 : index
    %get3A_7 = vector.load %arg2[%get3A_5, %get3A_6] : memref<1000x128xf32, #tpu.memory_space<vmem>>, vector<1000x128xf32>
    %add3A = arith.addf %get3A_4, %get3A_7 : vector<1000x128xf32>
    %get3A_8 = arith.constant 0 : index
    %get3A_9 = arith.constant 0 : index
    %get3A_10 = vector.load %arg3[%get3A_8, %get3A_9] : memref<1000x128xf32, #tpu.memory_space<vmem>>, vector<1000x128xf32>
    %add3A_11 = arith.addf %add3A, %get3A_10 : vector<1000x128xf32>
    %mul3A = vector.broadcast %get3A_1 : vector<1000x1xf32> to vector<1000x128xf32>
    %mul3A_12 = arith.mulf %mul3A, %add3A_11 : vector<1000x128xf32>
    %get3A_13 = arith.constant 0 : index
    %get3A_14 = arith.constant 0 : index
    %get3A_15 = vector.load %arg5[%get3A_13, %get3A_14] : memref<128x128xf32, #tpu.memory_space<vmem>>, vector<128x128xf32>
    %dot_general3A = arith.constant dense<0.000000e+00> : vector<1000x128xf32>
    %dot_general3A_16 = tpu.matmul %mul3A_12, %get3A_15, %dot_general3A {dimension_numbers = #tpu.dot_dimension_numbers<[1], [0], [0], [1], [0, 0, 1, 1], [], []>, transpose_lhs_hint = false} : vector<1000x128xf32>, vector<128x128xf32>, vector<1000x128xf32> -> vector<1000x128xf32>
    %get3A_17 = arith.constant 0 : index
    %get3A_18 = arith.constant 0 : index
    %get3A_19 = vector.load %arg6[%get3A_17, %get3A_18] : memref<1x128xf32, #tpu.memory_space<vmem>>, vector<1x128xf32>
    %add3A_20 = vector.broadcast %get3A_19 : vector<1x128xf32> to vector<1000x128xf32>
    %add3A_21 = arith.addf %dot_general3A_16, %add3A_20 : vector<1000x128xf32>
    %max3A = arith.constant 0.000000e+00 : f32
    %max3A_22 = vector.broadcast %max3A : f32 to vector<1000x128xf32>
    %max3A_23 = arith.maximumf %add3A_21, %max3A_22 : vector<1000x128xf32>
    %mul3A_24 = vector.broadcast %get3A_1 : vector<1000x1xf32> to vector<1000x128xf32>
    %mul3A_25 = arith.mulf %mul3A_24, %max3A_23 : vector<1000x128xf32>
    %swap3A = arith.constant 0 : index
    %swap3A_26 = arith.constant 0 : index
    %swap3A_27 = vector.load %arg7[%swap3A, %swap3A_26] : memref<1000x128xf32, #tpu.memory_space<vmem>>, vector<1000x128xf32>
    tpu.vector_store %arg7[%swap3A, %swap3A_26], %mul3A_25 {strides = array<i32>} : memref<1000x128xf32, #tpu.memory_space<vmem>>, vector<1000x128xf32>,
    return
  }
  func.func @transform_0(%arg0: i32) -> (i32, i32) {
    %c0_i32 = arith.constant 0 : i32
    %c0_i32_0 = arith.constant 0 : i32
    return %arg0, %c0_i32 : i32, i32
  }
  func.func @transform_1(%arg0: i32) -> (i32, i32) {
    %c0_i32 = arith.constant 0 : i32
    %c0_i32_0 = arith.constant 0 : i32
    return %arg0, %c0_i32 : i32, i32
  }
  func.func @transform_2(%arg0: i32) -> (i32, i32) {
    %c0_i32 = arith.constant 0 : i32
    %c0_i32_0 = arith.constant 0 : i32
    return %arg0, %c0_i32 : i32, i32
  }
  func.func @transform_3(%arg0: i32) -> (i32, i32) {
    %c0_i32 = arith.constant 0 : i32
    %c0_i32_0 = arith.constant 0 : i32
    return %arg0, %c0_i32 : i32, i32
  }
  func.func @transform_4(%arg0: i32) -> (i32, i32) {
    %c0_i32 = arith.constant 0 : i32
    %c0_i32_0 = arith.constant 0 : i32
    %c0_i32_1 = arith.constant 0 : i32
    return %c0_i32, %c0_i32_0 : i32, i32
  }
  func.func @transform_5(%arg0: i32) -> (i32, i32) {
    %c0_i32 = arith.constant 0 : i32
    %c0_i32_0 = arith.constant 0 : i32
    %c0_i32_1 = arith.constant 0 : i32
    return %c0_i32, %c0_i32_0 : i32, i32
  }
  func.func @transform_6(%arg0: i32) -> (i32, i32) {
    %c0_i32 = arith.constant 0 : i32
    %c0_i32_0 = arith.constant 0 : i32
    return %arg0, %c0_i32 : i32, i32
  }
}

module attributes {stable_mosaic.version = 14 : i64} {
  func.func @_layer_hs2_body(%arg0: i32, %arg1: memref<1000x128xf32, #tpu.memory_space<vmem>>, %arg2: memref<1000x128xf32, #tpu.memory_space<vmem>>, %arg3: memref<1000x128xf32, #tpu.memory_space<vmem>>, %arg4: memref<1000x1xf32, #tpu.memory_space<vmem>>, %arg5: memref<128x128xf32, #tpu.memory_space<vmem>>, %arg6: memref<128x128xf32, #tpu.memory_space<vmem>>, %arg7: memref<1x128xf32, #tpu.memory_space<vmem>>, %arg8: memref<1x128xf32, #tpu.memory_space<vmem>>, %arg9: memref<1000x128xf32, #tpu.memory_space<vmem>>, %arg10: memref<1000x128xf32, #tpu.memory_space<vmem>>) attributes {dimension_semantics = [#tpu.dimension_semantics<arbitrary>], iteration_bounds = array<i64: 10>, scalar_prefetch = 0 : i64, scratch_operands = 0 : i64, tpu.core_type = #tpu.core_type<tc>, window_params = [{transform_indices = @transform_0, window_bounds = array<i64: 1000, 128>}, {transform_indices = @transform_1, window_bounds = array<i64: 1000, 128>}, {transform_indices = @transform_2, window_bounds = array<i64: 1000, 128>}, {transform_indices = @transform_3, window_bounds = array<i64: 1000, 1>}, {pipeline_mode = #tpu.pipeline_mode<synchronous>, transform_indices = @transform_4, window_bounds = array<i64: 128, 128>}, {pipeline_mode = #tpu.pipeline_mode<synchronous>, transform_indices = @transform_5, window_bounds = array<i64: 128, 128>}, {pipeline_mode = #tpu.pipeline_mode<synchronous>, transform_indices = @transform_6, window_bounds = array<i64: 1, 128>}, {pipeline_mode = #tpu.pipeline_mode<synchronous>, transform_indices = @transform_7, window_bounds = array<i64: 1, 128>}, {transform_indices = @transform_8, window_bounds = array<i64: 1000, 128>}, {transform_indices = @transform_9, window_bounds = array<i64: 1000, 128>}]} {
    %get3A = arith.constant 0 : index
    %get3A_0 = arith.constant 0 : index
    %get3A_1 = vector.load %arg4[%get3A, %get3A_0] : memref<1000x1xf32, #tpu.memory_space<vmem>>, vector<1000x1xf32>
    %get3A_2 = arith.constant 0 : index
    %get3A_3 = arith.constant 0 : index
    %get3A_4 = vector.load %arg1[%get3A_2, %get3A_3] : memref<1000x128xf32, #tpu.memory_space<vmem>>, vector<1000x128xf32>
    %get3A_5 = arith.constant 0 : index
    %get3A_6 = arith.constant 0 : index
    %get3A_7 = vector.load %arg2[%get3A_5, %get3A_6] : memref<1000x128xf32, #tpu.memory_space<vmem>>, vector<1000x128xf32>
    %add3A = arith.addf %get3A_4, %get3A_7 : vector<1000x128xf32>
    %get3A_8 = arith.constant 0 : index
    %get3A_9 = arith.constant 0 : index
    %get3A_10 = vector.load %arg3[%get3A_8, %get3A_9] : memref<1000x128xf32, #tpu.memory_space<vmem>>, vector<1000x128xf32>
    %add3A_11 = arith.addf %add3A, %get3A_10 : vector<1000x128xf32>
    %mul3A = vector.broadcast %get3A_1 : vector<1000x1xf32> to vector<1000x128xf32>
    %mul3A_12 = arith.mulf %mul3A, %add3A_11 : vector<1000x128xf32>
    %get3A_13 = arith.constant 0 : index
    %get3A_14 = arith.constant 0 : index
    %get3A_15 = vector.load %arg5[%get3A_13, %get3A_14] : memref<128x128xf32, #tpu.memory_space<vmem>>, vector<128x128xf32>
    %dot_general3A = arith.constant dense<0.000000e+00> : vector<1000x128xf32>
    %dot_general3A_16 = tpu.matmul %mul3A_12, %get3A_15, %dot_general3A {dimension_numbers = #tpu.dot_dimension_numbers<[1], [0], [0], [1], [0, 0, 1, 1], [], []>, transpose_lhs_hint = false} : vector<1000x128xf32>, vector<128x128xf32>, vector<1000x128xf32> -> vector<1000x128xf32>
    %get3A_17 = arith.constant 0 : index
    %get3A_18 = arith.constant 0 : index
    %get3A_19 = vector.load %arg7[%get3A_17, %get3A_18] : memref<1x128xf32, #tpu.memory_space<vmem>>, vector<1x128xf32>
    %add3A_20 = vector.broadcast %get3A_19 : vector<1x128xf32> to vector<1000x128xf32>
    %add3A_21 = arith.addf %dot_general3A_16, %add3A_20 : vector<1000x128xf32>
    %max3A = arith.constant 0.000000e+00 : f32
    %max3A_22 = vector.broadcast %max3A : f32 to vector<1000x128xf32>
    %max3A_23 = arith.maximumf %add3A_21, %max3A_22 : vector<1000x128xf32>
    %mul3A_24 = vector.broadcast %get3A_1 : vector<1000x1xf32> to vector<1000x128xf32>
    %mul3A_25 = arith.mulf %mul3A_24, %max3A_23 : vector<1000x128xf32>
    %swap3A = arith.constant 0 : index
    %swap3A_26 = arith.constant 0 : index
    %swap3A_27 = vector.load %arg9[%swap3A, %swap3A_26] : memref<1000x128xf32, #tpu.memory_space<vmem>>, vector<1000x128xf32>
    tpu.vector_store %arg9[%swap3A, %swap3A_26], %mul3A_25 {strides = array<i32>} : memref<1000x128xf32, #tpu.memory_space<vmem>>, vector<1000x128xf32>,
    %get3A_28 = arith.constant 0 : index
    %get3A_29 = arith.constant 0 : index
    %get3A_30 = vector.load %arg6[%get3A_28, %get3A_29] : memref<128x128xf32, #tpu.memory_space<vmem>>, vector<128x128xf32>
    %dot_general3A_31 = arith.constant dense<0.000000e+00> : vector<1000x128xf32>
    %dot_general3A_32 = tpu.matmul %mul3A_12, %get3A_30, %dot_general3A_31 {dimension_numbers = #tpu.dot_dimension_numbers<[1], [0], [0], [1], [0, 0, 1, 1], [], []>, transpose_lhs_hint = false} : vector<1000x128xf32>, vector<128x128xf32>, vector<1000x128xf32> -> vector<1000x128xf32>
    %get3A_33 = arith.constant 0 : index
    %get3A_34 = arith.constant 0 : index
    %get3A_35 = vector.load %arg8[%get3A_33, %get3A_34] : memref<1x128xf32, #tpu.memory_space<vmem>>, vector<1x128xf32>
    %add3A_36 = vector.broadcast %get3A_35 : vector<1x128xf32> to vector<1000x128xf32>
    %add3A_37 = arith.addf %dot_general3A_32, %add3A_36 : vector<1000x128xf32>
    %max3A_38 = arith.constant 0.000000e+00 : f32
    %max3A_39 = vector.broadcast %max3A_38 : f32 to vector<1000x128xf32>
    %max3A_40 = arith.maximumf %add3A_37, %max3A_39 : vector<1000x128xf32>
    %mul3A_41 = vector.broadcast %get3A_1 : vector<1000x1xf32> to vector<1000x128xf32>
    %mul3A_42 = arith.mulf %mul3A_41, %max3A_40 : vector<1000x128xf32>
    %swap3A_43 = arith.constant 0 : index
    %swap3A_44 = arith.constant 0 : index
    %swap3A_45 = vector.load %arg10[%swap3A_43, %swap3A_44] : memref<1000x128xf32, #tpu.memory_space<vmem>>, vector<1000x128xf32>
    tpu.vector_store %arg10[%swap3A_43, %swap3A_44], %mul3A_42 {strides = array<i32>} : memref<1000x128xf32, #tpu.memory_space<vmem>>, vector<1000x128xf32>,
    return
  }
  func.func @transform_0(%arg0: i32) -> (i32, i32) {
    %c0_i32 = arith.constant 0 : i32
    %c0_i32_0 = arith.constant 0 : i32
    return %arg0, %c0_i32 : i32, i32
  }
  func.func @transform_1(%arg0: i32) -> (i32, i32) {
    %c0_i32 = arith.constant 0 : i32
    %c0_i32_0 = arith.constant 0 : i32
    return %arg0, %c0_i32 : i32, i32
  }
  func.func @transform_2(%arg0: i32) -> (i32, i32) {
    %c0_i32 = arith.constant 0 : i32
    %c0_i32_0 = arith.constant 0 : i32
    return %arg0, %c0_i32 : i32, i32
  }
  func.func @transform_3(%arg0: i32) -> (i32, i32) {
    %c0_i32 = arith.constant 0 : i32
    %c0_i32_0 = arith.constant 0 : i32
    return %arg0, %c0_i32 : i32, i32
  }
  func.func @transform_4(%arg0: i32) -> (i32, i32) {
    %c0_i32 = arith.constant 0 : i32
    %c0_i32_0 = arith.constant 0 : i32
    %c0_i32_1 = arith.constant 0 : i32
    return %c0_i32, %c0_i32_0 : i32, i32
  }
  func.func @transform_5(%arg0: i32) -> (i32, i32) {
    %c0_i32 = arith.constant 0 : i32
    %c0_i32_0 = arith.constant 0 : i32
    %c0_i32_1 = arith.constant 0 : i32
    return %c0_i32, %c0_i32_0 : i32, i32
  }
  func.func @transform_6(%arg0: i32) -> (i32, i32) {
    %c0_i32 = arith.constant 0 : i32
    %c0_i32_0 = arith.constant 0 : i32
    %c0_i32_1 = arith.constant 0 : i32
    return %c0_i32, %c0_i32_0 : i32, i32
  }
  func.func @transform_7(%arg0: i32) -> (i32, i32) {
    %c0_i32 = arith.constant 0 : i32
    %c0_i32_0 = arith.constant 0 : i32
    %c0_i32_1 = arith.constant 0 : i32
    return %c0_i32, %c0_i32_0 : i32, i32
  }
  func.func @transform_8(%arg0: i32) -> (i32, i32) {
    %c0_i32 = arith.constant 0 : i32
    %c0_i32_0 = arith.constant 0 : i32
    return %arg0, %c0_i32 : i32, i32
  }
  func.func @transform_9(%arg0: i32) -> (i32, i32) {
    %c0_i32 = arith.constant 0 : i32
    %c0_i32_0 = arith.constant 0 : i32
    return %arg0, %c0_i32 : i32, i32
  }
}

module attributes {stable_mosaic.version = 14 : i64} {
  func.func @_layer3_pool_body(%arg0: i32, %arg1: memref<1000x128xf32, #tpu.memory_space<vmem>>, %arg2: memref<1000x128xf32, #tpu.memory_space<vmem>>, %arg3: memref<1000x128xf32, #tpu.memory_space<vmem>>, %arg4: memref<1000x128xf32, #tpu.memory_space<vmem>>, %arg5: memref<1000x128xf32, #tpu.memory_space<vmem>>, %arg6: memref<1000x128xf32, #tpu.memory_space<vmem>>, %arg7: memref<1000x1xf32, #tpu.memory_space<vmem>>, %arg8: memref<128x512xf32, #tpu.memory_space<vmem>>, %arg9: memref<128x512xf32, #tpu.memory_space<vmem>>, %arg10: memref<1x512xf32, #tpu.memory_space<vmem>>, %arg11: memref<1000x1xi32, #tpu.memory_space<vmem>>, %arg12: memref<512x1024xf32, #tpu.memory_space<vmem>>, %arg13: memref<1x1024xf32, #tpu.memory_space<vmem>>, %arg14: memref<1024x128xf32, #tpu.memory_space<vmem>>, %arg15: memref<1x128xf32, #tpu.memory_space<vmem>>, %arg16: memref<64x128xf32, #tpu.memory_space<vmem>>, %arg17: memref<64x512xf32, #tpu.memory_space<vmem>>) attributes {dimension_semantics = [#tpu.dimension_semantics<arbitrary>], iteration_bounds = array<i64: 10>, scalar_prefetch = 0 : i64, scratch_operands = 1 : i64, tpu.core_type = #tpu.core_type<tc>, window_params = [{transform_indices = @transform_0, window_bounds = array<i64: 1000, 128>}, {transform_indices = @transform_1, window_bounds = array<i64: 1000, 128>}, {transform_indices = @transform_2, window_bounds = array<i64: 1000, 128>}, {transform_indices = @transform_3, window_bounds = array<i64: 1000, 128>}, {transform_indices = @transform_4, window_bounds = array<i64: 1000, 128>}, {transform_indices = @transform_5, window_bounds = array<i64: 1000, 128>}, {transform_indices = @transform_6, window_bounds = array<i64: 1000, 1>}, {pipeline_mode = #tpu.pipeline_mode<synchronous>, transform_indices = @transform_7, window_bounds = array<i64: 128, 512>}, {pipeline_mode = #tpu.pipeline_mode<synchronous>, transform_indices = @transform_8, window_bounds = array<i64: 128, 512>}, {pipeline_mode = #tpu.pipeline_mode<synchronous>, transform_indices = @transform_9, window_bounds = array<i64: 1, 512>}, {transform_indices = @transform_10, window_bounds = array<i64: 1000, 1>}, {pipeline_mode = #tpu.pipeline_mode<synchronous>, transform_indices = @transform_11, window_bounds = array<i64: 512, 1024>}, {pipeline_mode = #tpu.pipeline_mode<synchronous>, transform_indices = @transform_12, window_bounds = array<i64: 1, 1024>}, {pipeline_mode = #tpu.pipeline_mode<synchronous>, transform_indices = @transform_13, window_bounds = array<i64: 1024, 128>}, {pipeline_mode = #tpu.pipeline_mode<synchronous>, transform_indices = @transform_14, window_bounds = array<i64: 1, 128>}, {pipeline_mode = #tpu.pipeline_mode<synchronous>, transform_indices = @transform_15, window_bounds = array<i64: 64, 128>}]} {
    %get3A = arith.constant 0 : index
    %get3A_0 = arith.constant 0 : index
    %get3A_1 = vector.load %arg7[%get3A, %get3A_0] : memref<1000x1xf32, #tpu.memory_space<vmem>>, vector<1000x1xf32>
    %get3A_2 = arith.constant 0 : index
    %get3A_3 = arith.constant 0 : index
    %get3A_4 = vector.load %arg1[%get3A_2, %get3A_3] : memref<1000x128xf32, #tpu.memory_space<vmem>>, vector<1000x128xf32>
    %get3A_5 = arith.constant 0 : index
    %get3A_6 = arith.constant 0 : index
    %get3A_7 = vector.load %arg2[%get3A_5, %get3A_6] : memref<1000x128xf32, #tpu.memory_space<vmem>>, vector<1000x128xf32>
    %add3A = arith.addf %get3A_4, %get3A_7 : vector<1000x128xf32>
    %get3A_8 = arith.constant 0 : index
    %get3A_9 = arith.constant 0 : index
    %get3A_10 = vector.load %arg3[%get3A_8, %get3A_9] : memref<1000x128xf32, #tpu.memory_space<vmem>>, vector<1000x128xf32>
    %add3A_11 = arith.addf %add3A, %get3A_10 : vector<1000x128xf32>
    %mul3A = vector.broadcast %get3A_1 : vector<1000x1xf32> to vector<1000x128xf32>
    %mul3A_12 = arith.mulf %mul3A, %add3A_11 : vector<1000x128xf32>
    %get3A_13 = arith.constant 0 : index
    %get3A_14 = arith.constant 0 : index
    %get3A_15 = vector.load %arg4[%get3A_13, %get3A_14] : memref<1000x128xf32, #tpu.memory_space<vmem>>, vector<1000x128xf32>
    %get3A_16 = arith.constant 0 : index
    %get3A_17 = arith.constant 0 : index
    %get3A_18 = vector.load %arg5[%get3A_16, %get3A_17] : memref<1000x128xf32, #tpu.memory_space<vmem>>, vector<1000x128xf32>
    %add3A_19 = arith.addf %get3A_15, %get3A_18 : vector<1000x128xf32>
    %get3A_20 = arith.constant 0 : index
    %get3A_21 = arith.constant 0 : index
    %get3A_22 = vector.load %arg6[%get3A_20, %get3A_21] : memref<1000x128xf32, #tpu.memory_space<vmem>>, vector<1000x128xf32>
    %add3A_23 = arith.addf %add3A_19, %get3A_22 : vector<1000x128xf32>
    %mul3A_24 = vector.broadcast %get3A_1 : vector<1000x1xf32> to vector<1000x128xf32>
    %mul3A_25 = arith.mulf %mul3A_24, %add3A_23 : vector<1000x128xf32>
    %get3A_26 = arith.constant 0 : index
    %get3A_27 = arith.constant 0 : index
    %get3A_28 = vector.load %arg8[%get3A_26, %get3A_27] : memref<128x512xf32, #tpu.memory_space<vmem>>, vector<128x512xf32>
    %dot_general3A = arith.constant dense<0.000000e+00> : vector<1000x512xf32>
    %dot_general3A_29 = tpu.matmul %mul3A_12, %get3A_28, %dot_general3A {dimension_numbers = #tpu.dot_dimension_numbers<[1], [0], [0], [1], [0, 0, 1, 1], [], []>, transpose_lhs_hint = false} : vector<1000x128xf32>, vector<128x512xf32>, vector<1000x512xf32> -> vector<1000x512xf32>
    %get3A_30 = arith.constant 0 : index
    %get3A_31 = arith.constant 0 : index
    %get3A_32 = vector.load %arg9[%get3A_30, %get3A_31] : memref<128x512xf32, #tpu.memory_space<vmem>>, vector<128x512xf32>
    %dot_general3A_33 = arith.constant dense<0.000000e+00> : vector<1000x512xf32>
    %dot_general3A_34 = tpu.matmul %mul3A_25, %get3A_32, %dot_general3A_33 {dimension_numbers = #tpu.dot_dimension_numbers<[1], [0], [0], [1], [0, 0, 1, 1], [], []>, transpose_lhs_hint = false} : vector<1000x128xf32>, vector<128x512xf32>, vector<1000x512xf32> -> vector<1000x512xf32>
    %add3A_35 = arith.addf %dot_general3A_29, %dot_general3A_34 : vector<1000x512xf32>
    %get3A_36 = arith.constant 0 : index
    %get3A_37 = arith.constant 0 : index
    %get3A_38 = vector.load %arg10[%get3A_36, %get3A_37] : memref<1x512xf32, #tpu.memory_space<vmem>>, vector<1x512xf32>
    %add3A_39 = vector.broadcast %get3A_38 : vector<1x512xf32> to vector<1000x512xf32>
    %add3A_40 = arith.addf %add3A_35, %add3A_39 : vector<1000x512xf32>
    %max3A = arith.constant 0.000000e+00 : f32
    %max3A_41 = vector.broadcast %max3A : f32 to vector<1000x512xf32>
    %max3A_42 = arith.maximumf %add3A_40, %max3A_41 : vector<1000x512xf32>
    %eq3A = arith.constant 0 : i32
    %eq3A_43 = arith.cmpi eq, %arg0, %eq3A : i32
    %convert_element_type3A = arith.extui %eq3A_43 : i1 to i32
    %cond3A = arith.constant 0 : i32
    %cond3A_44 = arith.cmpi ne, %convert_element_type3A, %cond3A : i32
    scf.if %cond3A_44 {
      %broadcast_in_dim3A = arith.constant 0xFF800000 : f32
      %broadcast_in_dim3A_65 = vector.broadcast %broadcast_in_dim3A : f32 to vector<64x512xf32>
      %swap3A = arith.constant 0 : index
      %swap3A_66 = arith.constant 0 : index
      %swap3A_67 = vector.load %arg17[%swap3A, %swap3A_66] : memref<64x512xf32, #tpu.memory_space<vmem>>, vector<64x512xf32>
      tpu.vector_store %arg17[%swap3A, %swap3A_66], %broadcast_in_dim3A_65 {strides = array<i32>} : memref<64x512xf32, #tpu.memory_space<vmem>>, vector<64x512xf32>,
    } else {
    }
    %get3A_45 = arith.constant 0 : index
    %get3A_46 = arith.constant 0 : index
    %get3A_47 = vector.load %arg11[%get3A_45, %get3A_46] : memref<1000x1xi32, #tpu.memory_space<vmem>>, vector<1000x1xi32>
    %reduce_min3A = vector.shape_cast %get3A_47 : vector<1000x1xi32> to vector<1x1000x1xi32>
    %reduce_min3A_48 = arith.constant dense<2147483647> : vector<1xi32>
    %reduce_min3A_49 = vector.multi_reduction <minsi>, %reduce_min3A, %reduce_min3A_48 [1, 2] : vector<1x1000x1xi32> to vector<1xi32>
    %reduce_min3A_50 = vector.shape_cast %reduce_min3A_49 : vector<1xi32> to vector<1x1x1xi32>
    %reduce_min3A_51 = vector.extract %reduce_min3A_50[0, 0, 0] : i32 from vector<1x1x1xi32>
    %reduce_max3A = vector.shape_cast %get3A_47 : vector<1000x1xi32> to vector<1x1000x1xi32>
    %reduce_max3A_52 = arith.constant dense<-2147483648> : vector<1xi32>
    %reduce_max3A_53 = vector.multi_reduction <maxsi>, %reduce_max3A, %reduce_max3A_52 [1, 2] : vector<1x1000x1xi32> to vector<1xi32>
    %reduce_max3A_54 = vector.shape_cast %reduce_max3A_53 : vector<1xi32> to vector<1x1x1xi32>
    %reduce_max3A_55 = vector.extract %reduce_max3A_54[0, 0, 0] : i32 from vector<1x1x1xi32>
    %scan3A = arith.constant 0 : i32
    %scan3A_56 = arith.constant 64 : i32
    %scan3A_57 = arith.addi %scan3A, %scan3A_56 : i32
    %scan3A_58 = arith.constant 1 : i32
    scf.for %scan3A_65 = %scan3A to %scan3A_57 step %scan3A_58  : i32 {
      %ge3A = arith.cmpi sge, %scan3A_65, %reduce_min3A_51 : i32
      %le3A = arith.cmpi sle, %scan3A_65, %reduce_max3A_55 : i32
      %and3A = arith.andi %ge3A, %le3A : i1
      %convert_element_type3A_66 = arith.extui %and3A : i1 to i32
      %cond3A_67 = arith.constant 0 : i32
      %cond3A_68 = arith.cmpi ne, %convert_element_type3A_66, %cond3A_67 : i32
      scf.if %cond3A_68 {
        %eq3A_69 = vector.broadcast %scan3A_65 : i32 to vector<1000x1xi32>
        %eq3A_70 = arith.cmpi eq, %get3A_47, %eq3A_69 : vector<1000x1xi32>
        %jit3A = arith.constant 0xFF800000 : f32
        %broadcast_in_dim3A = vector.shape_cast %eq3A_70 : vector<1000x1xi1> to vector<1000x1xi1>
        %broadcast_in_dim3A_71 = vector.broadcast %broadcast_in_dim3A : vector<1000x1xi1> to vector<1000x512xi1>
        %broadcast_in_dim3A_72 = vector.broadcast %jit3A : f32 to vector<1000x512xf32>
        %select_n3A = arith.select %broadcast_in_dim3A_71, %max3A_42, %broadcast_in_dim3A_72 : vector<1000x512xi1>, vector<1000x512xf32>
        %reduce_max3A_73 = arith.constant dense<0xFF800000> : vector<512xf32>
        %reduce_max3A_74 = vector.multi_reduction <maximumf>, %select_n3A, %reduce_max3A_73 [0] : vector<1000x512xf32> to vector<512xf32>
        %broadcast_in_dim3A_75 = vector.shape_cast %reduce_max3A_74 : vector<512xf32> to vector<1x512xf32>
        %get3A_76 = arith.index_cast %scan3A_65 : i32 to index
        %get3A_77 = arith.constant 0 : index
        %get3A_78 = vector.load %arg17[%get3A_76, %get3A_77] : memref<64x512xf32, #tpu.memory_space<vmem>>, vector<1x512xf32>
        %max3A_79 = arith.maximumf %get3A_78, %broadcast_in_dim3A_75 : vector<1x512xf32>
        %swap3A = arith.index_cast %scan3A_65 : i32 to index
        %swap3A_80 = arith.constant 0 : index
        %swap3A_81 = vector.load %arg17[%swap3A, %swap3A_80] : memref<64x512xf32, #tpu.memory_space<vmem>>, vector<1x512xf32>
        tpu.vector_store %arg17[%swap3A, %swap3A_80], %max3A_79 {strides = array<i32>} : memref<64x512xf32, #tpu.memory_space<vmem>>, vector<1x512xf32>,
      } else {
      }
    }
    %scan3A_59 = arith.constant 64 : i32
    %eq3A_60 = arith.constant 9 : i32
    %eq3A_61 = arith.cmpi eq, %arg0, %eq3A_60 : i32
    %convert_element_type3A_62 = arith.extui %eq3A_61 : i1 to i32
    %cond3A_63 = arith.constant 0 : i32
    %cond3A_64 = arith.cmpi ne, %convert_element_type3A_62, %cond3A_63 : i32
    scf.if %cond3A_64 {
      %get3A_65 = arith.constant 0 : index
      %get3A_66 = arith.constant 0 : index
      %get3A_67 = vector.load %arg17[%get3A_65, %get3A_66] : memref<64x512xf32, #tpu.memory_space<vmem>>, vector<64x512xf32>
      %get3A_68 = arith.constant 0 : index
      %get3A_69 = arith.constant 0 : index
      %get3A_70 = vector.load %arg12[%get3A_68, %get3A_69] : memref<512x1024xf32, #tpu.memory_space<vmem>>, vector<512x1024xf32>
      %dot_general3A_71 = arith.constant dense<0.000000e+00> : vector<64x1024xf32>
      %dot_general3A_72 = tpu.matmul %get3A_67, %get3A_70, %dot_general3A_71 {dimension_numbers = #tpu.dot_dimension_numbers<[1], [0], [0], [1], [0, 0, 1, 1], [], []>, transpose_lhs_hint = false} : vector<64x512xf32>, vector<512x1024xf32>, vector<64x1024xf32> -> vector<64x1024xf32>
      %get3A_73 = arith.constant 0 : index
      %get3A_74 = arith.constant 0 : index
      %get3A_75 = vector.load %arg13[%get3A_73, %get3A_74] : memref<1x1024xf32, #tpu.memory_space<vmem>>, vector<1x1024xf32>
      %add3A_76 = vector.broadcast %get3A_75 : vector<1x1024xf32> to vector<64x1024xf32>
      %add3A_77 = arith.addf %dot_general3A_72, %add3A_76 : vector<64x1024xf32>
      %max3A_78 = arith.constant 0.000000e+00 : f32
      %max3A_79 = vector.broadcast %max3A_78 : f32 to vector<64x1024xf32>
      %max3A_80 = arith.maximumf %add3A_77, %max3A_79 : vector<64x1024xf32>
      %get3A_81 = arith.constant 0 : index
      %get3A_82 = arith.constant 0 : index
      %get3A_83 = vector.load %arg14[%get3A_81, %get3A_82] : memref<1024x128xf32, #tpu.memory_space<vmem>>, vector<1024x128xf32>
      %dot_general3A_84 = arith.constant dense<0.000000e+00> : vector<64x128xf32>
      %dot_general3A_85 = tpu.matmul %max3A_80, %get3A_83, %dot_general3A_84 {dimension_numbers = #tpu.dot_dimension_numbers<[1], [0], [0], [1], [0, 0, 1, 1], [], []>, transpose_lhs_hint = false} : vector<64x1024xf32>, vector<1024x128xf32>, vector<64x128xf32> -> vector<64x128xf32>
      %get3A_86 = arith.constant 0 : index
      %get3A_87 = arith.constant 0 : index
      %get3A_88 = vector.load %arg15[%get3A_86, %get3A_87] : memref<1x128xf32, #tpu.memory_space<vmem>>, vector<1x128xf32>
      %add3A_89 = vector.broadcast %get3A_88 : vector<1x128xf32> to vector<64x128xf32>
      %add3A_90 = arith.addf %dot_general3A_85, %add3A_89 : vector<64x128xf32>
      %swap3A = arith.constant 0 : index
      %swap3A_91 = arith.constant 0 : index
      %swap3A_92 = vector.load %arg16[%swap3A, %swap3A_91] : memref<64x128xf32, #tpu.memory_space<vmem>>, vector<64x128xf32>
      tpu.vector_store %arg16[%swap3A, %swap3A_91], %add3A_90 {strides = array<i32>} : memref<64x128xf32, #tpu.memory_space<vmem>>, vector<64x128xf32>,
    } else {
    }
    return
  }
  func.func @transform_0(%arg0: i32) -> (i32, i32) {
    %c0_i32 = arith.constant 0 : i32
    %c0_i32_0 = arith.constant 0 : i32
    return %arg0, %c0_i32 : i32, i32
  }
  func.func @transform_1(%arg0: i32) -> (i32, i32) {
    %c0_i32 = arith.constant 0 : i32
    %c0_i32_0 = arith.constant 0 : i32
    return %arg0, %c0_i32 : i32, i32
  }
  func.func @transform_2(%arg0: i32) -> (i32, i32) {
    %c0_i32 = arith.constant 0 : i32
    %c0_i32_0 = arith.constant 0 : i32
    return %arg0, %c0_i32 : i32, i32
  }
  func.func @transform_3(%arg0: i32) -> (i32, i32) {
    %c0_i32 = arith.constant 0 : i32
    %c0_i32_0 = arith.constant 0 : i32
    return %arg0, %c0_i32 : i32, i32
  }
  func.func @transform_4(%arg0: i32) -> (i32, i32) {
    %c0_i32 = arith.constant 0 : i32
    %c0_i32_0 = arith.constant 0 : i32
    return %arg0, %c0_i32 : i32, i32
  }
  func.func @transform_5(%arg0: i32) -> (i32, i32) {
    %c0_i32 = arith.constant 0 : i32
    %c0_i32_0 = arith.constant 0 : i32
    return %arg0, %c0_i32 : i32, i32
  }
  func.func @transform_6(%arg0: i32) -> (i32, i32) {
    %c0_i32 = arith.constant 0 : i32
    %c0_i32_0 = arith.constant 0 : i32
    return %arg0, %c0_i32 : i32, i32
  }
  func.func @transform_7(%arg0: i32) -> (i32, i32) {
    %c0_i32 = arith.constant 0 : i32
    %c0_i32_0 = arith.constant 0 : i32
    %c0_i32_1 = arith.constant 0 : i32
    return %c0_i32, %c0_i32_0 : i32, i32
  }
  func.func @transform_8(%arg0: i32) -> (i32, i32) {
    %c0_i32 = arith.constant 0 : i32
    %c0_i32_0 = arith.constant 0 : i32
    %c0_i32_1 = arith.constant 0 : i32
    return %c0_i32, %c0_i32_0 : i32, i32
  }
  func.func @transform_9(%arg0: i32) -> (i32, i32) {
    %c0_i32 = arith.constant 0 : i32
    %c0_i32_0 = arith.constant 0 : i32
    %c0_i32_1 = arith.constant 0 : i32
    return %c0_i32, %c0_i32_0 : i32, i32
  }
  func.func @transform_10(%arg0: i32) -> (i32, i32) {
    %c0_i32 = arith.constant 0 : i32
    %c0_i32_0 = arith.constant 0 : i32
    return %arg0, %c0_i32 : i32, i32
  }
  func.func @transform_11(%arg0: i32) -> (i32, i32) {
    %c0_i32 = arith.constant 0 : i32
    %c0_i32_0 = arith.constant 0 : i32
    %c0_i32_1 = arith.constant 0 : i32
    return %c0_i32, %c0_i32_0 : i32, i32
  }
  func.func @transform_12(%arg0: i32) -> (i32, i32) {
    %c0_i32 = arith.constant 0 : i32
    %c0_i32_0 = arith.constant 0 : i32
    %c0_i32_1 = arith.constant 0 : i32
    return %c0_i32, %c0_i32_0 : i32, i32
  }
  func.func @transform_13(%arg0: i32) -> (i32, i32) {
    %c0_i32 = arith.constant 0 : i32
    %c0_i32_0 = arith.constant 0 : i32
    %c0_i32_1 = arith.constant 0 : i32
    return %c0_i32, %c0_i32_0 : i32, i32
  }
  func.func @transform_14(%arg0: i32) -> (i32, i32) {
    %c0_i32 = arith.constant 0 : i32
    %c0_i32_0 = arith.constant 0 : i32
    %c0_i32_1 = arith.constant 0 : i32
    return %c0_i32, %c0_i32_0 : i32, i32
  }
  func.func @transform_15(%arg0: i32) -> (i32, i32) {
    %c0_i32 = arith.constant 0 : i32
    %c0_i32_0 = arith.constant 0 : i32
    %c0_i32_1 = arith.constant 0 : i32
    return %c0_i32, %c0_i32_0 : i32, i32
  }
}

</mosaic_0001>

<sc_bundles>
// kernel: kernel.11.cloned.1.call-start
scs
__scs_entry_jumppad:
0x0: {  	(pc) =	sbr.rel $0x88, $3  }
0x1: {  	(tag) =	ssettag $0x0;
	lr =	simm.s32 $0x1  }
0x2: {  	[smem:$0x3F94] =	sst lr;
	_ =	strace $0xD0000000  }
0x3: {  	_ = 	snop  }
0x4: {  	_ = 	snop  }
0x5: {  	_ = 	snop  }
0x6: {  	_ = 	snop  }
0x7: {  	_ = 	snop  }
__scs_overlays_trampoline_lowered:
0x8: {  	[smem:$0x3FA3] =	sst s0  }
0x9: {  	[smem:$0x3FA4] =	sst s1  }
0xa: {  	[smem:$0x3FA5] =	sst s2  }
0xb: {  	[smem:$0x3FA6] =	sst s3  }
0xc: {  	[smem:$0x3FA7] =	sst s4  }
0xd: {  	[smem:$0x3FA8] =	sst s5  }
0xe: {  	[smem:$0x3FA9] =	sst s6  }
0xf: {  	[smem:$0x3FAA] =	sst s7  }
0x10: {  	[smem:$0x3FAB] =	sst s8  }
0x11: {  	[smem:$0x3FAC] =	sst s9;
	s0 =	simm.s32 @!p0 $0x0  }
0x12: {  	s1 =	sld [smem:$0x3F92];
	s0 =	simm.s32 @p0 $0x1  }
0x13: {  	[smem:$0x3FAD] =	sst s0;
	s0 =	simm.s32 @!p1 $0x0  }
0x14: {  	s2 =	sld [smem:$0x3F91];
	s0 =	simm.s32 @p1 $0x1  }
0x15: {  	[smem:$0x3FAE] =	sst s0;
	s0 =	simm.s32 @!p2 $0x0  }
0x16: {  	s3 =	sld [smem:$0x3FDB];
	s0 =	simm.s32 @p2 $0x1  }
0x17: {  	s4 =	simm.s32 $0x1BF5;
	[smem:$0x3FB0] =	sst s0  }
0x18: {  	s0 =	sld [smem:$0x3F93];
	_ =	swait.ge [sflag:s4], $0x0  }
0x19: {  	s7 =	sld [smem:$0x3F94]  }
0x1a: {  	s8 =	sadd.s32 $0xFFFFE003, lr  }
0x1b: {  	s9 =	sadd.s32 $0xFFFFFEF7, lr;
	s5 =	simm.s32 $0xFFFFFFFF;
	p2 =	slt.u32 s8, $0xFFFFF086  }
0x1c: {  	p1 =	slt.u32 s9, $0xF7A;
	s5 =	simm.s32 @!p2 $0x0  }
0x1d: {  	s5 =	simm.s32 @p1 $0x1;
	p0 =	seq.s32 s7, s2  }
0x1e: {  	s7 =	smul.u32 @!p0 $0xF7A, s2;
	p2 =	seq.s32 @!p0 s5, $0x0  }
0x1f: {  	s9 =	smul.u32 $0xF7A, s1;
	s8 =	simm.s32 @!p0 $0x1BF5;
	p2 =	por !p2, p0  }
0x20: {  	[sflag:s8] =	ssyncset.s32 @!p0 $0xFFFFF086;
	s6 =	sadd.s32 @!p0 s3, s7;
	s7 =	simm.s32 @!p0 $0x108  }
0x21: {  	s3 =	sadd.s32 s3, s9;
	s6 =	sadd.s32 @!p0 $0x88, s6;
	s7 =	simm.s32 @p2 $0x1082  }
0x22: {  	[simem:s7], [sflag:s8] =	dma.local @!p0 [hbm:s6], $0xF7A  }
0x23: {  	s9 =	sor.u32 $0xD0000000, s2;
	s6 =	simm.s32 $0x108;
	_ =	swait.ge @!p0 [sflag:s8], $0x0  }
0x24: {  	s3 =	sadd.s32 $0x88, s3;
	s6 =	simm.s32 @!p1 $0x1082;
	[sflag:s4] =	ssyncset.s32 $0xFFFFF086  }
0x25: {  	[simem:s6], [sflag:s4] =	dma.local [hbm:s3], $0xF7A  }
0x26: {  	[smem:$0x3F94] =	sst s1;
	(tag) =	ssettag s2;
	_ =	strace s9  }
0x27: {  	s1 =	sld [smem:$0x3FA4]  }
0x28: {  	s2 =	sld [smem:$0x3FA5]  }
0x29: {  	s4 =	sld [smem:$0x3FA7]  }
0x2a: {  	p0 =	seq.s32 s5, $0x0;
	s5 =	sld [smem:$0x3FA8]  }
0x2b: {  	s6 =	sld [smem:$0x3FA9]  }
0x2c: {  	s7 =	sld [smem:$0x3FAA]  }
0x2d: {  	s3 =	simm.s32 $0x108;
	s8 =	sld [smem:$0x3FAB]  }
0x2e: {  	s3 =	simm.s32 @!p0 $0x1082;
	s9 =	sld [smem:$0x3FAC]  }
0x2f: {  	lr =	sadd.s32 s0, s3;
	s0 =	sld [smem:$0x3FA3]  }
0x30: {  	s3 =	sld [smem:$0x3FA6]  }
0x31: {  	[smem:$0x3FAF] =	sst s10  }
0x32: {  	s10 =	sld [smem:$0x3FAD];
	_ =	sdelay $0x3  }
0x33: {  	p0 =	seq.s32 s10, $0x1;
	s10 =	sld [smem:$0x3FAF];
	_ =	sdelay $0x3  }
0x34: {  	[smem:$0x3FAF] =	sst s10  }
0x35: {  	s10 =	sld [smem:$0x3FAE];
	_ =	sdelay $0x3  }
0x36: {  	p1 =	seq.s32 s10, $0x1;
	s10 =	sld [smem:$0x3FAF];
	_ =	sdelay $0x3  }
0x37: {  	[smem:$0x3FAF] =	sst s10  }
0x38: {  	s10 =	sld [smem:$0x3FB0]  }
0x39: {  	_ = 	snop;
	(pc) =	sbr.ind lr, $3  }
0x3a: {  	_ = 	snop  }
0x3b: {  	_ = 	snop  }
0x3c: {  	p2 =	seq.s32 s10, $0x1;
	s10 =	sld [smem:$0x3FAF]  }
0x3d: {  	_ =	shalt  }
0x3e: {  	_ =	shalt  }
0x3f: {  	_ =	shalt  }
0x40: {  	_ =	shalt  }
0x41: {  	_ =	shalt  }
0x42: {  	_ =	shalt  }
0x43: {  	_ =	shalt  }
0x44: {  	_ =	shalt  }
0x45: {  	_ =	shalt  }
0x46: {  	_ =	shalt  }
0x47: {  	_ =	shalt  }
0x48: {  	_ =	shalt  }
0x49: {  	_ =	shalt  }
0x4a: {  	_ =	shalt  }
0x4b: {  	_ =	shalt  }
0x4c: {  	_ =	shalt  }
0x4d: {  	_ =	shalt  }
0x4e: {  	_ =	shalt  }
0x4f: {  	_ =	shalt  }
0x50: {  	_ =	shalt  }
0x51: {  	_ =	shalt  }
0x52: {  	_ =	shalt  }
0x53: {  	_ =	shalt  }
0x54: {  	_ =	shalt  }
0x55: {  	_ =	shalt  }
0x56: {  	_ =	shalt  }
0x57: {  	_ =	shalt  }
0x58: {  	_ =	shalt  }
0x59: {  	_ =	shalt  }
0x5a: {  	_ =	shalt  }
0x5b: {  	_ =	shalt  }
0x5c: {  	_ =	shalt  }
0x5d: {  	_ =	shalt  }
0x5e: {  	_ =	shalt  }
0x5f: {  	_ =	shalt  }
0x60: {  	_ =	shalt  }
0x61: {  	_ =	shalt  }
0x62: {  	_ =	shalt  }
0x63: {  	_ =	shalt  }
0x64: {  	_ =	shalt  }
0x65: {  	_ =	shalt  }
0x66: {  	_ =	shalt  }
0x67: {  	_ =	shalt  }
0x68: {  	_ =	shalt  }
0x69: {  	_ =	shalt  }
0x6a: {  	_ =	shalt  }
0x6b: {  	_ =	shalt  }
0x6c: {  	_ =	shalt  }
0x6d: {  	_ =	shalt  }
0x6e: {  	_ =	shalt  }
0x6f: {  	_ =	shalt  }
0x70: {  	_ =	shalt  }
0x71: {  	_ =	shalt  }
0x72: {  	_ =	shalt  }
0x73: {  	_ =	shalt  }
0x74: {  	_ =	shalt  }
0x75: {  	_ =	shalt  }
0x76: {  	_ =	shalt  }
0x77: {  	_ =	shalt  }
0x78: {  	_ =	shalt  }
0x79: {  	_ =	shalt  }
0x7a: {  	_ =	shalt  }
0x7b: {  	_ =	shalt  }
0x7c: {  	_ =	shalt  }
0x7d: {  	_ =	shalt  }
0x7e: {  	_ =	shalt  }
0x7f: {  	_ =	shalt  }
0x80: {  	_ =	shalt  }
0x81: {  	_ =	shalt  }
0x82: {  	_ =	shalt  }
0x83: {  	_ =	shalt  }
0x84: {  	_ =	shalt  }
0x85: {  	_ =	shalt  }
0x86: {  	_ =	shalt  }
0x87: {  	_ =	shalt  }
.Lfunc_end0:
.L_simem_size_0:
called_computation_lowered:
.L_overlay_start_0:
0x88: {  	s2 =	sld [smem:$0x3FD9]  }
0x89: {  	s3 =	sld [smem:$0x3FFE];
	_ =	sdelay $0x1  }
0x8a: {  	s1 =	srdreg.scid  }
0x8b: {  	s0 =	sand.u32 $0x1, s1  }
0x8c: {  	s16 =	sshll.u32 s0, $0xA;
	s2 =	sadd.s32 s3, s2  }
0x8d: {  	s2 =	sadd.s32 s2, s16  }
0x8e: {  	[smem:$0x3FBB] =	sst s2  }
0x8f: {  	_ = 	snop  }
0x90: {  	(tm) =	ssettm $0x1  }
0x91: {  	s17 =	sld [smem:$0x3FFB];
	_ =	sdelay $0x3  }
0x92: {  	_ =	strace s17  }
0x93: {  	s2 =	sld [smem:$0x3FFC];
	_ =	sdelay $0x3  }
0x94: {  	_ =	strace s2  }
0x95: {  	s2 =	sld [smem:$0x3FFD];
	_ =	sdelay $0x3  }
0x96: {  	_ =	strace s2  }
0x97: {  	_ =	strace $0x8FFFFFFF  }
0x98: {  	s18 =	sld [smem:$0x3FDB];
	_ =	sdelay $0x1  }
0x99: {  	s19 =	simm.s32 $_scs_section_size  }
0x9a: {  	s4 =	simm.s32 $_size__tile_overlayer_lowered;
	s5 =	simm.s32 $_tile_overlayer_lowered  }
0x9b: {  	s22 =	simm.s32 $0x1BFF;
	s21 =	sshll.u32 s5, $0x1;
	s2 =	sadd.s32 s19, s18  }
0x9c: {  	s6 =	simm.s32 $0x0;
	s20 =	sshll.u32 s4, $0x1;
	s4 =	sadd.s32 s21, s2  }
0x9d: {  	[timem:s6], [sflag:s22] =	dma.local [hbm:s4], s20  }
0x9e: {  	_ =	swait.ge [sflag:s22], s20  }
0x9f: {  	s3 =	ssub.s32 $0x0, s20;
	[sflag:s22] =	ssyncset.done $0x0  }
0xa0: {  	[sflag:s22] =	ssyncadd.s32 s3;
	_ =	sdelay $0x1  }
0xa1: {  	s23 =	simm.s32 $0x1B8B  }
0xa2: {  	_ =	swait.ge [sflag:s23], $0x1  }
0xa3: {  	[sflag:s23] =	ssyncset.done $0x0  }
0xa4: {  	s25 =	simm.s32 $0x1B8E;
	s24 =	sld [smem:$0x3FFE];
	[sflag:s23] =	ssyncadd.s32 $0xFFFFFFFF  }
0xa5: {  	s26 =	simm.s32 $execute0_lowered;
	[smem:$0x3FD2] =	sst s25  }
0xa6: {  	s4 =	sshll.u32 s26, $0x1;
	_ =	strace $0x80000046;
	[dreg:$0x1] =	wrdreg $0xFFFFFFFF  }
0xa7: {  	s28 =	simm.s32 $_size_execute0_lowered;
	s2 =	sadd.s32 s2, s4;
	[dreg:$0x0] =	wrdreg $0x0  }
0xa8: {  	s4 =	sshll.u32 s28, $0x1;
	[dreg:$0x2] =	wrdreg s2  }
0xa9: {  	[dreg:$0x3] =	wrdreg s4  }
0xaa: {  	[dreg:$0x4] =	wrdreg $0xC0  }
0xab: {  	_ =	task [dreg:s6], $0x5FFFF  }
0xac: {  	[dreg:$0x1] =	wrdreg $0xFFFFFFFF  }
0xad: {  	[dreg:$0x0] =	wrdreg $0x60  }
0xae: {  	[dreg:$0x2] =	wrdreg s24  }
0xaf: {  	[dreg:$0x3] =	wrdreg $0x0  }
0xb0: {  	[dreg:$0x4] =	wrdreg $0x9  }
0xb1: {  	_ =	task.clear_ibuf [dreg:s6], $0x5FFFF;
	_ =	strace $0x90000046  }
0xb2: {  	s29 =	simm.s32 $0x9;
	_ =	strace $0x80000048  }
0xb3: {  	_ =	swait.ge [sflag:s29], $0x1  }
0xb4: {  	[sflag:s29] =	ssyncadd.s32 $0xFFFFFFFF  }
0xb5: {  	_ =	strace $0x90000048  }
0xb6: {  	_ =	sfence  }
0xb7: {  	s30 =	sld [smem:$0x0];
	_ =	sdelay $0x2  }
0xb8: {  	s31 =	sshll.u32 s1, $0xD;
	s1 =	sshrl.u32 s1, $0x2  }
0xb9: {  	s3 =	sand.u32 $0x4000, s31;
	s1 =	sadd.s32 s1, s30  }
0xba: {  	s0 =	sor.u32 s3, s0;
	s1 =	sshll.u32 s1, $0x11  }
0xbb: {  	s0 =	sor.u32 s1, s0  }
0xbc: {  	s0 =	sadd.s32 $0x8F2B, s0  }
0xbd: {  	[sflag:s0] =	ssyncadd.remote.s32 $0x1  }
0xbe: {  	_ =	sfence.sel $0xFFFF  }
0xbf: {  	[dreg:$0x0] =	wrdreg $0xFFFFFFFF;
	(pc) =	sbr.abs _section_cstart, $3  }
0xc0: {  	[dreg:$0x1] =	wrdreg $0xFFFFFFFF  }
0xc1: {  	_ =	task.clear_ibuf [dreg:s6], $0x2FFFF;
	_ =	strace $0x9FFFFFFF  }
0xc2: {  	(tm) =	ssettm $0x7FFFFFFF  }
0xc3: {  	_ =	shalt  }
tec
execute0_lowered:
.L_overlay_start_1:
0x0: {  	(tag) =	ssettag $0x1  }
0x1: {  	s0 =	srdreg.scid;
	s5 =	rddreg [dreg:$0x0]  }
0x2: {  	s2 =	rddreg [dreg:$0x1];
	s3 =	simm.s32 $0x0;
	s13 =	simm.s32 $0x3710  }
0x3: {  	s15 =	simm.s32 $0x4710;
	s17 =	simm.s32 $0x5710;
	s19 =	simm.s32 $0x6710  }
0x4: {  	s20 =	simm.s32 $0x50;
	s4 =	sand.u32 $0x1, s0;
	s0 =	stileid.u32  }
0x5: {  	s21 =	simm.s32 $0x7710;
	[smem:$0x7FF] =	sst s3;
	s7 =	smul.u32 $0x4E000, s0  }
0x6: {  	s1 =	sshll.u32 s4, $0x4;
	s8 =	ssub.s32 $0x2, s4;
	s4 =	smul.u32 $0x138800, s4  }
0x7: {  	s11 =	sadd.s32 $0x18E00, s5;
	s10 =	smul.u32 $0x13800, s0;
	s1 =	sor.u32 s0, s1  }
0x8: {  	p0 =	sne.s32 s0, $0xF;
	s9 =	sshrl.u32 s8, $0x1;
	s6 =	smul.u32 $0xA00, s1  }
0x9: {  	s1 =	rddreg [dreg:$0x2];
	_ =	strace $0x80000047;
	s8 =	ssub.s32 s8, s9  }
0xa: {  	s29 =	sshrl.u32 s7, $0x2;
	s30 =	sadd.s32 s10, s4;
	s31 =	sshrl.u32 s4, $0x3  }
0xb: {  	s10 =	simm.s32 $0x1;
	s4 =	sadd.s32 s29, s2;
	s7 =	sshrl.u32 s30, $0x3  }
0xc: {  	s9 =	sadd.s32 s11, s31;
	s8 =	smax.u32 s8, $0x1;
	s6 =	sadd.s32 s6, s5  }
0xd: {  	s5 =	sadd.s32 $0x4E00, s6;
	s6 =	sadd.s32 s11, s7;
	s7 =	sadd.s32 $0x24900, s9  }
0xe: {  	s9 =	simm.s32 $0x9F10;
	s11 =	simm.s32 $0x2710;
	s12 =	sadd.s32 $0x200, s5  }
0xf: {  	v0 =	vimm.f32 $0.0e+00;
	v1 =	vimm.f32 $1.000000000e+00;
	s14 =	sadd.s32 $0x400, s5;
	s16 =	sadd.s32 $0x600, s5;
	s18 =	sadd.s32 $0x800, s5  }
.LBB2_1:
0x10: {  	s22 =	simm.s32 $0x0  }
.LBB2_2:
0x11: {  	p1 =	sne.s32 s22, $0x4FE00  }
.Ltmp0:
0x12: {  	_ = 	snop;
	(pc) =	sbr.rel @p1 .LBB2_2-.Ltmp0, $3  }
0x13: {  	_ =	sdelay $0x1  }
0x14: {  	s23 =	sshra.s32 s22, $0x2  }
0x15: {  	s22 =	sadd.s32 $0x200, s22;
	[tilespmem:s23+$0x9F10] =	vst v0  }
0x16: {  	s22 =	simm.s32 $0x200;
	s23 =	simm.s32 $0x0  }
.LBB2_4:
0x17: {  	p1 =	sne.s32 s22, $0x9E00;
	[tilespmem:s23+$0x7710] =	vst v1;
	s23 =	smov.u32 s22;
	s22 =	sadd.s32 $0x200, s22  }
.Ltmp1:
0x18: {  	(pc) =	sbr.rel @p1 .LBB2_4-.Ltmp1, $2  }
0x19: {  	_ =	sdelay $0x2  }
0x1a: {  	s23 =	sshra.s32 s23, $0x2  }
0x1b: {  	[tilespmem:s23+$0x7710] =	vst v1  }
0x1c: {  	[spmem:s4] =	stream.linear.scatter [tilespmem:s9], [sflag:$0x1], $0x14000, $0x38;
	[tilespmem:$0x1DF10] =	vst v63  }
0x1d: {  	_ =	swait.ge [sflag:s10], $0x14000  }
0x1e: {  	[sflag:s10] =	ssyncset.done $0x0  }
0x1f: {  	s22 =	simm.s32 $0x0;
	[sflag:s10] =	ssyncadd.s32 $0xFFFEC000  }
0x20: {  	[tilespmem:s11], [sflag:$0x1] =	stream.linear.gather [hbm4b:s5+s22], $0xC80, $0x38;
	[tilespmem:$0x1DF10] =	vst v63  }
0x21: {  	_ = 	snop  }
0x22: {  	[tilespmem:s13], [sflag:$0x1] =	stream.linear.gather [hbm4b:s12+s22], $0xC80, $0x38;
	[tilespmem:$0x1DF10] =	vst v63  }
0x23: {  	_ = 	snop  }
0x24: {  	[tilespmem:s15], [sflag:$0x1] =	stream.linear.gather [hbm4b:s14+s22], $0xC80, $0x38;
	[tilespmem:$0x1DF10] =	vst v63  }
0x25: {  	_ = 	snop  }
0x26: {  	[tilespmem:s17], [sflag:$0x1] =	stream.linear.gather [hbm4b:s16+s22], $0xC80, $0x38;
	[tilespmem:$0x1DF10] =	vst v63  }
0x27: {  	_ = 	snop  }
0x28: {  	[tilespmem:s19], [sflag:$0x1] =	stream.linear.gather [hbm4b:s18+s22], $0xC80, $0x38;
	[tilespmem:$0x1DF10] =	vst v63  }
0x29: {  	_ =	swait.ge [sflag:s10], $0x3E80  }
0x2a: {  	[sflag:s10] =	ssyncset.done $0x0  }
0x2b: {  	[sflag:s10] =	ssyncadd.s32 $0xFFFFC180  }
0x2c: {  	s31 =	simm.s32 $0x2710;
	[bflag:$0x0] =	sbarrier.arrive $0xFFFF  }
0x2d: {  	[spmem:s2] =	stream.indirect.scatter.add.f32 [tilespmem:s21], [sflag:$0x1], $0x10, s31, s20, $0xb8;
	[tilespmem:$0x1DF10] =	vst v63  }
0x2e: {  	s22 =	simm.s32 $0x200;
	_ =	swait.ge [sflag:s10], $0x500  }
.LBB2_6:
0x2f: {  	s23 =	sshra.s32 s22, $0x2;
	[sflag:s10] =	ssyncset.done $0x0;
	p1 =	sne.s32 s22, $0x3000  }
.Ltmp2:
0x30: {  	s23 =	sadd.s32 $0x2710, s23;
	[sflag:s10] =	ssyncadd.s32 $0xFFFFFB00;
	(pc) =	sbr.rel @p1 .LBB2_6-.Ltmp2, $3  }
0x31: {  	[spmem:s2] =	stream.indirect.scatter.add.f32 [tilespmem:s21], [sflag:$0x1], $0x10, s23, s20, $0xb8;
	[tilespmem:$0x1DF10] =	vst v63  }
0x32: {  	s22 =	sadd.s32 $0x200, s22;
	_ =	sdelay $0x1  }
0x33: {  	_ =	swait.ge [sflag:s10], $0x500  }
0x34: {  	[sflag:s10] =	ssyncset.done $0x0  }
0x35: {  	s22 =	simm.s32 $0x3710;
	[sflag:s10] =	ssyncadd.s32 $0xFFFFFB00  }
0x36: {  	[spmem:s2] =	stream.indirect.scatter.add.f32 [tilespmem:s21], [sflag:$0x1], $0x10, s22, s20, $0xb8;
	[tilespmem:$0x1DF10] =	vst v63  }
0x37: {  	s22 =	simm.s32 $0x200;
	_ =	swait.ge [sflag:s10], $0x500  }
.LBB2_8:
0x38: {  	s23 =	sshra.s32 s22, $0x2;
	[sflag:s10] =	ssyncset.done $0x0;
	p1 =	sne.s32 s22, $0x3000  }
.Ltmp3:
0x39: {  	s23 =	sadd.s32 $0x3710, s23;
	[sflag:s10] =	ssyncadd.s32 $0xFFFFFB00;
	(pc) =	sbr.rel @p1 .LBB2_8-.Ltmp3, $3  }
0x3a: {  	[spmem:s2] =	stream.indirect.scatter.add.f32 [tilespmem:s21], [sflag:$0x1], $0x10, s23, s20, $0xb8;
	[tilespmem:$0x1DF10] =	vst v63  }
0x3b: {  	s22 =	sadd.s32 $0x200, s22;
	_ =	sdelay $0x1  }
0x3c: {  	_ =	swait.ge [sflag:s10], $0x500  }
0x3d: {  	[sflag:s10] =	ssyncset.done $0x0  }
0x3e: {  	s22 =	simm.s32 $0x4710;
	[sflag:s10] =	ssyncadd.s32 $0xFFFFFB00  }
0x3f: {  	[spmem:s2] =	stream.indirect.scatter.add.f32 [tilespmem:s21], [sflag:$0x1], $0x10, s22, s20, $0xb8;
	[tilespmem:$0x1DF10] =	vst v63  }
0x40: {  	s22 =	simm.s32 $0x200;
	_ =	swait.ge [sflag:s10], $0x500  }
.LBB2_10:
0x41: {  	s23 =	sshra.s32 s22, $0x2;
	[sflag:s10] =	ssyncset.done $0x0;
	p1 =	sne.s32 s22, $0x3000  }
.Ltmp4:
0x42: {  	s23 =	sadd.s32 $0x4710, s23;
	[sflag:s10] =	ssyncadd.s32 $0xFFFFFB00;
	(pc) =	sbr.rel @p1 .LBB2_10-.Ltmp4, $3  }
0x43: {  	[spmem:s2] =	stream.indirect.scatter.add.f32 [tilespmem:s21], [sflag:$0x1], $0x10, s23, s20, $0xb8;
	[tilespmem:$0x1DF10] =	vst v63  }
0x44: {  	s22 =	sadd.s32 $0x200, s22;
	_ =	sdelay $0x1  }
0x45: {  	_ =	swait.ge [sflag:s10], $0x500  }
0x46: {  	[sflag:s10] =	ssyncset.done $0x0  }
0x47: {  	s22 =	simm.s32 $0x5710;
	[sflag:s10] =	ssyncadd.s32 $0xFFFFFB00  }
0x48: {  	[spmem:s2] =	stream.indirect.scatter.add.f32 [tilespmem:s21], [sflag:$0x1], $0x10, s22, s20, $0xb8;
	[tilespmem:$0x1DF10] =	vst v63  }
0x49: {  	s22 =	simm.s32 $0x200;
	_ =	swait.ge [sflag:s10], $0x500  }
.LBB2_12:
0x4a: {  	s23 =	sshra.s32 s22, $0x2;
	[sflag:s10] =	ssyncset.done $0x0;
	p1 =	sne.s32 s22, $0x3000  }
.Ltmp5:
0x4b: {  	s23 =	sadd.s32 $0x5710, s23;
	[sflag:s10] =	ssyncadd.s32 $0xFFFFFB00;
	(pc) =	sbr.rel @p1 .LBB2_12-.Ltmp5, $3  }
0x4c: {  	[spmem:s2] =	stream.indirect.scatter.add.f32 [tilespmem:s21], [sflag:$0x1], $0x10, s23, s20, $0xb8;
	[tilespmem:$0x1DF10] =	vst v63  }
0x4d: {  	s22 =	sadd.s32 $0x200, s22;
	_ =	sdelay $0x1  }
0x4e: {  	_ =	swait.ge [sflag:s10], $0x500  }
0x4f: {  	[sflag:s10] =	ssyncset.done $0x0  }
0x50: {  	s22 =	simm.s32 $0x6710;
	[sflag:s10] =	ssyncadd.s32 $0xFFFFFB00  }
0x51: {  	[spmem:s2] =	stream.indirect.scatter.add.f32 [tilespmem:s21], [sflag:$0x1], $0x10, s22, s20, $0xb8;
	[tilespmem:$0x1DF10] =	vst v63  }
0x52: {  	s22 =	simm.s32 $0x200;
	_ =	swait.ge [sflag:s10], $0x500  }
.LBB2_14:
0x53: {  	s23 =	sshra.s32 s22, $0x2;
	[sflag:s10] =	ssyncset.done $0x0;
	p1 =	sne.s32 s22, $0x3000  }
.Ltmp6:
0x54: {  	s23 =	sadd.s32 $0x6710, s23;
	[sflag:s10] =	ssyncadd.s32 $0xFFFFFB00;
	(pc) =	sbr.rel @p1 .LBB2_14-.Ltmp6, $3  }
0x55: {  	[spmem:s2] =	stream.indirect.scatter.add.f32 [tilespmem:s21], [sflag:$0x1], $0x10, s23, s20, $0xb8;
	[tilespmem:$0x1DF10] =	vst v63  }
0x56: {  	s22 =	sadd.s32 $0x200, s22;
	_ =	sdelay $0x1  }
0x57: {  	_ =	swait.ge [sflag:s10], $0x500  }
0x58: {  	[sflag:s10] =	ssyncset.done $0x0  }
0x59: {  	s22 =	sshll.u32 @p0 s0, $0x6;
	[sflag:s10] =	ssyncadd.s32 $0xFFFFFB00  }
0x5a: {  	s23 =	sshrl.u32 @p0 s4, $0x3;
	s22 =	sor.u32 @p0 $0x1C01, s22;
	[bflag:$0x0] =	sbarrier.arrive $0xFFFF  }
0x5b: {  	[hbm:s6], [sflag:s22] =	dma.local @p0 [spmem:s23], $0x2700  }
0x5c: {  	s22 =	simm.s32 @p0 $0x1  }
0x5d: {  	s3 =	sadd.s32 $0x1, s3;
	_ =	swait.ge @p0 [sflag:s22], $0x2700  }
0x5e: {  	p1 =	sne.s32 s3, s8;
	[sflag:s22] =	ssyncset.done @p0 $0x0  }
0x5f: {  	s23 =	simm.s32 @!p0 $0x1FC1;
	[sflag:s22] =	ssyncadd.s32 @p0 $0xFFFFD900;
	s22 =	sshrl.u32 @!p0 s4, $0x3  }
0x60: {  	[hbm:s7], [sflag:s23] =	dma.local @!p0 [spmem:s22], $0x2800  }
.Ltmp7:
0x61: {  	_ = 	snop;
	(pc) =	sbr.rel @p1 .LBB2_1-.Ltmp7, $4  }
0x62: {  	s22 =	simm.s32 @!p0 $0x1  }
0x63: {  	_ =	swait.ge @!p0 [sflag:s22], $0x2800  }
0x64: {  	[sflag:s22] =	ssyncset.done @!p0 $0x0  }
0x65: {  	[sflag:s22] =	ssyncadd.s32 @!p0 $0xFFFFD800  }
0x66: {  	_ =	sfence.sel $0x180000  }
0x67: {  	[bflag:$0x0] =	sbarrier.arrive $0xFFFF  }
0x68: {  	p0 =	sne.s32 s0, $0x0;
	_ =	strace $0x90000047  }
0x69: {  	s0 =	sadd.s32 @!p0 $0x100000, s1;
	[bflag:$0x2] =	sbarrier.arrive $0xFFFF  }
0x6a: {  	[sflag:s0] =	ssyncadd.tile.s32 @!p0 $0x1;
	_ =	shalt  }
.Lfunc_end2:
_tile_overlayer_lowered:
.L_overlay_start_2:
0x6b: {  	(tag) =	ssettag $0x2  }
0x6c: {  	s0 =	rddreg [dreg:$0x0];
	s2 =	stileid.u32  }
0x6d: {  	s1 =	rddreg [dreg:$0x1];
	p0 =	sne.s32 s2, $0x0  }
0x6e: {  	s3 =	rddreg [dreg:$0x2];
	[bflag:$0x3] =	sbarrier.arrive $0xFFFF;
	s2 =	simm.s32 @!p0 $0x1C01  }
0x6f: {  	[timem:s3], [sflag:s2] =	dma.local @!p0 [hbm:s0], s1  }
0x70: {  	s0 =	simm.s32 @!p0 $0x1  }
0x71: {  	_ =	swait.ge @!p0 [sflag:s0], s1  }
0x72: {  	s1 =	ssub.s32 @!p0 $0x0, s1;
	[sflag:s0] =	ssyncset.done @!p0 $0x0  }
0x73: {  	[sflag:s0] =	ssyncadd.s32 @!p0 s1  }
0x74: {  	[bflag:$0x3] =	sbarrier.arrive $0xFFFF  }
0x75: {  	_ =	shalt  }

// kernel: kernel.14.cloned.1.call-start
scs
__scs_entry_jumppad:
0x0: {  	(pc) =	sbr.rel $0x88, $3  }
0x1: {  	(tag) =	ssettag $0x0;
	lr =	simm.s32 $0x1  }
0x2: {  	[smem:$0x3F94] =	sst lr;
	_ =	strace $0xD0000000  }
0x3: {  	_ = 	snop  }
0x4: {  	_ = 	snop  }
0x5: {  	_ = 	snop  }
0x6: {  	_ = 	snop  }
0x7: {  	_ = 	snop  }
__scs_overlays_trampoline_lowered:
0x8: {  	[smem:$0x3FA3] =	sst s0  }
0x9: {  	[smem:$0x3FA4] =	sst s1  }
0xa: {  	[smem:$0x3FA5] =	sst s2  }
0xb: {  	[smem:$0x3FA6] =	sst s3  }
0xc: {  	[smem:$0x3FA7] =	sst s4  }
0xd: {  	[smem:$0x3FA8] =	sst s5  }
0xe: {  	[smem:$0x3FA9] =	sst s6  }
0xf: {  	[smem:$0x3FAA] =	sst s7  }
0x10: {  	[smem:$0x3FAB] =	sst s8  }
0x11: {  	[smem:$0x3FAC] =	sst s9;
	s0 =	simm.s32 @!p0 $0x0  }
0x12: {  	s1 =	sld [smem:$0x3F92];
	s0 =	simm.s32 @p0 $0x1  }
0x13: {  	[smem:$0x3FAD] =	sst s0;
	s0 =	simm.s32 @!p1 $0x0  }
0x14: {  	s2 =	sld [smem:$0x3F91];
	s0 =	simm.s32 @p1 $0x1  }
0x15: {  	[smem:$0x3FAE] =	sst s0;
	s0 =	simm.s32 @!p2 $0x0  }
0x16: {  	s3 =	sld [smem:$0x3FDB];
	s0 =	simm.s32 @p2 $0x1  }
0x17: {  	s4 =	simm.s32 $0x1BF5;
	[smem:$0x3FB0] =	sst s0  }
0x18: {  	s0 =	sld [smem:$0x3F93];
	_ =	swait.ge [sflag:s4], $0x0  }
0x19: {  	s7 =	sld [smem:$0x3F94]  }
0x1a: {  	s8 =	sadd.s32 $0xFFFFE003, lr  }
0x1b: {  	s9 =	sadd.s32 $0xFFFFFEF7, lr;
	s5 =	simm.s32 $0xFFFFFFFF;
	p2 =	slt.u32 s8, $0xFFFFF086  }
0x1c: {  	p1 =	slt.u32 s9, $0xF7A;
	s5 =	simm.s32 @!p2 $0x0  }
0x1d: {  	s5 =	simm.s32 @p1 $0x1;
	p0 =	seq.s32 s7, s2  }
0x1e: {  	s7 =	smul.u32 @!p0 $0xF7A, s2;
	p2 =	seq.s32 @!p0 s5, $0x0  }
0x1f: {  	s9 =	smul.u32 $0xF7A, s1;
	s8 =	simm.s32 @!p0 $0x1BF5;
	p2 =	por !p2, p0  }
0x20: {  	[sflag:s8] =	ssyncset.s32 @!p0 $0xFFFFF086;
	s6 =	sadd.s32 @!p0 s3, s7;
	s7 =	simm.s32 @!p0 $0x108  }
0x21: {  	s3 =	sadd.s32 s3, s9;
	s6 =	sadd.s32 @!p0 $0x88, s6;
	s7 =	simm.s32 @p2 $0x1082  }
0x22: {  	[simem:s7], [sflag:s8] =	dma.local @!p0 [hbm:s6], $0xF7A  }
0x23: {  	s9 =	sor.u32 $0xD0000000, s2;
	s6 =	simm.s32 $0x108;
	_ =	swait.ge @!p0 [sflag:s8], $0x0  }
0x24: {  	s3 =	sadd.s32 $0x88, s3;
	s6 =	simm.s32 @!p1 $0x1082;
	[sflag:s4] =	ssyncset.s32 $0xFFFFF086  }
0x25: {  	[simem:s6], [sflag:s4] =	dma.local [hbm:s3], $0xF7A  }
0x26: {  	[smem:$0x3F94] =	sst s1;
	(tag) =	ssettag s2;
	_ =	strace s9  }
0x27: {  	s1 =	sld [smem:$0x3FA4]  }
0x28: {  	s2 =	sld [smem:$0x3FA5]  }
0x29: {  	s4 =	sld [smem:$0x3FA7]  }
0x2a: {  	p0 =	seq.s32 s5, $0x0;
	s5 =	sld [smem:$0x3FA8]  }
0x2b: {  	s6 =	sld [smem:$0x3FA9]  }
0x2c: {  	s7 =	sld [smem:$0x3FAA]  }
0x2d: {  	s3 =	simm.s32 $0x108;
	s8 =	sld [smem:$0x3FAB]  }
0x2e: {  	s3 =	simm.s32 @!p0 $0x1082;
	s9 =	sld [smem:$0x3FAC]  }
0x2f: {  	lr =	sadd.s32 s0, s3;
	s0 =	sld [smem:$0x3FA3]  }
0x30: {  	s3 =	sld [smem:$0x3FA6]  }
0x31: {  	[smem:$0x3FAF] =	sst s10  }
0x32: {  	s10 =	sld [smem:$0x3FAD];
	_ =	sdelay $0x3  }
0x33: {  	p0 =	seq.s32 s10, $0x1;
	s10 =	sld [smem:$0x3FAF];
	_ =	sdelay $0x3  }
0x34: {  	[smem:$0x3FAF] =	sst s10  }
0x35: {  	s10 =	sld [smem:$0x3FAE];
	_ =	sdelay $0x3  }
0x36: {  	p1 =	seq.s32 s10, $0x1;
	s10 =	sld [smem:$0x3FAF];
	_ =	sdelay $0x3  }
0x37: {  	[smem:$0x3FAF] =	sst s10  }
0x38: {  	s10 =	sld [smem:$0x3FB0]  }
0x39: {  	_ = 	snop;
	(pc) =	sbr.ind lr, $3  }
0x3a: {  	_ = 	snop  }
0x3b: {  	_ = 	snop  }
0x3c: {  	p2 =	seq.s32 s10, $0x1;
	s10 =	sld [smem:$0x3FAF]  }
0x3d: {  	_ =	shalt  }
0x3e: {  	_ =	shalt  }
0x3f: {  	_ =	shalt  }
0x40: {  	_ =	shalt  }
0x41: {  	_ =	shalt  }
0x42: {  	_ =	shalt  }
0x43: {  	_ =	shalt  }
0x44: {  	_ =	shalt  }
0x45: {  	_ =	shalt  }
0x46: {  	_ =	shalt  }
0x47: {  	_ =	shalt  }
0x48: {  	_ =	shalt  }
0x49: {  	_ =	shalt  }
0x4a: {  	_ =	shalt  }
0x4b: {  	_ =	shalt  }
0x4c: {  	_ =	shalt  }
0x4d: {  	_ =	shalt  }
0x4e: {  	_ =	shalt  }
0x4f: {  	_ =	shalt  }
0x50: {  	_ =	shalt  }
0x51: {  	_ =	shalt  }
0x52: {  	_ =	shalt  }
0x53: {  	_ =	shalt  }
0x54: {  	_ =	shalt  }
0x55: {  	_ =	shalt  }
0x56: {  	_ =	shalt  }
0x57: {  	_ =	shalt  }
0x58: {  	_ =	shalt  }
0x59: {  	_ =	shalt  }
0x5a: {  	_ =	shalt  }
0x5b: {  	_ =	shalt  }
0x5c: {  	_ =	shalt  }
0x5d: {  	_ =	shalt  }
0x5e: {  	_ =	shalt  }
0x5f: {  	_ =	shalt  }
0x60: {  	_ =	shalt  }
0x61: {  	_ =	shalt  }
0x62: {  	_ =	shalt  }
0x63: {  	_ =	shalt  }
0x64: {  	_ =	shalt  }
0x65: {  	_ =	shalt  }
0x66: {  	_ =	shalt  }
0x67: {  	_ =	shalt  }
0x68: {  	_ =	shalt  }
0x69: {  	_ =	shalt  }
0x6a: {  	_ =	shalt  }
0x6b: {  	_ =	shalt  }
0x6c: {  	_ =	shalt  }
0x6d: {  	_ =	shalt  }
0x6e: {  	_ =	shalt  }
0x6f: {  	_ =	shalt  }
0x70: {  	_ =	shalt  }
0x71: {  	_ =	shalt  }
0x72: {  	_ =	shalt  }
0x73: {  	_ =	shalt  }
0x74: {  	_ =	shalt  }
0x75: {  	_ =	shalt  }
0x76: {  	_ =	shalt  }
0x77: {  	_ =	shalt  }
0x78: {  	_ =	shalt  }
0x79: {  	_ =	shalt  }
0x7a: {  	_ =	shalt  }
0x7b: {  	_ =	shalt  }
0x7c: {  	_ =	shalt  }
0x7d: {  	_ =	shalt  }
0x7e: {  	_ =	shalt  }
0x7f: {  	_ =	shalt  }
0x80: {  	_ =	shalt  }
0x81: {  	_ =	shalt  }
0x82: {  	_ =	shalt  }
0x83: {  	_ =	shalt  }
0x84: {  	_ =	shalt  }
0x85: {  	_ =	shalt  }
0x86: {  	_ =	shalt  }
0x87: {  	_ =	shalt  }
.Lfunc_end0:
.L_simem_size_0:
called_computation.1_lowered:
.L_overlay_start_0:
0x88: {  	s2 =	sld [smem:$0x3FD9]  }
0x89: {  	s3 =	sld [smem:$0x3FFE];
	_ =	sdelay $0x1  }
0x8a: {  	s1 =	srdreg.scid  }
0x8b: {  	s0 =	sand.u32 $0x1, s1  }
0x8c: {  	s16 =	sshll.u32 s0, $0xA;
	s2 =	sadd.s32 s3, s2  }
0x8d: {  	s2 =	sadd.s32 s2, s16  }
0x8e: {  	[smem:$0x3FBB] =	sst s2  }
0x8f: {  	_ = 	snop  }
0x90: {  	(tm) =	ssettm $0x1  }
0x91: {  	s17 =	sld [smem:$0x3FFB];
	_ =	sdelay $0x3  }
0x92: {  	_ =	strace s17  }
0x93: {  	s2 =	sld [smem:$0x3FFC];
	_ =	sdelay $0x3  }
0x94: {  	_ =	strace s2  }
0x95: {  	s2 =	sld [smem:$0x3FFD];
	_ =	sdelay $0x3  }
0x96: {  	_ =	strace s2  }
0x97: {  	_ =	strace $0x8FFFFFFF  }
0x98: {  	s18 =	sld [smem:$0x3FDB];
	_ =	sdelay $0x1  }
0x99: {  	s19 =	simm.s32 $_scs_section_size  }
0x9a: {  	s4 =	simm.s32 $_size__tile_overlayer_lowered;
	s5 =	simm.s32 $_tile_overlayer_lowered  }
0x9b: {  	s22 =	simm.s32 $0x1BFF;
	s21 =	sshll.u32 s5, $0x1;
	s2 =	sadd.s32 s19, s18  }
0x9c: {  	s6 =	simm.s32 $0x0;
	s20 =	sshll.u32 s4, $0x1;
	s4 =	sadd.s32 s21, s2  }
0x9d: {  	[timem:s6], [sflag:s22] =	dma.local [hbm:s4], s20  }
0x9e: {  	_ =	swait.ge [sflag:s22], s20  }
0x9f: {  	s3 =	ssub.s32 $0x0, s20;
	[sflag:s22] =	ssyncset.done $0x0  }
0xa0: {  	[sflag:s22] =	ssyncadd.s32 s3;
	_ =	sdelay $0x1  }
0xa1: {  	s23 =	simm.s32 $0x1B8B  }
0xa2: {  	_ =	swait.ge [sflag:s23], $0x1  }
0xa3: {  	[sflag:s23] =	ssyncset.done $0x0  }
0xa4: {  	s25 =	simm.s32 $0x1B8E;
	s24 =	sld [smem:$0x3FFE];
	[sflag:s23] =	ssyncadd.s32 $0xFFFFFFFF  }
0xa5: {  	s26 =	simm.s32 $execute0_lowered;
	[smem:$0x3FD2] =	sst s25  }
0xa6: {  	s4 =	sshll.u32 s26, $0x1;
	_ =	strace $0x80000049;
	[dreg:$0x1] =	wrdreg $0xFFFFFFFF  }
0xa7: {  	s28 =	simm.s32 $_size_execute0_lowered;
	s2 =	sadd.s32 s2, s4;
	[dreg:$0x0] =	wrdreg $0x0  }
0xa8: {  	s4 =	sshll.u32 s28, $0x1;
	[dreg:$0x2] =	wrdreg s2  }
0xa9: {  	[dreg:$0x3] =	wrdreg s4  }
0xaa: {  	[dreg:$0x4] =	wrdreg $0xC0  }
0xab: {  	_ =	task [dreg:s6], $0x5FFFF  }
0xac: {  	[dreg:$0x1] =	wrdreg $0xFFFFFFFF  }
0xad: {  	[dreg:$0x0] =	wrdreg $0x60  }
0xae: {  	[dreg:$0x2] =	wrdreg s24  }
0xaf: {  	[dreg:$0x3] =	wrdreg $0x0  }
0xb0: {  	[dreg:$0x4] =	wrdreg $0x9  }
0xb1: {  	_ =	task.clear_ibuf [dreg:s6], $0x5FFFF;
	_ =	strace $0x90000049  }
0xb2: {  	s29 =	simm.s32 $0x9;
	_ =	strace $0x8000004B  }
0xb3: {  	_ =	swait.ge [sflag:s29], $0x1  }
0xb4: {  	[sflag:s29] =	ssyncadd.s32 $0xFFFFFFFF  }
0xb5: {  	_ =	strace $0x9000004B  }
0xb6: {  	_ =	sfence  }
0xb7: {  	s30 =	sld [smem:$0x0];
	_ =	sdelay $0x2  }
0xb8: {  	s31 =	sshll.u32 s1, $0xD;
	s1 =	sshrl.u32 s1, $0x2  }
0xb9: {  	s3 =	sand.u32 $0x4000, s31;
	s1 =	sadd.s32 s1, s30  }
0xba: {  	s0 =	sor.u32 s3, s0;
	s1 =	sshll.u32 s1, $0x11  }
0xbb: {  	s0 =	sor.u32 s1, s0  }
0xbc: {  	s0 =	sadd.s32 $0x8F2B, s0  }
0xbd: {  	[sflag:s0] =	ssyncadd.remote.s32 $0x1  }
0xbe: {  	_ =	sfence.sel $0xFFFF  }
0xbf: {  	[dreg:$0x0] =	wrdreg $0xFFFFFFFF;
	(pc) =	sbr.abs _section_cstart, $3  }
0xc0: {  	[dreg:$0x1] =	wrdreg $0xFFFFFFFF  }
0xc1: {  	_ =	task.clear_ibuf [dreg:s6], $0x2FFFF;
	_ =	strace $0x9FFFFFFF  }
0xc2: {  	(tm) =	ssettm $0x7FFFFFFF  }
0xc3: {  	_ =	shalt  }
tec
execute0_lowered:
.L_overlay_start_1:
0x0: {  	(tag) =	ssettag $0x1  }
0x1: {  	s0 =	rddreg [dreg:$0x0]  }
0x2: {  	s1 =	rddreg [dreg:$0x1];
	s3 =	simm.s32 $0x0  }
0x3: {  	s2 =	srdreg.scid;
	s10 =	stileid.u32;
	s18 =	simm.s32 $0x15880  }
0x4: {  	s19 =	simm.s32 $0x5;
	s28 =	simm.s32 $0x2;
	s29 =	simm.s32 $0x3  }
0x5: {  	s30 =	simm.s32 $0x4;
	s31 =	simm.s32 $0x14480;
	[smem:$0x7FF] =	sst s3  }
0x6: {  	s2 =	sand.u32 $0x1, s2;
	s6 =	smul.u32 $0x4E000, s10;
	s4 =	sadd.s32 $0x4E00, s0  }
0x7: {  	s5 =	sadd.s32 $0x67000, s0;
	s0 =	sadd.s32 $0x8F000, s0;
	s23 =	smul.u32 $0x13800, s10  }
0x8: {  	p0 =	sne.s32 s10, $0xF;
	_ =	strace $0x8000004A;
	s6 =	sshrl.u32 s6, $0x2  }
0x9: {  	s7 =	ssub.s32 $0x2, s2;
	s20 =	sshll.u32 s2, $0x4;
	s6 =	sadd.s32 s6, s1  }
0xa: {  	s2 =	smul.u32 $0x138800, s2;
	s8 =	sshrl.u32 s7, $0x1;
	s9 =	sadd.s32 $0x2800, s6  }
0xb: {  	s7 =	ssub.s32 s7, s8;
	s21 =	sadd.s32 $0x5000, s6;
	[dreg:$0x3] =	wrdreg s9  }
0xc: {  	s8 =	sor.u32 s10, s20;
	s22 =	sadd.s32 $0x7800, s6;
	[dreg:$0x4] =	wrdreg s21  }
0xd: {  	s20 =	simm.s32 $0x13880;
	s11 =	sadd.s32 $0xA000, s6;
	[dreg:$0x5] =	wrdreg s22  }
0xe: {  	s24 =	sadd.s32 $0xC800, s6;
	s25 =	sadd.s32 $0xF000, s6;
	[dreg:$0x6] =	wrdreg s11  }
0xf: {  	s13 =	sadd.s32 $0x11800, s6;
	s14 =	smul.u32 $0xA000, s8;
	[dreg:$0x7] =	wrdreg s24  }
0x10: {  	s17 =	smax.u32 s7, $0x1;
	[dreg:$0x8] =	wrdreg s25;
	s9 =	sadd.s32 s23, s2  }
0x11: {  	s2 =	sshrl.u32 s2, $0x3;
	s21 =	simm.s32 $0x14880;
	s22 =	simm.s32 $0x50  }
0x12: {  	s23 =	simm.s32 $0x18080;
	s24 =	simm.s32 $0x1A880;
	s26 =	sshrl.u32 s9, $0x3  }
0x13: {  	s25 =	simm.s32 $0x1D080;
	s2 =	sadd.s32 s0, s2;
	s15 =	sadd.s32 s0, s26  }
0x14: {  	v0 =	vimm.f32 $0.0e+00;
	s16 =	sadd.s32 $0x24900, s2;
	s26 =	simm.s32 $0x1;
	s0 =	simm.s32 $0x15480  }
.LBB2_1:
0x15: {  	s2 =	simm.s32 $0x0;
	s7 =	simm.s32 $0x200  }
.LBB2_2:
0x16: {  	p1 =	sne.s32 s7, $0x9E00;
	[tilespmem:s2+$0x158F0] =	vst v0  }
0x17: {  	[tilespmem:s2+$0x15880] =	vst v0  }
0x18: {  	[tilespmem:s2+$0x15890] =	vst v0  }
.Ltmp0:
0x19: {  	[tilespmem:s2+$0x158A0] =	vst v0;
	(pc) =	sbr.rel @p1 .LBB2_2-.Ltmp0, $4  }
0x1a: {  	[tilespmem:s2+$0x158B0] =	vst v0  }
0x1b: {  	[tilespmem:s2+$0x158C0] =	vst v0  }
0x1c: {  	[tilespmem:s2+$0x158D0] =	vst v0  }
0x1d: {  	[tilespmem:s2+$0x158E0] =	vst v0;
	s2 =	sshra.s32 s7, $0x2;
	s7 =	sadd.s32 $0x200, s7  }
0x1e: {  	[tilespmem:s2+$0x158F0] =	vst v0  }
0x1f: {  	[tilespmem:s2+$0x15880] =	vst v0  }
0x20: {  	[tilespmem:s2+$0x15890] =	vst v0  }
0x21: {  	[tilespmem:s2+$0x158A0] =	vst v0  }
0x22: {  	[tilespmem:s2+$0x158B0] =	vst v0  }
0x23: {  	[tilespmem:s2+$0x158C0] =	vst v0  }
0x24: {  	[tilespmem:s2+$0x158D0] =	vst v0  }
0x25: {  	[tilespmem:s2+$0x158E0] =	vst v0  }
0x26: {  	[spmem:s6] =	stream.linear.scatter [tilespmem:s18], [sflag:$0x5], $0x2800, $0x38;
	[tilespmem:$0x1F880] =	vst v63  }
0x27: {  	_ =	swait.ge [sflag:s19], $0x2800  }
0x28: {  	[sflag:s19] =	ssyncset.done $0x0  }
0x29: {  	s7 =	rddreg [dreg:$0x3];
	[sflag:s19] =	ssyncadd.s32 $0xFFFFD800  }
0x2a: {  	[spmem:s7] =	stream.linear.scatter [tilespmem:s18], [sflag:$0x5], $0x2800, $0x38;
	[tilespmem:$0x1F880] =	vst v63  }
0x2b: {  	_ =	swait.ge [sflag:s19], $0x2800  }
0x2c: {  	[sflag:s19] =	ssyncset.done $0x0  }
0x2d: {  	s8 =	rddreg [dreg:$0x4];
	[sflag:s19] =	ssyncadd.s32 $0xFFFFD800  }
0x2e: {  	[spmem:s8] =	stream.linear.scatter [tilespmem:s18], [sflag:$0x5], $0x2800, $0x38;
	[tilespmem:$0x1F880] =	vst v63  }
0x2f: {  	_ =	swait.ge [sflag:s19], $0x2800  }
0x30: {  	[sflag:s19] =	ssyncset.done $0x0  }
0x31: {  	s9 =	rddreg [dreg:$0x5];
	[sflag:s19] =	ssyncadd.s32 $0xFFFFD800  }
0x32: {  	[spmem:s9] =	stream.linear.scatter [tilespmem:s18], [sflag:$0x5], $0x2800, $0x38;
	[tilespmem:$0x1F880] =	vst v63  }
0x33: {  	_ =	swait.ge [sflag:s19], $0x2800  }
0x34: {  	[sflag:s19] =	ssyncset.done $0x0  }
0x35: {  	s10 =	rddreg [dreg:$0x6];
	[sflag:s19] =	ssyncadd.s32 $0xFFFFD800  }
0x36: {  	[spmem:s10] =	stream.linear.scatter [tilespmem:s18], [sflag:$0x5], $0x2800, $0x38;
	[tilespmem:$0x1F880] =	vst v63  }
0x37: {  	_ =	swait.ge [sflag:s19], $0x2800  }
0x38: {  	[sflag:s19] =	ssyncset.done $0x0  }
0x39: {  	s11 =	rddreg [dreg:$0x7];
	[sflag:s19] =	ssyncadd.s32 $0xFFFFD800  }
0x3a: {  	[spmem:s11] =	stream.linear.scatter [tilespmem:s18], [sflag:$0x5], $0x2800, $0x38;
	[tilespmem:$0x1F880] =	vst v63  }
0x3b: {  	_ =	swait.ge [sflag:s19], $0x2800  }
0x3c: {  	[sflag:s19] =	ssyncset.done $0x0  }
0x3d: {  	s12 =	rddreg [dreg:$0x8];
	[sflag:s19] =	ssyncadd.s32 $0xFFFFD800  }
0x3e: {  	[spmem:s12] =	stream.linear.scatter [tilespmem:s18], [sflag:$0x5], $0x2800, $0x38;
	[tilespmem:$0x1F880] =	vst v63  }
0x3f: {  	_ =	swait.ge [sflag:s19], $0x2800  }
0x40: {  	[sflag:s19] =	ssyncset.done $0x0  }
0x41: {  	[sflag:s19] =	ssyncadd.s32 $0xFFFFD800  }
0x42: {  	[spmem:s13] =	stream.linear.scatter [tilespmem:s18], [sflag:$0x5], $0x2800, $0x38;
	[tilespmem:$0x1F880] =	vst v63  }
0x43: {  	_ =	swait.ge [sflag:s19], $0x2800  }
0x44: {  	[sflag:s19] =	ssyncset.done $0x0  }
0x45: {  	[sflag:s19] =	ssyncadd.s32 $0xFFFFD800  }
0x46: {  	s2 =	simm.s32 $0x0;
	s7 =	simm.s32 $0x0;
	[bflag:$0x0] =	sbarrier.arrive $0xFFFF  }
.LBB2_4:
0x47: {  	s8 =	sshll.u32 s7, $0xD  }
0x48: {  	s8 =	sadd.s32 s14, s8  }
0x49: {  	s8 =	sshrl.u32 s8, $0x3  }
0x4a: {  	s8 =	sadd.s32 s5, s8  }
0x4b: {  	[tilespmem:s20], [sflag:$0x5] =	stream.linear.gather [hbm4b:s8+s2], $0xC80, $0x38;
	[tilespmem:$0x1F880] =	vst v63  }
0x4c: {  	s8 =	sadd.s32 $0x200, s8  }
0x4d: {  	[tilespmem:s21], [sflag:$0x5] =	stream.linear.gather [hbm4b:s8+s2], $0xC80, $0x38;
	[tilespmem:$0x1F880] =	vst v63  }
0x4e: {  	_ =	swait.ge [sflag:s19], $0x1900  }
0x4f: {  	[sflag:s19] =	ssyncset.done $0x0  }
0x50: {  	s9 =	simm.s32 $0x13880;
	[sflag:s19] =	ssyncadd.s32 $0xFFFFE700  }
0x51: {  	[tilespmem:s18], [sflag:$0x1] =	stream.indirect.gather [hbm4b:s4+s22], $0x80, s9, s22, $0xb8;
	[tilespmem:$0x1F880] =	vst v63  }
0x52: {  	s10 =	simm.s32 $0x13B80  }
0x53: {  	[tilespmem:s23], [sflag:$0x2] =	stream.indirect.gather [hbm4b:s4+s22], $0x80, s10, s22, $0xb8;
	[tilespmem:$0x1F880] =	vst v63  }
0x54: {  	s11 =	simm.s32 $0x13E80  }
0x55: {  	[tilespmem:s24], [sflag:$0x3] =	stream.indirect.gather [hbm4b:s4+s22], $0x80, s11, s22, $0xb8;
	[tilespmem:$0x1F880] =	vst v63  }
0x56: {  	s12 =	simm.s32 $0x14180  }
0x57: {  	[tilespmem:s25], [sflag:$0x4] =	stream.indirect.gather [hbm4b:s4+s22], $0x80, s12, s22, $0xb8;
	[tilespmem:$0x1F880] =	vst v63  }
0x58: {  	_ =	swait.ge [sflag:s26], $0x2800  }
0x59: {  	[sflag:s26] =	ssyncset.done $0x0  }
0x5a: {  	s9 =	simm.s32 $0x14880;
	[sflag:s26] =	ssyncadd.s32 $0xFFFFD800  }
0x5b: {  	[spmem:s1] =	stream.indirect.scatter.add.f32 [tilespmem:s18], [sflag:$0x5], $0x80, s9, s22, $0xb8;
	[tilespmem:$0x1F880] =	vst v63  }
0x5c: {  	_ =	swait.ge [sflag:s19], $0x2800  }
0x5d: {  	[sflag:s19] =	ssyncset.done $0x0  }
0x5e: {  	[sflag:s19] =	ssyncadd.s32 $0xFFFFD800  }
0x5f: {  	_ =	swait.ge [sflag:s28], $0x2800  }
0x60: {  	[sflag:s28] =	ssyncset.done $0x0  }
0x61: {  	s10 =	simm.s32 $0x14B80;
	[sflag:s28] =	ssyncadd.s32 $0xFFFFD800  }
0x62: {  	[spmem:s1] =	stream.indirect.scatter.add.f32 [tilespmem:s23], [sflag:$0x5], $0x80, s10, s22, $0xb8;
	[tilespmem:$0x1F880] =	vst v63  }
0x63: {  	_ =	swait.ge [sflag:s19], $0x2800  }
0x64: {  	[sflag:s19] =	ssyncset.done $0x0  }
0x65: {  	[sflag:s19] =	ssyncadd.s32 $0xFFFFD800  }
0x66: {  	_ =	swait.ge [sflag:s29], $0x2800  }
0x67: {  	[sflag:s29] =	ssyncset.done $0x0  }
0x68: {  	s11 =	simm.s32 $0x14E80;
	[sflag:s29] =	ssyncadd.s32 $0xFFFFD800  }
0x69: {  	[spmem:s1] =	stream.indirect.scatter.add.f32 [tilespmem:s24], [sflag:$0x5], $0x80, s11, s22, $0xb8;
	[tilespmem:$0x1F880] =	vst v63  }
0x6a: {  	_ =	swait.ge [sflag:s19], $0x2800  }
0x6b: {  	[sflag:s19] =	ssyncset.done $0x0  }
0x6c: {  	[sflag:s19] =	ssyncadd.s32 $0xFFFFD800  }
0x6d: {  	_ =	swait.ge [sflag:s30], $0x2800  }
0x6e: {  	[sflag:s30] =	ssyncset.done $0x0  }
0x6f: {  	s12 =	simm.s32 $0x15180;
	[sflag:s30] =	ssyncadd.s32 $0xFFFFD800  }
0x70: {  	[spmem:s1] =	stream.indirect.scatter.add.f32 [tilespmem:s25], [sflag:$0x5], $0x80, s12, s22, $0xb8;
	[tilespmem:$0x1F880] =	vst v63  }
0x71: {  	_ =	swait.ge [sflag:s19], $0x2800  }
0x72: {  	s8 =	simm.s32 $0x80;
	s9 =	simm.s32 $0x400;
	[sflag:s19] =	ssyncset.done $0x0  }
.LBB2_5:
0x73: {  	s12 =	sadd.s32 $0x13880, s8  }
0x74: {  	[sflag:s19] =	ssyncadd.s32 $0xFFFFD800;
	s10 =	smov.u32 s9;
	s11 =	sadd.s32 $0x200, s9  }
0x75: {  	[tilespmem:s18], [sflag:$0x1] =	stream.indirect.gather [hbm4b:s4+s22], $0x80, s12, s22, $0xb8;
	[tilespmem:$0x1F880] =	vst v63  }
0x76: {  	p1 =	sne.s32 s9, $0xA00;
	s9 =	sadd.s32 $0x13B80, s8  }
0x77: {  	[tilespmem:s23], [sflag:$0x2] =	stream.indirect.gather [hbm4b:s4+s22], $0x80, s9, s22, $0xb8;
	[tilespmem:$0x1F880] =	vst v63  }
0x78: {  	s9 =	sadd.s32 $0x13E80, s8  }
0x79: {  	[tilespmem:s24], [sflag:$0x3] =	stream.indirect.gather [hbm4b:s4+s22], $0x80, s9, s22, $0xb8;
	[tilespmem:$0x1F880] =	vst v63  }
0x7a: {  	s9 =	sadd.s32 $0x14180, s8  }
0x7b: {  	[tilespmem:s25], [sflag:$0x4] =	stream.indirect.gather [hbm4b:s4+s22], $0x80, s9, s22, $0xb8;
	[tilespmem:$0x1F880] =	vst v63  }
0x7c: {  	_ =	swait.ge [sflag:s26], $0x2800  }
0x7d: {  	[sflag:s26] =	ssyncset.done $0x0  }
0x7e: {  	s9 =	sadd.s32 $0x14880, s8;
	[sflag:s26] =	ssyncadd.s32 $0xFFFFD800  }
0x7f: {  	[spmem:s1] =	stream.indirect.scatter.add.f32 [tilespmem:s18], [sflag:$0x5], $0x80, s9, s22, $0xb8;
	[tilespmem:$0x1F880] =	vst v63  }
0x80: {  	_ =	swait.ge [sflag:s19], $0x2800  }
0x81: {  	[sflag:s19] =	ssyncset.done $0x0  }
0x82: {  	[sflag:s19] =	ssyncadd.s32 $0xFFFFD800  }
0x83: {  	_ =	swait.ge [sflag:s28], $0x2800  }
0x84: {  	[sflag:s28] =	ssyncset.done $0x0  }
0x85: {  	s9 =	sadd.s32 $0x14B80, s8;
	[sflag:s28] =	ssyncadd.s32 $0xFFFFD800  }
0x86: {  	[spmem:s1] =	stream.indirect.scatter.add.f32 [tilespmem:s23], [sflag:$0x5], $0x80, s9, s22, $0xb8;
	[tilespmem:$0x1F880] =	vst v63  }
0x87: {  	_ =	swait.ge [sflag:s19], $0x2800  }
0x88: {  	[sflag:s19] =	ssyncset.done $0x0  }
0x89: {  	[sflag:s19] =	ssyncadd.s32 $0xFFFFD800  }
0x8a: {  	_ =	swait.ge [sflag:s29], $0x2800  }
0x8b: {  	[sflag:s29] =	ssyncset.done $0x0  }
0x8c: {  	s9 =	sadd.s32 $0x14E80, s8;
	[sflag:s29] =	ssyncadd.s32 $0xFFFFD800  }
0x8d: {  	[spmem:s1] =	stream.indirect.scatter.add.f32 [tilespmem:s24], [sflag:$0x5], $0x80, s9, s22, $0xb8;
	[tilespmem:$0x1F880] =	vst v63  }
0x8e: {  	_ =	swait.ge [sflag:s19], $0x2800  }
0x8f: {  	[sflag:s19] =	ssyncset.done $0x0  }
0x90: {  	[sflag:s19] =	ssyncadd.s32 $0xFFFFD800  }
0x91: {  	_ =	swait.ge [sflag:s30], $0x2800  }
.Ltmp1:
0x92: {  	[sflag:s30] =	ssyncset.done $0x0;
	(pc) =	sbr.rel @p1 .LBB2_5-.Ltmp1, $4  }
0x93: {  	s8 =	sadd.s32 $0x15180, s8;
	[sflag:s30] =	ssyncadd.s32 $0xFFFFD800  }
0x94: {  	[spmem:s1] =	stream.indirect.scatter.add.f32 [tilespmem:s25], [sflag:$0x5], $0x80, s8, s22, $0xb8;
	[tilespmem:$0x1F880] =	vst v63  }
0x95: {  	_ =	swait.ge [sflag:s19], $0x2800  }
0x96: {  	s9 =	smov.u32 s11;
	s8 =	sshra.s32 s10, $0x2;
	[sflag:s19] =	ssyncset.done $0x0  }
0x97: {  	s9 =	sadd.s32 $0x13880, s8;
	[sflag:s19] =	ssyncadd.s32 $0xFFFFD800  }
0x98: {  	[tilespmem:s18], [sflag:$0x1] =	stream.indirect.gather [hbm4b:s4+s22], $0x80, s9, s22, $0xb8;
	[tilespmem:$0x1F880] =	vst v63  }
0x99: {  	s12 =	sadd.s32 $0x13B80, s8  }
0x9a: {  	[tilespmem:s23], [sflag:$0x2] =	stream.indirect.gather [hbm4b:s4+s22], $0x80, s12, s22, $0xb8;
	[tilespmem:$0x1F880] =	vst v63  }
0x9b: {  	s10 =	sadd.s32 $0x13E80, s8  }
0x9c: {  	[tilespmem:s24], [sflag:$0x3] =	stream.indirect.gather [hbm4b:s4+s22], $0x80, s10, s22, $0xb8;
	[tilespmem:$0x1F880] =	vst v63  }
0x9d: {  	s11 =	sadd.s32 $0x14180, s8  }
0x9e: {  	[tilespmem:s25], [sflag:$0x4] =	stream.indirect.gather [hbm4b:s4+s22], $0x80, s11, s22, $0xb8;
	[tilespmem:$0x1F880] =	vst v63  }
0x9f: {  	_ =	swait.ge [sflag:s26], $0x2800  }
0xa0: {  	[sflag:s26] =	ssyncset.done $0x0  }
0xa1: {  	s12 =	sadd.s32 $0x14880, s8;
	[sflag:s26] =	ssyncadd.s32 $0xFFFFD800  }
0xa2: {  	[spmem:s1] =	stream.indirect.scatter.add.f32 [tilespmem:s18], [sflag:$0x5], $0x80, s12, s22, $0xb8;
	[tilespmem:$0x1F880] =	vst v63  }
0xa3: {  	_ =	swait.ge [sflag:s19], $0x2800  }
0xa4: {  	[sflag:s19] =	ssyncset.done $0x0  }
0xa5: {  	[sflag:s19] =	ssyncadd.s32 $0xFFFFD800  }
0xa6: {  	_ =	swait.ge [sflag:s28], $0x2800  }
0xa7: {  	[sflag:s28] =	ssyncset.done $0x0  }
0xa8: {  	s10 =	sadd.s32 $0x14B80, s8;
	[sflag:s28] =	ssyncadd.s32 $0xFFFFD800  }
0xa9: {  	[spmem:s1] =	stream.indirect.scatter.add.f32 [tilespmem:s23], [sflag:$0x5], $0x80, s10, s22, $0xb8;
	[tilespmem:$0x1F880] =	vst v63  }
0xaa: {  	_ =	swait.ge [sflag:s19], $0x2800  }
0xab: {  	[sflag:s19] =	ssyncset.done $0x0  }
0xac: {  	[sflag:s19] =	ssyncadd.s32 $0xFFFFD800  }
0xad: {  	_ =	swait.ge [sflag:s29], $0x2800  }
0xae: {  	[sflag:s29] =	ssyncset.done $0x0  }
0xaf: {  	s11 =	sadd.s32 $0x14E80, s8;
	[sflag:s29] =	ssyncadd.s32 $0xFFFFD800  }
0xb0: {  	[spmem:s1] =	stream.indirect.scatter.add.f32 [tilespmem:s24], [sflag:$0x5], $0x80, s11, s22, $0xb8;
	[tilespmem:$0x1F880] =	vst v63  }
0xb1: {  	_ =	swait.ge [sflag:s19], $0x2800  }
0xb2: {  	[sflag:s19] =	ssyncset.done $0x0  }
0xb3: {  	[sflag:s19] =	ssyncadd.s32 $0xFFFFD800  }
0xb4: {  	_ =	swait.ge [sflag:s30], $0x2800  }
0xb5: {  	[sflag:s30] =	ssyncset.done $0x0  }
0xb6: {  	s12 =	sadd.s32 $0x15180, s8;
	[sflag:s30] =	ssyncadd.s32 $0xFFFFD800  }
0xb7: {  	[spmem:s1] =	stream.indirect.scatter.add.f32 [tilespmem:s25], [sflag:$0x5], $0x80, s12, s22, $0xb8;
	[tilespmem:$0x1F880] =	vst v63  }
0xb8: {  	_ =	swait.ge [sflag:s19], $0x2800  }
0xb9: {  	[sflag:s19] =	ssyncset.done $0x0  }
0xba: {  	[sflag:s19] =	ssyncadd.s32 $0xFFFFD800  }
0xbb: {  	[tilespmem:s18], [sflag:$0x1] =	stream.indirect.gather [hbm4b:s4+s22], $0x80, s31, s22, $0xb8;
	[tilespmem:$0x1F880] =	vst v63  }
0xbc: {  	s7 =	sadd.s32 $0x1, s7;
	_ =	swait.ge [sflag:s26], $0x2800  }
0xbd: {  	p1 =	sne.s32 s7, $0x5;
	[sflag:s26] =	ssyncset.done $0x0  }
.Ltmp2:
0xbe: {  	[sflag:s26] =	ssyncadd.s32 $0xFFFFD800;
	(pc) =	sbr.rel @p1 .LBB2_4-.Ltmp2, $4  }
0xbf: {  	[spmem:s1] =	stream.indirect.scatter.add.f32 [tilespmem:s18], [sflag:$0x5], $0x80, s0, s22, $0xb8;
	[tilespmem:$0x1F880] =	vst v63  }
0xc0: {  	_ =	swait.ge [sflag:s19], $0x2800  }
0xc1: {  	[sflag:s19] =	ssyncset.done $0x0  }
0xc2: {  	[sflag:s19] =	ssyncadd.s32 $0xFFFFD800  }
0xc3: {  	s2 =	stileid.u32  }
0xc4: {  	s2 =	sshll.u32 @p0 s2, $0x6  }
0xc5: {  	[bflag:$0x0] =	sbarrier.arrive $0xFFFF;
	s7 =	sshrl.u32 @p0 s6, $0x3;
	s2 =	sor.u32 @p0 $0x1C05, s2  }
0xc6: {  	[hbm:s15], [sflag:s2] =	dma.local @p0 [spmem:s7], $0x2700  }
0xc7: {  	s2 =	simm.s32 @p0 $0x5  }
0xc8: {  	s3 =	sadd.s32 $0x1, s3;
	_ =	swait.ge @p0 [sflag:s2], $0x2700  }
0xc9: {  	p1 =	sne.s32 s3, s17;
	[sflag:s2] =	ssyncset.done @p0 $0x0  }
0xca: {  	s7 =	simm.s32 @!p0 $0x1FC5;
	[sflag:s2] =	ssyncadd.s32 @p0 $0xFFFFD900;
	s2 =	sshrl.u32 @!p0 s6, $0x3  }
0xcb: {  	[hbm:s16], [sflag:s7] =	dma.local @!p0 [spmem:s2], $0x2800  }
.Ltmp3:
0xcc: {  	_ = 	snop;
	(pc) =	sbr.rel @p1 .LBB2_1-.Ltmp3, $4  }
0xcd: {  	s2 =	simm.s32 @!p0 $0x5  }
0xce: {  	_ =	swait.ge @!p0 [sflag:s2], $0x2800  }
0xcf: {  	[sflag:s2] =	ssyncset.done @!p0 $0x0  }
0xd0: {  	[sflag:s2] =	ssyncadd.s32 @!p0 $0xFFFFD800  }
0xd1: {  	_ =	sfence.sel $0x180000  }
0xd2: {  	[bflag:$0x0] =	sbarrier.arrive $0xFFFF  }
0xd3: {  	_ =	strace $0x9000004A  }
0xd4: {  	s0 =	stileid.u32;
	[bflag:$0x2] =	sbarrier.arrive $0xFFFF  }
0xd5: {  	p0 =	sne.s32 s0, $0x0;
	s0 =	rddreg [dreg:$0x2]  }
0xd6: {  	s0 =	sadd.s32 @!p0 $0x100000, s0  }
0xd7: {  	[sflag:s0] =	ssyncadd.tile.s32 @!p0 $0x1;
	_ =	shalt  }
.Lfunc_end2:
_tile_overlayer_lowered:
.L_overlay_start_2:
0xd8: {  	(tag) =	ssettag $0x2  }
0xd9: {  	s0 =	rddreg [dreg:$0x0];
	s2 =	stileid.u32  }
0xda: {  	s1 =	rddreg [dreg:$0x1];
	p0 =	sne.s32 s2, $0x0  }
0xdb: {  	s3 =	rddreg [dreg:$0x2];
	[bflag:$0x3] =	sbarrier.arrive $0xFFFF;
	s2 =	simm.s32 @!p0 $0x1C05  }
0xdc: {  	[timem:s3], [sflag:s2] =	dma.local @!p0 [hbm:s0], s1  }
0xdd: {  	s0 =	simm.s32 @!p0 $0x5  }
0xde: {  	_ =	swait.ge @!p0 [sflag:s0], s1  }
0xdf: {  	s1 =	ssub.s32 @!p0 $0x0, s1;
	[sflag:s0] =	ssyncset.done @!p0 $0x0  }
0xe0: {  	[sflag:s0] =	ssyncadd.s32 @!p0 s1  }
0xe1: {  	[bflag:$0x3] =	sbarrier.arrive $0xFFFF  }
0xe2: {  	_ =	shalt  }

// kernel: kernel.17.cloned.1.call-start
scs
__scs_entry_jumppad:
0x0: {  	(pc) =	sbr.rel $0x88, $3  }
0x1: {  	(tag) =	ssettag $0x0;
	lr =	simm.s32 $0x1  }
0x2: {  	[smem:$0x3F94] =	sst lr;
	_ =	strace $0xD0000000  }
0x3: {  	_ = 	snop  }
0x4: {  	_ = 	snop  }
0x5: {  	_ = 	snop  }
0x6: {  	_ = 	snop  }
0x7: {  	_ = 	snop  }
__scs_overlays_trampoline_lowered:
0x8: {  	[smem:$0x3FA3] =	sst s0  }
0x9: {  	[smem:$0x3FA4] =	sst s1  }
0xa: {  	[smem:$0x3FA5] =	sst s2  }
0xb: {  	[smem:$0x3FA6] =	sst s3  }
0xc: {  	[smem:$0x3FA7] =	sst s4  }
0xd: {  	[smem:$0x3FA8] =	sst s5  }
0xe: {  	[smem:$0x3FA9] =	sst s6  }
0xf: {  	[smem:$0x3FAA] =	sst s7  }
0x10: {  	[smem:$0x3FAB] =	sst s8  }
0x11: {  	[smem:$0x3FAC] =	sst s9;
	s0 =	simm.s32 @!p0 $0x0  }
0x12: {  	s1 =	sld [smem:$0x3F92];
	s0 =	simm.s32 @p0 $0x1  }
0x13: {  	[smem:$0x3FAD] =	sst s0;
	s0 =	simm.s32 @!p1 $0x0  }
0x14: {  	s2 =	sld [smem:$0x3F91];
	s0 =	simm.s32 @p1 $0x1  }
0x15: {  	[smem:$0x3FAE] =	sst s0;
	s0 =	simm.s32 @!p2 $0x0  }
0x16: {  	s3 =	sld [smem:$0x3FDB];
	s0 =	simm.s32 @p2 $0x1  }
0x17: {  	s4 =	simm.s32 $0x1BF5;
	[smem:$0x3FB0] =	sst s0  }
0x18: {  	s0 =	sld [smem:$0x3F93];
	_ =	swait.ge [sflag:s4], $0x0  }
0x19: {  	s7 =	sld [smem:$0x3F94]  }
0x1a: {  	s8 =	sadd.s32 $0xFFFFE003, lr  }
0x1b: {  	s9 =	sadd.s32 $0xFFFFFEF7, lr;
	s5 =	simm.s32 $0xFFFFFFFF;
	p2 =	slt.u32 s8, $0xFFFFF086  }
0x1c: {  	p1 =	slt.u32 s9, $0xF7A;
	s5 =	simm.s32 @!p2 $0x0  }
0x1d: {  	s5 =	simm.s32 @p1 $0x1;
	p0 =	seq.s32 s7, s2  }
0x1e: {  	s7 =	smul.u32 @!p0 $0xF7A, s2;
	p2 =	seq.s32 @!p0 s5, $0x0  }
0x1f: {  	s9 =	smul.u32 $0xF7A, s1;
	s8 =	simm.s32 @!p0 $0x1BF5;
	p2 =	por !p2, p0  }
0x20: {  	[sflag:s8] =	ssyncset.s32 @!p0 $0xFFFFF086;
	s6 =	sadd.s32 @!p0 s3, s7;
	s7 =	simm.s32 @!p0 $0x108  }
0x21: {  	s3 =	sadd.s32 s3, s9;
	s6 =	sadd.s32 @!p0 $0x88, s6;
	s7 =	simm.s32 @p2 $0x1082  }
0x22: {  	[simem:s7], [sflag:s8] =	dma.local @!p0 [hbm:s6], $0xF7A  }
0x23: {  	s9 =	sor.u32 $0xD0000000, s2;
	s6 =	simm.s32 $0x108;
	_ =	swait.ge @!p0 [sflag:s8], $0x0  }
0x24: {  	s3 =	sadd.s32 $0x88, s3;
	s6 =	simm.s32 @!p1 $0x1082;
	[sflag:s4] =	ssyncset.s32 $0xFFFFF086  }
0x25: {  	[simem:s6], [sflag:s4] =	dma.local [hbm:s3], $0xF7A  }
0x26: {  	[smem:$0x3F94] =	sst s1;
	(tag) =	ssettag s2;
	_ =	strace s9  }
0x27: {  	s1 =	sld [smem:$0x3FA4]  }
0x28: {  	s2 =	sld [smem:$0x3FA5]  }
0x29: {  	s4 =	sld [smem:$0x3FA7]  }
0x2a: {  	p0 =	seq.s32 s5, $0x0;
	s5 =	sld [smem:$0x3FA8]  }
0x2b: {  	s6 =	sld [smem:$0x3FA9]  }
0x2c: {  	s7 =	sld [smem:$0x3FAA]  }
0x2d: {  	s3 =	simm.s32 $0x108;
	s8 =	sld [smem:$0x3FAB]  }
0x2e: {  	s3 =	simm.s32 @!p0 $0x1082;
	s9 =	sld [smem:$0x3FAC]  }
0x2f: {  	lr =	sadd.s32 s0, s3;
	s0 =	sld [smem:$0x3FA3]  }
0x30: {  	s3 =	sld [smem:$0x3FA6]  }
0x31: {  	[smem:$0x3FAF] =	sst s10  }
0x32: {  	s10 =	sld [smem:$0x3FAD];
	_ =	sdelay $0x3  }
0x33: {  	p0 =	seq.s32 s10, $0x1;
	s10 =	sld [smem:$0x3FAF];
	_ =	sdelay $0x3  }
0x34: {  	[smem:$0x3FAF] =	sst s10  }
0x35: {  	s10 =	sld [smem:$0x3FAE];
	_ =	sdelay $0x3  }
0x36: {  	p1 =	seq.s32 s10, $0x1;
	s10 =	sld [smem:$0x3FAF];
	_ =	sdelay $0x3  }
0x37: {  	[smem:$0x3FAF] =	sst s10  }
0x38: {  	s10 =	sld [smem:$0x3FB0]  }
0x39: {  	_ = 	snop;
	(pc) =	sbr.ind lr, $3  }
0x3a: {  	_ = 	snop  }
0x3b: {  	_ = 	snop  }
0x3c: {  	p2 =	seq.s32 s10, $0x1;
	s10 =	sld [smem:$0x3FAF]  }
0x3d: {  	_ =	shalt  }
0x3e: {  	_ =	shalt  }
0x3f: {  	_ =	shalt  }
0x40: {  	_ =	shalt  }
0x41: {  	_ =	shalt  }
0x42: {  	_ =	shalt  }
0x43: {  	_ =	shalt  }
0x44: {  	_ =	shalt  }
0x45: {  	_ =	shalt  }
0x46: {  	_ =	shalt  }
0x47: {  	_ =	shalt  }
0x48: {  	_ =	shalt  }
0x49: {  	_ =	shalt  }
0x4a: {  	_ =	shalt  }
0x4b: {  	_ =	shalt  }
0x4c: {  	_ =	shalt  }
0x4d: {  	_ =	shalt  }
0x4e: {  	_ =	shalt  }
0x4f: {  	_ =	shalt  }
0x50: {  	_ =	shalt  }
0x51: {  	_ =	shalt  }
0x52: {  	_ =	shalt  }
0x53: {  	_ =	shalt  }
0x54: {  	_ =	shalt  }
0x55: {  	_ =	shalt  }
0x56: {  	_ =	shalt  }
0x57: {  	_ =	shalt  }
0x58: {  	_ =	shalt  }
0x59: {  	_ =	shalt  }
0x5a: {  	_ =	shalt  }
0x5b: {  	_ =	shalt  }
0x5c: {  	_ =	shalt  }
0x5d: {  	_ =	shalt  }
0x5e: {  	_ =	shalt  }
0x5f: {  	_ =	shalt  }
0x60: {  	_ =	shalt  }
0x61: {  	_ =	shalt  }
0x62: {  	_ =	shalt  }
0x63: {  	_ =	shalt  }
0x64: {  	_ =	shalt  }
0x65: {  	_ =	shalt  }
0x66: {  	_ =	shalt  }
0x67: {  	_ =	shalt  }
0x68: {  	_ =	shalt  }
0x69: {  	_ =	shalt  }
0x6a: {  	_ =	shalt  }
0x6b: {  	_ =	shalt  }
0x6c: {  	_ =	shalt  }
0x6d: {  	_ =	shalt  }
0x6e: {  	_ =	shalt  }
0x6f: {  	_ =	shalt  }
0x70: {  	_ =	shalt  }
0x71: {  	_ =	shalt  }
0x72: {  	_ =	shalt  }
0x73: {  	_ =	shalt  }
0x74: {  	_ =	shalt  }
0x75: {  	_ =	shalt  }
0x76: {  	_ =	shalt  }
0x77: {  	_ =	shalt  }
0x78: {  	_ =	shalt  }
0x79: {  	_ =	shalt  }
0x7a: {  	_ =	shalt  }
0x7b: {  	_ =	shalt  }
0x7c: {  	_ =	shalt  }
0x7d: {  	_ =	shalt  }
0x7e: {  	_ =	shalt  }
0x7f: {  	_ =	shalt  }
0x80: {  	_ =	shalt  }
0x81: {  	_ =	shalt  }
0x82: {  	_ =	shalt  }
0x83: {  	_ =	shalt  }
0x84: {  	_ =	shalt  }
0x85: {  	_ =	shalt  }
0x86: {  	_ =	shalt  }
0x87: {  	_ =	shalt  }
.Lfunc_end0:
.L_simem_size_0:
called_computation.2_lowered:
.L_overlay_start_0:
0x88: {  	s2 =	sld [smem:$0x3FD9]  }
0x89: {  	s3 =	sld [smem:$0x3FFE];
	_ =	sdelay $0x1  }
0x8a: {  	s1 =	srdreg.scid  }
0x8b: {  	s0 =	sand.u32 $0x1, s1  }
0x8c: {  	s16 =	sshll.u32 s0, $0xA;
	s2 =	sadd.s32 s3, s2  }
0x8d: {  	s2 =	sadd.s32 s2, s16  }
0x8e: {  	[smem:$0x3FBB] =	sst s2  }
0x8f: {  	_ = 	snop  }
0x90: {  	(tm) =	ssettm $0x1  }
0x91: {  	s17 =	sld [smem:$0x3FFB];
	_ =	sdelay $0x3  }
0x92: {  	_ =	strace s17  }
0x93: {  	s2 =	sld [smem:$0x3FFC];
	_ =	sdelay $0x3  }
0x94: {  	_ =	strace s2  }
0x95: {  	s2 =	sld [smem:$0x3FFD];
	_ =	sdelay $0x3  }
0x96: {  	_ =	strace s2  }
0x97: {  	_ =	strace $0x8FFFFFFF  }
0x98: {  	s18 =	sld [smem:$0x3FDB];
	_ =	sdelay $0x1  }
0x99: {  	s19 =	simm.s32 $_scs_section_size  }
0x9a: {  	s4 =	simm.s32 $_size__tile_overlayer_lowered;
	s5 =	simm.s32 $_tile_overlayer_lowered  }
0x9b: {  	s22 =	simm.s32 $0x1BFF;
	s21 =	sshll.u32 s5, $0x1;
	s2 =	sadd.s32 s19, s18  }
0x9c: {  	s6 =	simm.s32 $0x0;
	s20 =	sshll.u32 s4, $0x1;
	s4 =	sadd.s32 s21, s2  }
0x9d: {  	[timem:s6], [sflag:s22] =	dma.local [hbm:s4], s20  }
0x9e: {  	_ =	swait.ge [sflag:s22], s20  }
0x9f: {  	s3 =	ssub.s32 $0x0, s20;
	[sflag:s22] =	ssyncset.done $0x0  }
0xa0: {  	[sflag:s22] =	ssyncadd.s32 s3;
	_ =	sdelay $0x1  }
0xa1: {  	s23 =	simm.s32 $0x1B8B  }
0xa2: {  	_ =	swait.ge [sflag:s23], $0x1  }
0xa3: {  	[sflag:s23] =	ssyncset.done $0x0  }
0xa4: {  	s25 =	simm.s32 $0x1B8E;
	s24 =	sld [smem:$0x3FFE];
	[sflag:s23] =	ssyncadd.s32 $0xFFFFFFFF  }
0xa5: {  	s26 =	simm.s32 $execute0_lowered;
	[smem:$0x3FD2] =	sst s25  }
0xa6: {  	s4 =	sshll.u32 s26, $0x1;
	_ =	strace $0x8000004C;
	[dreg:$0x1] =	wrdreg $0xFFFFFFFF  }
0xa7: {  	s28 =	simm.s32 $_size_execute0_lowered;
	s2 =	sadd.s32 s2, s4;
	[dreg:$0x0] =	wrdreg $0x0  }
0xa8: {  	s4 =	sshll.u32 s28, $0x1;
	[dreg:$0x2] =	wrdreg s2  }
0xa9: {  	[dreg:$0x3] =	wrdreg s4  }
0xaa: {  	[dreg:$0x4] =	wrdreg $0xC0  }
0xab: {  	_ =	task [dreg:s6], $0x5FFFF  }
0xac: {  	[dreg:$0x1] =	wrdreg $0xFFFFFFFF  }
0xad: {  	[dreg:$0x0] =	wrdreg $0x60  }
0xae: {  	[dreg:$0x2] =	wrdreg s24  }
0xaf: {  	[dreg:$0x3] =	wrdreg $0x0  }
0xb0: {  	[dreg:$0x4] =	wrdreg $0x9  }
0xb1: {  	_ =	task.clear_ibuf [dreg:s6], $0x5FFFF;
	_ =	strace $0x9000004C  }
0xb2: {  	s29 =	simm.s32 $0x9;
	_ =	strace $0x8000004E  }
0xb3: {  	_ =	swait.ge [sflag:s29], $0x1  }
0xb4: {  	[sflag:s29] =	ssyncadd.s32 $0xFFFFFFFF  }
0xb5: {  	_ =	strace $0x9000004E  }
0xb6: {  	_ =	sfence  }
0xb7: {  	s30 =	sld [smem:$0x0];
	_ =	sdelay $0x2  }
0xb8: {  	s31 =	sshll.u32 s1, $0xD;
	s1 =	sshrl.u32 s1, $0x2  }
0xb9: {  	s3 =	sand.u32 $0x4000, s31;
	s1 =	sadd.s32 s1, s30  }
0xba: {  	s0 =	sor.u32 s3, s0;
	s1 =	sshll.u32 s1, $0x11  }
0xbb: {  	s0 =	sor.u32 s1, s0  }
0xbc: {  	s0 =	sadd.s32 $0x8F2B, s0  }
0xbd: {  	[sflag:s0] =	ssyncadd.remote.s32 $0x1  }
0xbe: {  	_ =	sfence.sel $0xFFFF  }
0xbf: {  	[dreg:$0x0] =	wrdreg $0xFFFFFFFF;
	(pc) =	sbr.abs _section_cstart, $3  }
0xc0: {  	[dreg:$0x1] =	wrdreg $0xFFFFFFFF  }
0xc1: {  	_ =	task.clear_ibuf [dreg:s6], $0x2FFFF;
	_ =	strace $0x9FFFFFFF  }
0xc2: {  	(tm) =	ssettm $0x7FFFFFFF  }
0xc3: {  	_ =	shalt  }
tec
execute0_lowered:
.L_overlay_start_1:
0x0: {  	(tag) =	ssettag $0x1  }
0x1: {  	s0 =	rddreg [dreg:$0x0]  }
0x2: {  	s1 =	rddreg [dreg:$0x1];
	s3 =	simm.s32 $0x0  }
0x3: {  	s2 =	srdreg.scid;
	s10 =	stileid.u32;
	s18 =	simm.s32 $0x15880  }
0x4: {  	s19 =	simm.s32 $0x5;
	s28 =	simm.s32 $0x2;
	s29 =	simm.s32 $0x3  }
0x5: {  	s30 =	simm.s32 $0x4;
	s31 =	simm.s32 $0x14480;
	[smem:$0x7FF] =	sst s3  }
0x6: {  	s2 =	sand.u32 $0x1, s2;
	s6 =	smul.u32 $0x4E000, s10;
	s4 =	sadd.s32 $0x4E00, s0  }
0x7: {  	s5 =	sadd.s32 $0x67000, s0;
	s0 =	sadd.s32 $0x8F000, s0;
	s23 =	smul.u32 $0x13800, s10  }
0x8: {  	p0 =	sne.s32 s10, $0xF;
	_ =	strace $0x8000004D;
	s6 =	sshrl.u32 s6, $0x2  }
0x9: {  	s7 =	ssub.s32 $0x2, s2;
	s20 =	sshll.u32 s2, $0x4;
	s6 =	sadd.s32 s6, s1  }
0xa: {  	s2 =	smul.u32 $0x138800, s2;
	s8 =	sshrl.u32 s7, $0x1;
	s9 =	sadd.s32 $0x2800, s6  }
0xb: {  	s7 =	ssub.s32 s7, s8;
	s21 =	sadd.s32 $0x5000, s6;
	[dreg:$0x3] =	wrdreg s9  }
0xc: {  	s8 =	sor.u32 s10, s20;
	s22 =	sadd.s32 $0x7800, s6;
	[dreg:$0x4] =	wrdreg s21  }
0xd: {  	s20 =	simm.s32 $0x13880;
	s11 =	sadd.s32 $0xA000, s6;
	[dreg:$0x5] =	wrdreg s22  }
0xe: {  	s24 =	sadd.s32 $0xC800, s6;
	s25 =	sadd.s32 $0xF000, s6;
	[dreg:$0x6] =	wrdreg s11  }
0xf: {  	s13 =	sadd.s32 $0x11800, s6;
	s14 =	smul.u32 $0xA000, s8;
	[dreg:$0x7] =	wrdreg s24  }
0x10: {  	s17 =	smax.u32 s7, $0x1;
	[dreg:$0x8] =	wrdreg s25;
	s9 =	sadd.s32 s23, s2  }
0x11: {  	s2 =	sshrl.u32 s2, $0x3;
	s21 =	simm.s32 $0x14880;
	s22 =	simm.s32 $0x50  }
0x12: {  	s23 =	simm.s32 $0x18080;
	s24 =	simm.s32 $0x1A880;
	s26 =	sshrl.u32 s9, $0x3  }
0x13: {  	s25 =	simm.s32 $0x1D080;
	s2 =	sadd.s32 s0, s2;
	s15 =	sadd.s32 s0, s26  }
0x14: {  	v0 =	vimm.f32 $0.0e+00;
	s16 =	sadd.s32 $0x24900, s2;
	s26 =	simm.s32 $0x1;
	s0 =	simm.s32 $0x15480  }
.LBB2_1:
0x15: {  	s2 =	simm.s32 $0x0;
	s7 =	simm.s32 $0x200  }
.LBB2_2:
0x16: {  	p1 =	sne.s32 s7, $0x9E00;
	[tilespmem:s2+$0x158F0] =	vst v0  }
0x17: {  	[tilespmem:s2+$0x15880] =	vst v0  }
0x18: {  	[tilespmem:s2+$0x15890] =	vst v0  }
.Ltmp0:
0x19: {  	[tilespmem:s2+$0x158A0] =	vst v0;
	(pc) =	sbr.rel @p1 .LBB2_2-.Ltmp0, $4  }
0x1a: {  	[tilespmem:s2+$0x158B0] =	vst v0  }
0x1b: {  	[tilespmem:s2+$0x158C0] =	vst v0  }
0x1c: {  	[tilespmem:s2+$0x158D0] =	vst v0  }
0x1d: {  	[tilespmem:s2+$0x158E0] =	vst v0;
	s2 =	sshra.s32 s7, $0x2;
	s7 =	sadd.s32 $0x200, s7  }
0x1e: {  	[tilespmem:s2+$0x158F0] =	vst v0  }
0x1f: {  	[tilespmem:s2+$0x15880] =	vst v0  }
0x20: {  	[tilespmem:s2+$0x15890] =	vst v0  }
0x21: {  	[tilespmem:s2+$0x158A0] =	vst v0  }
0x22: {  	[tilespmem:s2+$0x158B0] =	vst v0  }
0x23: {  	[tilespmem:s2+$0x158C0] =	vst v0  }
0x24: {  	[tilespmem:s2+$0x158D0] =	vst v0  }
0x25: {  	[tilespmem:s2+$0x158E0] =	vst v0  }
0x26: {  	[spmem:s6] =	stream.linear.scatter [tilespmem:s18], [sflag:$0x5], $0x2800, $0x38;
	[tilespmem:$0x1F880] =	vst v63  }
0x27: {  	_ =	swait.ge [sflag:s19], $0x2800  }
0x28: {  	[sflag:s19] =	ssyncset.done $0x0  }
0x29: {  	s7 =	rddreg [dreg:$0x3];
	[sflag:s19] =	ssyncadd.s32 $0xFFFFD800  }
0x2a: {  	[spmem:s7] =	stream.linear.scatter [tilespmem:s18], [sflag:$0x5], $0x2800, $0x38;
	[tilespmem:$0x1F880] =	vst v63  }
0x2b: {  	_ =	swait.ge [sflag:s19], $0x2800  }
0x2c: {  	[sflag:s19] =	ssyncset.done $0x0  }
0x2d: {  	s8 =	rddreg [dreg:$0x4];
	[sflag:s19] =	ssyncadd.s32 $0xFFFFD800  }
0x2e: {  	[spmem:s8] =	stream.linear.scatter [tilespmem:s18], [sflag:$0x5], $0x2800, $0x38;
	[tilespmem:$0x1F880] =	vst v63  }
0x2f: {  	_ =	swait.ge [sflag:s19], $0x2800  }
0x30: {  	[sflag:s19] =	ssyncset.done $0x0  }
0x31: {  	s9 =	rddreg [dreg:$0x5];
	[sflag:s19] =	ssyncadd.s32 $0xFFFFD800  }
0x32: {  	[spmem:s9] =	stream.linear.scatter [tilespmem:s18], [sflag:$0x5], $0x2800, $0x38;
	[tilespmem:$0x1F880] =	vst v63  }
0x33: {  	_ =	swait.ge [sflag:s19], $0x2800  }
0x34: {  	[sflag:s19] =	ssyncset.done $0x0  }
0x35: {  	s10 =	rddreg [dreg:$0x6];
	[sflag:s19] =	ssyncadd.s32 $0xFFFFD800  }
0x36: {  	[spmem:s10] =	stream.linear.scatter [tilespmem:s18], [sflag:$0x5], $0x2800, $0x38;
	[tilespmem:$0x1F880] =	vst v63  }
0x37: {  	_ =	swait.ge [sflag:s19], $0x2800  }
0x38: {  	[sflag:s19] =	ssyncset.done $0x0  }
0x39: {  	s11 =	rddreg [dreg:$0x7];
	[sflag:s19] =	ssyncadd.s32 $0xFFFFD800  }
0x3a: {  	[spmem:s11] =	stream.linear.scatter [tilespmem:s18], [sflag:$0x5], $0x2800, $0x38;
	[tilespmem:$0x1F880] =	vst v63  }
0x3b: {  	_ =	swait.ge [sflag:s19], $0x2800  }
0x3c: {  	[sflag:s19] =	ssyncset.done $0x0  }
0x3d: {  	s12 =	rddreg [dreg:$0x8];
	[sflag:s19] =	ssyncadd.s32 $0xFFFFD800  }
0x3e: {  	[spmem:s12] =	stream.linear.scatter [tilespmem:s18], [sflag:$0x5], $0x2800, $0x38;
	[tilespmem:$0x1F880] =	vst v63  }
0x3f: {  	_ =	swait.ge [sflag:s19], $0x2800  }
0x40: {  	[sflag:s19] =	ssyncset.done $0x0  }
0x41: {  	[sflag:s19] =	ssyncadd.s32 $0xFFFFD800  }
0x42: {  	[spmem:s13] =	stream.linear.scatter [tilespmem:s18], [sflag:$0x5], $0x2800, $0x38;
	[tilespmem:$0x1F880] =	vst v63  }
0x43: {  	_ =	swait.ge [sflag:s19], $0x2800  }
0x44: {  	[sflag:s19] =	ssyncset.done $0x0  }
0x45: {  	[sflag:s19] =	ssyncadd.s32 $0xFFFFD800  }
0x46: {  	s2 =	simm.s32 $0x0;
	s7 =	simm.s32 $0x0;
	[bflag:$0x0] =	sbarrier.arrive $0xFFFF  }
.LBB2_4:
0x47: {  	s8 =	sshll.u32 s7, $0xD  }
0x48: {  	s8 =	sadd.s32 s14, s8  }
0x49: {  	s8 =	sshrl.u32 s8, $0x3  }
0x4a: {  	s8 =	sadd.s32 s5, s8  }
0x4b: {  	[tilespmem:s20], [sflag:$0x5] =	stream.linear.gather [hbm4b:s8+s2], $0xC80, $0x38;
	[tilespmem:$0x1F880] =	vst v63  }
0x4c: {  	s8 =	sadd.s32 $0x200, s8  }
0x4d: {  	[tilespmem:s21], [sflag:$0x5] =	stream.linear.gather [hbm4b:s8+s2], $0xC80, $0x38;
	[tilespmem:$0x1F880] =	vst v63  }
0x4e: {  	_ =	swait.ge [sflag:s19], $0x1900  }
0x4f: {  	[sflag:s19] =	ssyncset.done $0x0  }
0x50: {  	s9 =	simm.s32 $0x13880;
	[sflag:s19] =	ssyncadd.s32 $0xFFFFE700  }
0x51: {  	[tilespmem:s18], [sflag:$0x1] =	stream.indirect.gather [hbm4b:s4+s22], $0x80, s9, s22, $0xb8;
	[tilespmem:$0x1F880] =	vst v63  }
0x52: {  	s10 =	simm.s32 $0x13B80  }
0x53: {  	[tilespmem:s23], [sflag:$0x2] =	stream.indirect.gather [hbm4b:s4+s22], $0x80, s10, s22, $0xb8;
	[tilespmem:$0x1F880] =	vst v63  }
0x54: {  	s11 =	simm.s32 $0x13E80  }
0x55: {  	[tilespmem:s24], [sflag:$0x3] =	stream.indirect.gather [hbm4b:s4+s22], $0x80, s11, s22, $0xb8;
	[tilespmem:$0x1F880] =	vst v63  }
0x56: {  	s12 =	simm.s32 $0x14180  }
0x57: {  	[tilespmem:s25], [sflag:$0x4] =	stream.indirect.gather [hbm4b:s4+s22], $0x80, s12, s22, $0xb8;
	[tilespmem:$0x1F880] =	vst v63  }
0x58: {  	_ =	swait.ge [sflag:s26], $0x2800  }
0x59: {  	[sflag:s26] =	ssyncset.done $0x0  }
0x5a: {  	s9 =	simm.s32 $0x14880;
	[sflag:s26] =	ssyncadd.s32 $0xFFFFD800  }
0x5b: {  	[spmem:s1] =	stream.indirect.scatter.add.f32 [tilespmem:s18], [sflag:$0x5], $0x80, s9, s22, $0xb8;
	[tilespmem:$0x1F880] =	vst v63  }
0x5c: {  	_ =	swait.ge [sflag:s19], $0x2800  }
0x5d: {  	[sflag:s19] =	ssyncset.done $0x0  }
0x5e: {  	[sflag:s19] =	ssyncadd.s32 $0xFFFFD800  }
0x5f: {  	_ =	swait.ge [sflag:s28], $0x2800  }
0x60: {  	[sflag:s28] =	ssyncset.done $0x0  }
0x61: {  	s10 =	simm.s32 $0x14B80;
	[sflag:s28] =	ssyncadd.s32 $0xFFFFD800  }
0x62: {  	[spmem:s1] =	stream.indirect.scatter.add.f32 [tilespmem:s23], [sflag:$0x5], $0x80, s10, s22, $0xb8;
	[tilespmem:$0x1F880] =	vst v63  }
0x63: {  	_ =	swait.ge [sflag:s19], $0x2800  }
0x64: {  	[sflag:s19] =	ssyncset.done $0x0  }
0x65: {  	[sflag:s19] =	ssyncadd.s32 $0xFFFFD800  }
0x66: {  	_ =	swait.ge [sflag:s29], $0x2800  }
0x67: {  	[sflag:s29] =	ssyncset.done $0x0  }
0x68: {  	s11 =	simm.s32 $0x14E80;
	[sflag:s29] =	ssyncadd.s32 $0xFFFFD800  }
0x69: {  	[spmem:s1] =	stream.indirect.scatter.add.f32 [tilespmem:s24], [sflag:$0x5], $0x80, s11, s22, $0xb8;
	[tilespmem:$0x1F880] =	vst v63  }
0x6a: {  	_ =	swait.ge [sflag:s19], $0x2800  }
0x6b: {  	[sflag:s19] =	ssyncset.done $0x0  }
0x6c: {  	[sflag:s19] =	ssyncadd.s32 $0xFFFFD800  }
0x6d: {  	_ =	swait.ge [sflag:s30], $0x2800  }
0x6e: {  	[sflag:s30] =	ssyncset.done $0x0  }
0x6f: {  	s12 =	simm.s32 $0x15180;
	[sflag:s30] =	ssyncadd.s32 $0xFFFFD800  }
0x70: {  	[spmem:s1] =	stream.indirect.scatter.add.f32 [tilespmem:s25], [sflag:$0x5], $0x80, s12, s22, $0xb8;
	[tilespmem:$0x1F880] =	vst v63  }
0x71: {  	_ =	swait.ge [sflag:s19], $0x2800  }
0x72: {  	s8 =	simm.s32 $0x80;
	s9 =	simm.s32 $0x400;
	[sflag:s19] =	ssyncset.done $0x0  }
.LBB2_5:
0x73: {  	s12 =	sadd.s32 $0x13880, s8  }
0x74: {  	[sflag:s19] =	ssyncadd.s32 $0xFFFFD800;
	s10 =	smov.u32 s9;
	s11 =	sadd.s32 $0x200, s9  }
0x75: {  	[tilespmem:s18], [sflag:$0x1] =	stream.indirect.gather [hbm4b:s4+s22], $0x80, s12, s22, $0xb8;
	[tilespmem:$0x1F880] =	vst v63  }
0x76: {  	p1 =	sne.s32 s9, $0xA00;
	s9 =	sadd.s32 $0x13B80, s8  }
0x77: {  	[tilespmem:s23], [sflag:$0x2] =	stream.indirect.gather [hbm4b:s4+s22], $0x80, s9, s22, $0xb8;
	[tilespmem:$0x1F880] =	vst v63  }
0x78: {  	s9 =	sadd.s32 $0x13E80, s8  }
0x79: {  	[tilespmem:s24], [sflag:$0x3] =	stream.indirect.gather [hbm4b:s4+s22], $0x80, s9, s22, $0xb8;
	[tilespmem:$0x1F880] =	vst v63  }
0x7a: {  	s9 =	sadd.s32 $0x14180, s8  }
0x7b: {  	[tilespmem:s25], [sflag:$0x4] =	stream.indirect.gather [hbm4b:s4+s22], $0x80, s9, s22, $0xb8;
	[tilespmem:$0x1F880] =	vst v63  }
0x7c: {  	_ =	swait.ge [sflag:s26], $0x2800  }
0x7d: {  	[sflag:s26] =	ssyncset.done $0x0  }
0x7e: {  	s9 =	sadd.s32 $0x14880, s8;
	[sflag:s26] =	ssyncadd.s32 $0xFFFFD800  }
0x7f: {  	[spmem:s1] =	stream.indirect.scatter.add.f32 [tilespmem:s18], [sflag:$0x5], $0x80, s9, s22, $0xb8;
	[tilespmem:$0x1F880] =	vst v63  }
0x80: {  	_ =	swait.ge [sflag:s19], $0x2800  }
0x81: {  	[sflag:s19] =	ssyncset.done $0x0  }
0x82: {  	[sflag:s19] =	ssyncadd.s32 $0xFFFFD800  }
0x83: {  	_ =	swait.ge [sflag:s28], $0x2800  }
0x84: {  	[sflag:s28] =	ssyncset.done $0x0  }
0x85: {  	s9 =	sadd.s32 $0x14B80, s8;
	[sflag:s28] =	ssyncadd.s32 $0xFFFFD800  }
0x86: {  	[spmem:s1] =	stream.indirect.scatter.add.f32 [tilespmem:s23], [sflag:$0x5], $0x80, s9, s22, $0xb8;
	[tilespmem:$0x1F880] =	vst v63  }
0x87: {  	_ =	swait.ge [sflag:s19], $0x2800  }
0x88: {  	[sflag:s19] =	ssyncset.done $0x0  }
0x89: {  	[sflag:s19] =	ssyncadd.s32 $0xFFFFD800  }
0x8a: {  	_ =	swait.ge [sflag:s29], $0x2800  }
0x8b: {  	[sflag:s29] =	ssyncset.done $0x0  }
0x8c: {  	s9 =	sadd.s32 $0x14E80, s8;
	[sflag:s29] =	ssyncadd.s32 $0xFFFFD800  }
0x8d: {  	[spmem:s1] =	stream.indirect.scatter.add.f32 [tilespmem:s24], [sflag:$0x5], $0x80, s9, s22, $0xb8;
	[tilespmem:$0x1F880] =	vst v63  }
0x8e: {  	_ =	swait.ge [sflag:s19], $0x2800  }
0x8f: {  	[sflag:s19] =	ssyncset.done $0x0  }
0x90: {  	[sflag:s19] =	ssyncadd.s32 $0xFFFFD800  }
0x91: {  	_ =	swait.ge [sflag:s30], $0x2800  }
.Ltmp1:
0x92: {  	[sflag:s30] =	ssyncset.done $0x0;
	(pc) =	sbr.rel @p1 .LBB2_5-.Ltmp1, $4  }
0x93: {  	s8 =	sadd.s32 $0x15180, s8;
	[sflag:s30] =	ssyncadd.s32 $0xFFFFD800  }
0x94: {  	[spmem:s1] =	stream.indirect.scatter.add.f32 [tilespmem:s25], [sflag:$0x5], $0x80, s8, s22, $0xb8;
	[tilespmem:$0x1F880] =	vst v63  }
0x95: {  	_ =	swait.ge [sflag:s19], $0x2800  }
0x96: {  	s9 =	smov.u32 s11;
	s8 =	sshra.s32 s10, $0x2;
	[sflag:s19] =	ssyncset.done $0x0  }
0x97: {  	s9 =	sadd.s32 $0x13880, s8;
	[sflag:s19] =	ssyncadd.s32 $0xFFFFD800  }
0x98: {  	[tilespmem:s18], [sflag:$0x1] =	stream.indirect.gather [hbm4b:s4+s22], $0x80, s9, s22, $0xb8;
	[tilespmem:$0x1F880] =	vst v63  }
0x99: {  	s12 =	sadd.s32 $0x13B80, s8  }
0x9a: {  	[tilespmem:s23], [sflag:$0x2] =	stream.indirect.gather [hbm4b:s4+s22], $0x80, s12, s22, $0xb8;
	[tilespmem:$0x1F880] =	vst v63  }
0x9b: {  	s10 =	sadd.s32 $0x13E80, s8  }
0x9c: {  	[tilespmem:s24], [sflag:$0x3] =	stream.indirect.gather [hbm4b:s4+s22], $0x80, s10, s22, $0xb8;
	[tilespmem:$0x1F880] =	vst v63  }
0x9d: {  	s11 =	sadd.s32 $0x14180, s8  }
0x9e: {  	[tilespmem:s25], [sflag:$0x4] =	stream.indirect.gather [hbm4b:s4+s22], $0x80, s11, s22, $0xb8;
	[tilespmem:$0x1F880] =	vst v63  }
0x9f: {  	_ =	swait.ge [sflag:s26], $0x2800  }
0xa0: {  	[sflag:s26] =	ssyncset.done $0x0  }
0xa1: {  	s12 =	sadd.s32 $0x14880, s8;
	[sflag:s26] =	ssyncadd.s32 $0xFFFFD800  }
0xa2: {  	[spmem:s1] =	stream.indirect.scatter.add.f32 [tilespmem:s18], [sflag:$0x5], $0x80, s12, s22, $0xb8;
	[tilespmem:$0x1F880] =	vst v63  }
0xa3: {  	_ =	swait.ge [sflag:s19], $0x2800  }
0xa4: {  	[sflag:s19] =	ssyncset.done $0x0  }
0xa5: {  	[sflag:s19] =	ssyncadd.s32 $0xFFFFD800  }
0xa6: {  	_ =	swait.ge [sflag:s28], $0x2800  }
0xa7: {  	[sflag:s28] =	ssyncset.done $0x0  }
0xa8: {  	s10 =	sadd.s32 $0x14B80, s8;
	[sflag:s28] =	ssyncadd.s32 $0xFFFFD800  }
0xa9: {  	[spmem:s1] =	stream.indirect.scatter.add.f32 [tilespmem:s23], [sflag:$0x5], $0x80, s10, s22, $0xb8;
	[tilespmem:$0x1F880] =	vst v63  }
0xaa: {  	_ =	swait.ge [sflag:s19], $0x2800  }
0xab: {  	[sflag:s19] =	ssyncset.done $0x0  }
0xac: {  	[sflag:s19] =	ssyncadd.s32 $0xFFFFD800  }
0xad: {  	_ =	swait.ge [sflag:s29], $0x2800  }
0xae: {  	[sflag:s29] =	ssyncset.done $0x0  }
0xaf: {  	s11 =	sadd.s32 $0x14E80, s8;
	[sflag:s29] =	ssyncadd.s32 $0xFFFFD800  }
0xb0: {  	[spmem:s1] =	stream.indirect.scatter.add.f32 [tilespmem:s24], [sflag:$0x5], $0x80, s11, s22, $0xb8;
	[tilespmem:$0x1F880] =	vst v63  }
0xb1: {  	_ =	swait.ge [sflag:s19], $0x2800  }
0xb2: {  	[sflag:s19] =	ssyncset.done $0x0  }
0xb3: {  	[sflag:s19] =	ssyncadd.s32 $0xFFFFD800  }
0xb4: {  	_ =	swait.ge [sflag:s30], $0x2800  }
0xb5: {  	[sflag:s30] =	ssyncset.done $0x0  }
0xb6: {  	s12 =	sadd.s32 $0x15180, s8;
	[sflag:s30] =	ssyncadd.s32 $0xFFFFD800  }
0xb7: {  	[spmem:s1] =	stream.indirect.scatter.add.f32 [tilespmem:s25], [sflag:$0x5], $0x80, s12, s22, $0xb8;
	[tilespmem:$0x1F880] =	vst v63  }
0xb8: {  	_ =	swait.ge [sflag:s19], $0x2800  }
0xb9: {  	[sflag:s19] =	ssyncset.done $0x0  }
0xba: {  	[sflag:s19] =	ssyncadd.s32 $0xFFFFD800  }
0xbb: {  	[tilespmem:s18], [sflag:$0x1] =	stream.indirect.gather [hbm4b:s4+s22], $0x80, s31, s22, $0xb8;
	[tilespmem:$0x1F880] =	vst v63  }
0xbc: {  	s7 =	sadd.s32 $0x1, s7;
	_ =	swait.ge [sflag:s26], $0x2800  }
0xbd: {  	p1 =	sne.s32 s7, $0x5;
	[sflag:s26] =	ssyncset.done $0x0  }
.Ltmp2:
0xbe: {  	[sflag:s26] =	ssyncadd.s32 $0xFFFFD800;
	(pc) =	sbr.rel @p1 .LBB2_4-.Ltmp2, $4  }
0xbf: {  	[spmem:s1] =	stream.indirect.scatter.add.f32 [tilespmem:s18], [sflag:$0x5], $0x80, s0, s22, $0xb8;
	[tilespmem:$0x1F880] =	vst v63  }
0xc0: {  	_ =	swait.ge [sflag:s19], $0x2800  }
0xc1: {  	[sflag:s19] =	ssyncset.done $0x0  }
0xc2: {  	[sflag:s19] =	ssyncadd.s32 $0xFFFFD800  }
0xc3: {  	s2 =	stileid.u32  }
0xc4: {  	s2 =	sshll.u32 @p0 s2, $0x6  }
0xc5: {  	[bflag:$0x0] =	sbarrier.arrive $0xFFFF;
	s7 =	sshrl.u32 @p0 s6, $0x3;
	s2 =	sor.u32 @p0 $0x1C05, s2  }
0xc6: {  	[hbm:s15], [sflag:s2] =	dma.local @p0 [spmem:s7], $0x2700  }
0xc7: {  	s2 =	simm.s32 @p0 $0x5  }
0xc8: {  	s3 =	sadd.s32 $0x1, s3;
	_ =	swait.ge @p0 [sflag:s2], $0x2700  }
0xc9: {  	p1 =	sne.s32 s3, s17;
	[sflag:s2] =	ssyncset.done @p0 $0x0  }
0xca: {  	s7 =	simm.s32 @!p0 $0x1FC5;
	[sflag:s2] =	ssyncadd.s32 @p0 $0xFFFFD900;
	s2 =	sshrl.u32 @!p0 s6, $0x3  }
0xcb: {  	[hbm:s16], [sflag:s7] =	dma.local @!p0 [spmem:s2], $0x2800  }
.Ltmp3:
0xcc: {  	_ = 	snop;
	(pc) =	sbr.rel @p1 .LBB2_1-.Ltmp3, $4  }
0xcd: {  	s2 =	simm.s32 @!p0 $0x5  }
0xce: {  	_ =	swait.ge @!p0 [sflag:s2], $0x2800  }
0xcf: {  	[sflag:s2] =	ssyncset.done @!p0 $0x0  }
0xd0: {  	[sflag:s2] =	ssyncadd.s32 @!p0 $0xFFFFD800  }
0xd1: {  	_ =	sfence.sel $0x180000  }
0xd2: {  	[bflag:$0x0] =	sbarrier.arrive $0xFFFF  }
0xd3: {  	_ =	strace $0x9000004D  }
0xd4: {  	s0 =	stileid.u32;
	[bflag:$0x2] =	sbarrier.arrive $0xFFFF  }
0xd5: {  	p0 =	sne.s32 s0, $0x0;
	s0 =	rddreg [dreg:$0x2]  }
0xd6: {  	s0 =	sadd.s32 @!p0 $0x100000, s0  }
0xd7: {  	[sflag:s0] =	ssyncadd.tile.s32 @!p0 $0x1;
	_ =	shalt  }
.Lfunc_end2:
_tile_overlayer_lowered:
.L_overlay_start_2:
0xd8: {  	(tag) =	ssettag $0x2  }
0xd9: {  	s0 =	rddreg [dreg:$0x0];
	s2 =	stileid.u32  }
0xda: {  	s1 =	rddreg [dreg:$0x1];
	p0 =	sne.s32 s2, $0x0  }
0xdb: {  	s3 =	rddreg [dreg:$0x2];
	[bflag:$0x3] =	sbarrier.arrive $0xFFFF;
	s2 =	simm.s32 @!p0 $0x1C05  }
0xdc: {  	[timem:s3], [sflag:s2] =	dma.local @!p0 [hbm:s0], s1  }
0xdd: {  	s0 =	simm.s32 @!p0 $0x5  }
0xde: {  	_ =	swait.ge @!p0 [sflag:s0], s1  }
0xdf: {  	s1 =	ssub.s32 @!p0 $0x0, s1;
	[sflag:s0] =	ssyncset.done @!p0 $0x0  }
0xe0: {  	[sflag:s0] =	ssyncadd.s32 @!p0 s1  }
0xe1: {  	[bflag:$0x3] =	sbarrier.arrive $0xFFFF  }
0xe2: {  	_ =	shalt  }

// kernel: kernel.20.cloned.1.call-start
scs
__scs_entry_jumppad:
0x0: {  	(pc) =	sbr.rel $0x88, $3  }
0x1: {  	(tag) =	ssettag $0x0;
	lr =	simm.s32 $0x1  }
0x2: {  	[smem:$0x3F94] =	sst lr;
	_ =	strace $0xD0000000  }
0x3: {  	_ = 	snop  }
0x4: {  	_ = 	snop  }
0x5: {  	_ = 	snop  }
0x6: {  	_ = 	snop  }
0x7: {  	_ = 	snop  }
__scs_overlays_trampoline_lowered:
0x8: {  	[smem:$0x3FA3] =	sst s0  }
0x9: {  	[smem:$0x3FA4] =	sst s1  }
0xa: {  	[smem:$0x3FA5] =	sst s2  }
0xb: {  	[smem:$0x3FA6] =	sst s3  }
0xc: {  	[smem:$0x3FA7] =	sst s4  }
0xd: {  	[smem:$0x3FA8] =	sst s5  }
0xe: {  	[smem:$0x3FA9] =	sst s6  }
0xf: {  	[smem:$0x3FAA] =	sst s7  }
0x10: {  	[smem:$0x3FAB] =	sst s8  }
0x11: {  	[smem:$0x3FAC] =	sst s9;
	s0 =	simm.s32 @!p0 $0x0  }
0x12: {  	s1 =	sld [smem:$0x3F92];
	s0 =	simm.s32 @p0 $0x1  }
0x13: {  	[smem:$0x3FAD] =	sst s0;
	s0 =	simm.s32 @!p1 $0x0  }
0x14: {  	s2 =	sld [smem:$0x3F91];
	s0 =	simm.s32 @p1 $0x1  }
0x15: {  	[smem:$0x3FAE] =	sst s0;
	s0 =	simm.s32 @!p2 $0x0  }
0x16: {  	s3 =	sld [smem:$0x3FDB];
	s0 =	simm.s32 @p2 $0x1  }
0x17: {  	s4 =	simm.s32 $0x1BF5;
	[smem:$0x3FB0] =	sst s0  }
0x18: {  	s0 =	sld [smem:$0x3F93];
	_ =	swait.ge [sflag:s4], $0x0  }
0x19: {  	s7 =	sld [smem:$0x3F94]  }
0x1a: {  	s8 =	sadd.s32 $0xFFFFE003, lr  }
0x1b: {  	s9 =	sadd.s32 $0xFFFFFEF7, lr;
	s5 =	simm.s32 $0xFFFFFFFF;
	p2 =	slt.u32 s8, $0xFFFFF086  }
0x1c: {  	p1 =	slt.u32 s9, $0xF7A;
	s5 =	simm.s32 @!p2 $0x0  }
0x1d: {  	s5 =	simm.s32 @p1 $0x1;
	p0 =	seq.s32 s7, s2  }
0x1e: {  	s7 =	smul.u32 @!p0 $0xF7A, s2;
	p2 =	seq.s32 @!p0 s5, $0x0  }
0x1f: {  	s9 =	smul.u32 $0xF7A, s1;
	s8 =	simm.s32 @!p0 $0x1BF5;
	p2 =	por !p2, p0  }
0x20: {  	[sflag:s8] =	ssyncset.s32 @!p0 $0xFFFFF086;
	s6 =	sadd.s32 @!p0 s3, s7;
	s7 =	simm.s32 @!p0 $0x108  }
0x21: {  	s3 =	sadd.s32 s3, s9;
	s6 =	sadd.s32 @!p0 $0x88, s6;
	s7 =	simm.s32 @p2 $0x1082  }
0x22: {  	[simem:s7], [sflag:s8] =	dma.local @!p0 [hbm:s6], $0xF7A  }
0x23: {  	s9 =	sor.u32 $0xD0000000, s2;
	s6 =	simm.s32 $0x108;
	_ =	swait.ge @!p0 [sflag:s8], $0x0  }
0x24: {  	s3 =	sadd.s32 $0x88, s3;
	s6 =	simm.s32 @!p1 $0x1082;
	[sflag:s4] =	ssyncset.s32 $0xFFFFF086  }
0x25: {  	[simem:s6], [sflag:s4] =	dma.local [hbm:s3], $0xF7A  }
0x26: {  	[smem:$0x3F94] =	sst s1;
	(tag) =	ssettag s2;
	_ =	strace s9  }
0x27: {  	s1 =	sld [smem:$0x3FA4]  }
0x28: {  	s2 =	sld [smem:$0x3FA5]  }
0x29: {  	s4 =	sld [smem:$0x3FA7]  }
0x2a: {  	p0 =	seq.s32 s5, $0x0;
	s5 =	sld [smem:$0x3FA8]  }
0x2b: {  	s6 =	sld [smem:$0x3FA9]  }
0x2c: {  	s7 =	sld [smem:$0x3FAA]  }
0x2d: {  	s3 =	simm.s32 $0x108;
	s8 =	sld [smem:$0x3FAB]  }
0x2e: {  	s3 =	simm.s32 @!p0 $0x1082;
	s9 =	sld [smem:$0x3FAC]  }
0x2f: {  	lr =	sadd.s32 s0, s3;
	s0 =	sld [smem:$0x3FA3]  }
0x30: {  	s3 =	sld [smem:$0x3FA6]  }
0x31: {  	[smem:$0x3FAF] =	sst s10  }
0x32: {  	s10 =	sld [smem:$0x3FAD];
	_ =	sdelay $0x3  }
0x33: {  	p0 =	seq.s32 s10, $0x1;
	s10 =	sld [smem:$0x3FAF];
	_ =	sdelay $0x3  }
0x34: {  	[smem:$0x3FAF] =	sst s10  }
0x35: {  	s10 =	sld [smem:$0x3FAE];
	_ =	sdelay $0x3  }
0x36: {  	p1 =	seq.s32 s10, $0x1;
	s10 =	sld [smem:$0x3FAF];
	_ =	sdelay $0x3  }
0x37: {  	[smem:$0x3FAF] =	sst s10  }
0x38: {  	s10 =	sld [smem:$0x3FB0]  }
0x39: {  	_ = 	snop;
	(pc) =	sbr.ind lr, $3  }
0x3a: {  	_ = 	snop  }
0x3b: {  	_ = 	snop  }
0x3c: {  	p2 =	seq.s32 s10, $0x1;
	s10 =	sld [smem:$0x3FAF]  }
0x3d: {  	_ =	shalt  }
0x3e: {  	_ =	shalt  }
0x3f: {  	_ =	shalt  }
0x40: {  	_ =	shalt  }
0x41: {  	_ =	shalt  }
0x42: {  	_ =	shalt  }
0x43: {  	_ =	shalt  }
0x44: {  	_ =	shalt  }
0x45: {  	_ =	shalt  }
0x46: {  	_ =	shalt  }
0x47: {  	_ =	shalt  }
0x48: {  	_ =	shalt  }
0x49: {  	_ =	shalt  }
0x4a: {  	_ =	shalt  }
0x4b: {  	_ =	shalt  }
0x4c: {  	_ =	shalt  }
0x4d: {  	_ =	shalt  }
0x4e: {  	_ =	shalt  }
0x4f: {  	_ =	shalt  }
0x50: {  	_ =	shalt  }
0x51: {  	_ =	shalt  }
0x52: {  	_ =	shalt  }
0x53: {  	_ =	shalt  }
0x54: {  	_ =	shalt  }
0x55: {  	_ =	shalt  }
0x56: {  	_ =	shalt  }
0x57: {  	_ =	shalt  }
0x58: {  	_ =	shalt  }
0x59: {  	_ =	shalt  }
0x5a: {  	_ =	shalt  }
0x5b: {  	_ =	shalt  }
0x5c: {  	_ =	shalt  }
0x5d: {  	_ =	shalt  }
0x5e: {  	_ =	shalt  }
0x5f: {  	_ =	shalt  }
0x60: {  	_ =	shalt  }
0x61: {  	_ =	shalt  }
0x62: {  	_ =	shalt  }
0x63: {  	_ =	shalt  }
0x64: {  	_ =	shalt  }
0x65: {  	_ =	shalt  }
0x66: {  	_ =	shalt  }
0x67: {  	_ =	shalt  }
0x68: {  	_ =	shalt  }
0x69: {  	_ =	shalt  }
0x6a: {  	_ =	shalt  }
0x6b: {  	_ =	shalt  }
0x6c: {  	_ =	shalt  }
0x6d: {  	_ =	shalt  }
0x6e: {  	_ =	shalt  }
0x6f: {  	_ =	shalt  }
0x70: {  	_ =	shalt  }
0x71: {  	_ =	shalt  }
0x72: {  	_ =	shalt  }
0x73: {  	_ =	shalt  }
0x74: {  	_ =	shalt  }
0x75: {  	_ =	shalt  }
0x76: {  	_ =	shalt  }
0x77: {  	_ =	shalt  }
0x78: {  	_ =	shalt  }
0x79: {  	_ =	shalt  }
0x7a: {  	_ =	shalt  }
0x7b: {  	_ =	shalt  }
0x7c: {  	_ =	shalt  }
0x7d: {  	_ =	shalt  }
0x7e: {  	_ =	shalt  }
0x7f: {  	_ =	shalt  }
0x80: {  	_ =	shalt  }
0x81: {  	_ =	shalt  }
0x82: {  	_ =	shalt  }
0x83: {  	_ =	shalt  }
0x84: {  	_ =	shalt  }
0x85: {  	_ =	shalt  }
0x86: {  	_ =	shalt  }
0x87: {  	_ =	shalt  }
.Lfunc_end0:
.L_simem_size_0:
called_computation.3_lowered:
.L_overlay_start_0:
0x88: {  	s2 =	sld [smem:$0x3FD9]  }
0x89: {  	s3 =	sld [smem:$0x3FFE];
	_ =	sdelay $0x1  }
0x8a: {  	s1 =	srdreg.scid  }
0x8b: {  	s0 =	sand.u32 $0x1, s1  }
0x8c: {  	s16 =	sshll.u32 s0, $0xA;
	s2 =	sadd.s32 s3, s2  }
0x8d: {  	s2 =	sadd.s32 s2, s16  }
0x8e: {  	[smem:$0x3FBB] =	sst s2  }
0x8f: {  	_ = 	snop  }
0x90: {  	(tm) =	ssettm $0x1  }
0x91: {  	s17 =	sld [smem:$0x3FFB];
	_ =	sdelay $0x3  }
0x92: {  	_ =	strace s17  }
0x93: {  	s2 =	sld [smem:$0x3FFC];
	_ =	sdelay $0x3  }
0x94: {  	_ =	strace s2  }
0x95: {  	s2 =	sld [smem:$0x3FFD];
	_ =	sdelay $0x3  }
0x96: {  	_ =	strace s2  }
0x97: {  	_ =	strace $0x8FFFFFFF  }
0x98: {  	s18 =	sld [smem:$0x3FDB];
	_ =	sdelay $0x1  }
0x99: {  	s19 =	simm.s32 $_scs_section_size  }
0x9a: {  	s4 =	simm.s32 $_size__tile_overlayer_lowered;
	s5 =	simm.s32 $_tile_overlayer_lowered  }
0x9b: {  	s22 =	simm.s32 $0x1BFF;
	s21 =	sshll.u32 s5, $0x1;
	s2 =	sadd.s32 s19, s18  }
0x9c: {  	s6 =	simm.s32 $0x0;
	s20 =	sshll.u32 s4, $0x1;
	s4 =	sadd.s32 s21, s2  }
0x9d: {  	[timem:s6], [sflag:s22] =	dma.local [hbm:s4], s20  }
0x9e: {  	_ =	swait.ge [sflag:s22], s20  }
0x9f: {  	s3 =	ssub.s32 $0x0, s20;
	[sflag:s22] =	ssyncset.done $0x0  }
0xa0: {  	[sflag:s22] =	ssyncadd.s32 s3;
	_ =	sdelay $0x1  }
0xa1: {  	s23 =	simm.s32 $0x1B8B  }
0xa2: {  	_ =	swait.ge [sflag:s23], $0x1  }
0xa3: {  	[sflag:s23] =	ssyncset.done $0x0  }
0xa4: {  	s25 =	simm.s32 $0x1B8E;
	s24 =	sld [smem:$0x3FFE];
	[sflag:s23] =	ssyncadd.s32 $0xFFFFFFFF  }
0xa5: {  	s26 =	simm.s32 $execute0_lowered;
	[smem:$0x3FD2] =	sst s25  }
0xa6: {  	s4 =	sshll.u32 s26, $0x1;
	_ =	strace $0x8000004F;
	[dreg:$0x1] =	wrdreg $0xFFFFFFFF  }
0xa7: {  	s28 =	simm.s32 $_size_execute0_lowered;
	s2 =	sadd.s32 s2, s4;
	[dreg:$0x0] =	wrdreg $0x0  }
0xa8: {  	s4 =	sshll.u32 s28, $0x1;
	[dreg:$0x2] =	wrdreg s2  }
0xa9: {  	[dreg:$0x3] =	wrdreg s4  }
0xaa: {  	[dreg:$0x4] =	wrdreg $0xC0  }
0xab: {  	_ =	task [dreg:s6], $0x5FFFF  }
0xac: {  	[dreg:$0x1] =	wrdreg $0xFFFFFFFF  }
0xad: {  	[dreg:$0x0] =	wrdreg $0x60  }
0xae: {  	[dreg:$0x2] =	wrdreg s24  }
0xaf: {  	[dreg:$0x3] =	wrdreg $0x0  }
0xb0: {  	[dreg:$0x4] =	wrdreg $0x9  }
0xb1: {  	_ =	task.clear_ibuf [dreg:s6], $0x5FFFF;
	_ =	strace $0x9000004F  }
0xb2: {  	s29 =	simm.s32 $0x9;
	_ =	strace $0x80000051  }
0xb3: {  	_ =	swait.ge [sflag:s29], $0x1  }
0xb4: {  	[sflag:s29] =	ssyncadd.s32 $0xFFFFFFFF  }
0xb5: {  	_ =	strace $0x90000051  }
0xb6: {  	_ =	sfence  }
0xb7: {  	s30 =	sld [smem:$0x0];
	_ =	sdelay $0x2  }
0xb8: {  	s31 =	sshll.u32 s1, $0xD;
	s1 =	sshrl.u32 s1, $0x2  }
0xb9: {  	s3 =	sand.u32 $0x4000, s31;
	s1 =	sadd.s32 s1, s30  }
0xba: {  	s0 =	sor.u32 s3, s0;
	s1 =	sshll.u32 s1, $0x11  }
0xbb: {  	s0 =	sor.u32 s1, s0  }
0xbc: {  	s0 =	sadd.s32 $0x8F2B, s0  }
0xbd: {  	[sflag:s0] =	ssyncadd.remote.s32 $0x1  }
0xbe: {  	_ =	sfence.sel $0xFFFF  }
0xbf: {  	[dreg:$0x0] =	wrdreg $0xFFFFFFFF;
	(pc) =	sbr.abs _section_cstart, $3  }
0xc0: {  	[dreg:$0x1] =	wrdreg $0xFFFFFFFF  }
0xc1: {  	_ =	task.clear_ibuf [dreg:s6], $0x2FFFF;
	_ =	strace $0x9FFFFFFF  }
0xc2: {  	(tm) =	ssettm $0x7FFFFFFF  }
0xc3: {  	_ =	shalt  }
tec
execute0_lowered:
.L_overlay_start_1:
0x0: {  	(tag) =	ssettag $0x1  }
0x1: {  	s0 =	rddreg [dreg:$0x0]  }
0x2: {  	s1 =	rddreg [dreg:$0x1];
	s3 =	simm.s32 $0x0  }
0x3: {  	s2 =	srdreg.scid;
	s10 =	stileid.u32;
	s18 =	simm.s32 $0x15880  }
0x4: {  	s19 =	simm.s32 $0x5;
	s28 =	simm.s32 $0x2;
	s29 =	simm.s32 $0x3  }
0x5: {  	s30 =	simm.s32 $0x4;
	s31 =	simm.s32 $0x14480;
	[smem:$0x7FF] =	sst s3  }
0x6: {  	s2 =	sand.u32 $0x1, s2;
	s6 =	smul.u32 $0x4E000, s10;
	s4 =	sadd.s32 $0x4E00, s0  }
0x7: {  	s5 =	sadd.s32 $0x67000, s0;
	s0 =	sadd.s32 $0xB6200, s0;
	s23 =	smul.u32 $0x13800, s10  }
0x8: {  	p0 =	sne.s32 s10, $0xF;
	_ =	strace $0x80000050;
	s6 =	sshrl.u32 s6, $0x2  }
0x9: {  	s7 =	ssub.s32 $0x2, s2;
	s20 =	sshll.u32 s2, $0x4;
	s6 =	sadd.s32 s6, s1  }
0xa: {  	s2 =	smul.u32 $0x138800, s2;
	s8 =	sshrl.u32 s7, $0x1;
	s9 =	sadd.s32 $0x2800, s6  }
0xb: {  	s7 =	ssub.s32 s7, s8;
	s21 =	sadd.s32 $0x5000, s6;
	[dreg:$0x3] =	wrdreg s9  }
0xc: {  	s8 =	sor.u32 s10, s20;
	s22 =	sadd.s32 $0x7800, s6;
	[dreg:$0x4] =	wrdreg s21  }
0xd: {  	s20 =	simm.s32 $0x13880;
	s11 =	sadd.s32 $0xA000, s6;
	[dreg:$0x5] =	wrdreg s22  }
0xe: {  	s24 =	sadd.s32 $0xC800, s6;
	s25 =	sadd.s32 $0xF000, s6;
	[dreg:$0x6] =	wrdreg s11  }
0xf: {  	s13 =	sadd.s32 $0x11800, s6;
	s14 =	smul.u32 $0xA000, s8;
	[dreg:$0x7] =	wrdreg s24  }
0x10: {  	s17 =	smax.u32 s7, $0x1;
	[dreg:$0x8] =	wrdreg s25;
	s9 =	sadd.s32 s23, s2  }
0x11: {  	s2 =	sshrl.u32 s2, $0x3;
	s21 =	simm.s32 $0x14880;
	s22 =	simm.s32 $0x50  }
0x12: {  	s23 =	simm.s32 $0x18080;
	s24 =	simm.s32 $0x1A880;
	s26 =	sshrl.u32 s9, $0x3  }
0x13: {  	s25 =	simm.s32 $0x1D080;
	s2 =	sadd.s32 s0, s2;
	s15 =	sadd.s32 s0, s26  }
0x14: {  	v0 =	vimm.f32 $0.0e+00;
	s16 =	sadd.s32 $0x24900, s2;
	s26 =	simm.s32 $0x1;
	s0 =	simm.s32 $0x15480  }
.LBB2_1:
0x15: {  	s2 =	simm.s32 $0x0;
	s7 =	simm.s32 $0x200  }
.LBB2_2:
0x16: {  	p1 =	sne.s32 s7, $0x9E00;
	[tilespmem:s2+$0x158F0] =	vst v0  }
0x17: {  	[tilespmem:s2+$0x15880] =	vst v0  }
0x18: {  	[tilespmem:s2+$0x15890] =	vst v0  }
.Ltmp0:
0x19: {  	[tilespmem:s2+$0x158A0] =	vst v0;
	(pc) =	sbr.rel @p1 .LBB2_2-.Ltmp0, $4  }
0x1a: {  	[tilespmem:s2+$0x158B0] =	vst v0  }
0x1b: {  	[tilespmem:s2+$0x158C0] =	vst v0  }
0x1c: {  	[tilespmem:s2+$0x158D0] =	vst v0  }
0x1d: {  	[tilespmem:s2+$0x158E0] =	vst v0;
	s2 =	sshra.s32 s7, $0x2;
	s7 =	sadd.s32 $0x200, s7  }
0x1e: {  	[tilespmem:s2+$0x158F0] =	vst v0  }
0x1f: {  	[tilespmem:s2+$0x15880] =	vst v0  }
0x20: {  	[tilespmem:s2+$0x15890] =	vst v0  }
0x21: {  	[tilespmem:s2+$0x158A0] =	vst v0  }
0x22: {  	[tilespmem:s2+$0x158B0] =	vst v0  }
0x23: {  	[tilespmem:s2+$0x158C0] =	vst v0  }
0x24: {  	[tilespmem:s2+$0x158D0] =	vst v0  }
0x25: {  	[tilespmem:s2+$0x158E0] =	vst v0  }
0x26: {  	[spmem:s6] =	stream.linear.scatter [tilespmem:s18], [sflag:$0x5], $0x2800, $0x38;
	[tilespmem:$0x1F880] =	vst v63  }
0x27: {  	_ =	swait.ge [sflag:s19], $0x2800  }
0x28: {  	[sflag:s19] =	ssyncset.done $0x0  }
0x29: {  	s7 =	rddreg [dreg:$0x3];
	[sflag:s19] =	ssyncadd.s32 $0xFFFFD800  }
0x2a: {  	[spmem:s7] =	stream.linear.scatter [tilespmem:s18], [sflag:$0x5], $0x2800, $0x38;
	[tilespmem:$0x1F880] =	vst v63  }
0x2b: {  	_ =	swait.ge [sflag:s19], $0x2800  }
0x2c: {  	[sflag:s19] =	ssyncset.done $0x0  }
0x2d: {  	s8 =	rddreg [dreg:$0x4];
	[sflag:s19] =	ssyncadd.s32 $0xFFFFD800  }
0x2e: {  	[spmem:s8] =	stream.linear.scatter [tilespmem:s18], [sflag:$0x5], $0x2800, $0x38;
	[tilespmem:$0x1F880] =	vst v63  }
0x2f: {  	_ =	swait.ge [sflag:s19], $0x2800  }
0x30: {  	[sflag:s19] =	ssyncset.done $0x0  }
0x31: {  	s9 =	rddreg [dreg:$0x5];
	[sflag:s19] =	ssyncadd.s32 $0xFFFFD800  }
0x32: {  	[spmem:s9] =	stream.linear.scatter [tilespmem:s18], [sflag:$0x5], $0x2800, $0x38;
	[tilespmem:$0x1F880] =	vst v63  }
0x33: {  	_ =	swait.ge [sflag:s19], $0x2800  }
0x34: {  	[sflag:s19] =	ssyncset.done $0x0  }
0x35: {  	s10 =	rddreg [dreg:$0x6];
	[sflag:s19] =	ssyncadd.s32 $0xFFFFD800  }
0x36: {  	[spmem:s10] =	stream.linear.scatter [tilespmem:s18], [sflag:$0x5], $0x2800, $0x38;
	[tilespmem:$0x1F880] =	vst v63  }
0x37: {  	_ =	swait.ge [sflag:s19], $0x2800  }
0x38: {  	[sflag:s19] =	ssyncset.done $0x0  }
0x39: {  	s11 =	rddreg [dreg:$0x7];
	[sflag:s19] =	ssyncadd.s32 $0xFFFFD800  }
0x3a: {  	[spmem:s11] =	stream.linear.scatter [tilespmem:s18], [sflag:$0x5], $0x2800, $0x38;
	[tilespmem:$0x1F880] =	vst v63  }
0x3b: {  	_ =	swait.ge [sflag:s19], $0x2800  }
0x3c: {  	[sflag:s19] =	ssyncset.done $0x0  }
0x3d: {  	s12 =	rddreg [dreg:$0x8];
	[sflag:s19] =	ssyncadd.s32 $0xFFFFD800  }
0x3e: {  	[spmem:s12] =	stream.linear.scatter [tilespmem:s18], [sflag:$0x5], $0x2800, $0x38;
	[tilespmem:$0x1F880] =	vst v63  }
0x3f: {  	_ =	swait.ge [sflag:s19], $0x2800  }
0x40: {  	[sflag:s19] =	ssyncset.done $0x0  }
0x41: {  	[sflag:s19] =	ssyncadd.s32 $0xFFFFD800  }
0x42: {  	[spmem:s13] =	stream.linear.scatter [tilespmem:s18], [sflag:$0x5], $0x2800, $0x38;
	[tilespmem:$0x1F880] =	vst v63  }
0x43: {  	_ =	swait.ge [sflag:s19], $0x2800  }
0x44: {  	[sflag:s19] =	ssyncset.done $0x0  }
0x45: {  	[sflag:s19] =	ssyncadd.s32 $0xFFFFD800  }
0x46: {  	s2 =	simm.s32 $0x0;
	s7 =	simm.s32 $0x0;
	[bflag:$0x0] =	sbarrier.arrive $0xFFFF  }
.LBB2_4:
0x47: {  	s8 =	sshll.u32 s7, $0xD  }
0x48: {  	s8 =	sadd.s32 s14, s8  }
0x49: {  	s8 =	sshrl.u32 s8, $0x3  }
0x4a: {  	s8 =	sadd.s32 s5, s8  }
0x4b: {  	[tilespmem:s20], [sflag:$0x5] =	stream.linear.gather [hbm4b:s8+s2], $0xC80, $0x38;
	[tilespmem:$0x1F880] =	vst v63  }
0x4c: {  	s8 =	sadd.s32 $0x200, s8  }
0x4d: {  	[tilespmem:s21], [sflag:$0x5] =	stream.linear.gather [hbm4b:s8+s2], $0xC80, $0x38;
	[tilespmem:$0x1F880] =	vst v63  }
0x4e: {  	_ =	swait.ge [sflag:s19], $0x1900  }
0x4f: {  	[sflag:s19] =	ssyncset.done $0x0  }
0x50: {  	s9 =	simm.s32 $0x13880;
	[sflag:s19] =	ssyncadd.s32 $0xFFFFE700  }
0x51: {  	[tilespmem:s18], [sflag:$0x1] =	stream.indirect.gather [hbm4b:s4+s22], $0x80, s9, s22, $0xb8;
	[tilespmem:$0x1F880] =	vst v63  }
0x52: {  	s10 =	simm.s32 $0x13B80  }
0x53: {  	[tilespmem:s23], [sflag:$0x2] =	stream.indirect.gather [hbm4b:s4+s22], $0x80, s10, s22, $0xb8;
	[tilespmem:$0x1F880] =	vst v63  }
0x54: {  	s11 =	simm.s32 $0x13E80  }
0x55: {  	[tilespmem:s24], [sflag:$0x3] =	stream.indirect.gather [hbm4b:s4+s22], $0x80, s11, s22, $0xb8;
	[tilespmem:$0x1F880] =	vst v63  }
0x56: {  	s12 =	simm.s32 $0x14180  }
0x57: {  	[tilespmem:s25], [sflag:$0x4] =	stream.indirect.gather [hbm4b:s4+s22], $0x80, s12, s22, $0xb8;
	[tilespmem:$0x1F880] =	vst v63  }
0x58: {  	_ =	swait.ge [sflag:s26], $0x2800  }
0x59: {  	[sflag:s26] =	ssyncset.done $0x0  }
0x5a: {  	s9 =	simm.s32 $0x14880;
	[sflag:s26] =	ssyncadd.s32 $0xFFFFD800  }
0x5b: {  	[spmem:s1] =	stream.indirect.scatter.add.f32 [tilespmem:s18], [sflag:$0x5], $0x80, s9, s22, $0xb8;
	[tilespmem:$0x1F880] =	vst v63  }
0x5c: {  	_ =	swait.ge [sflag:s19], $0x2800  }
0x5d: {  	[sflag:s19] =	ssyncset.done $0x0  }
0x5e: {  	[sflag:s19] =	ssyncadd.s32 $0xFFFFD800  }
0x5f: {  	_ =	swait.ge [sflag:s28], $0x2800  }
0x60: {  	[sflag:s28] =	ssyncset.done $0x0  }
0x61: {  	s10 =	simm.s32 $0x14B80;
	[sflag:s28] =	ssyncadd.s32 $0xFFFFD800  }
0x62: {  	[spmem:s1] =	stream.indirect.scatter.add.f32 [tilespmem:s23], [sflag:$0x5], $0x80, s10, s22, $0xb8;
	[tilespmem:$0x1F880] =	vst v63  }
0x63: {  	_ =	swait.ge [sflag:s19], $0x2800  }
0x64: {  	[sflag:s19] =	ssyncset.done $0x0  }
0x65: {  	[sflag:s19] =	ssyncadd.s32 $0xFFFFD800  }
0x66: {  	_ =	swait.ge [sflag:s29], $0x2800  }
0x67: {  	[sflag:s29] =	ssyncset.done $0x0  }
0x68: {  	s11 =	simm.s32 $0x14E80;
	[sflag:s29] =	ssyncadd.s32 $0xFFFFD800  }
0x69: {  	[spmem:s1] =	stream.indirect.scatter.add.f32 [tilespmem:s24], [sflag:$0x5], $0x80, s11, s22, $0xb8;
	[tilespmem:$0x1F880] =	vst v63  }
0x6a: {  	_ =	swait.ge [sflag:s19], $0x2800  }
0x6b: {  	[sflag:s19] =	ssyncset.done $0x0  }
0x6c: {  	[sflag:s19] =	ssyncadd.s32 $0xFFFFD800  }
0x6d: {  	_ =	swait.ge [sflag:s30], $0x2800  }
0x6e: {  	[sflag:s30] =	ssyncset.done $0x0  }
0x6f: {  	s12 =	simm.s32 $0x15180;
	[sflag:s30] =	ssyncadd.s32 $0xFFFFD800  }
0x70: {  	[spmem:s1] =	stream.indirect.scatter.add.f32 [tilespmem:s25], [sflag:$0x5], $0x80, s12, s22, $0xb8;
	[tilespmem:$0x1F880] =	vst v63  }
0x71: {  	_ =	swait.ge [sflag:s19], $0x2800  }
0x72: {  	s8 =	simm.s32 $0x80;
	s9 =	simm.s32 $0x400;
	[sflag:s19] =	ssyncset.done $0x0  }
.LBB2_5:
0x73: {  	s12 =	sadd.s32 $0x13880, s8  }
0x74: {  	[sflag:s19] =	ssyncadd.s32 $0xFFFFD800;
	s10 =	smov.u32 s9;
	s11 =	sadd.s32 $0x200, s9  }
0x75: {  	[tilespmem:s18], [sflag:$0x1] =	stream.indirect.gather [hbm4b:s4+s22], $0x80, s12, s22, $0xb8;
	[tilespmem:$0x1F880] =	vst v63  }
0x76: {  	p1 =	sne.s32 s9, $0xA00;
	s9 =	sadd.s32 $0x13B80, s8  }
0x77: {  	[tilespmem:s23], [sflag:$0x2] =	stream.indirect.gather [hbm4b:s4+s22], $0x80, s9, s22, $0xb8;
	[tilespmem:$0x1F880] =	vst v63  }
0x78: {  	s9 =	sadd.s32 $0x13E80, s8  }
0x79: {  	[tilespmem:s24], [sflag:$0x3] =	stream.indirect.gather [hbm4b:s4+s22], $0x80, s9, s22, $0xb8;
	[tilespmem:$0x1F880] =	vst v63  }
0x7a: {  	s9 =	sadd.s32 $0x14180, s8  }
0x7b: {  	[tilespmem:s25], [sflag:$0x4] =	stream.indirect.gather [hbm4b:s4+s22], $0x80, s9, s22, $0xb8;
	[tilespmem:$0x1F880] =	vst v63  }
0x7c: {  	_ =	swait.ge [sflag:s26], $0x2800  }
0x7d: {  	[sflag:s26] =	ssyncset.done $0x0  }
0x7e: {  	s9 =	sadd.s32 $0x14880, s8;
	[sflag:s26] =	ssyncadd.s32 $0xFFFFD800  }
0x7f: {  	[spmem:s1] =	stream.indirect.scatter.add.f32 [tilespmem:s18], [sflag:$0x5], $0x80, s9, s22, $0xb8;
	[tilespmem:$0x1F880] =	vst v63  }
0x80: {  	_ =	swait.ge [sflag:s19], $0x2800  }
0x81: {  	[sflag:s19] =	ssyncset.done $0x0  }
0x82: {  	[sflag:s19] =	ssyncadd.s32 $0xFFFFD800  }
0x83: {  	_ =	swait.ge [sflag:s28], $0x2800  }
0x84: {  	[sflag:s28] =	ssyncset.done $0x0  }
0x85: {  	s9 =	sadd.s32 $0x14B80, s8;
	[sflag:s28] =	ssyncadd.s32 $0xFFFFD800  }
0x86: {  	[spmem:s1] =	stream.indirect.scatter.add.f32 [tilespmem:s23], [sflag:$0x5], $0x80, s9, s22, $0xb8;
	[tilespmem:$0x1F880] =	vst v63  }
0x87: {  	_ =	swait.ge [sflag:s19], $0x2800  }
0x88: {  	[sflag:s19] =	ssyncset.done $0x0  }
0x89: {  	[sflag:s19] =	ssyncadd.s32 $0xFFFFD800  }
0x8a: {  	_ =	swait.ge [sflag:s29], $0x2800  }
0x8b: {  	[sflag:s29] =	ssyncset.done $0x0  }
0x8c: {  	s9 =	sadd.s32 $0x14E80, s8;
	[sflag:s29] =	ssyncadd.s32 $0xFFFFD800  }
0x8d: {  	[spmem:s1] =	stream.indirect.scatter.add.f32 [tilespmem:s24], [sflag:$0x5], $0x80, s9, s22, $0xb8;
	[tilespmem:$0x1F880] =	vst v63  }
0x8e: {  	_ =	swait.ge [sflag:s19], $0x2800  }
0x8f: {  	[sflag:s19] =	ssyncset.done $0x0  }
0x90: {  	[sflag:s19] =	ssyncadd.s32 $0xFFFFD800  }
0x91: {  	_ =	swait.ge [sflag:s30], $0x2800  }
.Ltmp1:
0x92: {  	[sflag:s30] =	ssyncset.done $0x0;
	(pc) =	sbr.rel @p1 .LBB2_5-.Ltmp1, $4  }
0x93: {  	s8 =	sadd.s32 $0x15180, s8;
	[sflag:s30] =	ssyncadd.s32 $0xFFFFD800  }
0x94: {  	[spmem:s1] =	stream.indirect.scatter.add.f32 [tilespmem:s25], [sflag:$0x5], $0x80, s8, s22, $0xb8;
	[tilespmem:$0x1F880] =	vst v63  }
0x95: {  	_ =	swait.ge [sflag:s19], $0x2800  }
0x96: {  	s9 =	smov.u32 s11;
	s8 =	sshra.s32 s10, $0x2;
	[sflag:s19] =	ssyncset.done $0x0  }
0x97: {  	s9 =	sadd.s32 $0x13880, s8;
	[sflag:s19] =	ssyncadd.s32 $0xFFFFD800  }
0x98: {  	[tilespmem:s18], [sflag:$0x1] =	stream.indirect.gather [hbm4b:s4+s22], $0x80, s9, s22, $0xb8;
	[tilespmem:$0x1F880] =	vst v63  }
0x99: {  	s12 =	sadd.s32 $0x13B80, s8  }
0x9a: {  	[tilespmem:s23], [sflag:$0x2] =	stream.indirect.gather [hbm4b:s4+s22], $0x80, s12, s22, $0xb8;
	[tilespmem:$0x1F880] =	vst v63  }
0x9b: {  	s10 =	sadd.s32 $0x13E80, s8  }
0x9c: {  	[tilespmem:s24], [sflag:$0x3] =	stream.indirect.gather [hbm4b:s4+s22], $0x80, s10, s22, $0xb8;
	[tilespmem:$0x1F880] =	vst v63  }
0x9d: {  	s11 =	sadd.s32 $0x14180, s8  }
0x9e: {  	[tilespmem:s25], [sflag:$0x4] =	stream.indirect.gather [hbm4b:s4+s22], $0x80, s11, s22, $0xb8;
	[tilespmem:$0x1F880] =	vst v63  }
0x9f: {  	_ =	swait.ge [sflag:s26], $0x2800  }
0xa0: {  	[sflag:s26] =	ssyncset.done $0x0  }
0xa1: {  	s12 =	sadd.s32 $0x14880, s8;
	[sflag:s26] =	ssyncadd.s32 $0xFFFFD800  }
0xa2: {  	[spmem:s1] =	stream.indirect.scatter.add.f32 [tilespmem:s18], [sflag:$0x5], $0x80, s12, s22, $0xb8;
	[tilespmem:$0x1F880] =	vst v63  }
0xa3: {  	_ =	swait.ge [sflag:s19], $0x2800  }
0xa4: {  	[sflag:s19] =	ssyncset.done $0x0  }
0xa5: {  	[sflag:s19] =	ssyncadd.s32 $0xFFFFD800  }
0xa6: {  	_ =	swait.ge [sflag:s28], $0x2800  }
0xa7: {  	[sflag:s28] =	ssyncset.done $0x0  }
0xa8: {  	s10 =	sadd.s32 $0x14B80, s8;
	[sflag:s28] =	ssyncadd.s32 $0xFFFFD800  }
0xa9: {  	[spmem:s1] =	stream.indirect.scatter.add.f32 [tilespmem:s23], [sflag:$0x5], $0x80, s10, s22, $0xb8;
	[tilespmem:$0x1F880] =	vst v63  }
0xaa: {  	_ =	swait.ge [sflag:s19], $0x2800  }
0xab: {  	[sflag:s19] =	ssyncset.done $0x0  }
0xac: {  	[sflag:s19] =	ssyncadd.s32 $0xFFFFD800  }
0xad: {  	_ =	swait.ge [sflag:s29], $0x2800  }
0xae: {  	[sflag:s29] =	ssyncset.done $0x0  }
0xaf: {  	s11 =	sadd.s32 $0x14E80, s8;
	[sflag:s29] =	ssyncadd.s32 $0xFFFFD800  }
0xb0: {  	[spmem:s1] =	stream.indirect.scatter.add.f32 [tilespmem:s24], [sflag:$0x5], $0x80, s11, s22, $0xb8;
	[tilespmem:$0x1F880] =	vst v63  }
0xb1: {  	_ =	swait.ge [sflag:s19], $0x2800  }
0xb2: {  	[sflag:s19] =	ssyncset.done $0x0  }
0xb3: {  	[sflag:s19] =	ssyncadd.s32 $0xFFFFD800  }
0xb4: {  	_ =	swait.ge [sflag:s30], $0x2800  }
0xb5: {  	[sflag:s30] =	ssyncset.done $0x0  }
0xb6: {  	s12 =	sadd.s32 $0x15180, s8;
	[sflag:s30] =	ssyncadd.s32 $0xFFFFD800  }
0xb7: {  	[spmem:s1] =	stream.indirect.scatter.add.f32 [tilespmem:s25], [sflag:$0x5], $0x80, s12, s22, $0xb8;
	[tilespmem:$0x1F880] =	vst v63  }
0xb8: {  	_ =	swait.ge [sflag:s19], $0x2800  }
0xb9: {  	[sflag:s19] =	ssyncset.done $0x0  }
0xba: {  	[sflag:s19] =	ssyncadd.s32 $0xFFFFD800  }
0xbb: {  	[tilespmem:s18], [sflag:$0x1] =	stream.indirect.gather [hbm4b:s4+s22], $0x80, s31, s22, $0xb8;
	[tilespmem:$0x1F880] =	vst v63  }
0xbc: {  	s7 =	sadd.s32 $0x1, s7;
	_ =	swait.ge [sflag:s26], $0x2800  }
0xbd: {  	p1 =	sne.s32 s7, $0x5;
	[sflag:s26] =	ssyncset.done $0x0  }
.Ltmp2:
0xbe: {  	[sflag:s26] =	ssyncadd.s32 $0xFFFFD800;
	(pc) =	sbr.rel @p1 .LBB2_4-.Ltmp2, $4  }
0xbf: {  	[spmem:s1] =	stream.indirect.scatter.add.f32 [tilespmem:s18], [sflag:$0x5], $0x80, s0, s22, $0xb8;
	[tilespmem:$0x1F880] =	vst v63  }
0xc0: {  	_ =	swait.ge [sflag:s19], $0x2800  }
0xc1: {  	[sflag:s19] =	ssyncset.done $0x0  }
0xc2: {  	[sflag:s19] =	ssyncadd.s32 $0xFFFFD800  }
0xc3: {  	s2 =	stileid.u32  }
0xc4: {  	s2 =	sshll.u32 @p0 s2, $0x6  }
0xc5: {  	[bflag:$0x0] =	sbarrier.arrive $0xFFFF;
	s7 =	sshrl.u32 @p0 s6, $0x3;
	s2 =	sor.u32 @p0 $0x1C05, s2  }
0xc6: {  	[hbm:s15], [sflag:s2] =	dma.local @p0 [spmem:s7], $0x2700  }
0xc7: {  	s2 =	simm.s32 @p0 $0x5  }
0xc8: {  	s3 =	sadd.s32 $0x1, s3;
	_ =	swait.ge @p0 [sflag:s2], $0x2700  }
0xc9: {  	p1 =	sne.s32 s3, s17;
	[sflag:s2] =	ssyncset.done @p0 $0x0  }
0xca: {  	s7 =	simm.s32 @!p0 $0x1FC5;
	[sflag:s2] =	ssyncadd.s32 @p0 $0xFFFFD900;
	s2 =	sshrl.u32 @!p0 s6, $0x3  }
0xcb: {  	[hbm:s16], [sflag:s7] =	dma.local @!p0 [spmem:s2], $0x2800  }
.Ltmp3:
0xcc: {  	_ = 	snop;
	(pc) =	sbr.rel @p1 .LBB2_1-.Ltmp3, $4  }
0xcd: {  	s2 =	simm.s32 @!p0 $0x5  }
0xce: {  	_ =	swait.ge @!p0 [sflag:s2], $0x2800  }
0xcf: {  	[sflag:s2] =	ssyncset.done @!p0 $0x0  }
0xd0: {  	[sflag:s2] =	ssyncadd.s32 @!p0 $0xFFFFD800  }
0xd1: {  	_ =	sfence.sel $0x180000  }
0xd2: {  	[bflag:$0x0] =	sbarrier.arrive $0xFFFF  }
0xd3: {  	_ =	strace $0x90000050  }
0xd4: {  	s0 =	stileid.u32;
	[bflag:$0x2] =	sbarrier.arrive $0xFFFF  }
0xd5: {  	p0 =	sne.s32 s0, $0x0;
	s0 =	rddreg [dreg:$0x2]  }
0xd6: {  	s0 =	sadd.s32 @!p0 $0x100000, s0  }
0xd7: {  	[sflag:s0] =	ssyncadd.tile.s32 @!p0 $0x1;
	_ =	shalt  }
.Lfunc_end2:
_tile_overlayer_lowered:
.L_overlay_start_2:
0xd8: {  	(tag) =	ssettag $0x2  }
0xd9: {  	s0 =	rddreg [dreg:$0x0];
	s2 =	stileid.u32  }
0xda: {  	s1 =	rddreg [dreg:$0x1];
	p0 =	sne.s32 s2, $0x0  }
0xdb: {  	s3 =	rddreg [dreg:$0x2];
	[bflag:$0x3] =	sbarrier.arrive $0xFFFF;
	s2 =	simm.s32 @!p0 $0x1C05  }
0xdc: {  	[timem:s3], [sflag:s2] =	dma.local @!p0 [hbm:s0], s1  }
0xdd: {  	s0 =	simm.s32 @!p0 $0x5  }
0xde: {  	_ =	swait.ge @!p0 [sflag:s0], s1  }
0xdf: {  	s1 =	ssub.s32 @!p0 $0x0, s1;
	[sflag:s0] =	ssyncset.done @!p0 $0x0  }
0xe0: {  	[sflag:s0] =	ssyncadd.s32 @!p0 s1  }
0xe1: {  	[bflag:$0x3] =	sbarrier.arrive $0xFFFF  }
0xe2: {  	_ =	shalt  }

// kernel: kernel.23.cloned.1.call-start
scs
__scs_entry_jumppad:
0x0: {  	(pc) =	sbr.rel $0x88, $3  }
0x1: {  	(tag) =	ssettag $0x0;
	lr =	simm.s32 $0x1  }
0x2: {  	[smem:$0x3F94] =	sst lr;
	_ =	strace $0xD0000000  }
0x3: {  	_ = 	snop  }
0x4: {  	_ = 	snop  }
0x5: {  	_ = 	snop  }
0x6: {  	_ = 	snop  }
0x7: {  	_ = 	snop  }
__scs_overlays_trampoline_lowered:
0x8: {  	[smem:$0x3FA3] =	sst s0  }
0x9: {  	[smem:$0x3FA4] =	sst s1  }
0xa: {  	[smem:$0x3FA5] =	sst s2  }
0xb: {  	[smem:$0x3FA6] =	sst s3  }
0xc: {  	[smem:$0x3FA7] =	sst s4  }
0xd: {  	[smem:$0x3FA8] =	sst s5  }
0xe: {  	[smem:$0x3FA9] =	sst s6  }
0xf: {  	[smem:$0x3FAA] =	sst s7  }
0x10: {  	[smem:$0x3FAB] =	sst s8  }
0x11: {  	[smem:$0x3FAC] =	sst s9;
	s0 =	simm.s32 @!p0 $0x0  }
0x12: {  	s1 =	sld [smem:$0x3F92];
	s0 =	simm.s32 @p0 $0x1  }
0x13: {  	[smem:$0x3FAD] =	sst s0;
	s0 =	simm.s32 @!p1 $0x0  }
0x14: {  	s2 =	sld [smem:$0x3F91];
	s0 =	simm.s32 @p1 $0x1  }
0x15: {  	[smem:$0x3FAE] =	sst s0;
	s0 =	simm.s32 @!p2 $0x0  }
0x16: {  	s3 =	sld [smem:$0x3FDB];
	s0 =	simm.s32 @p2 $0x1  }
0x17: {  	s4 =	simm.s32 $0x1BF5;
	[smem:$0x3FB0] =	sst s0  }
0x18: {  	s0 =	sld [smem:$0x3F93];
	_ =	swait.ge [sflag:s4], $0x0  }
0x19: {  	s7 =	sld [smem:$0x3F94]  }
0x1a: {  	s8 =	sadd.s32 $0xFFFFE003, lr  }
0x1b: {  	s9 =	sadd.s32 $0xFFFFFEF7, lr;
	s5 =	simm.s32 $0xFFFFFFFF;
	p2 =	slt.u32 s8, $0xFFFFF086  }
0x1c: {  	p1 =	slt.u32 s9, $0xF7A;
	s5 =	simm.s32 @!p2 $0x0  }
0x1d: {  	s5 =	simm.s32 @p1 $0x1;
	p0 =	seq.s32 s7, s2  }
0x1e: {  	s7 =	smul.u32 @!p0 $0xF7A, s2;
	p2 =	seq.s32 @!p0 s5, $0x0  }
0x1f: {  	s9 =	smul.u32 $0xF7A, s1;
	s8 =	simm.s32 @!p0 $0x1BF5;
	p2 =	por !p2, p0  }
0x20: {  	[sflag:s8] =	ssyncset.s32 @!p0 $0xFFFFF086;
	s6 =	sadd.s32 @!p0 s3, s7;
	s7 =	simm.s32 @!p0 $0x108  }
0x21: {  	s3 =	sadd.s32 s3, s9;
	s6 =	sadd.s32 @!p0 $0x88, s6;
	s7 =	simm.s32 @p2 $0x1082  }
0x22: {  	[simem:s7], [sflag:s8] =	dma.local @!p0 [hbm:s6], $0xF7A  }
0x23: {  	s9 =	sor.u32 $0xD0000000, s2;
	s6 =	simm.s32 $0x108;
	_ =	swait.ge @!p0 [sflag:s8], $0x0  }
0x24: {  	s3 =	sadd.s32 $0x88, s3;
	s6 =	simm.s32 @!p1 $0x1082;
	[sflag:s4] =	ssyncset.s32 $0xFFFFF086  }
0x25: {  	[simem:s6], [sflag:s4] =	dma.local [hbm:s3], $0xF7A  }
0x26: {  	[smem:$0x3F94] =	sst s1;
	(tag) =	ssettag s2;
	_ =	strace s9  }
0x27: {  	s1 =	sld [smem:$0x3FA4]  }
0x28: {  	s2 =	sld [smem:$0x3FA5]  }
0x29: {  	s4 =	sld [smem:$0x3FA7]  }
0x2a: {  	p0 =	seq.s32 s5, $0x0;
	s5 =	sld [smem:$0x3FA8]  }
0x2b: {  	s6 =	sld [smem:$0x3FA9]  }
0x2c: {  	s7 =	sld [smem:$0x3FAA]  }
0x2d: {  	s3 =	simm.s32 $0x108;
	s8 =	sld [smem:$0x3FAB]  }
0x2e: {  	s3 =	simm.s32 @!p0 $0x1082;
	s9 =	sld [smem:$0x3FAC]  }
0x2f: {  	lr =	sadd.s32 s0, s3;
	s0 =	sld [smem:$0x3FA3]  }
0x30: {  	s3 =	sld [smem:$0x3FA6]  }
0x31: {  	[smem:$0x3FAF] =	sst s10  }
0x32: {  	s10 =	sld [smem:$0x3FAD];
	_ =	sdelay $0x3  }
0x33: {  	p0 =	seq.s32 s10, $0x1;
	s10 =	sld [smem:$0x3FAF];
	_ =	sdelay $0x3  }
0x34: {  	[smem:$0x3FAF] =	sst s10  }
0x35: {  	s10 =	sld [smem:$0x3FAE];
	_ =	sdelay $0x3  }
0x36: {  	p1 =	seq.s32 s10, $0x1;
	s10 =	sld [smem:$0x3FAF];
	_ =	sdelay $0x3  }
0x37: {  	[smem:$0x3FAF] =	sst s10  }
0x38: {  	s10 =	sld [smem:$0x3FB0]  }
0x39: {  	_ = 	snop;
	(pc) =	sbr.ind lr, $3  }
0x3a: {  	_ = 	snop  }
0x3b: {  	_ = 	snop  }
0x3c: {  	p2 =	seq.s32 s10, $0x1;
	s10 =	sld [smem:$0x3FAF]  }
0x3d: {  	_ =	shalt  }
0x3e: {  	_ =	shalt  }
0x3f: {  	_ =	shalt  }
0x40: {  	_ =	shalt  }
0x41: {  	_ =	shalt  }
0x42: {  	_ =	shalt  }
0x43: {  	_ =	shalt  }
0x44: {  	_ =	shalt  }
0x45: {  	_ =	shalt  }
0x46: {  	_ =	shalt  }
0x47: {  	_ =	shalt  }
0x48: {  	_ =	shalt  }
0x49: {  	_ =	shalt  }
0x4a: {  	_ =	shalt  }
0x4b: {  	_ =	shalt  }
0x4c: {  	_ =	shalt  }
0x4d: {  	_ =	shalt  }
0x4e: {  	_ =	shalt  }
0x4f: {  	_ =	shalt  }
0x50: {  	_ =	shalt  }
0x51: {  	_ =	shalt  }
0x52: {  	_ =	shalt  }
0x53: {  	_ =	shalt  }
0x54: {  	_ =	shalt  }
0x55: {  	_ =	shalt  }
0x56: {  	_ =	shalt  }
0x57: {  	_ =	shalt  }
0x58: {  	_ =	shalt  }
0x59: {  	_ =	shalt  }
0x5a: {  	_ =	shalt  }
0x5b: {  	_ =	shalt  }
0x5c: {  	_ =	shalt  }
0x5d: {  	_ =	shalt  }
0x5e: {  	_ =	shalt  }
0x5f: {  	_ =	shalt  }
0x60: {  	_ =	shalt  }
0x61: {  	_ =	shalt  }
0x62: {  	_ =	shalt  }
0x63: {  	_ =	shalt  }
0x64: {  	_ =	shalt  }
0x65: {  	_ =	shalt  }
0x66: {  	_ =	shalt  }
0x67: {  	_ =	shalt  }
0x68: {  	_ =	shalt  }
0x69: {  	_ =	shalt  }
0x6a: {  	_ =	shalt  }
0x6b: {  	_ =	shalt  }
0x6c: {  	_ =	shalt  }
0x6d: {  	_ =	shalt  }
0x6e: {  	_ =	shalt  }
0x6f: {  	_ =	shalt  }
0x70: {  	_ =	shalt  }
0x71: {  	_ =	shalt  }
0x72: {  	_ =	shalt  }
0x73: {  	_ =	shalt  }
0x74: {  	_ =	shalt  }
0x75: {  	_ =	shalt  }
0x76: {  	_ =	shalt  }
0x77: {  	_ =	shalt  }
0x78: {  	_ =	shalt  }
0x79: {  	_ =	shalt  }
0x7a: {  	_ =	shalt  }
0x7b: {  	_ =	shalt  }
0x7c: {  	_ =	shalt  }
0x7d: {  	_ =	shalt  }
0x7e: {  	_ =	shalt  }
0x7f: {  	_ =	shalt  }
0x80: {  	_ =	shalt  }
0x81: {  	_ =	shalt  }
0x82: {  	_ =	shalt  }
0x83: {  	_ =	shalt  }
0x84: {  	_ =	shalt  }
0x85: {  	_ =	shalt  }
0x86: {  	_ =	shalt  }
0x87: {  	_ =	shalt  }
.Lfunc_end0:
.L_simem_size_0:
called_computation.4_lowered:
.L_overlay_start_0:
0x88: {  	s2 =	sld [smem:$0x3FD9]  }
0x89: {  	s3 =	sld [smem:$0x3FFE];
	_ =	sdelay $0x1  }
0x8a: {  	s1 =	srdreg.scid  }
0x8b: {  	s0 =	sand.u32 $0x1, s1  }
0x8c: {  	s17 =	sshll.u32 s0, $0xA;
	s2 =	sadd.s32 s3, s2  }
0x8d: {  	s2 =	sadd.s32 s2, s17  }
0x8e: {  	[smem:$0x3FBB] =	sst s2  }
0x8f: {  	_ = 	snop  }
0x90: {  	(tm) =	ssettm $0x1  }
0x91: {  	s18 =	sld [smem:$0x3FFB];
	_ =	sdelay $0x3  }
0x92: {  	_ =	strace s18  }
0x93: {  	s2 =	sld [smem:$0x3FFC];
	_ =	sdelay $0x3  }
0x94: {  	_ =	strace s2  }
0x95: {  	s2 =	sld [smem:$0x3FFD];
	_ =	sdelay $0x3  }
0x96: {  	_ =	strace s2  }
0x97: {  	_ =	strace $0x8FFFFFFF  }
0x98: {  	s19 =	sld [smem:$0x3FDB];
	_ =	sdelay $0x1  }
0x99: {  	s20 =	simm.s32 $_scs_section_size  }
0x9a: {  	s4 =	simm.s32 $_size__tile_overlayer_lowered;
	s5 =	simm.s32 $_tile_overlayer_lowered  }
0x9b: {  	s6 =	simm.s32 $0x1BFF;
	s21 =	sshll.u32 s5, $0x1;
	s3 =	sadd.s32 s20, s19  }
0x9c: {  	s22 =	simm.s32 $0x0;
	s4 =	sshll.u32 s4, $0x1;
	s5 =	sadd.s32 s21, s3  }
0x9d: {  	[timem:s22], [sflag:s6] =	dma.local [hbm:s5], s4  }
0x9e: {  	_ =	swait.ge [sflag:s6], s4  }
0x9f: {  	s4 =	ssub.s32 $0x0, s4;
	[sflag:s6] =	ssyncset.done $0x0  }
0xa0: {  	[sflag:s6] =	ssyncadd.s32 s4;
	_ =	sdelay $0x1  }
0xa1: {  	s23 =	simm.s32 $0x1B8B  }
0xa2: {  	_ =	swait.ge [sflag:s23], $0x1  }
0xa3: {  	[sflag:s23] =	ssyncset.done $0x0  }
0xa4: {  	[sflag:s23] =	ssyncadd.s32 $0xFFFFFFFF  }
0xa5: {  	s4 =	sld [smem:$0x0]  }
0xa6: {  	s5 =	sand.u32 $0xFFFFFFFE, s1  }
0xa7: {  	p0 =	sne.s32 s1, s5  }
0xa8: {  	s5 =	sshll.u32 @p0 s5, $0xE  }
0xa9: {  	s5 =	sadd.s32 @p0 $0x11B8D, s5;
	s6 =	sshll.u32 @p0 s4, $0x11  }
0xaa: {  	s5 =	sor.u32 @p0 s6, s5  }
0xab: {  	[sflag:s5] =	ssyncadd.remote.s32 @p0 $0x1;
	_ =	sdelay $0x1  }
0xac: {  	s5 =	simm.s32 @p0 $0x1B8D  }
0xad: {  	_ =	swait.eq @p0 [sflag:s5], $0x1  }
0xae: {  	[sflag:s5] =	ssyncadd.s32 @p0 $0xFFFFFFFF  }
0xaf: {  	s6 =	sshll.u32 @!p0 s1, $0xE  }
0xb0: {  	s6 =	sor.u32 @!p0 $0x4000, s6;
	s5 =	simm.s32 @!p0 $0x1B8D  }
0xb1: {  	s4 =	sshll.u32 @!p0 s4, $0x11;
	s6 =	sadd.s32 @!p0 $0x11B8D, s6;
	_ =	swait.eq @!p0 [sflag:s5], $0x1  }
0xb2: {  	s4 =	sor.u32 @!p0 s4, s6;
	[sflag:s5] =	ssyncadd.s32 @!p0 $0xFFFFFFFF  }
0xb3: {  	s25 =	simm.s32 $0x1B8E;
	s24 =	sld [smem:$0x3FFE];
	[sflag:s4] =	ssyncadd.remote.s32 @!p0 $0x1  }
0xb4: {  	s26 =	simm.s32 $execute0_lowered;
	[smem:$0x3FD2] =	sst s25  }
0xb5: {  	s5 =	sshll.u32 s26, $0x1;
	_ =	strace $0x80000052;
	[dreg:$0x1] =	wrdreg $0xFFFFFFFF  }
0xb6: {  	s28 =	simm.s32 $_size_execute0_lowered;
	s3 =	sadd.s32 s3, s5;
	[dreg:$0x0] =	wrdreg $0x0  }
0xb7: {  	s5 =	sshll.u32 s28, $0x1;
	[dreg:$0x2] =	wrdreg s3  }
0xb8: {  	[dreg:$0x3] =	wrdreg s5  }
0xb9: {  	[dreg:$0x4] =	wrdreg $0xC0  }
0xba: {  	_ =	task [dreg:s22], $0x5FFFF  }
0xbb: {  	[dreg:$0x1] =	wrdreg $0xFFFFFFFF  }
0xbc: {  	[dreg:$0x0] =	wrdreg $0x60  }
0xbd: {  	[dreg:$0x2] =	wrdreg s24  }
0xbe: {  	[dreg:$0x3] =	wrdreg $0x0  }
0xbf: {  	[dreg:$0x4] =	wrdreg $0xA  }
0xc0: {  	_ =	task.clear_ibuf [dreg:s22], $0x5FFFF;
	_ =	strace $0x90000052  }
0xc1: {  	s29 =	simm.s32 $0xA;
	_ =	strace $0x80000054  }
0xc2: {  	_ =	swait.ge [sflag:s29], $0x1  }
0xc3: {  	[sflag:s29] =	ssyncadd.s32 $0xFFFFFFFF  }
0xc4: {  	_ =	strace $0x90000054  }
0xc5: {  	_ =	sfence  }
0xc6: {  	s30 =	sld [smem:$0x0];
	_ =	sdelay $0x2  }
0xc7: {  	s31 =	sshll.u32 s1, $0xD;
	s1 =	sshrl.u32 s1, $0x2  }
0xc8: {  	s4 =	sand.u32 $0x4000, s31;
	s1 =	sadd.s32 s1, s30  }
0xc9: {  	s0 =	sor.u32 s4, s0;
	s1 =	sshll.u32 s1, $0x11  }
0xca: {  	s0 =	sor.u32 s1, s0  }
0xcb: {  	s0 =	sadd.s32 $0x8F2B, s0  }
0xcc: {  	[sflag:s0] =	ssyncadd.remote.s32 $0x1  }
0xcd: {  	_ =	sfence.sel $0xFFFF  }
0xce: {  	[dreg:$0x0] =	wrdreg $0xFFFFFFFF;
	(pc) =	sbr.abs _section_cstart, $3  }
0xcf: {  	[dreg:$0x1] =	wrdreg $0xFFFFFFFF  }
0xd0: {  	_ =	task.clear_ibuf [dreg:s22], $0x2FFFF;
	_ =	strace $0x9FFFFFFF  }
0xd1: {  	(tm) =	ssettm $0x7FFFFFFF  }
tec
execute0_lowered:
.L_overlay_start_1:
0x0: {  	(tag) =	ssettag $0x1  }
0x1: {  	s0 =	rddreg [dreg:$0x0]  }
0x2: {  	s1 =	rddreg [dreg:$0x1];
	s3 =	simm.s32 $0x0  }
0x3: {  	s2 =	srdreg.scid;
	s10 =	stileid.u32;
	s18 =	simm.s32 $0x15880  }
0x4: {  	s19 =	simm.s32 $0x5;
	s28 =	simm.s32 $0x2;
	s29 =	simm.s32 $0x3  }
0x5: {  	s30 =	simm.s32 $0x4;
	s31 =	simm.s32 $0x14480;
	[smem:$0x7FF] =	sst s3  }
0x6: {  	s2 =	sand.u32 $0x1, s2;
	s6 =	smul.u32 $0x4E000, s10;
	s4 =	sadd.s32 $0x8F000, s0  }
0x7: {  	s5 =	sadd.s32 $0x67000, s0;
	s0 =	sadd.s32 $0x104400, s0;
	s23 =	smul.u32 $0x13800, s10  }
0x8: {  	p0 =	sne.s32 s10, $0xF;
	_ =	strace $0x80000053;
	s6 =	sshrl.u32 s6, $0x2  }
0x9: {  	s7 =	ssub.s32 $0x2, s2;
	s20 =	sshll.u32 s2, $0x4;
	s6 =	sadd.s32 s6, s1  }
0xa: {  	s2 =	smul.u32 $0x138800, s2;
	s8 =	sshrl.u32 s7, $0x1;
	s9 =	sadd.s32 $0x2800, s6  }
0xb: {  	s7 =	ssub.s32 s7, s8;
	s21 =	sadd.s32 $0x5000, s6;
	[dreg:$0x3] =	wrdreg s9  }
0xc: {  	s8 =	sor.u32 s10, s20;
	s22 =	sadd.s32 $0x7800, s6;
	[dreg:$0x4] =	wrdreg s21  }
0xd: {  	s20 =	simm.s32 $0x13880;
	s11 =	sadd.s32 $0xA000, s6;
	[dreg:$0x5] =	wrdreg s22  }
0xe: {  	s24 =	sadd.s32 $0xC800, s6;
	s25 =	sadd.s32 $0xF000, s6;
	[dreg:$0x6] =	wrdreg s11  }
0xf: {  	s13 =	sadd.s32 $0x11800, s6;
	s14 =	smul.u32 $0xA000, s8;
	[dreg:$0x7] =	wrdreg s24  }
0x10: {  	s17 =	smax.u32 s7, $0x1;
	[dreg:$0x8] =	wrdreg s25;
	s9 =	sadd.s32 s23, s2  }
0x11: {  	s2 =	sshrl.u32 s2, $0x3;
	s21 =	simm.s32 $0x14880;
	s22 =	simm.s32 $0x50  }
0x12: {  	s23 =	simm.s32 $0x18080;
	s24 =	simm.s32 $0x1A880;
	s26 =	sshrl.u32 s9, $0x3  }
0x13: {  	s25 =	simm.s32 $0x1D080;
	s2 =	sadd.s32 s0, s2;
	s15 =	sadd.s32 s0, s26  }
0x14: {  	v0 =	vimm.f32 $0.0e+00;
	s16 =	sadd.s32 $0x24900, s2;
	s26 =	simm.s32 $0x1;
	s0 =	simm.s32 $0x15480  }
.LBB2_1:
0x15: {  	s2 =	simm.s32 $0x0;
	s7 =	simm.s32 $0x200  }
.LBB2_2:
0x16: {  	p1 =	sne.s32 s7, $0x9E00;
	[tilespmem:s2+$0x158F0] =	vst v0  }
0x17: {  	[tilespmem:s2+$0x15880] =	vst v0  }
0x18: {  	[tilespmem:s2+$0x15890] =	vst v0  }
.Ltmp0:
0x19: {  	[tilespmem:s2+$0x158A0] =	vst v0;
	(pc) =	sbr.rel @p1 .LBB2_2-.Ltmp0, $4  }
0x1a: {  	[tilespmem:s2+$0x158B0] =	vst v0  }
0x1b: {  	[tilespmem:s2+$0x158C0] =	vst v0  }
0x1c: {  	[tilespmem:s2+$0x158D0] =	vst v0  }
0x1d: {  	[tilespmem:s2+$0x158E0] =	vst v0;
	s2 =	sshra.s32 s7, $0x2;
	s7 =	sadd.s32 $0x200, s7  }
0x1e: {  	[tilespmem:s2+$0x158F0] =	vst v0  }
0x1f: {  	[tilespmem:s2+$0x15880] =	vst v0  }
0x20: {  	[tilespmem:s2+$0x15890] =	vst v0  }
0x21: {  	[tilespmem:s2+$0x158A0] =	vst v0  }
0x22: {  	[tilespmem:s2+$0x158B0] =	vst v0  }
0x23: {  	[tilespmem:s2+$0x158C0] =	vst v0  }
0x24: {  	[tilespmem:s2+$0x158D0] =	vst v0  }
0x25: {  	[tilespmem:s2+$0x158E0] =	vst v0  }
0x26: {  	[spmem:s6] =	stream.linear.scatter [tilespmem:s18], [sflag:$0x5], $0x2800, $0x38;
	[tilespmem:$0x1F880] =	vst v63  }
0x27: {  	_ =	swait.ge [sflag:s19], $0x2800  }
0x28: {  	[sflag:s19] =	ssyncset.done $0x0  }
0x29: {  	s7 =	rddreg [dreg:$0x3];
	[sflag:s19] =	ssyncadd.s32 $0xFFFFD800  }
0x2a: {  	[spmem:s7] =	stream.linear.scatter [tilespmem:s18], [sflag:$0x5], $0x2800, $0x38;
	[tilespmem:$0x1F880] =	vst v63  }
0x2b: {  	_ =	swait.ge [sflag:s19], $0x2800  }
0x2c: {  	[sflag:s19] =	ssyncset.done $0x0  }
0x2d: {  	s8 =	rddreg [dreg:$0x4];
	[sflag:s19] =	ssyncadd.s32 $0xFFFFD800  }
0x2e: {  	[spmem:s8] =	stream.linear.scatter [tilespmem:s18], [sflag:$0x5], $0x2800, $0x38;
	[tilespmem:$0x1F880] =	vst v63  }
0x2f: {  	_ =	swait.ge [sflag:s19], $0x2800  }
0x30: {  	[sflag:s19] =	ssyncset.done $0x0  }
0x31: {  	s9 =	rddreg [dreg:$0x5];
	[sflag:s19] =	ssyncadd.s32 $0xFFFFD800  }
0x32: {  	[spmem:s9] =	stream.linear.scatter [tilespmem:s18], [sflag:$0x5], $0x2800, $0x38;
	[tilespmem:$0x1F880] =	vst v63  }
0x33: {  	_ =	swait.ge [sflag:s19], $0x2800  }
0x34: {  	[sflag:s19] =	ssyncset.done $0x0  }
0x35: {  	s10 =	rddreg [dreg:$0x6];
	[sflag:s19] =	ssyncadd.s32 $0xFFFFD800  }
0x36: {  	[spmem:s10] =	stream.linear.scatter [tilespmem:s18], [sflag:$0x5], $0x2800, $0x38;
	[tilespmem:$0x1F880] =	vst v63  }
0x37: {  	_ =	swait.ge [sflag:s19], $0x2800  }
0x38: {  	[sflag:s19] =	ssyncset.done $0x0  }
0x39: {  	s11 =	rddreg [dreg:$0x7];
	[sflag:s19] =	ssyncadd.s32 $0xFFFFD800  }
0x3a: {  	[spmem:s11] =	stream.linear.scatter [tilespmem:s18], [sflag:$0x5], $0x2800, $0x38;
	[tilespmem:$0x1F880] =	vst v63  }
0x3b: {  	_ =	swait.ge [sflag:s19], $0x2800  }
0x3c: {  	[sflag:s19] =	ssyncset.done $0x0  }
0x3d: {  	s12 =	rddreg [dreg:$0x8];
	[sflag:s19] =	ssyncadd.s32 $0xFFFFD800  }
0x3e: {  	[spmem:s12] =	stream.linear.scatter [tilespmem:s18], [sflag:$0x5], $0x2800, $0x38;
	[tilespmem:$0x1F880] =	vst v63  }
0x3f: {  	_ =	swait.ge [sflag:s19], $0x2800  }
0x40: {  	[sflag:s19] =	ssyncset.done $0x0  }
0x41: {  	[sflag:s19] =	ssyncadd.s32 $0xFFFFD800  }
0x42: {  	[spmem:s13] =	stream.linear.scatter [tilespmem:s18], [sflag:$0x5], $0x2800, $0x38;
	[tilespmem:$0x1F880] =	vst v63  }
0x43: {  	_ =	swait.ge [sflag:s19], $0x2800  }
0x44: {  	[sflag:s19] =	ssyncset.done $0x0  }
0x45: {  	[sflag:s19] =	ssyncadd.s32 $0xFFFFD800  }
0x46: {  	s2 =	simm.s32 $0x0;
	s7 =	simm.s32 $0x0;
	[bflag:$0x0] =	sbarrier.arrive $0xFFFF  }
.LBB2_4:
0x47: {  	s8 =	sshll.u32 s7, $0xD  }
0x48: {  	s8 =	sadd.s32 s14, s8  }
0x49: {  	s8 =	sshrl.u32 s8, $0x3  }
0x4a: {  	s8 =	sadd.s32 s5, s8  }
0x4b: {  	[tilespmem:s20], [sflag:$0x5] =	stream.linear.gather [hbm4b:s8+s2], $0xC80, $0x38;
	[tilespmem:$0x1F880] =	vst v63  }
0x4c: {  	s8 =	sadd.s32 $0x200, s8  }
0x4d: {  	[tilespmem:s21], [sflag:$0x5] =	stream.linear.gather [hbm4b:s8+s2], $0xC80, $0x38;
	[tilespmem:$0x1F880] =	vst v63  }
0x4e: {  	_ =	swait.ge [sflag:s19], $0x1900  }
0x4f: {  	[sflag:s19] =	ssyncset.done $0x0  }
0x50: {  	s9 =	simm.s32 $0x13880;
	[sflag:s19] =	ssyncadd.s32 $0xFFFFE700  }
0x51: {  	[tilespmem:s18], [sflag:$0x1] =	stream.indirect.gather [hbm4b:s4+s22], $0x80, s9, s22, $0xb8;
	[tilespmem:$0x1F880] =	vst v63  }
0x52: {  	s10 =	simm.s32 $0x13B80  }
0x53: {  	[tilespmem:s23], [sflag:$0x2] =	stream.indirect.gather [hbm4b:s4+s22], $0x80, s10, s22, $0xb8;
	[tilespmem:$0x1F880] =	vst v63  }
0x54: {  	s11 =	simm.s32 $0x13E80  }
0x55: {  	[tilespmem:s24], [sflag:$0x3] =	stream.indirect.gather [hbm4b:s4+s22], $0x80, s11, s22, $0xb8;
	[tilespmem:$0x1F880] =	vst v63  }
0x56: {  	s12 =	simm.s32 $0x14180  }
0x57: {  	[tilespmem:s25], [sflag:$0x4] =	stream.indirect.gather [hbm4b:s4+s22], $0x80, s12, s22, $0xb8;
	[tilespmem:$0x1F880] =	vst v63  }
0x58: {  	_ =	swait.ge [sflag:s26], $0x2800  }
0x59: {  	[sflag:s26] =	ssyncset.done $0x0  }
0x5a: {  	s9 =	simm.s32 $0x14880;
	[sflag:s26] =	ssyncadd.s32 $0xFFFFD800  }
0x5b: {  	[spmem:s1] =	stream.indirect.scatter.add.f32 [tilespmem:s18], [sflag:$0x5], $0x80, s9, s22, $0xb8;
	[tilespmem:$0x1F880] =	vst v63  }
0x5c: {  	_ =	swait.ge [sflag:s19], $0x2800  }
0x5d: {  	[sflag:s19] =	ssyncset.done $0x0  }
0x5e: {  	[sflag:s19] =	ssyncadd.s32 $0xFFFFD800  }
0x5f: {  	_ =	swait.ge [sflag:s28], $0x2800  }
0x60: {  	[sflag:s28] =	ssyncset.done $0x0  }
0x61: {  	s10 =	simm.s32 $0x14B80;
	[sflag:s28] =	ssyncadd.s32 $0xFFFFD800  }
0x62: {  	[spmem:s1] =	stream.indirect.scatter.add.f32 [tilespmem:s23], [sflag:$0x5], $0x80, s10, s22, $0xb8;
	[tilespmem:$0x1F880] =	vst v63  }
0x63: {  	_ =	swait.ge [sflag:s19], $0x2800  }
0x64: {  	[sflag:s19] =	ssyncset.done $0x0  }
0x65: {  	[sflag:s19] =	ssyncadd.s32 $0xFFFFD800  }
0x66: {  	_ =	swait.ge [sflag:s29], $0x2800  }
0x67: {  	[sflag:s29] =	ssyncset.done $0x0  }
0x68: {  	s11 =	simm.s32 $0x14E80;
	[sflag:s29] =	ssyncadd.s32 $0xFFFFD800  }
0x69: {  	[spmem:s1] =	stream.indirect.scatter.add.f32 [tilespmem:s24], [sflag:$0x5], $0x80, s11, s22, $0xb8;
	[tilespmem:$0x1F880] =	vst v63  }
0x6a: {  	_ =	swait.ge [sflag:s19], $0x2800  }
0x6b: {  	[sflag:s19] =	ssyncset.done $0x0  }
0x6c: {  	[sflag:s19] =	ssyncadd.s32 $0xFFFFD800  }
0x6d: {  	_ =	swait.ge [sflag:s30], $0x2800  }
0x6e: {  	[sflag:s30] =	ssyncset.done $0x0  }
0x6f: {  	s12 =	simm.s32 $0x15180;
	[sflag:s30] =	ssyncadd.s32 $0xFFFFD800  }
0x70: {  	[spmem:s1] =	stream.indirect.scatter.add.f32 [tilespmem:s25], [sflag:$0x5], $0x80, s12, s22, $0xb8;
	[tilespmem:$0x1F880] =	vst v63  }
0x71: {  	_ =	swait.ge [sflag:s19], $0x2800  }
0x72: {  	s8 =	simm.s32 $0x80;
	s9 =	simm.s32 $0x400;
	[sflag:s19] =	ssyncset.done $0x0  }
.LBB2_5:
0x73: {  	s12 =	sadd.s32 $0x13880, s8  }
0x74: {  	[sflag:s19] =	ssyncadd.s32 $0xFFFFD800;
	s10 =	smov.u32 s9;
	s11 =	sadd.s32 $0x200, s9  }
0x75: {  	[tilespmem:s18], [sflag:$0x1] =	stream.indirect.gather [hbm4b:s4+s22], $0x80, s12, s22, $0xb8;
	[tilespmem:$0x1F880] =	vst v63  }
0x76: {  	p1 =	sne.s32 s9, $0xA00;
	s9 =	sadd.s32 $0x13B80, s8  }
0x77: {  	[tilespmem:s23], [sflag:$0x2] =	stream.indirect.gather [hbm4b:s4+s22], $0x80, s9, s22, $0xb8;
	[tilespmem:$0x1F880] =	vst v63  }
0x78: {  	s9 =	sadd.s32 $0x13E80, s8  }
0x79: {  	[tilespmem:s24], [sflag:$0x3] =	stream.indirect.gather [hbm4b:s4+s22], $0x80, s9, s22, $0xb8;
	[tilespmem:$0x1F880] =	vst v63  }
0x7a: {  	s9 =	sadd.s32 $0x14180, s8  }
0x7b: {  	[tilespmem:s25], [sflag:$0x4] =	stream.indirect.gather [hbm4b:s4+s22], $0x80, s9, s22, $0xb8;
	[tilespmem:$0x1F880] =	vst v63  }
0x7c: {  	_ =	swait.ge [sflag:s26], $0x2800  }
0x7d: {  	[sflag:s26] =	ssyncset.done $0x0  }
0x7e: {  	s9 =	sadd.s32 $0x14880, s8;
	[sflag:s26] =	ssyncadd.s32 $0xFFFFD800  }
0x7f: {  	[spmem:s1] =	stream.indirect.scatter.add.f32 [tilespmem:s18], [sflag:$0x5], $0x80, s9, s22, $0xb8;
	[tilespmem:$0x1F880] =	vst v63  }
0x80: {  	_ =	swait.ge [sflag:s19], $0x2800  }
0x81: {  	[sflag:s19] =	ssyncset.done $0x0  }
0x82: {  	[sflag:s19] =	ssyncadd.s32 $0xFFFFD800  }
0x83: {  	_ =	swait.ge [sflag:s28], $0x2800  }
0x84: {  	[sflag:s28] =	ssyncset.done $0x0  }
0x85: {  	s9 =	sadd.s32 $0x14B80, s8;
	[sflag:s28] =	ssyncadd.s32 $0xFFFFD800  }
0x86: {  	[spmem:s1] =	stream.indirect.scatter.add.f32 [tilespmem:s23], [sflag:$0x5], $0x80, s9, s22, $0xb8;
	[tilespmem:$0x1F880] =	vst v63  }
0x87: {  	_ =	swait.ge [sflag:s19], $0x2800  }
0x88: {  	[sflag:s19] =	ssyncset.done $0x0  }
0x89: {  	[sflag:s19] =	ssyncadd.s32 $0xFFFFD800  }
0x8a: {  	_ =	swait.ge [sflag:s29], $0x2800  }
0x8b: {  	[sflag:s29] =	ssyncset.done $0x0  }
0x8c: {  	s9 =	sadd.s32 $0x14E80, s8;
	[sflag:s29] =	ssyncadd.s32 $0xFFFFD800  }
0x8d: {  	[spmem:s1] =	stream.indirect.scatter.add.f32 [tilespmem:s24], [sflag:$0x5], $0x80, s9, s22, $0xb8;
	[tilespmem:$0x1F880] =	vst v63  }
0x8e: {  	_ =	swait.ge [sflag:s19], $0x2800  }
0x8f: {  	[sflag:s19] =	ssyncset.done $0x0  }
0x90: {  	[sflag:s19] =	ssyncadd.s32 $0xFFFFD800  }
0x91: {  	_ =	swait.ge [sflag:s30], $0x2800  }
.Ltmp1:
0x92: {  	[sflag:s30] =	ssyncset.done $0x0;
	(pc) =	sbr.rel @p1 .LBB2_5-.Ltmp1, $4  }
0x93: {  	s8 =	sadd.s32 $0x15180, s8;
	[sflag:s30] =	ssyncadd.s32 $0xFFFFD800  }
0x94: {  	[spmem:s1] =	stream.indirect.scatter.add.f32 [tilespmem:s25], [sflag:$0x5], $0x80, s8, s22, $0xb8;
	[tilespmem:$0x1F880] =	vst v63  }
0x95: {  	_ =	swait.ge [sflag:s19], $0x2800  }
0x96: {  	s9 =	smov.u32 s11;
	s8 =	sshra.s32 s10, $0x2;
	[sflag:s19] =	ssyncset.done $0x0  }
0x97: {  	s9 =	sadd.s32 $0x13880, s8;
	[sflag:s19] =	ssyncadd.s32 $0xFFFFD800  }
0x98: {  	[tilespmem:s18], [sflag:$0x1] =	stream.indirect.gather [hbm4b:s4+s22], $0x80, s9, s22, $0xb8;
	[tilespmem:$0x1F880] =	vst v63  }
0x99: {  	s12 =	sadd.s32 $0x13B80, s8  }
0x9a: {  	[tilespmem:s23], [sflag:$0x2] =	stream.indirect.gather [hbm4b:s4+s22], $0x80, s12, s22, $0xb8;
	[tilespmem:$0x1F880] =	vst v63  }
0x9b: {  	s10 =	sadd.s32 $0x13E80, s8  }
0x9c: {  	[tilespmem:s24], [sflag:$0x3] =	stream.indirect.gather [hbm4b:s4+s22], $0x80, s10, s22, $0xb8;
	[tilespmem:$0x1F880] =	vst v63  }
0x9d: {  	s11 =	sadd.s32 $0x14180, s8  }
0x9e: {  	[tilespmem:s25], [sflag:$0x4] =	stream.indirect.gather [hbm4b:s4+s22], $0x80, s11, s22, $0xb8;
	[tilespmem:$0x1F880] =	vst v63  }
0x9f: {  	_ =	swait.ge [sflag:s26], $0x2800  }
0xa0: {  	[sflag:s26] =	ssyncset.done $0x0  }
0xa1: {  	s12 =	sadd.s32 $0x14880, s8;
	[sflag:s26] =	ssyncadd.s32 $0xFFFFD800  }
0xa2: {  	[spmem:s1] =	stream.indirect.scatter.add.f32 [tilespmem:s18], [sflag:$0x5], $0x80, s12, s22, $0xb8;
	[tilespmem:$0x1F880] =	vst v63  }
0xa3: {  	_ =	swait.ge [sflag:s19], $0x2800  }
0xa4: {  	[sflag:s19] =	ssyncset.done $0x0  }
0xa5: {  	[sflag:s19] =	ssyncadd.s32 $0xFFFFD800  }
0xa6: {  	_ =	swait.ge [sflag:s28], $0x2800  }
0xa7: {  	[sflag:s28] =	ssyncset.done $0x0  }
0xa8: {  	s10 =	sadd.s32 $0x14B80, s8;
	[sflag:s28] =	ssyncadd.s32 $0xFFFFD800  }
0xa9: {  	[spmem:s1] =	stream.indirect.scatter.add.f32 [tilespmem:s23], [sflag:$0x5], $0x80, s10, s22, $0xb8;
	[tilespmem:$0x1F880] =	vst v63  }
0xaa: {  	_ =	swait.ge [sflag:s19], $0x2800  }
0xab: {  	[sflag:s19] =	ssyncset.done $0x0  }
0xac: {  	[sflag:s19] =	ssyncadd.s32 $0xFFFFD800  }
0xad: {  	_ =	swait.ge [sflag:s29], $0x2800  }
0xae: {  	[sflag:s29] =	ssyncset.done $0x0  }
0xaf: {  	s11 =	sadd.s32 $0x14E80, s8;
	[sflag:s29] =	ssyncadd.s32 $0xFFFFD800  }
0xb0: {  	[spmem:s1] =	stream.indirect.scatter.add.f32 [tilespmem:s24], [sflag:$0x5], $0x80, s11, s22, $0xb8;
	[tilespmem:$0x1F880] =	vst v63  }
0xb1: {  	_ =	swait.ge [sflag:s19], $0x2800  }
0xb2: {  	[sflag:s19] =	ssyncset.done $0x0  }
0xb3: {  	[sflag:s19] =	ssyncadd.s32 $0xFFFFD800  }
0xb4: {  	_ =	swait.ge [sflag:s30], $0x2800  }
0xb5: {  	[sflag:s30] =	ssyncset.done $0x0  }
0xb6: {  	s12 =	sadd.s32 $0x15180, s8;
	[sflag:s30] =	ssyncadd.s32 $0xFFFFD800  }
0xb7: {  	[spmem:s1] =	stream.indirect.scatter.add.f32 [tilespmem:s25], [sflag:$0x5], $0x80, s12, s22, $0xb8;
	[tilespmem:$0x1F880] =	vst v63  }
0xb8: {  	_ =	swait.ge [sflag:s19], $0x2800  }
0xb9: {  	[sflag:s19] =	ssyncset.done $0x0  }
0xba: {  	[sflag:s19] =	ssyncadd.s32 $0xFFFFD800  }
0xbb: {  	[tilespmem:s18], [sflag:$0x1] =	stream.indirect.gather [hbm4b:s4+s22], $0x80, s31, s22, $0xb8;
	[tilespmem:$0x1F880] =	vst v63  }
0xbc: {  	s7 =	sadd.s32 $0x1, s7;
	_ =	swait.ge [sflag:s26], $0x2800  }
0xbd: {  	p1 =	sne.s32 s7, $0x5;
	[sflag:s26] =	ssyncset.done $0x0  }
.Ltmp2:
0xbe: {  	[sflag:s26] =	ssyncadd.s32 $0xFFFFD800;
	(pc) =	sbr.rel @p1 .LBB2_4-.Ltmp2, $4  }
0xbf: {  	[spmem:s1] =	stream.indirect.scatter.add.f32 [tilespmem:s18], [sflag:$0x5], $0x80, s0, s22, $0xb8;
	[tilespmem:$0x1F880] =	vst v63  }
0xc0: {  	_ =	swait.ge [sflag:s19], $0x2800  }
0xc1: {  	[sflag:s19] =	ssyncset.done $0x0  }
0xc2: {  	[sflag:s19] =	ssyncadd.s32 $0xFFFFD800  }
0xc3: {  	s2 =	stileid.u32  }
0xc4: {  	s2 =	sshll.u32 @p0 s2, $0x6  }
0xc5: {  	[bflag:$0x0] =	sbarrier.arrive $0xFFFF;
	s7 =	sshrl.u32 @p0 s6, $0x3;
	s2 =	sor.u32 @p0 $0x1C05, s2  }
0xc6: {  	[hbm:s15], [sflag:s2] =	dma.local @p0 [spmem:s7], $0x2700  }
0xc7: {  	s2 =	simm.s32 @p0 $0x5  }
0xc8: {  	s3 =	sadd.s32 $0x1, s3;
	_ =	swait.ge @p0 [sflag:s2], $0x2700  }
0xc9: {  	p1 =	sne.s32 s3, s17;
	[sflag:s2] =	ssyncset.done @p0 $0x0  }
0xca: {  	s7 =	simm.s32 @!p0 $0x1FC5;
	[sflag:s2] =	ssyncadd.s32 @p0 $0xFFFFD900;
	s2 =	sshrl.u32 @!p0 s6, $0x3  }
0xcb: {  	[hbm:s16], [sflag:s7] =	dma.local @!p0 [spmem:s2], $0x2800  }
.Ltmp3:
0xcc: {  	_ = 	snop;
	(pc) =	sbr.rel @p1 .LBB2_1-.Ltmp3, $4  }
0xcd: {  	s2 =	simm.s32 @!p0 $0x5  }
0xce: {  	_ =	swait.ge @!p0 [sflag:s2], $0x2800  }
0xcf: {  	[sflag:s2] =	ssyncset.done @!p0 $0x0  }
0xd0: {  	[sflag:s2] =	ssyncadd.s32 @!p0 $0xFFFFD800  }
0xd1: {  	_ =	sfence.sel $0x180000  }
0xd2: {  	[bflag:$0x0] =	sbarrier.arrive $0xFFFF  }
0xd3: {  	_ =	strace $0x90000053  }
0xd4: {  	s0 =	stileid.u32;
	[bflag:$0x2] =	sbarrier.arrive $0xFFFF  }
0xd5: {  	p0 =	sne.s32 s0, $0x0;
	s0 =	rddreg [dreg:$0x2]  }
0xd6: {  	s0 =	sadd.s32 @!p0 $0x100000, s0  }
0xd7: {  	[sflag:s0] =	ssyncadd.tile.s32 @!p0 $0x1;
	_ =	shalt  }
.Lfunc_end2:
_tile_overlayer_lowered:
.L_overlay_start_2:
0xd8: {  	(tag) =	ssettag $0x2  }
0xd9: {  	s0 =	rddreg [dreg:$0x0];
	s2 =	stileid.u32  }
0xda: {  	s1 =	rddreg [dreg:$0x1];
	p0 =	sne.s32 s2, $0x0  }
0xdb: {  	s3 =	rddreg [dreg:$0x2];
	[bflag:$0x3] =	sbarrier.arrive $0xFFFF;
	s2 =	simm.s32 @!p0 $0x1C05  }
0xdc: {  	[timem:s3], [sflag:s2] =	dma.local @!p0 [hbm:s0], s1  }
0xdd: {  	s0 =	simm.s32 @!p0 $0x5  }
0xde: {  	_ =	swait.ge @!p0 [sflag:s0], s1  }
0xdf: {  	s1 =	ssub.s32 @!p0 $0x0, s1;
	[sflag:s0] =	ssyncset.done @!p0 $0x0  }
0xe0: {  	[sflag:s0] =	ssyncadd.s32 @!p0 s1  }
0xe1: {  	[bflag:$0x3] =	sbarrier.arrive $0xFFFF  }
0xe2: {  	_ =	shalt  }

</sc_bundles>
